<compile_context>
chip_gen: v7x
topology: tpu7x:2x2x1
jax: 0.10.2.dev20260603
libtpu: 0.0.44.dev20260713+nightly
codegen_flags: <defaults>
</compile_context>

<pallas_src>
import functools

import jax
import jax.numpy as jnp
from jax import lax
from jax.experimental import pallas as pl
from jax.experimental.pallas import tpu as pltpu, tpu_sc as plsc

N = 10000
E = 320000
IN_DIM = 128
HID = 256
OUT_DIM = 128

N_PAD = 10240
E_PAD = 327680
CH = 128
FQ = 64
NCH = E_PAD // CH
N_PT = N_PAD // 16
NPART = N % CH

_mesh = plsc.VectorSubcoreMesh(core_axis_name="c", subcore_axis_name="s")
_sc_params = pltpu.CompilerParams(use_tc_tiling_on_sc=False,
                                  needs_layout_passes=False)

NBUF = 4



@functools.partial(
    pl.kernel,
    out_type=jax.ShapeDtypeStruct((2, N_PAD), jnp.float32),
    mesh=_mesh,
    scratch_types=[
        pltpu.VMEM((NCH // 32, CH), jnp.int32),
        pltpu.VMEM((CH,), jnp.float32),
        pltpu.VMEM_SHARED((N_PAD,), jnp.float32),
    ],
    compiler_params=_sc_params,
)
def _deg(dst_hbm, ones_hbm, zeros_hbm, out_hbm, dst_v, ones_v, acc_sh):
    c = lax.axis_index("c")
    s = lax.axis_index("s")
    wid = c * 16 + s
    nch = NCH // 32

    pltpu.sync_copy(zeros_hbm, acc_sh.at[pl.ds(s * N_PT, N_PT)])
    pltpu.sync_copy(ones_hbm, ones_v)
    pltpu.sync_copy(dst_hbm.at[pl.ds(wid * nch, nch)], dst_v)
    plsc.subcore_barrier()

    def _body(j, carry):
        pltpu.sync_copy(ones_v, acc_sh.at[dst_v.at[j]], add=True)
        return carry

    lax.fori_loop(0, nch, _body, 0)
    plsc.subcore_barrier()
    pltpu.sync_copy(acc_sh.at[pl.ds(s * N_PT, N_PT)],
                    out_hbm.at[c, pl.ds(s * N_PT, N_PT)])


def _agg_pipeline(g_hbm, src_hbm, dst_v, src_v, bufs, gsems, ssems, acc_sh,
                  *, q, nch, row0):
    pltpu.sync_copy(src_hbm.at[q, pl.ds(row0, nch)], src_v)
    plsc.subcore_barrier()

    def wait_gather(b):
        pltpu.make_async_copy(g_hbm.at[pl.ds(0, CH)], bufs[b], gsems[b]).wait()

    def wait_scatter(b):
        pltpu.make_async_copy(bufs[b], acc_sh.at[dst_v.at[0]],
                              ssems[b]).wait()

    pltpu.async_copy(g_hbm.at[src_v.at[0]], bufs[0], gsems[0])
    pltpu.async_copy(g_hbm.at[src_v.at[1]], bufs[1], gsems[1])

    @pl.loop(0, nch, step=NBUF)
    def _pipe(jo):
        for b in range(NBUF):
            j = jo + b
            wait_gather(b)
            pltpu.async_copy(bufs[b], acc_sh.at[dst_v.at[j]],
                             ssems[b], add=True)
            b2 = (b + 2) % NBUF

            @pl.when(j >= 2)
            def _():
                wait_scatter(b2)

            @pl.when(j + 2 < nch)
            def _():
                pltpu.async_copy(g_hbm.at[src_v.at[j + 2]],
                                 bufs[b2], gsems[b2])

    wait_scatter((nch - 2) % NBUF)
    wait_scatter((nch - 1) % NBUF)
    plsc.subcore_barrier()


@functools.partial(
    pl.kernel,
    out_type=jax.ShapeDtypeStruct((2, N_PAD, 128), jnp.float32),
    mesh=_mesh,
    scratch_types=[
        pltpu.VMEM((NCH // 16, CH), jnp.int32),
        pltpu.VMEM((NCH // 16, CH), jnp.int32),
    ] + [pltpu.VMEM((CH, FQ), jnp.float32)] * NBUF
      + [pltpu.SemaphoreType.DMA] * (2 * NBUF)
      + [pltpu.VMEM_SHARED((N_PAD, FQ), jnp.float32)],
    compiler_params=_sc_params,
)
def _agg1(g_hbm, src_hbm, dst_hbm, zeros_hbm, out_hbm, src_v, dst_v, *rest):
    bufs = rest[:NBUF]
    gsems = rest[NBUF:2 * NBUF]
    ssems = rest[2 * NBUF:3 * NBUF]
    acc_sh = rest[3 * NBUF]
    c = lax.axis_index("c")
    s = lax.axis_index("s")
    nch = NCH // 16
    row0 = s * nch

    pltpu.sync_copy(dst_hbm.at[pl.ds(row0, nch)], dst_v)
    for p in range(2):
        pltpu.sync_copy(zeros_hbm, acc_sh.at[pl.ds(s * N_PT, N_PT)])
        _agg_pipeline(g_hbm, src_hbm, dst_v, src_v, bufs, gsems, ssems,
                      acc_sh, q=c * 2 + p, nch=nch, row0=row0)
        pltpu.sync_copy(acc_sh.at[pl.ds(s * N_PT, N_PT)],
                        out_hbm.at[c, pl.ds(s * N_PT, N_PT),
                                   pl.ds(p * FQ, FQ)])
        if p == 0:
            plsc.subcore_barrier()


@functools.partial(
    pl.kernel,
    out_type=jax.ShapeDtypeStruct((N, 128), jnp.float32),
    mesh=_mesh,
    scratch_types=[
        pltpu.VMEM((NCH // 16, CH), jnp.int32),
        pltpu.VMEM((NCH // 16, CH), jnp.int32),
    ] + [pltpu.VMEM((CH, FQ), jnp.float32)] * NBUF
      + [pltpu.SemaphoreType.DMA] * (2 * NBUF)
      + [pltpu.VMEM((CH, FQ), jnp.float32),
         pltpu.VMEM((CH,), jnp.int32),
         pltpu.VMEM((CH,), jnp.float32),
         pltpu.VMEM((FQ,), jnp.float32),
         pltpu.VMEM_SHARED((N_PAD, FQ), jnp.float32)],
    compiler_params=_sc_params,
)
def _agg2(g_hbm, src_hbm, dst_hbm, zeros_hbm, dinv_hbm, b2_hbm,
          out_hbm, src_v, dst_v, *rest):
    bufs = rest[:NBUF]
    gsems = rest[NBUF:2 * NBUF]
    ssems = rest[2 * NBUF:3 * NBUF]
    g2_v, gi_v, dv_v, b2_v, acc_sh = rest[3 * NBUF:]
    c = lax.axis_index("c")
    s = lax.axis_index("s")
    nch = NCH // 16
    row0 = s * nch

    pltpu.sync_copy(dst_hbm.at[pl.ds(row0, nch)], dst_v)
    pltpu.sync_copy(zeros_hbm, acc_sh.at[pl.ds(s * N_PT, N_PT)])
    pltpu.sync_copy(b2_hbm.at[c], b2_v)
    _agg_pipeline(g_hbm, src_hbm, dst_v, src_v, bufs, gsems, ssems,
                  acc_sh, q=c, nch=nch, row0=row0)

    b2k = [b2_v[pl.ds(k * 16, 16)] for k in range(4)]
    for kb in range(N_PT // CH):
        r0 = s * N_PT + kb * CH
        pltpu.sync_copy(acc_sh.at[pl.ds(r0, CH)], bufs[0])
        for k in range(CH // 16):
            gi_v[pl.ds(k * 16, 16)] = (
                2 * lax.iota(jnp.int32, 16) + (2 * (r0 + k * 16) + c))
        pltpu.sync_copy(g_hbm.at[gi_v], g2_v)
        pltpu.sync_copy(dinv_hbm.at[pl.ds(r0, CH)], dv_v)

        def _row(r, carry):
            dv = plsc.load_gather(dv_v, [jnp.full((16,), r, jnp.int32)])
            for k in range(4):
                sl = pl.ds(k * 16, 16)
                a = bufs[0][r, sl]
                g = g2_v[r, sl]
                bufs[1][r, sl] = (a + g) * dv + b2k[k]
            return carry

        lax.fori_loop(0, CH, _row, 0)

        @pl.when(r0 + CH <= N)
        def _():
            pltpu.sync_copy(bufs[1],
                            out_hbm.at[pl.ds(r0, CH), pl.ds(c * FQ, FQ)])

        @pl.when((r0 < N) & (r0 + CH > N))
        def _():
            pltpu.sync_copy(bufs[1].at[pl.ds(0, NPART)],
                            out_hbm.at[pl.ds(r0, NPART), pl.ds(c * FQ, FQ)])



_RB = 512
_NB = N_PAD // _RB


def _mm1_body(deg_ref, x_ref, w_ref, g_ref, dinv_ref):
    deg = deg_ref[0] + deg_ref[1] + 1.0
    dinv = lax.rsqrt(deg)[:, None]
    dinv_ref[...] = dinv
    g = dinv * jnp.dot(x_ref[...], w_ref[...],
                       preferred_element_type=jnp.float32)
    g_ref[0] = g[:, :128]
    g_ref[1] = g[:, 128:]


def _mm1(deg2, x_pad, W1):
    return pl.pallas_call(
        _mm1_body,
        grid=(_NB,),
        in_specs=[
            pl.BlockSpec((2, _RB), lambda i: (0, i)),
            pl.BlockSpec((_RB, IN_DIM), lambda i: (i, 0)),
            pl.BlockSpec((IN_DIM, HID), lambda i: (0, 0)),
        ],
        out_specs=[
            pl.BlockSpec((2, _RB, 128), lambda i: (0, i, 0)),
            pl.BlockSpec((_RB, 1), lambda i: (i, 0)),
        ],
        out_shape=[
            jax.ShapeDtypeStruct((2, N_PAD, 128), jnp.float32),
            jax.ShapeDtypeStruct((N_PAD, 1), jnp.float32),
        ],
    )(deg2, x_pad, W1)


def _mm2_body(acc_ref, g_ref, dinv_ref, b1_ref, w2_ref, g2_ref):
    dinv = dinv_ref[...]
    h = jnp.concatenate([acc_ref[0] + g_ref[0], acc_ref[1] + g_ref[1]],
                        axis=1)
    z = jnp.maximum(dinv * h + b1_ref[...], 0.0)
    g2_ref[...] = dinv * jnp.dot(z, w2_ref[...],
                                 preferred_element_type=jnp.float32)


def _mm2(acc1, g1h, dinv, b1, W2):
    return pl.pallas_call(
        _mm2_body,
        grid=(_NB,),
        in_specs=[
            pl.BlockSpec((2, _RB, 128), lambda i: (0, i, 0)),
            pl.BlockSpec((2, _RB, 128), lambda i: (0, i, 0)),
            pl.BlockSpec((_RB, 1), lambda i: (i, 0)),
            pl.BlockSpec((1, HID), lambda i: (0, 0)),
            pl.BlockSpec((HID, OUT_DIM), lambda i: (0, 0)),
        ],
        out_specs=pl.BlockSpec((_RB, OUT_DIM), lambda i: (i, 0)),
        out_shape=jax.ShapeDtypeStruct((N_PAD, OUT_DIM), jnp.float32),
    )(acc1, g1h, dinv, b1, W2)



def kernel(x, edge_index, W1, b1, W2, b2):
    src = edge_index[0]
    dst = edge_index[1]
    npad = E_PAD - E
    ar = jnp.arange(npad, dtype=jnp.int32)
    src_p = jnp.concatenate([src, ar % N]).reshape(NCH, CH)
    dst_p = jnp.concatenate([dst, N + ar % (N_PAD - N)]).reshape(NCH, CH)
    src4 = jnp.stack([2 * src_p + 2 * (q // 2) * N_PAD + (q % 2)
                      for q in range(4)])
    src2 = jnp.stack([2 * src_p, 2 * src_p + 1])

    x_pad = jnp.pad(x, ((0, N_PAD - N), (0, 0)))
    ones_c = jnp.ones((CH,), jnp.float32)
    zeros_1 = jnp.zeros((N_PT,), jnp.float32)
    zeros_t = jnp.zeros((N_PT, FQ), jnp.float32)

    deg2 = _deg(dst_p, ones_c, zeros_1)
    g1h, dinv = _mm1(deg2, x_pad, W1)
    g1_64 = g1h.reshape(4 * N_PAD, FQ)
    acc1 = _agg1(g1_64, src4, dst_p, zeros_t)
    g2 = _mm2(acc1, g1h, dinv, b1.reshape(1, HID), W2)
    g2_64 = g2.reshape(2 * N_PAD, FQ)
    out = _agg2(g2_64, src2, dst_p, zeros_t,
                dinv.reshape(N_PAD), b2.reshape(2, FQ))
    return out

# --- scband reference (transcript-rebuilt; emitter-appended) ---
"""Pipeline reference for scband-simple-gcn-57896159150310 (READ-ONLY COPY).

The authoritative reference and input builder live on the scoring server;
editing this copy changes nothing except your own understanding.
"""

import jax, jax.numpy as jnp
import numpy as np

N = 10000
E = 320000
IN_DIM = 128
HID = 256
OUT_DIM = 128


def setup_inputs(seed: int = 0) -> dict:
    key = jax.random.key(seed)
    k1, k2, k3, k4, k5, k6 = jax.random.split(key, 6)
    x = jax.random.normal(k1, (N, IN_DIM), dtype=jnp.float32)
    edge_index = jax.random.randint(k2, (2, E), 0, N, dtype=jnp.int32)
    # GCNConv weights (glorot-style init) and zero biases, per PyG defaults
    W1 = jax.random.uniform(k3, (IN_DIM, HID), dtype=jnp.float32,
                            minval=-1.0, maxval=1.0) * np.sqrt(6.0 / (IN_DIM + HID))
    b1 = jnp.zeros((HID,), dtype=jnp.float32)
    W2 = jax.random.uniform(k4, (HID, OUT_DIM), dtype=jnp.float32,
                            minval=-1.0, maxval=1.0) * np.sqrt(6.0 / (HID + OUT_DIM))
    b2 = jnp.zeros((OUT_DIM,), dtype=jnp.float32)
    return {"x": x, "edge_index": edge_index, "W1": W1, "b1": b1, "W2": W2, "b2": b2}


def _gcn_layer(x, edge_index, W, b):
    # Faithful PyG GCNConv: add self-loops, symmetric normalization,
    # linear transform, scatter-add aggregation, then bias.
    n = x.shape[0]
    src = edge_index[0]
    dst = edge_index[1]
    loop = jnp.arange(n, dtype=src.dtype)
    src = jnp.concatenate([src, loop])
    dst = jnp.concatenate([dst, loop])
    deg = jnp.zeros((n,), dtype=x.dtype).at[dst].add(1.0)
    dinv = jnp.where(deg > 0, 1.0 / jnp.sqrt(deg), 0.0)
    norm = dinv[src] * dinv[dst]
    h = x @ W
    msg = h[src] * norm[:, None]
    out = jnp.zeros((n, h.shape[1]), dtype=x.dtype).at[dst].add(msg)
    return out + b


def reference(x, edge_index, W1, b1, W2, b2):
    h = _gcn_layer(x, edge_index, W1, b1)
    h = jax.nn.relu(h)
    out = _gcn_layer(h, edge_index, W2, b2)
    return out

if __name__ == "__main__":
    import jax
    _d = setup_inputs()
    print(jax.jit(kernel)(*tuple(_d.values())))

</pallas_src>

<mosaic_0001>
#map = affine_map<(d0, d1) -> (0, 0)>
#map1 = affine_map<(d0, d1) -> (0, 0, 0)>
module attributes {stable_mosaic.version = 14 : i64} {
  func.func @_agg1(%arg0: i32, %arg1: i32, %arg2: memref<40960x64xf32, #tpu.memory_space<hbm>>, %arg3: memref<4x2560x128xi32, #tpu.memory_space<hbm>>, %arg4: memref<2560x128xi32, #tpu.memory_space<hbm>>, %arg5: memref<640x64xf32, #tpu.memory_space<hbm>>, %arg6: memref<2x10240x128xf32, #tpu.memory_space<hbm>>, %arg7: memref<160x128xi32, #tpu.memory_space<vmem>>, %arg8: memref<160x128xi32, #tpu.memory_space<vmem>>, %arg9: memref<128x64xf32, #tpu.memory_space<vmem>>, %arg10: memref<128x64xf32, #tpu.memory_space<vmem>>, %arg11: memref<128x64xf32, #tpu.memory_space<vmem>>, %arg12: memref<128x64xf32, #tpu.memory_space<vmem>>, %arg13: memref<!tpu.dma_semaphore, #tpu.memory_space<semaphore_mem>>, %arg14: memref<!tpu.dma_semaphore, #tpu.memory_space<semaphore_mem>>, %arg15: memref<!tpu.dma_semaphore, #tpu.memory_space<semaphore_mem>>, %arg16: memref<!tpu.dma_semaphore, #tpu.memory_space<semaphore_mem>>, %arg17: memref<!tpu.dma_semaphore, #tpu.memory_space<semaphore_mem>>, %arg18: memref<!tpu.dma_semaphore, #tpu.memory_space<semaphore_mem>>, %arg19: memref<!tpu.dma_semaphore, #tpu.memory_space<semaphore_mem>>, %arg20: memref<!tpu.dma_semaphore, #tpu.memory_space<semaphore_mem>>, %arg21: memref<10240x64xf32, #tpu.memory_space<vmem_shared>>) attributes {dimension_semantics = [#tpu.dimension_semantics<core_parallel>, #tpu.dimension_semantics<subcore_parallel>], iteration_bounds = array<i64: 2, 16>, scalar_prefetch = 0 : i64, scratch_operands = 15 : i64, tpu.core_type = #tpu.core_type<sc_vector_subcore>, window_params = [{transform_indices = #map}, {transform_indices = #map1}, {transform_indices = #map}, {transform_indices = #map}, {transform_indices = #map1}]} {
    %mul3A = arith.constant 160 : i32
    %mul3A_0 = arith.muli %arg1, %mul3A : i32
    "tpu.region"() ({
      %run_scoped3A = tpu.sem_alloc : memref<!tpu.dma_semaphore, #tpu.memory_space<semaphore_mem>>
      %dma_start3A_87 = arith.constant 0 : i32
      %dma_start3A_88 = tpu.memref_slice %arg4[%mul3A_0, %dma_start3A_87] : memref<2560x128xi32, #tpu.memory_space<hbm>> -> memref<160x128xi32, #tpu.memory_space<hbm>>
      %dma_start3A_89 = arith.constant 0 : i32
      %dma_start3A_90 = tpu.memref_slice %arg4[%mul3A_0, %dma_start3A_89] : memref<2560x128xi32, #tpu.memory_space<hbm>> -> memref<160x128xi32, #tpu.memory_space<hbm>>
      tpu.enqueue_dma source(%dma_start3A_90 : memref<160x128xi32, #tpu.memory_space<hbm>>) target(%arg8 : memref<160x128xi32, #tpu.memory_space<vmem>>) target_semaphore(%run_scoped3A : memref<!tpu.dma_semaphore, #tpu.memory_space<semaphore_mem>>)
      %dma_wait3A_91 = arith.constant 0 : i32
      %dma_wait3A_92 = tpu.memref_slice %arg4[%mul3A_0, %dma_wait3A_91] : memref<2560x128xi32, #tpu.memory_space<hbm>> -> memref<160x128xi32, #tpu.memory_space<hbm>>
      %dma_wait3A_93 = arith.constant 0 : i32
      %dma_wait3A_94 = tpu.memref_slice %arg4[%mul3A_0, %dma_wait3A_93] : memref<2560x128xi32, #tpu.memory_space<hbm>> -> memref<160x128xi32, #tpu.memory_space<hbm>>
      tpu.wait_dma2 semaphore(%run_scoped3A : memref<!tpu.dma_semaphore, #tpu.memory_space<semaphore_mem>>) src(%dma_wait3A_94 : memref<160x128xi32, #tpu.memory_space<hbm>>) dst(%arg8 : memref<160x128xi32, #tpu.memory_space<vmem>>)
      tpu.yield
    }) : () -> ()
    %mul3A_1 = arith.constant 640 : i32
    %mul3A_2 = arith.muli %arg1, %mul3A_1 : i32
    "tpu.region"() ({
      %run_scoped3A = tpu.sem_alloc : memref<!tpu.dma_semaphore, #tpu.memory_space<semaphore_mem>>
      %dma_start3A_87 = arith.constant 0 : i32
      %dma_start3A_88 = tpu.memref_slice %arg21[%mul3A_2, %dma_start3A_87] : memref<10240x64xf32, #tpu.memory_space<vmem_shared>> -> memref<640x64xf32, #tpu.memory_space<vmem_shared>>
      tpu.enqueue_dma source(%arg5 : memref<640x64xf32, #tpu.memory_space<hbm>>) target(%dma_start3A_88 : memref<640x64xf32, #tpu.memory_space<vmem_shared>>) target_semaphore(%run_scoped3A : memref<!tpu.dma_semaphore, #tpu.memory_space<semaphore_mem>>)
      %dma_wait3A_89 = arith.constant 0 : i32
      %dma_wait3A_90 = tpu.memref_slice %arg21[%mul3A_2, %dma_wait3A_89] : memref<10240x64xf32, #tpu.memory_space<vmem_shared>> -> memref<640x64xf32, #tpu.memory_space<vmem_shared>>
      tpu.wait_dma2 semaphore(%run_scoped3A : memref<!tpu.dma_semaphore, #tpu.memory_space<semaphore_mem>>) src(%arg5 : memref<640x64xf32, #tpu.memory_space<hbm>>) dst(%dma_wait3A_90 : memref<640x64xf32, #tpu.memory_space<vmem_shared>>)
      tpu.yield
    }) : () -> ()
    %mul3A_3 = arith.constant 2 : i32
    %mul3A_4 = arith.muli %arg0, %mul3A_3 : i32
    %add3A = arith.constant 0 : i32
    %add3A_5 = arith.addi %mul3A_4, %add3A : i32
    "tpu.region"() ({
      %run_scoped3A = tpu.sem_alloc : memref<!tpu.dma_semaphore, #tpu.memory_space<semaphore_mem>>
      %dma_start3A_87 = arith.constant 0 : i32
      %dma_start3A_88 = tpu.memref_slice %arg3[%add3A_5, %mul3A_0, %dma_start3A_87] : memref<4x2560x128xi32, #tpu.memory_space<hbm>> -> memref<1x160x128xi32, #tpu.memory_space<hbm>>
      %dma_start3A_89 = tpu.memref_squeeze %dma_start3A_88 : memref<1x160x128xi32, #tpu.memory_space<hbm>> -> memref<160x128xi32, #tpu.memory_space<hbm>>
      %dma_start3A_90 = arith.constant 0 : i32
      %dma_start3A_91 = tpu.memref_slice %arg3[%add3A_5, %mul3A_0, %dma_start3A_90] : memref<4x2560x128xi32, #tpu.memory_space<hbm>> -> memref<1x160x128xi32, #tpu.memory_space<hbm>>
      %dma_start3A_92 = tpu.memref_squeeze %dma_start3A_91 : memref<1x160x128xi32, #tpu.memory_space<hbm>> -> memref<160x128xi32, #tpu.memory_space<hbm>>
      tpu.enqueue_dma source(%dma_start3A_92 : memref<160x128xi32, #tpu.memory_space<hbm>>) target(%arg7 : memref<160x128xi32, #tpu.memory_space<vmem>>) target_semaphore(%run_scoped3A : memref<!tpu.dma_semaphore, #tpu.memory_space<semaphore_mem>>)
      %dma_wait3A_93 = arith.constant 0 : i32
      %dma_wait3A_94 = tpu.memref_slice %arg3[%add3A_5, %mul3A_0, %dma_wait3A_93] : memref<4x2560x128xi32, #tpu.memory_space<hbm>> -> memref<1x160x128xi32, #tpu.memory_space<hbm>>
      %dma_wait3A_95 = tpu.memref_squeeze %dma_wait3A_94 : memref<1x160x128xi32, #tpu.memory_space<hbm>> -> memref<160x128xi32, #tpu.memory_space<hbm>>
      %dma_wait3A_96 = arith.constant 0 : i32
      %dma_wait3A_97 = tpu.memref_slice %arg3[%add3A_5, %mul3A_0, %dma_wait3A_96] : memref<4x2560x128xi32, #tpu.memory_space<hbm>> -> memref<1x160x128xi32, #tpu.memory_space<hbm>>
      %dma_wait3A_98 = tpu.memref_squeeze %dma_wait3A_97 : memref<1x160x128xi32, #tpu.memory_space<hbm>> -> memref<160x128xi32, #tpu.memory_space<hbm>>
      tpu.wait_dma2 semaphore(%run_scoped3A : memref<!tpu.dma_semaphore, #tpu.memory_space<semaphore_mem>>) src(%dma_wait3A_98 : memref<160x128xi32, #tpu.memory_space<hbm>>) dst(%arg7 : memref<160x128xi32, #tpu.memory_space<vmem>>)
      tpu.yield
    }) : () -> ()
    %barrier3A = arith.constant 0 : index
    tpu.barrier barrier_id(%barrier3A)
    %dma_start3A = arith.constant 0 : i32
    %dma_start3A_6 = arith.constant 0 : i32
    %dma_start3A_7 = tpu.memref_slice %arg7[%dma_start3A, %dma_start3A_6] : memref<160x128xi32, #tpu.memory_space<vmem>> -> memref<1x128xi32, #tpu.memory_space<vmem>>
    %dma_start3A_8 = tpu.memref_squeeze %dma_start3A_7 : memref<1x128xi32, #tpu.memory_space<vmem>> -> memref<128xi32, #tpu.memory_space<vmem>>
    %dma_start3A_9 = arith.constant 0 : i32
    %dma_start3A_10 = arith.constant 0 : i32
    %dma_start3A_11 = tpu.memref_slice %arg2[%dma_start3A_9, %dma_start3A_10] : memref<40960x64xf32, #tpu.memory_space<hbm>> -> memref<40960x64xf32, #tpu.memory_space<hbm>>
    tpu.enqueue_indirect_dma source(%dma_start3A_11 : memref<40960x64xf32, #tpu.memory_space<hbm>>) target(%arg9 : memref<128x64xf32, #tpu.memory_space<vmem>>) offsets(%dma_start3A_8 : memref<128xi32, #tpu.memory_space<vmem>>) semaphore(%arg13 : memref<!tpu.dma_semaphore, #tpu.memory_space<semaphore_mem>>)
    %dma_start3A_12 = arith.constant 1 : i32
    %dma_start3A_13 = arith.constant 0 : i32
    %dma_start3A_14 = tpu.memref_slice %arg7[%dma_start3A_12, %dma_start3A_13] : memref<160x128xi32, #tpu.memory_space<vmem>> -> memref<1x128xi32, #tpu.memory_space<vmem>>
    %dma_start3A_15 = tpu.memref_squeeze %dma_start3A_14 : memref<1x128xi32, #tpu.memory_space<vmem>> -> memref<128xi32, #tpu.memory_space<vmem>>
    %dma_start3A_16 = arith.constant 0 : i32
    %dma_start3A_17 = arith.constant 0 : i32
    %dma_start3A_18 = tpu.memref_slice %arg2[%dma_start3A_16, %dma_start3A_17] : memref<40960x64xf32, #tpu.memory_space<hbm>> -> memref<40960x64xf32, #tpu.memory_space<hbm>>
    tpu.enqueue_indirect_dma source(%dma_start3A_18 : memref<40960x64xf32, #tpu.memory_space<hbm>>) target(%arg10 : memref<128x64xf32, #tpu.memory_space<vmem>>) offsets(%dma_start3A_15 : memref<128xi32, #tpu.memory_space<vmem>>) semaphore(%arg14 : memref<!tpu.dma_semaphore, #tpu.memory_space<semaphore_mem>>)
    %scan3A = arith.constant 0 : i32
    %scan3A_19 = arith.constant 40 : i32
    %scan3A_20 = arith.addi %scan3A, %scan3A_19 : i32
    %scan3A_21 = arith.constant 1 : i32
    scf.for %scan3A_87 = %scan3A to %scan3A_20 step %scan3A_21  : i32 {
      %mul3A_88 = arith.constant 4 : i32
      %mul3A_89 = arith.muli %scan3A_87, %mul3A_88 : i32
      %add3A_90 = arith.constant 0 : i32
      %add3A_91 = arith.addi %add3A_90, %mul3A_89 : i32
      %add3A_92 = arith.constant 0 : i32
      %add3A_93 = arith.addi %add3A_91, %add3A_92 : i32
      %dma_wait3A_94 = arith.constant 0 : i32
      %dma_wait3A_95 = arith.constant 0 : i32
      %dma_wait3A_96 = tpu.memref_slice %arg2[%dma_wait3A_94, %dma_wait3A_95] : memref<40960x64xf32, #tpu.memory_space<hbm>> -> memref<128x64xf32, #tpu.memory_space<hbm>>
      %dma_wait3A_97 = arith.constant 0 : i32
      %dma_wait3A_98 = arith.constant 0 : i32
      %dma_wait3A_99 = tpu.memref_slice %arg2[%dma_wait3A_97, %dma_wait3A_98] : memref<40960x64xf32, #tpu.memory_space<hbm>> -> memref<128x64xf32, #tpu.memory_space<hbm>>
      tpu.wait_dma2 semaphore(%arg13 : memref<!tpu.dma_semaphore, #tpu.memory_space<semaphore_mem>>) src(%dma_wait3A_99 : memref<128x64xf32, #tpu.memory_space<hbm>>) dst(%arg9 : memref<128x64xf32, #tpu.memory_space<vmem>>)
      %dma_start3A_100 = arith.constant 0 : i32
      %dma_start3A_101 = tpu.memref_slice %arg8[%add3A_93, %dma_start3A_100] : memref<160x128xi32, #tpu.memory_space<vmem>> -> memref<1x128xi32, #tpu.memory_space<vmem>>
      %dma_start3A_102 = tpu.memref_squeeze %dma_start3A_101 : memref<1x128xi32, #tpu.memory_space<vmem>> -> memref<128xi32, #tpu.memory_space<vmem>>
      %dma_start3A_103 = arith.constant 0 : i32
      %dma_start3A_104 = arith.constant 0 : i32
      %dma_start3A_105 = tpu.memref_slice %arg21[%dma_start3A_103, %dma_start3A_104] : memref<10240x64xf32, #tpu.memory_space<vmem_shared>> -> memref<10240x64xf32, #tpu.memory_space<vmem_shared>>
      tpu.enqueue_indirect_dma source(%arg9 : memref<128x64xf32, #tpu.memory_space<vmem>>) target(%dma_start3A_105 : memref<10240x64xf32, #tpu.memory_space<vmem_shared>>) offsets(%dma_start3A_102 : memref<128xi32, #tpu.memory_space<vmem>>) semaphore(%arg17 : memref<!tpu.dma_semaphore, #tpu.memory_space<semaphore_mem>>) {add = true}
      %ge3A = arith.constant 2 : i32
      %ge3A_106 = arith.cmpi sge, %add3A_93, %ge3A : i32
      %convert_element_type3A = arith.extui %ge3A_106 : i1 to i32
      %cond3A = arith.constant 0 : i32
      %cond3A_107 = arith.cmpi ne, %convert_element_type3A, %cond3A : i32
      scf.if %cond3A_107 {
        %dma_wait3A_192 = arith.constant 0 : i32
        %dma_wait3A_193 = arith.constant 0 : i32
        %dma_wait3A_194 = tpu.memref_slice %arg8[%dma_wait3A_192, %dma_wait3A_193] : memref<160x128xi32, #tpu.memory_space<vmem>> -> memref<1x128xi32, #tpu.memory_space<vmem>>
        %dma_wait3A_195 = tpu.memref_squeeze %dma_wait3A_194 : memref<1x128xi32, #tpu.memory_space<vmem>> -> memref<128xi32, #tpu.memory_space<vmem>>
        %dma_wait3A_196 = arith.constant 0 : i32
        %dma_wait3A_197 = arith.constant 0 : i32
        %dma_wait3A_198 = tpu.memref_slice %arg21[%dma_wait3A_196, %dma_wait3A_197] : memref<10240x64xf32, #tpu.memory_space<vmem_shared>> -> memref<10240x64xf32, #tpu.memory_space<vmem_shared>>
        tpu.wait_indirect_dma semaphore(%arg19 : memref<!tpu.dma_semaphore, #tpu.memory_space<semaphore_mem>>) src(%arg11 : memref<128x64xf32, #tpu.memory_space<vmem>>) dst(%dma_wait3A_198 : memref<10240x64xf32, #tpu.memory_space<vmem_shared>>)
      } else {
      }
      %add3A_108 = arith.constant 2 : i32
      %add3A_109 = arith.addi %add3A_93, %add3A_108 : i32
      %lt3A = arith.constant 160 : i32
      %lt3A_110 = arith.cmpi slt, %add3A_109, %lt3A : i32
      %convert_element_type3A_111 = arith.extui %lt3A_110 : i1 to i32
      %cond3A_112 = arith.constant 0 : i32
      %cond3A_113 = arith.cmpi ne, %convert_element_type3A_111, %cond3A_112 : i32
      scf.if %cond3A_113 {
        %add3A_192 = arith.constant 2 : i32
        %add3A_193 = arith.addi %add3A_93, %add3A_192 : i32
        %dma_start3A_194 = arith.constant 0 : i32
        %dma_start3A_195 = tpu.memref_slice %arg7[%add3A_193, %dma_start3A_194] : memref<160x128xi32, #tpu.memory_space<vmem>> -> memref<1x128xi32, #tpu.memory_space<vmem>>
        %dma_start3A_196 = tpu.memref_squeeze %dma_start3A_195 : memref<1x128xi32, #tpu.memory_space<vmem>> -> memref<128xi32, #tpu.memory_space<vmem>>
        %dma_start3A_197 = arith.constant 0 : i32
        %dma_start3A_198 = arith.constant 0 : i32
        %dma_start3A_199 = tpu.memref_slice %arg2[%dma_start3A_197, %dma_start3A_198] : memref<40960x64xf32, #tpu.memory_space<hbm>> -> memref<40960x64xf32, #tpu.memory_space<hbm>>
        tpu.enqueue_indirect_dma source(%dma_start3A_199 : memref<40960x64xf32, #tpu.memory_space<hbm>>) target(%arg11 : memref<128x64xf32, #tpu.memory_space<vmem>>) offsets(%dma_start3A_196 : memref<128xi32, #tpu.memory_space<vmem>>) semaphore(%arg15 : memref<!tpu.dma_semaphore, #tpu.memory_space<semaphore_mem>>)
      } else {
      }
      %add3A_114 = arith.constant 1 : i32
      %add3A_115 = arith.addi %add3A_91, %add3A_114 : i32
      %dma_wait3A_116 = arith.constant 0 : i32
      %dma_wait3A_117 = arith.constant 0 : i32
      %dma_wait3A_118 = tpu.memref_slice %arg2[%dma_wait3A_116, %dma_wait3A_117] : memref<40960x64xf32, #tpu.memory_space<hbm>> -> memref<128x64xf32, #tpu.memory_space<hbm>>
      %dma_wait3A_119 = arith.constant 0 : i32
      %dma_wait3A_120 = arith.constant 0 : i32
      %dma_wait3A_121 = tpu.memref_slice %arg2[%dma_wait3A_119, %dma_wait3A_120] : memref<40960x64xf32, #tpu.memory_space<hbm>> -> memref<128x64xf32, #tpu.memory_space<hbm>>
      tpu.wait_dma2 semaphore(%arg14 : memref<!tpu.dma_semaphore, #tpu.memory_space<semaphore_mem>>) src(%dma_wait3A_121 : memref<128x64xf32, #tpu.memory_space<hbm>>) dst(%arg10 : memref<128x64xf32, #tpu.memory_space<vmem>>)
      %dma_start3A_122 = arith.constant 0 : i32
      %dma_start3A_123 = tpu.memref_slice %arg8[%add3A_115, %dma_start3A_122] : memref<160x128xi32, #tpu.memory_space<vmem>> -> memref<1x128xi32, #tpu.memory_space<vmem>>
      %dma_start3A_124 = tpu.memref_squeeze %dma_start3A_123 : memref<1x128xi32, #tpu.memory_space<vmem>> -> memref<128xi32, #tpu.memory_space<vmem>>
      %dma_start3A_125 = arith.constant 0 : i32
      %dma_start3A_126 = arith.constant 0 : i32
      %dma_start3A_127 = tpu.memref_slice %arg21[%dma_start3A_125, %dma_start3A_126] : memref<10240x64xf32, #tpu.memory_space<vmem_shared>> -> memref<10240x64xf32, #tpu.memory_space<vmem_shared>>
      tpu.enqueue_indirect_dma source(%arg10 : memref<128x64xf32, #tpu.memory_space<vmem>>) target(%dma_start3A_127 : memref<10240x64xf32, #tpu.memory_space<vmem_shared>>) offsets(%dma_start3A_124 : memref<128xi32, #tpu.memory_space<vmem>>) semaphore(%arg18 : memref<!tpu.dma_semaphore, #tpu.memory_space<semaphore_mem>>) {add = true}
      %ge3A_128 = arith.constant 2 : i32
      %ge3A_129 = arith.cmpi sge, %add3A_115, %ge3A_128 : i32
      %convert_element_type3A_130 = arith.extui %ge3A_129 : i1 to i32
      %cond3A_131 = arith.constant 0 : i32
      %cond3A_132 = arith.cmpi ne, %convert_element_type3A_130, %cond3A_131 : i32
      scf.if %cond3A_132 {
        %dma_wait3A_192 = arith.constant 0 : i32
        %dma_wait3A_193 = arith.constant 0 : i32
        %dma_wait3A_194 = tpu.memref_slice %arg8[%dma_wait3A_192, %dma_wait3A_193] : memref<160x128xi32, #tpu.memory_space<vmem>> -> memref<1x128xi32, #tpu.memory_space<vmem>>
        %dma_wait3A_195 = tpu.memref_squeeze %dma_wait3A_194 : memref<1x128xi32, #tpu.memory_space<vmem>> -> memref<128xi32, #tpu.memory_space<vmem>>
        %dma_wait3A_196 = arith.constant 0 : i32
        %dma_wait3A_197 = arith.constant 0 : i32
        %dma_wait3A_198 = tpu.memref_slice %arg21[%dma_wait3A_196, %dma_wait3A_197] : memref<10240x64xf32, #tpu.memory_space<vmem_shared>> -> memref<10240x64xf32, #tpu.memory_space<vmem_shared>>
        tpu.wait_indirect_dma semaphore(%arg20 : memref<!tpu.dma_semaphore, #tpu.memory_space<semaphore_mem>>) src(%arg12 : memref<128x64xf32, #tpu.memory_space<vmem>>) dst(%dma_wait3A_198 : memref<10240x64xf32, #tpu.memory_space<vmem_shared>>)
      } else {
      }
      %add3A_133 = arith.constant 2 : i32
      %add3A_134 = arith.addi %add3A_115, %add3A_133 : i32
      %lt3A_135 = arith.constant 160 : i32
      %lt3A_136 = arith.cmpi slt, %add3A_134, %lt3A_135 : i32
      %convert_element_type3A_137 = arith.extui %lt3A_136 : i1 to i32
      %cond3A_138 = arith.constant 0 : i32
      %cond3A_139 = arith.cmpi ne, %convert_element_type3A_137, %cond3A_138 : i32
      scf.if %cond3A_139 {
        %add3A_192 = arith.constant 2 : i32
        %add3A_193 = arith.addi %add3A_115, %add3A_192 : i32
        %dma_start3A_194 = arith.constant 0 : i32
        %dma_start3A_195 = tpu.memref_slice %arg7[%add3A_193, %dma_start3A_194] : memref<160x128xi32, #tpu.memory_space<vmem>> -> memref<1x128xi32, #tpu.memory_space<vmem>>
        %dma_start3A_196 = tpu.memref_squeeze %dma_start3A_195 : memref<1x128xi32, #tpu.memory_space<vmem>> -> memref<128xi32, #tpu.memory_space<vmem>>
        %dma_start3A_197 = arith.constant 0 : i32
        %dma_start3A_198 = arith.constant 0 : i32
        %dma_start3A_199 = tpu.memref_slice %arg2[%dma_start3A_197, %dma_start3A_198] : memref<40960x64xf32, #tpu.memory_space<hbm>> -> memref<40960x64xf32, #tpu.memory_space<hbm>>
        tpu.enqueue_indirect_dma source(%dma_start3A_199 : memref<40960x64xf32, #tpu.memory_space<hbm>>) target(%arg12 : memref<128x64xf32, #tpu.memory_space<vmem>>) offsets(%dma_start3A_196 : memref<128xi32, #tpu.memory_space<vmem>>) semaphore(%arg16 : memref<!tpu.dma_semaphore, #tpu.memory_space<semaphore_mem>>)
      } else {
      }
      %add3A_140 = arith.constant 2 : i32
      %add3A_141 = arith.addi %add3A_91, %add3A_140 : i32
      %dma_wait3A_142 = arith.constant 0 : i32
      %dma_wait3A_143 = arith.constant 0 : i32
      %dma_wait3A_144 = tpu.memref_slice %arg2[%dma_wait3A_142, %dma_wait3A_143] : memref<40960x64xf32, #tpu.memory_space<hbm>> -> memref<128x64xf32, #tpu.memory_space<hbm>>
      %dma_wait3A_145 = arith.constant 0 : i32
      %dma_wait3A_146 = arith.constant 0 : i32
      %dma_wait3A_147 = tpu.memref_slice %arg2[%dma_wait3A_145, %dma_wait3A_146] : memref<40960x64xf32, #tpu.memory_space<hbm>> -> memref<128x64xf32, #tpu.memory_space<hbm>>
      tpu.wait_dma2 semaphore(%arg15 : memref<!tpu.dma_semaphore, #tpu.memory_space<semaphore_mem>>) src(%dma_wait3A_147 : memref<128x64xf32, #tpu.memory_space<hbm>>) dst(%arg11 : memref<128x64xf32, #tpu.memory_space<vmem>>)
      %dma_start3A_148 = arith.constant 0 : i32
      %dma_start3A_149 = tpu.memref_slice %arg8[%add3A_141, %dma_start3A_148] : memref<160x128xi32, #tpu.memory_space<vmem>> -> memref<1x128xi32, #tpu.memory_space<vmem>>
      %dma_start3A_150 = tpu.memref_squeeze %dma_start3A_149 : memref<1x128xi32, #tpu.memory_space<vmem>> -> memref<128xi32, #tpu.memory_space<vmem>>
      %dma_start3A_151 = arith.constant 0 : i32
      %dma_start3A_152 = arith.constant 0 : i32
      %dma_start3A_153 = tpu.memref_slice %arg21[%dma_start3A_151, %dma_start3A_152] : memref<10240x64xf32, #tpu.memory_space<vmem_shared>> -> memref<10240x64xf32, #tpu.memory_space<vmem_shared>>
      tpu.enqueue_indirect_dma source(%arg11 : memref<128x64xf32, #tpu.memory_space<vmem>>) target(%dma_start3A_153 : memref<10240x64xf32, #tpu.memory_space<vmem_shared>>) offsets(%dma_start3A_150 : memref<128xi32, #tpu.memory_space<vmem>>) semaphore(%arg19 : memref<!tpu.dma_semaphore, #tpu.memory_space<semaphore_mem>>) {add = true}
      %ge3A_154 = arith.constant 2 : i32
      %ge3A_155 = arith.cmpi sge, %add3A_141, %ge3A_154 : i32
      %convert_element_type3A_156 = arith.extui %ge3A_155 : i1 to i32
      %cond3A_157 = arith.constant 0 : i32
      %cond3A_158 = arith.cmpi ne, %convert_element_type3A_156, %cond3A_157 : i32
      scf.if %cond3A_158 {
        %dma_wait3A_192 = arith.constant 0 : i32
        %dma_wait3A_193 = arith.constant 0 : i32
        %dma_wait3A_194 = tpu.memref_slice %arg8[%dma_wait3A_192, %dma_wait3A_193] : memref<160x128xi32, #tpu.memory_space<vmem>> -> memref<1x128xi32, #tpu.memory_space<vmem>>
        %dma_wait3A_195 = tpu.memref_squeeze %dma_wait3A_194 : memref<1x128xi32, #tpu.memory_space<vmem>> -> memref<128xi32, #tpu.memory_space<vmem>>
        %dma_wait3A_196 = arith.constant 0 : i32
        %dma_wait3A_197 = arith.constant 0 : i32
        %dma_wait3A_198 = tpu.memref_slice %arg21[%dma_wait3A_196, %dma_wait3A_197] : memref<10240x64xf32, #tpu.memory_space<vmem_shared>> -> memref<10240x64xf32, #tpu.memory_space<vmem_shared>>
        tpu.wait_indirect_dma semaphore(%arg17 : memref<!tpu.dma_semaphore, #tpu.memory_space<semaphore_mem>>) src(%arg9 : memref<128x64xf32, #tpu.memory_space<vmem>>) dst(%dma_wait3A_198 : memref<10240x64xf32, #tpu.memory_space<vmem_shared>>)
      } else {
      }
      %add3A_159 = arith.constant 2 : i32
      %add3A_160 = arith.addi %add3A_141, %add3A_159 : i32
      %lt3A_161 = arith.constant 160 : i32
      %lt3A_162 = arith.cmpi slt, %add3A_160, %lt3A_161 : i32
      %convert_element_type3A_163 = arith.extui %lt3A_162 : i1 to i32
      %cond3A_164 = arith.constant 0 : i32
      %cond3A_165 = arith.cmpi ne, %convert_element_type3A_163, %cond3A_164 : i32
      scf.if %cond3A_165 {
        %add3A_192 = arith.constant 2 : i32
        %add3A_193 = arith.addi %add3A_141, %add3A_192 : i32
        %dma_start3A_194 = arith.constant 0 : i32
        %dma_start3A_195 = tpu.memref_slice %arg7[%add3A_193, %dma_start3A_194] : memref<160x128xi32, #tpu.memory_space<vmem>> -> memref<1x128xi32, #tpu.memory_space<vmem>>
        %dma_start3A_196 = tpu.memref_squeeze %dma_start3A_195 : memref<1x128xi32, #tpu.memory_space<vmem>> -> memref<128xi32, #tpu.memory_space<vmem>>
        %dma_start3A_197 = arith.constant 0 : i32
        %dma_start3A_198 = arith.constant 0 : i32
        %dma_start3A_199 = tpu.memref_slice %arg2[%dma_start3A_197, %dma_start3A_198] : memref<40960x64xf32, #tpu.memory_space<hbm>> -> memref<40960x64xf32, #tpu.memory_space<hbm>>
        tpu.enqueue_indirect_dma source(%dma_start3A_199 : memref<40960x64xf32, #tpu.memory_space<hbm>>) target(%arg9 : memref<128x64xf32, #tpu.memory_space<vmem>>) offsets(%dma_start3A_196 : memref<128xi32, #tpu.memory_space<vmem>>) semaphore(%arg13 : memref<!tpu.dma_semaphore, #tpu.memory_space<semaphore_mem>>)
      } else {
      }
      %add3A_166 = arith.constant 3 : i32
      %add3A_167 = arith.addi %add3A_91, %add3A_166 : i32
      %dma_wait3A_168 = arith.constant 0 : i32
      %dma_wait3A_169 = arith.constant 0 : i32
      %dma_wait3A_170 = tpu.memref_slice %arg2[%dma_wait3A_168, %dma_wait3A_169] : memref<40960x64xf32, #tpu.memory_space<hbm>> -> memref<128x64xf32, #tpu.memory_space<hbm>>
      %dma_wait3A_171 = arith.constant 0 : i32
      %dma_wait3A_172 = arith.constant 0 : i32
      %dma_wait3A_173 = tpu.memref_slice %arg2[%dma_wait3A_171, %dma_wait3A_172] : memref<40960x64xf32, #tpu.memory_space<hbm>> -> memref<128x64xf32, #tpu.memory_space<hbm>>
      tpu.wait_dma2 semaphore(%arg16 : memref<!tpu.dma_semaphore, #tpu.memory_space<semaphore_mem>>) src(%dma_wait3A_173 : memref<128x64xf32, #tpu.memory_space<hbm>>) dst(%arg12 : memref<128x64xf32, #tpu.memory_space<vmem>>)
      %dma_start3A_174 = arith.constant 0 : i32
      %dma_start3A_175 = tpu.memref_slice %arg8[%add3A_167, %dma_start3A_174] : memref<160x128xi32, #tpu.memory_space<vmem>> -> memref<1x128xi32, #tpu.memory_space<vmem>>
      %dma_start3A_176 = tpu.memref_squeeze %dma_start3A_175 : memref<1x128xi32, #tpu.memory_space<vmem>> -> memref<128xi32, #tpu.memory_space<vmem>>
      %dma_start3A_177 = arith.constant 0 : i32
      %dma_start3A_178 = arith.constant 0 : i32
      %dma_start3A_179 = tpu.memref_slice %arg21[%dma_start3A_177, %dma_start3A_178] : memref<10240x64xf32, #tpu.memory_space<vmem_shared>> -> memref<10240x64xf32, #tpu.memory_space<vmem_shared>>
      tpu.enqueue_indirect_dma source(%arg12 : memref<128x64xf32, #tpu.memory_space<vmem>>) target(%dma_start3A_179 : memref<10240x64xf32, #tpu.memory_space<vmem_shared>>) offsets(%dma_start3A_176 : memref<128xi32, #tpu.memory_space<vmem>>) semaphore(%arg20 : memref<!tpu.dma_semaphore, #tpu.memory_space<semaphore_mem>>) {add = true}
      %ge3A_180 = arith.constant 2 : i32
      %ge3A_181 = arith.cmpi sge, %add3A_167, %ge3A_180 : i32
      %convert_element_type3A_182 = arith.extui %ge3A_181 : i1 to i32
      %cond3A_183 = arith.constant 0 : i32
      %cond3A_184 = arith.cmpi ne, %convert_element_type3A_182, %cond3A_183 : i32
      scf.if %cond3A_184 {
        %dma_wait3A_192 = arith.constant 0 : i32
        %dma_wait3A_193 = arith.constant 0 : i32
        %dma_wait3A_194 = tpu.memref_slice %arg8[%dma_wait3A_192, %dma_wait3A_193] : memref<160x128xi32, #tpu.memory_space<vmem>> -> memref<1x128xi32, #tpu.memory_space<vmem>>
        %dma_wait3A_195 = tpu.memref_squeeze %dma_wait3A_194 : memref<1x128xi32, #tpu.memory_space<vmem>> -> memref<128xi32, #tpu.memory_space<vmem>>
        %dma_wait3A_196 = arith.constant 0 : i32
        %dma_wait3A_197 = arith.constant 0 : i32
        %dma_wait3A_198 = tpu.memref_slice %arg21[%dma_wait3A_196, %dma_wait3A_197] : memref<10240x64xf32, #tpu.memory_space<vmem_shared>> -> memref<10240x64xf32, #tpu.memory_space<vmem_shared>>
        tpu.wait_indirect_dma semaphore(%arg18 : memref<!tpu.dma_semaphore, #tpu.memory_space<semaphore_mem>>) src(%arg10 : memref<128x64xf32, #tpu.memory_space<vmem>>) dst(%dma_wait3A_198 : memref<10240x64xf32, #tpu.memory_space<vmem_shared>>)
      } else {
      }
      %add3A_185 = arith.constant 2 : i32
      %add3A_186 = arith.addi %add3A_167, %add3A_185 : i32
      %lt3A_187 = arith.constant 160 : i32
      %lt3A_188 = arith.cmpi slt, %add3A_186, %lt3A_187 : i32
      %convert_element_type3A_189 = arith.extui %lt3A_188 : i1 to i32
      %cond3A_190 = arith.constant 0 : i32
      %cond3A_191 = arith.cmpi ne, %convert_element_type3A_189, %cond3A_190 : i32
      scf.if %cond3A_191 {
        %add3A_192 = arith.constant 2 : i32
        %add3A_193 = arith.addi %add3A_167, %add3A_192 : i32
        %dma_start3A_194 = arith.constant 0 : i32
        %dma_start3A_195 = tpu.memref_slice %arg7[%add3A_193, %dma_start3A_194] : memref<160x128xi32, #tpu.memory_space<vmem>> -> memref<1x128xi32, #tpu.memory_space<vmem>>
        %dma_start3A_196 = tpu.memref_squeeze %dma_start3A_195 : memref<1x128xi32, #tpu.memory_space<vmem>> -> memref<128xi32, #tpu.memory_space<vmem>>
        %dma_start3A_197 = arith.constant 0 : i32
        %dma_start3A_198 = arith.constant 0 : i32
        %dma_start3A_199 = tpu.memref_slice %arg2[%dma_start3A_197, %dma_start3A_198] : memref<40960x64xf32, #tpu.memory_space<hbm>> -> memref<40960x64xf32, #tpu.memory_space<hbm>>
        tpu.enqueue_indirect_dma source(%dma_start3A_199 : memref<40960x64xf32, #tpu.memory_space<hbm>>) target(%arg10 : memref<128x64xf32, #tpu.memory_space<vmem>>) offsets(%dma_start3A_196 : memref<128xi32, #tpu.memory_space<vmem>>) semaphore(%arg14 : memref<!tpu.dma_semaphore, #tpu.memory_space<semaphore_mem>>)
      } else {
      }
    }
    %scan3A_22 = arith.constant 40 : i32
    %dma_wait3A = arith.constant 0 : i32
    %dma_wait3A_23 = arith.constant 0 : i32
    %dma_wait3A_24 = tpu.memref_slice %arg8[%dma_wait3A, %dma_wait3A_23] : memref<160x128xi32, #tpu.memory_space<vmem>> -> memref<1x128xi32, #tpu.memory_space<vmem>>
    %dma_wait3A_25 = tpu.memref_squeeze %dma_wait3A_24 : memref<1x128xi32, #tpu.memory_space<vmem>> -> memref<128xi32, #tpu.memory_space<vmem>>
    %dma_wait3A_26 = arith.constant 0 : i32
    %dma_wait3A_27 = arith.constant 0 : i32
    %dma_wait3A_28 = tpu.memref_slice %arg21[%dma_wait3A_26, %dma_wait3A_27] : memref<10240x64xf32, #tpu.memory_space<vmem_shared>> -> memref<10240x64xf32, #tpu.memory_space<vmem_shared>>
    tpu.wait_indirect_dma semaphore(%arg19 : memref<!tpu.dma_semaphore, #tpu.memory_space<semaphore_mem>>) src(%arg11 : memref<128x64xf32, #tpu.memory_space<vmem>>) dst(%dma_wait3A_28 : memref<10240x64xf32, #tpu.memory_space<vmem_shared>>)
    %dma_wait3A_29 = arith.constant 0 : i32
    %dma_wait3A_30 = arith.constant 0 : i32
    %dma_wait3A_31 = tpu.memref_slice %arg8[%dma_wait3A_29, %dma_wait3A_30] : memref<160x128xi32, #tpu.memory_space<vmem>> -> memref<1x128xi32, #tpu.memory_space<vmem>>
    %dma_wait3A_32 = tpu.memref_squeeze %dma_wait3A_31 : memref<1x128xi32, #tpu.memory_space<vmem>> -> memref<128xi32, #tpu.memory_space<vmem>>
    %dma_wait3A_33 = arith.constant 0 : i32
    %dma_wait3A_34 = arith.constant 0 : i32
    %dma_wait3A_35 = tpu.memref_slice %arg21[%dma_wait3A_33, %dma_wait3A_34] : memref<10240x64xf32, #tpu.memory_space<vmem_shared>> -> memref<10240x64xf32, #tpu.memory_space<vmem_shared>>
    tpu.wait_indirect_dma semaphore(%arg20 : memref<!tpu.dma_semaphore, #tpu.memory_space<semaphore_mem>>) src(%arg12 : memref<128x64xf32, #tpu.memory_space<vmem>>) dst(%dma_wait3A_35 : memref<10240x64xf32, #tpu.memory_space<vmem_shared>>)
    %barrier3A_36 = arith.constant 0 : index
    tpu.barrier barrier_id(%barrier3A_36)
    %mul3A_37 = arith.constant 640 : i32
    %mul3A_38 = arith.muli %arg1, %mul3A_37 : i32
    %mul3A_39 = arith.constant 640 : i32
    %mul3A_40 = arith.muli %arg1, %mul3A_39 : i32
    "tpu.region"() ({
      %run_scoped3A = tpu.sem_alloc : memref<!tpu.dma_semaphore, #tpu.memory_space<semaphore_mem>>
      %dma_start3A_87 = arith.constant 0 : i32
      %dma_start3A_88 = tpu.memref_slice %arg6[%arg0, %mul3A_40, %dma_start3A_87] : memref<2x10240x128xf32, #tpu.memory_space<hbm>> -> memref<1x640x64xf32, #tpu.memory_space<hbm>>
      %dma_start3A_89 = tpu.memref_squeeze %dma_start3A_88 : memref<1x640x64xf32, #tpu.memory_space<hbm>> -> memref<640x64xf32, #tpu.memory_space<hbm>>
      %dma_start3A_90 = arith.constant 0 : i32
      %dma_start3A_91 = tpu.memref_slice %arg21[%mul3A_38, %dma_start3A_90] : memref<10240x64xf32, #tpu.memory_space<vmem_shared>> -> memref<640x64xf32, #tpu.memory_space<vmem_shared>>
      tpu.enqueue_dma source(%dma_start3A_91 : memref<640x64xf32, #tpu.memory_space<vmem_shared>>) target(%dma_start3A_89 : memref<640x64xf32, #tpu.memory_space<hbm>>) target_semaphore(%run_scoped3A : memref<!tpu.dma_semaphore, #tpu.memory_space<semaphore_mem>>)
      %dma_wait3A_92 = arith.constant 0 : i32
      %dma_wait3A_93 = tpu.memref_slice %arg6[%arg0, %mul3A_40, %dma_wait3A_92] : memref<2x10240x128xf32, #tpu.memory_space<hbm>> -> memref<1x640x64xf32, #tpu.memory_space<hbm>>
      %dma_wait3A_94 = tpu.memref_squeeze %dma_wait3A_93 : memref<1x640x64xf32, #tpu.memory_space<hbm>> -> memref<640x64xf32, #tpu.memory_space<hbm>>
      %dma_wait3A_95 = arith.constant 0 : i32
      %dma_wait3A_96 = tpu.memref_slice %arg21[%mul3A_38, %dma_wait3A_95] : memref<10240x64xf32, #tpu.memory_space<vmem_shared>> -> memref<640x64xf32, #tpu.memory_space<vmem_shared>>
      tpu.wait_dma2 semaphore(%run_scoped3A : memref<!tpu.dma_semaphore, #tpu.memory_space<semaphore_mem>>) src(%dma_wait3A_96 : memref<640x64xf32, #tpu.memory_space<vmem_shared>>) dst(%dma_wait3A_94 : memref<640x64xf32, #tpu.memory_space<hbm>>)
      tpu.yield
    }) : () -> ()
    %barrier3A_41 = arith.constant 0 : index
    tpu.barrier barrier_id(%barrier3A_41)
    %mul3A_42 = arith.constant 640 : i32
    %mul3A_43 = arith.muli %arg1, %mul3A_42 : i32
    "tpu.region"() ({
      %run_scoped3A = tpu.sem_alloc : memref<!tpu.dma_semaphore, #tpu.memory_space<semaphore_mem>>
      %dma_start3A_87 = arith.constant 0 : i32
      %dma_start3A_88 = tpu.memref_slice %arg21[%mul3A_43, %dma_start3A_87] : memref<10240x64xf32, #tpu.memory_space<vmem_shared>> -> memref<640x64xf32, #tpu.memory_space<vmem_shared>>
      tpu.enqueue_dma source(%arg5 : memref<640x64xf32, #tpu.memory_space<hbm>>) target(%dma_start3A_88 : memref<640x64xf32, #tpu.memory_space<vmem_shared>>) target_semaphore(%run_scoped3A : memref<!tpu.dma_semaphore, #tpu.memory_space<semaphore_mem>>)
      %dma_wait3A_89 = arith.constant 0 : i32
      %dma_wait3A_90 = tpu.memref_slice %arg21[%mul3A_43, %dma_wait3A_89] : memref<10240x64xf32, #tpu.memory_space<vmem_shared>> -> memref<640x64xf32, #tpu.memory_space<vmem_shared>>
      tpu.wait_dma2 semaphore(%run_scoped3A : memref<!tpu.dma_semaphore, #tpu.memory_space<semaphore_mem>>) src(%arg5 : memref<640x64xf32, #tpu.memory_space<hbm>>) dst(%dma_wait3A_90 : memref<640x64xf32, #tpu.memory_space<vmem_shared>>)
      tpu.yield
    }) : () -> ()
    %mul3A_44 = arith.constant 2 : i32
    %mul3A_45 = arith.muli %arg0, %mul3A_44 : i32
    %add3A_46 = arith.constant 1 : i32
    %add3A_47 = arith.addi %mul3A_45, %add3A_46 : i32
    "tpu.region"() ({
      %run_scoped3A = tpu.sem_alloc : memref<!tpu.dma_semaphore, #tpu.memory_space<semaphore_mem>>
      %dma_start3A_87 = arith.constant 0 : i32
      %dma_start3A_88 = tpu.memref_slice %arg3[%add3A_47, %mul3A_0, %dma_start3A_87] : memref<4x2560x128xi32, #tpu.memory_space<hbm>> -> memref<1x160x128xi32, #tpu.memory_space<hbm>>
      %dma_start3A_89 = tpu.memref_squeeze %dma_start3A_88 : memref<1x160x128xi32, #tpu.memory_space<hbm>> -> memref<160x128xi32, #tpu.memory_space<hbm>>
      %dma_start3A_90 = arith.constant 0 : i32
      %dma_start3A_91 = tpu.memref_slice %arg3[%add3A_47, %mul3A_0, %dma_start3A_90] : memref<4x2560x128xi32, #tpu.memory_space<hbm>> -> memref<1x160x128xi32, #tpu.memory_space<hbm>>
      %dma_start3A_92 = tpu.memref_squeeze %dma_start3A_91 : memref<1x160x128xi32, #tpu.memory_space<hbm>> -> memref<160x128xi32, #tpu.memory_space<hbm>>
      tpu.enqueue_dma source(%dma_start3A_92 : memref<160x128xi32, #tpu.memory_space<hbm>>) target(%arg7 : memref<160x128xi32, #tpu.memory_space<vmem>>) target_semaphore(%run_scoped3A : memref<!tpu.dma_semaphore, #tpu.memory_space<semaphore_mem>>)
      %dma_wait3A_93 = arith.constant 0 : i32
      %dma_wait3A_94 = tpu.memref_slice %arg3[%add3A_47, %mul3A_0, %dma_wait3A_93] : memref<4x2560x128xi32, #tpu.memory_space<hbm>> -> memref<1x160x128xi32, #tpu.memory_space<hbm>>
      %dma_wait3A_95 = tpu.memref_squeeze %dma_wait3A_94 : memref<1x160x128xi32, #tpu.memory_space<hbm>> -> memref<160x128xi32, #tpu.memory_space<hbm>>
      %dma_wait3A_96 = arith.constant 0 : i32
      %dma_wait3A_97 = tpu.memref_slice %arg3[%add3A_47, %mul3A_0, %dma_wait3A_96] : memref<4x2560x128xi32, #tpu.memory_space<hbm>> -> memref<1x160x128xi32, #tpu.memory_space<hbm>>
      %dma_wait3A_98 = tpu.memref_squeeze %dma_wait3A_97 : memref<1x160x128xi32, #tpu.memory_space<hbm>> -> memref<160x128xi32, #tpu.memory_space<hbm>>
      tpu.wait_dma2 semaphore(%run_scoped3A : memref<!tpu.dma_semaphore, #tpu.memory_space<semaphore_mem>>) src(%dma_wait3A_98 : memref<160x128xi32, #tpu.memory_space<hbm>>) dst(%arg7 : memref<160x128xi32, #tpu.memory_space<vmem>>)
      tpu.yield
    }) : () -> ()
    %barrier3A_48 = arith.constant 0 : index
    tpu.barrier barrier_id(%barrier3A_48)
    %dma_start3A_49 = arith.constant 0 : i32
    %dma_start3A_50 = arith.constant 0 : i32
    %dma_start3A_51 = tpu.memref_slice %arg7[%dma_start3A_49, %dma_start3A_50] : memref<160x128xi32, #tpu.memory_space<vmem>> -> memref<1x128xi32, #tpu.memory_space<vmem>>
    %dma_start3A_52 = tpu.memref_squeeze %dma_start3A_51 : memref<1x128xi32, #tpu.memory_space<vmem>> -> memref<128xi32, #tpu.memory_space<vmem>>
    %dma_start3A_53 = arith.constant 0 : i32
    %dma_start3A_54 = arith.constant 0 : i32
    %dma_start3A_55 = tpu.memref_slice %arg2[%dma_start3A_53, %dma_start3A_54] : memref<40960x64xf32, #tpu.memory_space<hbm>> -> memref<40960x64xf32, #tpu.memory_space<hbm>>
    tpu.enqueue_indirect_dma source(%dma_start3A_55 : memref<40960x64xf32, #tpu.memory_space<hbm>>) target(%arg9 : memref<128x64xf32, #tpu.memory_space<vmem>>) offsets(%dma_start3A_52 : memref<128xi32, #tpu.memory_space<vmem>>) semaphore(%arg13 : memref<!tpu.dma_semaphore, #tpu.memory_space<semaphore_mem>>)
    %dma_start3A_56 = arith.constant 1 : i32
    %dma_start3A_57 = arith.constant 0 : i32
    %dma_start3A_58 = tpu.memref_slice %arg7[%dma_start3A_56, %dma_start3A_57] : memref<160x128xi32, #tpu.memory_space<vmem>> -> memref<1x128xi32, #tpu.memory_space<vmem>>
    %dma_start3A_59 = tpu.memref_squeeze %dma_start3A_58 : memref<1x128xi32, #tpu.memory_space<vmem>> -> memref<128xi32, #tpu.memory_space<vmem>>
    %dma_start3A_60 = arith.constant 0 : i32
    %dma_start3A_61 = arith.constant 0 : i32
    %dma_start3A_62 = tpu.memref_slice %arg2[%dma_start3A_60, %dma_start3A_61] : memref<40960x64xf32, #tpu.memory_space<hbm>> -> memref<40960x64xf32, #tpu.memory_space<hbm>>
    tpu.enqueue_indirect_dma source(%dma_start3A_62 : memref<40960x64xf32, #tpu.memory_space<hbm>>) target(%arg10 : memref<128x64xf32, #tpu.memory_space<vmem>>) offsets(%dma_start3A_59 : memref<128xi32, #tpu.memory_space<vmem>>) semaphore(%arg14 : memref<!tpu.dma_semaphore, #tpu.memory_space<semaphore_mem>>)
    %scan3A_63 = arith.constant 0 : i32
    %scan3A_64 = arith.constant 40 : i32
    %scan3A_65 = arith.addi %scan3A_63, %scan3A_64 : i32
    %scan3A_66 = arith.constant 1 : i32
    scf.for %scan3A_87 = %scan3A_63 to %scan3A_65 step %scan3A_66  : i32 {
      %mul3A_88 = arith.constant 4 : i32
      %mul3A_89 = arith.muli %scan3A_87, %mul3A_88 : i32
      %add3A_90 = arith.constant 0 : i32
      %add3A_91 = arith.addi %add3A_90, %mul3A_89 : i32
      %add3A_92 = arith.constant 0 : i32
      %add3A_93 = arith.addi %add3A_91, %add3A_92 : i32
      %dma_wait3A_94 = arith.constant 0 : i32
      %dma_wait3A_95 = arith.constant 0 : i32
      %dma_wait3A_96 = tpu.memref_slice %arg2[%dma_wait3A_94, %dma_wait3A_95] : memref<40960x64xf32, #tpu.memory_space<hbm>> -> memref<128x64xf32, #tpu.memory_space<hbm>>
      %dma_wait3A_97 = arith.constant 0 : i32
      %dma_wait3A_98 = arith.constant 0 : i32
      %dma_wait3A_99 = tpu.memref_slice %arg2[%dma_wait3A_97, %dma_wait3A_98] : memref<40960x64xf32, #tpu.memory_space<hbm>> -> memref<128x64xf32, #tpu.memory_space<hbm>>
      tpu.wait_dma2 semaphore(%arg13 : memref<!tpu.dma_semaphore, #tpu.memory_space<semaphore_mem>>) src(%dma_wait3A_99 : memref<128x64xf32, #tpu.memory_space<hbm>>) dst(%arg9 : memref<128x64xf32, #tpu.memory_space<vmem>>)
      %dma_start3A_100 = arith.constant 0 : i32
      %dma_start3A_101 = tpu.memref_slice %arg8[%add3A_93, %dma_start3A_100] : memref<160x128xi32, #tpu.memory_space<vmem>> -> memref<1x128xi32, #tpu.memory_space<vmem>>
      %dma_start3A_102 = tpu.memref_squeeze %dma_start3A_101 : memref<1x128xi32, #tpu.memory_space<vmem>> -> memref<128xi32, #tpu.memory_space<vmem>>
      %dma_start3A_103 = arith.constant 0 : i32
      %dma_start3A_104 = arith.constant 0 : i32
      %dma_start3A_105 = tpu.memref_slice %arg21[%dma_start3A_103, %dma_start3A_104] : memref<10240x64xf32, #tpu.memory_space<vmem_shared>> -> memref<10240x64xf32, #tpu.memory_space<vmem_shared>>
      tpu.enqueue_indirect_dma source(%arg9 : memref<128x64xf32, #tpu.memory_space<vmem>>) target(%dma_start3A_105 : memref<10240x64xf32, #tpu.memory_space<vmem_shared>>) offsets(%dma_start3A_102 : memref<128xi32, #tpu.memory_space<vmem>>) semaphore(%arg17 : memref<!tpu.dma_semaphore, #tpu.memory_space<semaphore_mem>>) {add = true}
      %ge3A = arith.constant 2 : i32
      %ge3A_106 = arith.cmpi sge, %add3A_93, %ge3A : i32
      %convert_element_type3A = arith.extui %ge3A_106 : i1 to i32
      %cond3A = arith.constant 0 : i32
      %cond3A_107 = arith.cmpi ne, %convert_element_type3A, %cond3A : i32
      scf.if %cond3A_107 {
        %dma_wait3A_192 = arith.constant 0 : i32
        %dma_wait3A_193 = arith.constant 0 : i32
        %dma_wait3A_194 = tpu.memref_slice %arg8[%dma_wait3A_192, %dma_wait3A_193] : memref<160x128xi32, #tpu.memory_space<vmem>> -> memref<1x128xi32, #tpu.memory_space<vmem>>
        %dma_wait3A_195 = tpu.memref_squeeze %dma_wait3A_194 : memref<1x128xi32, #tpu.memory_space<vmem>> -> memref<128xi32, #tpu.memory_space<vmem>>
        %dma_wait3A_196 = arith.constant 0 : i32
        %dma_wait3A_197 = arith.constant 0 : i32
        %dma_wait3A_198 = tpu.memref_slice %arg21[%dma_wait3A_196, %dma_wait3A_197] : memref<10240x64xf32, #tpu.memory_space<vmem_shared>> -> memref<10240x64xf32, #tpu.memory_space<vmem_shared>>
        tpu.wait_indirect_dma semaphore(%arg19 : memref<!tpu.dma_semaphore, #tpu.memory_space<semaphore_mem>>) src(%arg11 : memref<128x64xf32, #tpu.memory_space<vmem>>) dst(%dma_wait3A_198 : memref<10240x64xf32, #tpu.memory_space<vmem_shared>>)
      } else {
      }
      %add3A_108 = arith.constant 2 : i32
      %add3A_109 = arith.addi %add3A_93, %add3A_108 : i32
      %lt3A = arith.constant 160 : i32
      %lt3A_110 = arith.cmpi slt, %add3A_109, %lt3A : i32
      %convert_element_type3A_111 = arith.extui %lt3A_110 : i1 to i32
      %cond3A_112 = arith.constant 0 : i32
      %cond3A_113 = arith.cmpi ne, %convert_element_type3A_111, %cond3A_112 : i32
      scf.if %cond3A_113 {
        %add3A_192 = arith.constant 2 : i32
        %add3A_193 = arith.addi %add3A_93, %add3A_192 : i32
        %dma_start3A_194 = arith.constant 0 : i32
        %dma_start3A_195 = tpu.memref_slice %arg7[%add3A_193, %dma_start3A_194] : memref<160x128xi32, #tpu.memory_space<vmem>> -> memref<1x128xi32, #tpu.memory_space<vmem>>
        %dma_start3A_196 = tpu.memref_squeeze %dma_start3A_195 : memref<1x128xi32, #tpu.memory_space<vmem>> -> memref<128xi32, #tpu.memory_space<vmem>>
        %dma_start3A_197 = arith.constant 0 : i32
        %dma_start3A_198 = arith.constant 0 : i32
        %dma_start3A_199 = tpu.memref_slice %arg2[%dma_start3A_197, %dma_start3A_198] : memref<40960x64xf32, #tpu.memory_space<hbm>> -> memref<40960x64xf32, #tpu.memory_space<hbm>>
        tpu.enqueue_indirect_dma source(%dma_start3A_199 : memref<40960x64xf32, #tpu.memory_space<hbm>>) target(%arg11 : memref<128x64xf32, #tpu.memory_space<vmem>>) offsets(%dma_start3A_196 : memref<128xi32, #tpu.memory_space<vmem>>) semaphore(%arg15 : memref<!tpu.dma_semaphore, #tpu.memory_space<semaphore_mem>>)
      } else {
      }
      %add3A_114 = arith.constant 1 : i32
      %add3A_115 = arith.addi %add3A_91, %add3A_114 : i32
      %dma_wait3A_116 = arith.constant 0 : i32
      %dma_wait3A_117 = arith.constant 0 : i32
      %dma_wait3A_118 = tpu.memref_slice %arg2[%dma_wait3A_116, %dma_wait3A_117] : memref<40960x64xf32, #tpu.memory_space<hbm>> -> memref<128x64xf32, #tpu.memory_space<hbm>>
      %dma_wait3A_119 = arith.constant 0 : i32
      %dma_wait3A_120 = arith.constant 0 : i32
      %dma_wait3A_121 = tpu.memref_slice %arg2[%dma_wait3A_119, %dma_wait3A_120] : memref<40960x64xf32, #tpu.memory_space<hbm>> -> memref<128x64xf32, #tpu.memory_space<hbm>>
      tpu.wait_dma2 semaphore(%arg14 : memref<!tpu.dma_semaphore, #tpu.memory_space<semaphore_mem>>) src(%dma_wait3A_121 : memref<128x64xf32, #tpu.memory_space<hbm>>) dst(%arg10 : memref<128x64xf32, #tpu.memory_space<vmem>>)
      %dma_start3A_122 = arith.constant 0 : i32
      %dma_start3A_123 = tpu.memref_slice %arg8[%add3A_115, %dma_start3A_122] : memref<160x128xi32, #tpu.memory_space<vmem>> -> memref<1x128xi32, #tpu.memory_space<vmem>>
      %dma_start3A_124 = tpu.memref_squeeze %dma_start3A_123 : memref<1x128xi32, #tpu.memory_space<vmem>> -> memref<128xi32, #tpu.memory_space<vmem>>
      %dma_start3A_125 = arith.constant 0 : i32
      %dma_start3A_126 = arith.constant 0 : i32
      %dma_start3A_127 = tpu.memref_slice %arg21[%dma_start3A_125, %dma_start3A_126] : memref<10240x64xf32, #tpu.memory_space<vmem_shared>> -> memref<10240x64xf32, #tpu.memory_space<vmem_shared>>
      tpu.enqueue_indirect_dma source(%arg10 : memref<128x64xf32, #tpu.memory_space<vmem>>) target(%dma_start3A_127 : memref<10240x64xf32, #tpu.memory_space<vmem_shared>>) offsets(%dma_start3A_124 : memref<128xi32, #tpu.memory_space<vmem>>) semaphore(%arg18 : memref<!tpu.dma_semaphore, #tpu.memory_space<semaphore_mem>>) {add = true}
      %ge3A_128 = arith.constant 2 : i32
      %ge3A_129 = arith.cmpi sge, %add3A_115, %ge3A_128 : i32
      %convert_element_type3A_130 = arith.extui %ge3A_129 : i1 to i32
      %cond3A_131 = arith.constant 0 : i32
      %cond3A_132 = arith.cmpi ne, %convert_element_type3A_130, %cond3A_131 : i32
      scf.if %cond3A_132 {
        %dma_wait3A_192 = arith.constant 0 : i32
        %dma_wait3A_193 = arith.constant 0 : i32
        %dma_wait3A_194 = tpu.memref_slice %arg8[%dma_wait3A_192, %dma_wait3A_193] : memref<160x128xi32, #tpu.memory_space<vmem>> -> memref<1x128xi32, #tpu.memory_space<vmem>>
        %dma_wait3A_195 = tpu.memref_squeeze %dma_wait3A_194 : memref<1x128xi32, #tpu.memory_space<vmem>> -> memref<128xi32, #tpu.memory_space<vmem>>
        %dma_wait3A_196 = arith.constant 0 : i32
        %dma_wait3A_197 = arith.constant 0 : i32
        %dma_wait3A_198 = tpu.memref_slice %arg21[%dma_wait3A_196, %dma_wait3A_197] : memref<10240x64xf32, #tpu.memory_space<vmem_shared>> -> memref<10240x64xf32, #tpu.memory_space<vmem_shared>>
        tpu.wait_indirect_dma semaphore(%arg20 : memref<!tpu.dma_semaphore, #tpu.memory_space<semaphore_mem>>) src(%arg12 : memref<128x64xf32, #tpu.memory_space<vmem>>) dst(%dma_wait3A_198 : memref<10240x64xf32, #tpu.memory_space<vmem_shared>>)
      } else {
      }
      %add3A_133 = arith.constant 2 : i32
      %add3A_134 = arith.addi %add3A_115, %add3A_133 : i32
      %lt3A_135 = arith.constant 160 : i32
      %lt3A_136 = arith.cmpi slt, %add3A_134, %lt3A_135 : i32
      %convert_element_type3A_137 = arith.extui %lt3A_136 : i1 to i32
      %cond3A_138 = arith.constant 0 : i32
      %cond3A_139 = arith.cmpi ne, %convert_element_type3A_137, %cond3A_138 : i32
      scf.if %cond3A_139 {
        %add3A_192 = arith.constant 2 : i32
        %add3A_193 = arith.addi %add3A_115, %add3A_192 : i32
        %dma_start3A_194 = arith.constant 0 : i32
        %dma_start3A_195 = tpu.memref_slice %arg7[%add3A_193, %dma_start3A_194] : memref<160x128xi32, #tpu.memory_space<vmem>> -> memref<1x128xi32, #tpu.memory_space<vmem>>
        %dma_start3A_196 = tpu.memref_squeeze %dma_start3A_195 : memref<1x128xi32, #tpu.memory_space<vmem>> -> memref<128xi32, #tpu.memory_space<vmem>>
        %dma_start3A_197 = arith.constant 0 : i32
        %dma_start3A_198 = arith.constant 0 : i32
        %dma_start3A_199 = tpu.memref_slice %arg2[%dma_start3A_197, %dma_start3A_198] : memref<40960x64xf32, #tpu.memory_space<hbm>> -> memref<40960x64xf32, #tpu.memory_space<hbm>>
        tpu.enqueue_indirect_dma source(%dma_start3A_199 : memref<40960x64xf32, #tpu.memory_space<hbm>>) target(%arg12 : memref<128x64xf32, #tpu.memory_space<vmem>>) offsets(%dma_start3A_196 : memref<128xi32, #tpu.memory_space<vmem>>) semaphore(%arg16 : memref<!tpu.dma_semaphore, #tpu.memory_space<semaphore_mem>>)
      } else {
      }
      %add3A_140 = arith.constant 2 : i32
      %add3A_141 = arith.addi %add3A_91, %add3A_140 : i32
      %dma_wait3A_142 = arith.constant 0 : i32
      %dma_wait3A_143 = arith.constant 0 : i32
      %dma_wait3A_144 = tpu.memref_slice %arg2[%dma_wait3A_142, %dma_wait3A_143] : memref<40960x64xf32, #tpu.memory_space<hbm>> -> memref<128x64xf32, #tpu.memory_space<hbm>>
      %dma_wait3A_145 = arith.constant 0 : i32
      %dma_wait3A_146 = arith.constant 0 : i32
      %dma_wait3A_147 = tpu.memref_slice %arg2[%dma_wait3A_145, %dma_wait3A_146] : memref<40960x64xf32, #tpu.memory_space<hbm>> -> memref<128x64xf32, #tpu.memory_space<hbm>>
      tpu.wait_dma2 semaphore(%arg15 : memref<!tpu.dma_semaphore, #tpu.memory_space<semaphore_mem>>) src(%dma_wait3A_147 : memref<128x64xf32, #tpu.memory_space<hbm>>) dst(%arg11 : memref<128x64xf32, #tpu.memory_space<vmem>>)
      %dma_start3A_148 = arith.constant 0 : i32
      %dma_start3A_149 = tpu.memref_slice %arg8[%add3A_141, %dma_start3A_148] : memref<160x128xi32, #tpu.memory_space<vmem>> -> memref<1x128xi32, #tpu.memory_space<vmem>>
      %dma_start3A_150 = tpu.memref_squeeze %dma_start3A_149 : memref<1x128xi32, #tpu.memory_space<vmem>> -> memref<128xi32, #tpu.memory_space<vmem>>
      %dma_start3A_151 = arith.constant 0 : i32
      %dma_start3A_152 = arith.constant 0 : i32
      %dma_start3A_153 = tpu.memref_slice %arg21[%dma_start3A_151, %dma_start3A_152] : memref<10240x64xf32, #tpu.memory_space<vmem_shared>> -> memref<10240x64xf32, #tpu.memory_space<vmem_shared>>
      tpu.enqueue_indirect_dma source(%arg11 : memref<128x64xf32, #tpu.memory_space<vmem>>) target(%dma_start3A_153 : memref<10240x64xf32, #tpu.memory_space<vmem_shared>>) offsets(%dma_start3A_150 : memref<128xi32, #tpu.memory_space<vmem>>) semaphore(%arg19 : memref<!tpu.dma_semaphore, #tpu.memory_space<semaphore_mem>>) {add = true}
      %ge3A_154 = arith.constant 2 : i32
      %ge3A_155 = arith.cmpi sge, %add3A_141, %ge3A_154 : i32
      %convert_element_type3A_156 = arith.extui %ge3A_155 : i1 to i32
      %cond3A_157 = arith.constant 0 : i32
      %cond3A_158 = arith.cmpi ne, %convert_element_type3A_156, %cond3A_157 : i32
      scf.if %cond3A_158 {
        %dma_wait3A_192 = arith.constant 0 : i32
        %dma_wait3A_193 = arith.constant 0 : i32
        %dma_wait3A_194 = tpu.memref_slice %arg8[%dma_wait3A_192, %dma_wait3A_193] : memref<160x128xi32, #tpu.memory_space<vmem>> -> memref<1x128xi32, #tpu.memory_space<vmem>>
        %dma_wait3A_195 = tpu.memref_squeeze %dma_wait3A_194 : memref<1x128xi32, #tpu.memory_space<vmem>> -> memref<128xi32, #tpu.memory_space<vmem>>
        %dma_wait3A_196 = arith.constant 0 : i32
        %dma_wait3A_197 = arith.constant 0 : i32
        %dma_wait3A_198 = tpu.memref_slice %arg21[%dma_wait3A_196, %dma_wait3A_197] : memref<10240x64xf32, #tpu.memory_space<vmem_shared>> -> memref<10240x64xf32, #tpu.memory_space<vmem_shared>>
        tpu.wait_indirect_dma semaphore(%arg17 : memref<!tpu.dma_semaphore, #tpu.memory_space<semaphore_mem>>) src(%arg9 : memref<128x64xf32, #tpu.memory_space<vmem>>) dst(%dma_wait3A_198 : memref<10240x64xf32, #tpu.memory_space<vmem_shared>>)
      } else {
      }
      %add3A_159 = arith.constant 2 : i32
      %add3A_160 = arith.addi %add3A_141, %add3A_159 : i32
      %lt3A_161 = arith.constant 160 : i32
      %lt3A_162 = arith.cmpi slt, %add3A_160, %lt3A_161 : i32
      %convert_element_type3A_163 = arith.extui %lt3A_162 : i1 to i32
      %cond3A_164 = arith.constant 0 : i32
      %cond3A_165 = arith.cmpi ne, %convert_element_type3A_163, %cond3A_164 : i32
      scf.if %cond3A_165 {
        %add3A_192 = arith.constant 2 : i32
        %add3A_193 = arith.addi %add3A_141, %add3A_192 : i32
        %dma_start3A_194 = arith.constant 0 : i32
        %dma_start3A_195 = tpu.memref_slice %arg7[%add3A_193, %dma_start3A_194] : memref<160x128xi32, #tpu.memory_space<vmem>> -> memref<1x128xi32, #tpu.memory_space<vmem>>
        %dma_start3A_196 = tpu.memref_squeeze %dma_start3A_195 : memref<1x128xi32, #tpu.memory_space<vmem>> -> memref<128xi32, #tpu.memory_space<vmem>>
        %dma_start3A_197 = arith.constant 0 : i32
        %dma_start3A_198 = arith.constant 0 : i32
        %dma_start3A_199 = tpu.memref_slice %arg2[%dma_start3A_197, %dma_start3A_198] : memref<40960x64xf32, #tpu.memory_space<hbm>> -> memref<40960x64xf32, #tpu.memory_space<hbm>>
        tpu.enqueue_indirect_dma source(%dma_start3A_199 : memref<40960x64xf32, #tpu.memory_space<hbm>>) target(%arg9 : memref<128x64xf32, #tpu.memory_space<vmem>>) offsets(%dma_start3A_196 : memref<128xi32, #tpu.memory_space<vmem>>) semaphore(%arg13 : memref<!tpu.dma_semaphore, #tpu.memory_space<semaphore_mem>>)
      } else {
      }
      %add3A_166 = arith.constant 3 : i32
      %add3A_167 = arith.addi %add3A_91, %add3A_166 : i32
      %dma_wait3A_168 = arith.constant 0 : i32
      %dma_wait3A_169 = arith.constant 0 : i32
      %dma_wait3A_170 = tpu.memref_slice %arg2[%dma_wait3A_168, %dma_wait3A_169] : memref<40960x64xf32, #tpu.memory_space<hbm>> -> memref<128x64xf32, #tpu.memory_space<hbm>>
      %dma_wait3A_171 = arith.constant 0 : i32
      %dma_wait3A_172 = arith.constant 0 : i32
      %dma_wait3A_173 = tpu.memref_slice %arg2[%dma_wait3A_171, %dma_wait3A_172] : memref<40960x64xf32, #tpu.memory_space<hbm>> -> memref<128x64xf32, #tpu.memory_space<hbm>>
      tpu.wait_dma2 semaphore(%arg16 : memref<!tpu.dma_semaphore, #tpu.memory_space<semaphore_mem>>) src(%dma_wait3A_173 : memref<128x64xf32, #tpu.memory_space<hbm>>) dst(%arg12 : memref<128x64xf32, #tpu.memory_space<vmem>>)
      %dma_start3A_174 = arith.constant 0 : i32
      %dma_start3A_175 = tpu.memref_slice %arg8[%add3A_167, %dma_start3A_174] : memref<160x128xi32, #tpu.memory_space<vmem>> -> memref<1x128xi32, #tpu.memory_space<vmem>>
      %dma_start3A_176 = tpu.memref_squeeze %dma_start3A_175 : memref<1x128xi32, #tpu.memory_space<vmem>> -> memref<128xi32, #tpu.memory_space<vmem>>
      %dma_start3A_177 = arith.constant 0 : i32
      %dma_start3A_178 = arith.constant 0 : i32
      %dma_start3A_179 = tpu.memref_slice %arg21[%dma_start3A_177, %dma_start3A_178] : memref<10240x64xf32, #tpu.memory_space<vmem_shared>> -> memref<10240x64xf32, #tpu.memory_space<vmem_shared>>
      tpu.enqueue_indirect_dma source(%arg12 : memref<128x64xf32, #tpu.memory_space<vmem>>) target(%dma_start3A_179 : memref<10240x64xf32, #tpu.memory_space<vmem_shared>>) offsets(%dma_start3A_176 : memref<128xi32, #tpu.memory_space<vmem>>) semaphore(%arg20 : memref<!tpu.dma_semaphore, #tpu.memory_space<semaphore_mem>>) {add = true}
      %ge3A_180 = arith.constant 2 : i32
      %ge3A_181 = arith.cmpi sge, %add3A_167, %ge3A_180 : i32
      %convert_element_type3A_182 = arith.extui %ge3A_181 : i1 to i32
      %cond3A_183 = arith.constant 0 : i32
      %cond3A_184 = arith.cmpi ne, %convert_element_type3A_182, %cond3A_183 : i32
      scf.if %cond3A_184 {
        %dma_wait3A_192 = arith.constant 0 : i32
        %dma_wait3A_193 = arith.constant 0 : i32
        %dma_wait3A_194 = tpu.memref_slice %arg8[%dma_wait3A_192, %dma_wait3A_193] : memref<160x128xi32, #tpu.memory_space<vmem>> -> memref<1x128xi32, #tpu.memory_space<vmem>>
        %dma_wait3A_195 = tpu.memref_squeeze %dma_wait3A_194 : memref<1x128xi32, #tpu.memory_space<vmem>> -> memref<128xi32, #tpu.memory_space<vmem>>
        %dma_wait3A_196 = arith.constant 0 : i32
        %dma_wait3A_197 = arith.constant 0 : i32
        %dma_wait3A_198 = tpu.memref_slice %arg21[%dma_wait3A_196, %dma_wait3A_197] : memref<10240x64xf32, #tpu.memory_space<vmem_shared>> -> memref<10240x64xf32, #tpu.memory_space<vmem_shared>>
        tpu.wait_indirect_dma semaphore(%arg18 : memref<!tpu.dma_semaphore, #tpu.memory_space<semaphore_mem>>) src(%arg10 : memref<128x64xf32, #tpu.memory_space<vmem>>) dst(%dma_wait3A_198 : memref<10240x64xf32, #tpu.memory_space<vmem_shared>>)
      } else {
      }
      %add3A_185 = arith.constant 2 : i32
      %add3A_186 = arith.addi %add3A_167, %add3A_185 : i32
      %lt3A_187 = arith.constant 160 : i32
      %lt3A_188 = arith.cmpi slt, %add3A_186, %lt3A_187 : i32
      %convert_element_type3A_189 = arith.extui %lt3A_188 : i1 to i32
      %cond3A_190 = arith.constant 0 : i32
      %cond3A_191 = arith.cmpi ne, %convert_element_type3A_189, %cond3A_190 : i32
      scf.if %cond3A_191 {
        %add3A_192 = arith.constant 2 : i32
        %add3A_193 = arith.addi %add3A_167, %add3A_192 : i32
        %dma_start3A_194 = arith.constant 0 : i32
        %dma_start3A_195 = tpu.memref_slice %arg7[%add3A_193, %dma_start3A_194] : memref<160x128xi32, #tpu.memory_space<vmem>> -> memref<1x128xi32, #tpu.memory_space<vmem>>
        %dma_start3A_196 = tpu.memref_squeeze %dma_start3A_195 : memref<1x128xi32, #tpu.memory_space<vmem>> -> memref<128xi32, #tpu.memory_space<vmem>>
        %dma_start3A_197 = arith.constant 0 : i32
        %dma_start3A_198 = arith.constant 0 : i32
        %dma_start3A_199 = tpu.memref_slice %arg2[%dma_start3A_197, %dma_start3A_198] : memref<40960x64xf32, #tpu.memory_space<hbm>> -> memref<40960x64xf32, #tpu.memory_space<hbm>>
        tpu.enqueue_indirect_dma source(%dma_start3A_199 : memref<40960x64xf32, #tpu.memory_space<hbm>>) target(%arg10 : memref<128x64xf32, #tpu.memory_space<vmem>>) offsets(%dma_start3A_196 : memref<128xi32, #tpu.memory_space<vmem>>) semaphore(%arg14 : memref<!tpu.dma_semaphore, #tpu.memory_space<semaphore_mem>>)
      } else {
      }
    }
    %scan3A_67 = arith.constant 40 : i32
    %dma_wait3A_68 = arith.constant 0 : i32
    %dma_wait3A_69 = arith.constant 0 : i32
    %dma_wait3A_70 = tpu.memref_slice %arg8[%dma_wait3A_68, %dma_wait3A_69] : memref<160x128xi32, #tpu.memory_space<vmem>> -> memref<1x128xi32, #tpu.memory_space<vmem>>
    %dma_wait3A_71 = tpu.memref_squeeze %dma_wait3A_70 : memref<1x128xi32, #tpu.memory_space<vmem>> -> memref<128xi32, #tpu.memory_space<vmem>>
    %dma_wait3A_72 = arith.constant 0 : i32
    %dma_wait3A_73 = arith.constant 0 : i32
    %dma_wait3A_74 = tpu.memref_slice %arg21[%dma_wait3A_72, %dma_wait3A_73] : memref<10240x64xf32, #tpu.memory_space<vmem_shared>> -> memref<10240x64xf32, #tpu.memory_space<vmem_shared>>
    tpu.wait_indirect_dma semaphore(%arg19 : memref<!tpu.dma_semaphore, #tpu.memory_space<semaphore_mem>>) src(%arg11 : memref<128x64xf32, #tpu.memory_space<vmem>>) dst(%dma_wait3A_74 : memref<10240x64xf32, #tpu.memory_space<vmem_shared>>)
    %dma_wait3A_75 = arith.constant 0 : i32
    %dma_wait3A_76 = arith.constant 0 : i32
    %dma_wait3A_77 = tpu.memref_slice %arg8[%dma_wait3A_75, %dma_wait3A_76] : memref<160x128xi32, #tpu.memory_space<vmem>> -> memref<1x128xi32, #tpu.memory_space<vmem>>
    %dma_wait3A_78 = tpu.memref_squeeze %dma_wait3A_77 : memref<1x128xi32, #tpu.memory_space<vmem>> -> memref<128xi32, #tpu.memory_space<vmem>>
    %dma_wait3A_79 = arith.constant 0 : i32
    %dma_wait3A_80 = arith.constant 0 : i32
    %dma_wait3A_81 = tpu.memref_slice %arg21[%dma_wait3A_79, %dma_wait3A_80] : memref<10240x64xf32, #tpu.memory_space<vmem_shared>> -> memref<10240x64xf32, #tpu.memory_space<vmem_shared>>
    tpu.wait_indirect_dma semaphore(%arg20 : memref<!tpu.dma_semaphore, #tpu.memory_space<semaphore_mem>>) src(%arg12 : memref<128x64xf32, #tpu.memory_space<vmem>>) dst(%dma_wait3A_81 : memref<10240x64xf32, #tpu.memory_space<vmem_shared>>)
    %barrier3A_82 = arith.constant 0 : index
    tpu.barrier barrier_id(%barrier3A_82)
    %mul3A_83 = arith.constant 640 : i32
    %mul3A_84 = arith.muli %arg1, %mul3A_83 : i32
    %mul3A_85 = arith.constant 640 : i32
    %mul3A_86 = arith.muli %arg1, %mul3A_85 : i32
    "tpu.region"() ({
      %run_scoped3A = tpu.sem_alloc : memref<!tpu.dma_semaphore, #tpu.memory_space<semaphore_mem>>
      %dma_start3A_87 = arith.constant 64 : i32
      %dma_start3A_88 = tpu.memref_slice %arg6[%arg0, %mul3A_86, %dma_start3A_87] : memref<2x10240x128xf32, #tpu.memory_space<hbm>> -> memref<1x640x64xf32, #tpu.memory_space<hbm>>
      %dma_start3A_89 = tpu.memref_squeeze %dma_start3A_88 : memref<1x640x64xf32, #tpu.memory_space<hbm>> -> memref<640x64xf32, #tpu.memory_space<hbm>>
      %dma_start3A_90 = arith.constant 0 : i32
      %dma_start3A_91 = tpu.memref_slice %arg21[%mul3A_84, %dma_start3A_90] : memref<10240x64xf32, #tpu.memory_space<vmem_shared>> -> memref<640x64xf32, #tpu.memory_space<vmem_shared>>
      tpu.enqueue_dma source(%dma_start3A_91 : memref<640x64xf32, #tpu.memory_space<vmem_shared>>) target(%dma_start3A_89 : memref<640x64xf32, #tpu.memory_space<hbm>>) target_semaphore(%run_scoped3A : memref<!tpu.dma_semaphore, #tpu.memory_space<semaphore_mem>>)
      %dma_wait3A_92 = arith.constant 64 : i32
      %dma_wait3A_93 = tpu.memref_slice %arg6[%arg0, %mul3A_86, %dma_wait3A_92] : memref<2x10240x128xf32, #tpu.memory_space<hbm>> -> memref<1x640x64xf32, #tpu.memory_space<hbm>>
      %dma_wait3A_94 = tpu.memref_squeeze %dma_wait3A_93 : memref<1x640x64xf32, #tpu.memory_space<hbm>> -> memref<640x64xf32, #tpu.memory_space<hbm>>
      %dma_wait3A_95 = arith.constant 0 : i32
      %dma_wait3A_96 = tpu.memref_slice %arg21[%mul3A_84, %dma_wait3A_95] : memref<10240x64xf32, #tpu.memory_space<vmem_shared>> -> memref<640x64xf32, #tpu.memory_space<vmem_shared>>
      tpu.wait_dma2 semaphore(%run_scoped3A : memref<!tpu.dma_semaphore, #tpu.memory_space<semaphore_mem>>) src(%dma_wait3A_96 : memref<640x64xf32, #tpu.memory_space<vmem_shared>>) dst(%dma_wait3A_94 : memref<640x64xf32, #tpu.memory_space<hbm>>)
      tpu.yield
    }) : () -> ()
    return
  }
}

#map = affine_map<(d0, d1) -> (0, 0)>
#map1 = affine_map<(d0, d1) -> (0)>
module attributes {stable_mosaic.version = 14 : i64} {
  func.func @_deg(%arg0: i32, %arg1: i32, %arg2: memref<2560x128xi32, #tpu.memory_space<hbm>>, %arg3: memref<128xf32, #tpu.memory_space<hbm>>, %arg4: memref<640xf32, #tpu.memory_space<hbm>>, %arg5: memref<2x10240xf32, #tpu.memory_space<hbm>>, %arg6: memref<80x128xi32, #tpu.memory_space<vmem>>, %arg7: memref<128xf32, #tpu.memory_space<vmem>>, %arg8: memref<10240xf32, #tpu.memory_space<vmem_shared>>) attributes {dimension_semantics = [#tpu.dimension_semantics<core_parallel>, #tpu.dimension_semantics<subcore_parallel>], iteration_bounds = array<i64: 2, 16>, scalar_prefetch = 0 : i64, scratch_operands = 3 : i64, tpu.core_type = #tpu.core_type<sc_vector_subcore>, window_params = [{transform_indices = #map}, {transform_indices = #map1}, {transform_indices = #map1}, {transform_indices = #map}]} {
    %mul3A = arith.constant 16 : i32
    %mul3A_0 = arith.muli %arg0, %mul3A : i32
    %add3A = arith.addi %mul3A_0, %arg1 : i32
    %mul3A_1 = arith.constant 640 : i32
    %mul3A_2 = arith.muli %arg1, %mul3A_1 : i32
    "tpu.region"() ({
      %run_scoped3A = tpu.sem_alloc : memref<!tpu.dma_semaphore, #tpu.memory_space<semaphore_mem>>
      %dma_start3A = tpu.memref_slice %arg8[%mul3A_2] : memref<10240xf32, #tpu.memory_space<vmem_shared>> -> memref<640xf32, #tpu.memory_space<vmem_shared>>
      tpu.enqueue_dma source(%arg4 : memref<640xf32, #tpu.memory_space<hbm>>) target(%dma_start3A : memref<640xf32, #tpu.memory_space<vmem_shared>>) target_semaphore(%run_scoped3A : memref<!tpu.dma_semaphore, #tpu.memory_space<semaphore_mem>>)
      %dma_wait3A = tpu.memref_slice %arg8[%mul3A_2] : memref<10240xf32, #tpu.memory_space<vmem_shared>> -> memref<640xf32, #tpu.memory_space<vmem_shared>>
      tpu.wait_dma2 semaphore(%run_scoped3A : memref<!tpu.dma_semaphore, #tpu.memory_space<semaphore_mem>>) src(%arg4 : memref<640xf32, #tpu.memory_space<hbm>>) dst(%dma_wait3A : memref<640xf32, #tpu.memory_space<vmem_shared>>)
      tpu.yield
    }) : () -> ()
    "tpu.region"() ({
      %run_scoped3A = tpu.sem_alloc : memref<!tpu.dma_semaphore, #tpu.memory_space<semaphore_mem>>
      tpu.enqueue_dma source(%arg3 : memref<128xf32, #tpu.memory_space<hbm>>) target(%arg7 : memref<128xf32, #tpu.memory_space<vmem>>) target_semaphore(%run_scoped3A : memref<!tpu.dma_semaphore, #tpu.memory_space<semaphore_mem>>)
      tpu.wait_dma2 semaphore(%run_scoped3A : memref<!tpu.dma_semaphore, #tpu.memory_space<semaphore_mem>>) src(%arg3 : memref<128xf32, #tpu.memory_space<hbm>>) dst(%arg7 : memref<128xf32, #tpu.memory_space<vmem>>)
      tpu.yield
    }) : () -> ()
    %mul3A_3 = arith.constant 80 : i32
    %mul3A_4 = arith.muli %add3A, %mul3A_3 : i32
    "tpu.region"() ({
      %run_scoped3A = tpu.sem_alloc : memref<!tpu.dma_semaphore, #tpu.memory_space<semaphore_mem>>
      %dma_start3A = arith.constant 0 : i32
      %dma_start3A_15 = tpu.memref_slice %arg2[%mul3A_4, %dma_start3A] : memref<2560x128xi32, #tpu.memory_space<hbm>> -> memref<80x128xi32, #tpu.memory_space<hbm>>
      %dma_start3A_16 = arith.constant 0 : i32
      %dma_start3A_17 = tpu.memref_slice %arg2[%mul3A_4, %dma_start3A_16] : memref<2560x128xi32, #tpu.memory_space<hbm>> -> memref<80x128xi32, #tpu.memory_space<hbm>>
      tpu.enqueue_dma source(%dma_start3A_17 : memref<80x128xi32, #tpu.memory_space<hbm>>) target(%arg6 : memref<80x128xi32, #tpu.memory_space<vmem>>) target_semaphore(%run_scoped3A : memref<!tpu.dma_semaphore, #tpu.memory_space<semaphore_mem>>)
      %dma_wait3A = arith.constant 0 : i32
      %dma_wait3A_18 = tpu.memref_slice %arg2[%mul3A_4, %dma_wait3A] : memref<2560x128xi32, #tpu.memory_space<hbm>> -> memref<80x128xi32, #tpu.memory_space<hbm>>
      %dma_wait3A_19 = arith.constant 0 : i32
      %dma_wait3A_20 = tpu.memref_slice %arg2[%mul3A_4, %dma_wait3A_19] : memref<2560x128xi32, #tpu.memory_space<hbm>> -> memref<80x128xi32, #tpu.memory_space<hbm>>
      tpu.wait_dma2 semaphore(%run_scoped3A : memref<!tpu.dma_semaphore, #tpu.memory_space<semaphore_mem>>) src(%dma_wait3A_20 : memref<80x128xi32, #tpu.memory_space<hbm>>) dst(%arg6 : memref<80x128xi32, #tpu.memory_space<vmem>>)
      tpu.yield
    }) : () -> ()
    %barrier3A = arith.constant 0 : index
    tpu.barrier barrier_id(%barrier3A)
    %scan3A = arith.constant 0 : i32
    %scan3A_5 = arith.constant 0 : i32
    %scan3A_6 = arith.constant 80 : i32
    %scan3A_7 = arith.addi %scan3A_5, %scan3A_6 : i32
    %scan3A_8 = arith.constant 1 : i32
    scf.for %scan3A_15 = %scan3A_5 to %scan3A_7 step %scan3A_8  : i32 {
      "tpu.region"() ({
        %run_scoped3A = tpu.sem_alloc : memref<!tpu.dma_semaphore, #tpu.memory_space<semaphore_mem>>
        %dma_start3A = arith.constant 0 : i32
        %dma_start3A_16 = tpu.memref_slice %arg6[%scan3A_15, %dma_start3A] : memref<80x128xi32, #tpu.memory_space<vmem>> -> memref<1x128xi32, #tpu.memory_space<vmem>>
        %dma_start3A_17 = tpu.memref_squeeze %dma_start3A_16 : memref<1x128xi32, #tpu.memory_space<vmem>> -> memref<128xi32, #tpu.memory_space<vmem>>
        %dma_start3A_18 = arith.constant 0 : i32
        %dma_start3A_19 = tpu.memref_slice %arg8[%dma_start3A_18] : memref<10240xf32, #tpu.memory_space<vmem_shared>> -> memref<10240xf32, #tpu.memory_space<vmem_shared>>
        tpu.enqueue_indirect_dma source(%arg7 : memref<128xf32, #tpu.memory_space<vmem>>) target(%dma_start3A_19 : memref<10240xf32, #tpu.memory_space<vmem_shared>>) offsets(%dma_start3A_17 : memref<128xi32, #tpu.memory_space<vmem>>) semaphore(%run_scoped3A : memref<!tpu.dma_semaphore, #tpu.memory_space<semaphore_mem>>) {add = true}
        %dma_wait3A = arith.constant 0 : i32
        %dma_wait3A_20 = tpu.memref_slice %arg6[%scan3A_15, %dma_wait3A] : memref<80x128xi32, #tpu.memory_space<vmem>> -> memref<1x128xi32, #tpu.memory_space<vmem>>
        %dma_wait3A_21 = tpu.memref_squeeze %dma_wait3A_20 : memref<1x128xi32, #tpu.memory_space<vmem>> -> memref<128xi32, #tpu.memory_space<vmem>>
        %dma_wait3A_22 = arith.constant 0 : i32
        %dma_wait3A_23 = tpu.memref_slice %arg8[%dma_wait3A_22] : memref<10240xf32, #tpu.memory_space<vmem_shared>> -> memref<10240xf32, #tpu.memory_space<vmem_shared>>
        tpu.wait_indirect_dma semaphore(%run_scoped3A : memref<!tpu.dma_semaphore, #tpu.memory_space<semaphore_mem>>) src(%arg7 : memref<128xf32, #tpu.memory_space<vmem>>) dst(%dma_wait3A_23 : memref<10240xf32, #tpu.memory_space<vmem_shared>>)
        tpu.yield
      }) : () -> ()
    }
    %scan3A_9 = arith.constant 80 : i32
    %barrier3A_10 = arith.constant 0 : index
    tpu.barrier barrier_id(%barrier3A_10)
    %mul3A_11 = arith.constant 640 : i32
    %mul3A_12 = arith.muli %arg1, %mul3A_11 : i32
    %mul3A_13 = arith.constant 640 : i32
    %mul3A_14 = arith.muli %arg1, %mul3A_13 : i32
    "tpu.region"() ({
      %run_scoped3A = tpu.sem_alloc : memref<!tpu.dma_semaphore, #tpu.memory_space<semaphore_mem>>
      %dma_start3A = tpu.memref_slice %arg5[%arg0, %mul3A_14] : memref<2x10240xf32, #tpu.memory_space<hbm>> -> memref<1x640xf32, #tpu.memory_space<hbm>>
      %dma_start3A_15 = tpu.memref_squeeze %dma_start3A : memref<1x640xf32, #tpu.memory_space<hbm>> -> memref<640xf32, #tpu.memory_space<hbm>>
      %dma_start3A_16 = tpu.memref_slice %arg8[%mul3A_12] : memref<10240xf32, #tpu.memory_space<vmem_shared>> -> memref<640xf32, #tpu.memory_space<vmem_shared>>
      tpu.enqueue_dma source(%dma_start3A_16 : memref<640xf32, #tpu.memory_space<vmem_shared>>) target(%dma_start3A_15 : memref<640xf32, #tpu.memory_space<hbm>>) target_semaphore(%run_scoped3A : memref<!tpu.dma_semaphore, #tpu.memory_space<semaphore_mem>>)
      %dma_wait3A = tpu.memref_slice %arg5[%arg0, %mul3A_14] : memref<2x10240xf32, #tpu.memory_space<hbm>> -> memref<1x640xf32, #tpu.memory_space<hbm>>
      %dma_wait3A_17 = tpu.memref_squeeze %dma_wait3A : memref<1x640xf32, #tpu.memory_space<hbm>> -> memref<640xf32, #tpu.memory_space<hbm>>
      %dma_wait3A_18 = tpu.memref_slice %arg8[%mul3A_12] : memref<10240xf32, #tpu.memory_space<vmem_shared>> -> memref<640xf32, #tpu.memory_space<vmem_shared>>
      tpu.wait_dma2 semaphore(%run_scoped3A : memref<!tpu.dma_semaphore, #tpu.memory_space<semaphore_mem>>) src(%dma_wait3A_18 : memref<640xf32, #tpu.memory_space<vmem_shared>>) dst(%dma_wait3A_17 : memref<640xf32, #tpu.memory_space<hbm>>)
      tpu.yield
    }) : () -> ()
    return
  }
}

#map = affine_map<(d0, d1) -> (0, 0)>
#map1 = affine_map<(d0, d1) -> (0, 0, 0)>
#map2 = affine_map<(d0, d1) -> (0)>
module attributes {stable_mosaic.version = 14 : i64} {
  func.func @_agg2(%arg0: i32, %arg1: i32, %arg2: memref<20480x64xf32, #tpu.memory_space<hbm>>, %arg3: memref<2x2560x128xi32, #tpu.memory_space<hbm>>, %arg4: memref<2560x128xi32, #tpu.memory_space<hbm>>, %arg5: memref<640x64xf32, #tpu.memory_space<hbm>>, %arg6: memref<10240xf32, #tpu.memory_space<hbm>>, %arg7: memref<2x64xf32, #tpu.memory_space<hbm>>, %arg8: memref<10000x128xf32, #tpu.memory_space<hbm>>, %arg9: memref<160x128xi32, #tpu.memory_space<vmem>>, %arg10: memref<160x128xi32, #tpu.memory_space<vmem>>, %arg11: memref<128x64xf32, #tpu.memory_space<vmem>>, %arg12: memref<128x64xf32, #tpu.memory_space<vmem>>, %arg13: memref<128x64xf32, #tpu.memory_space<vmem>>, %arg14: memref<128x64xf32, #tpu.memory_space<vmem>>, %arg15: memref<!tpu.dma_semaphore, #tpu.memory_space<semaphore_mem>>, %arg16: memref<!tpu.dma_semaphore, #tpu.memory_space<semaphore_mem>>, %arg17: memref<!tpu.dma_semaphore, #tpu.memory_space<semaphore_mem>>, %arg18: memref<!tpu.dma_semaphore, #tpu.memory_space<semaphore_mem>>, %arg19: memref<!tpu.dma_semaphore, #tpu.memory_space<semaphore_mem>>, %arg20: memref<!tpu.dma_semaphore, #tpu.memory_space<semaphore_mem>>, %arg21: memref<!tpu.dma_semaphore, #tpu.memory_space<semaphore_mem>>, %arg22: memref<!tpu.dma_semaphore, #tpu.memory_space<semaphore_mem>>, %arg23: memref<128x64xf32, #tpu.memory_space<vmem>>, %arg24: memref<128xi32, #tpu.memory_space<vmem>>, %arg25: memref<128xf32, #tpu.memory_space<vmem>>, %arg26: memref<64xf32, #tpu.memory_space<vmem>>, %arg27: memref<10240x64xf32, #tpu.memory_space<vmem_shared>>) attributes {dimension_semantics = [#tpu.dimension_semantics<core_parallel>, #tpu.dimension_semantics<subcore_parallel>], iteration_bounds = array<i64: 2, 16>, scalar_prefetch = 0 : i64, scratch_operands = 19 : i64, tpu.core_type = #tpu.core_type<sc_vector_subcore>, window_params = [{transform_indices = #map}, {transform_indices = #map1}, {transform_indices = #map}, {transform_indices = #map}, {transform_indices = #map2}, {transform_indices = #map}, {transform_indices = #map}]} {
    %mul3A = arith.constant 160 : i32
    %mul3A_0 = arith.muli %arg1, %mul3A : i32
    "tpu.region"() ({
      %run_scoped3A = tpu.sem_alloc : memref<!tpu.dma_semaphore, #tpu.memory_space<semaphore_mem>>
      %dma_start3A_687 = arith.constant 0 : i32
      %dma_start3A_688 = tpu.memref_slice %arg4[%mul3A_0, %dma_start3A_687] : memref<2560x128xi32, #tpu.memory_space<hbm>> -> memref<160x128xi32, #tpu.memory_space<hbm>>
      %dma_start3A_689 = arith.constant 0 : i32
      %dma_start3A_690 = tpu.memref_slice %arg4[%mul3A_0, %dma_start3A_689] : memref<2560x128xi32, #tpu.memory_space<hbm>> -> memref<160x128xi32, #tpu.memory_space<hbm>>
      tpu.enqueue_dma source(%dma_start3A_690 : memref<160x128xi32, #tpu.memory_space<hbm>>) target(%arg10 : memref<160x128xi32, #tpu.memory_space<vmem>>) target_semaphore(%run_scoped3A : memref<!tpu.dma_semaphore, #tpu.memory_space<semaphore_mem>>)
      %dma_wait3A_691 = arith.constant 0 : i32
      %dma_wait3A_692 = tpu.memref_slice %arg4[%mul3A_0, %dma_wait3A_691] : memref<2560x128xi32, #tpu.memory_space<hbm>> -> memref<160x128xi32, #tpu.memory_space<hbm>>
      %dma_wait3A_693 = arith.constant 0 : i32
      %dma_wait3A_694 = tpu.memref_slice %arg4[%mul3A_0, %dma_wait3A_693] : memref<2560x128xi32, #tpu.memory_space<hbm>> -> memref<160x128xi32, #tpu.memory_space<hbm>>
      tpu.wait_dma2 semaphore(%run_scoped3A : memref<!tpu.dma_semaphore, #tpu.memory_space<semaphore_mem>>) src(%dma_wait3A_694 : memref<160x128xi32, #tpu.memory_space<hbm>>) dst(%arg10 : memref<160x128xi32, #tpu.memory_space<vmem>>)
      tpu.yield
    }) : () -> ()
    %mul3A_1 = arith.constant 640 : i32
    %mul3A_2 = arith.muli %arg1, %mul3A_1 : i32
    "tpu.region"() ({
      %run_scoped3A = tpu.sem_alloc : memref<!tpu.dma_semaphore, #tpu.memory_space<semaphore_mem>>
      %dma_start3A_687 = arith.constant 0 : i32
      %dma_start3A_688 = tpu.memref_slice %arg27[%mul3A_2, %dma_start3A_687] : memref<10240x64xf32, #tpu.memory_space<vmem_shared>> -> memref<640x64xf32, #tpu.memory_space<vmem_shared>>
      tpu.enqueue_dma source(%arg5 : memref<640x64xf32, #tpu.memory_space<hbm>>) target(%dma_start3A_688 : memref<640x64xf32, #tpu.memory_space<vmem_shared>>) target_semaphore(%run_scoped3A : memref<!tpu.dma_semaphore, #tpu.memory_space<semaphore_mem>>)
      %dma_wait3A_689 = arith.constant 0 : i32
      %dma_wait3A_690 = tpu.memref_slice %arg27[%mul3A_2, %dma_wait3A_689] : memref<10240x64xf32, #tpu.memory_space<vmem_shared>> -> memref<640x64xf32, #tpu.memory_space<vmem_shared>>
      tpu.wait_dma2 semaphore(%run_scoped3A : memref<!tpu.dma_semaphore, #tpu.memory_space<semaphore_mem>>) src(%arg5 : memref<640x64xf32, #tpu.memory_space<hbm>>) dst(%dma_wait3A_690 : memref<640x64xf32, #tpu.memory_space<vmem_shared>>)
      tpu.yield
    }) : () -> ()
    "tpu.region"() ({
      %run_scoped3A = tpu.sem_alloc : memref<!tpu.dma_semaphore, #tpu.memory_space<semaphore_mem>>
      %dma_start3A_687 = arith.constant 0 : i32
      %dma_start3A_688 = tpu.memref_slice %arg7[%arg0, %dma_start3A_687] : memref<2x64xf32, #tpu.memory_space<hbm>> -> memref<1x64xf32, #tpu.memory_space<hbm>>
      %dma_start3A_689 = tpu.memref_squeeze %dma_start3A_688 : memref<1x64xf32, #tpu.memory_space<hbm>> -> memref<64xf32, #tpu.memory_space<hbm>>
      %dma_start3A_690 = arith.constant 0 : i32
      %dma_start3A_691 = tpu.memref_slice %arg7[%arg0, %dma_start3A_690] : memref<2x64xf32, #tpu.memory_space<hbm>> -> memref<1x64xf32, #tpu.memory_space<hbm>>
      %dma_start3A_692 = tpu.memref_squeeze %dma_start3A_691 : memref<1x64xf32, #tpu.memory_space<hbm>> -> memref<64xf32, #tpu.memory_space<hbm>>
      tpu.enqueue_dma source(%dma_start3A_692 : memref<64xf32, #tpu.memory_space<hbm>>) target(%arg26 : memref<64xf32, #tpu.memory_space<vmem>>) target_semaphore(%run_scoped3A : memref<!tpu.dma_semaphore, #tpu.memory_space<semaphore_mem>>)
      %dma_wait3A_693 = arith.constant 0 : i32
      %dma_wait3A_694 = tpu.memref_slice %arg7[%arg0, %dma_wait3A_693] : memref<2x64xf32, #tpu.memory_space<hbm>> -> memref<1x64xf32, #tpu.memory_space<hbm>>
      %dma_wait3A_695 = tpu.memref_squeeze %dma_wait3A_694 : memref<1x64xf32, #tpu.memory_space<hbm>> -> memref<64xf32, #tpu.memory_space<hbm>>
      %dma_wait3A_696 = arith.constant 0 : i32
      %dma_wait3A_697 = tpu.memref_slice %arg7[%arg0, %dma_wait3A_696] : memref<2x64xf32, #tpu.memory_space<hbm>> -> memref<1x64xf32, #tpu.memory_space<hbm>>
      %dma_wait3A_698 = tpu.memref_squeeze %dma_wait3A_697 : memref<1x64xf32, #tpu.memory_space<hbm>> -> memref<64xf32, #tpu.memory_space<hbm>>
      tpu.wait_dma2 semaphore(%run_scoped3A : memref<!tpu.dma_semaphore, #tpu.memory_space<semaphore_mem>>) src(%dma_wait3A_698 : memref<64xf32, #tpu.memory_space<hbm>>) dst(%arg26 : memref<64xf32, #tpu.memory_space<vmem>>)
      tpu.yield
    }) : () -> ()
    "tpu.region"() ({
      %run_scoped3A = tpu.sem_alloc : memref<!tpu.dma_semaphore, #tpu.memory_space<semaphore_mem>>
      %dma_start3A_687 = arith.constant 0 : i32
      %dma_start3A_688 = tpu.memref_slice %arg3[%arg0, %mul3A_0, %dma_start3A_687] : memref<2x2560x128xi32, #tpu.memory_space<hbm>> -> memref<1x160x128xi32, #tpu.memory_space<hbm>>
      %dma_start3A_689 = tpu.memref_squeeze %dma_start3A_688 : memref<1x160x128xi32, #tpu.memory_space<hbm>> -> memref<160x128xi32, #tpu.memory_space<hbm>>
      %dma_start3A_690 = arith.constant 0 : i32
      %dma_start3A_691 = tpu.memref_slice %arg3[%arg0, %mul3A_0, %dma_start3A_690] : memref<2x2560x128xi32, #tpu.memory_space<hbm>> -> memref<1x160x128xi32, #tpu.memory_space<hbm>>
      %dma_start3A_692 = tpu.memref_squeeze %dma_start3A_691 : memref<1x160x128xi32, #tpu.memory_space<hbm>> -> memref<160x128xi32, #tpu.memory_space<hbm>>
      tpu.enqueue_dma source(%dma_start3A_692 : memref<160x128xi32, #tpu.memory_space<hbm>>) target(%arg9 : memref<160x128xi32, #tpu.memory_space<vmem>>) target_semaphore(%run_scoped3A : memref<!tpu.dma_semaphore, #tpu.memory_space<semaphore_mem>>)
      %dma_wait3A_693 = arith.constant 0 : i32
      %dma_wait3A_694 = tpu.memref_slice %arg3[%arg0, %mul3A_0, %dma_wait3A_693] : memref<2x2560x128xi32, #tpu.memory_space<hbm>> -> memref<1x160x128xi32, #tpu.memory_space<hbm>>
      %dma_wait3A_695 = tpu.memref_squeeze %dma_wait3A_694 : memref<1x160x128xi32, #tpu.memory_space<hbm>> -> memref<160x128xi32, #tpu.memory_space<hbm>>
      %dma_wait3A_696 = arith.constant 0 : i32
      %dma_wait3A_697 = tpu.memref_slice %arg3[%arg0, %mul3A_0, %dma_wait3A_696] : memref<2x2560x128xi32, #tpu.memory_space<hbm>> -> memref<1x160x128xi32, #tpu.memory_space<hbm>>
      %dma_wait3A_698 = tpu.memref_squeeze %dma_wait3A_697 : memref<1x160x128xi32, #tpu.memory_space<hbm>> -> memref<160x128xi32, #tpu.memory_space<hbm>>
      tpu.wait_dma2 semaphore(%run_scoped3A : memref<!tpu.dma_semaphore, #tpu.memory_space<semaphore_mem>>) src(%dma_wait3A_698 : memref<160x128xi32, #tpu.memory_space<hbm>>) dst(%arg9 : memref<160x128xi32, #tpu.memory_space<vmem>>)
      tpu.yield
    }) : () -> ()
    %barrier3A = arith.constant 0 : index
    tpu.barrier barrier_id(%barrier3A)
    %dma_start3A = arith.constant 0 : i32
    %dma_start3A_3 = arith.constant 0 : i32
    %dma_start3A_4 = tpu.memref_slice %arg9[%dma_start3A, %dma_start3A_3] : memref<160x128xi32, #tpu.memory_space<vmem>> -> memref<1x128xi32, #tpu.memory_space<vmem>>
    %dma_start3A_5 = tpu.memref_squeeze %dma_start3A_4 : memref<1x128xi32, #tpu.memory_space<vmem>> -> memref<128xi32, #tpu.memory_space<vmem>>
    %dma_start3A_6 = arith.constant 0 : i32
    %dma_start3A_7 = arith.constant 0 : i32
    %dma_start3A_8 = tpu.memref_slice %arg2[%dma_start3A_6, %dma_start3A_7] : memref<20480x64xf32, #tpu.memory_space<hbm>> -> memref<20480x64xf32, #tpu.memory_space<hbm>>
    tpu.enqueue_indirect_dma source(%dma_start3A_8 : memref<20480x64xf32, #tpu.memory_space<hbm>>) target(%arg11 : memref<128x64xf32, #tpu.memory_space<vmem>>) offsets(%dma_start3A_5 : memref<128xi32, #tpu.memory_space<vmem>>) semaphore(%arg15 : memref<!tpu.dma_semaphore, #tpu.memory_space<semaphore_mem>>)
    %dma_start3A_9 = arith.constant 1 : i32
    %dma_start3A_10 = arith.constant 0 : i32
    %dma_start3A_11 = tpu.memref_slice %arg9[%dma_start3A_9, %dma_start3A_10] : memref<160x128xi32, #tpu.memory_space<vmem>> -> memref<1x128xi32, #tpu.memory_space<vmem>>
    %dma_start3A_12 = tpu.memref_squeeze %dma_start3A_11 : memref<1x128xi32, #tpu.memory_space<vmem>> -> memref<128xi32, #tpu.memory_space<vmem>>
    %dma_start3A_13 = arith.constant 0 : i32
    %dma_start3A_14 = arith.constant 0 : i32
    %dma_start3A_15 = tpu.memref_slice %arg2[%dma_start3A_13, %dma_start3A_14] : memref<20480x64xf32, #tpu.memory_space<hbm>> -> memref<20480x64xf32, #tpu.memory_space<hbm>>
    tpu.enqueue_indirect_dma source(%dma_start3A_15 : memref<20480x64xf32, #tpu.memory_space<hbm>>) target(%arg12 : memref<128x64xf32, #tpu.memory_space<vmem>>) offsets(%dma_start3A_12 : memref<128xi32, #tpu.memory_space<vmem>>) semaphore(%arg16 : memref<!tpu.dma_semaphore, #tpu.memory_space<semaphore_mem>>)
    %scan3A = arith.constant 0 : i32
    %scan3A_16 = arith.constant 40 : i32
    %scan3A_17 = arith.addi %scan3A, %scan3A_16 : i32
    %scan3A_18 = arith.constant 1 : i32
    scf.for %scan3A_687 = %scan3A to %scan3A_17 step %scan3A_18  : i32 {
      %mul3A_688 = arith.constant 4 : i32
      %mul3A_689 = arith.muli %scan3A_687, %mul3A_688 : i32
      %add3A_690 = arith.constant 0 : i32
      %add3A_691 = arith.addi %add3A_690, %mul3A_689 : i32
      %add3A_692 = arith.constant 0 : i32
      %add3A_693 = arith.addi %add3A_691, %add3A_692 : i32
      %dma_wait3A_694 = arith.constant 0 : i32
      %dma_wait3A_695 = arith.constant 0 : i32
      %dma_wait3A_696 = tpu.memref_slice %arg2[%dma_wait3A_694, %dma_wait3A_695] : memref<20480x64xf32, #tpu.memory_space<hbm>> -> memref<128x64xf32, #tpu.memory_space<hbm>>
      %dma_wait3A_697 = arith.constant 0 : i32
      %dma_wait3A_698 = arith.constant 0 : i32
      %dma_wait3A_699 = tpu.memref_slice %arg2[%dma_wait3A_697, %dma_wait3A_698] : memref<20480x64xf32, #tpu.memory_space<hbm>> -> memref<128x64xf32, #tpu.memory_space<hbm>>
      tpu.wait_dma2 semaphore(%arg15 : memref<!tpu.dma_semaphore, #tpu.memory_space<semaphore_mem>>) src(%dma_wait3A_699 : memref<128x64xf32, #tpu.memory_space<hbm>>) dst(%arg11 : memref<128x64xf32, #tpu.memory_space<vmem>>)
      %dma_start3A_700 = arith.constant 0 : i32
      %dma_start3A_701 = tpu.memref_slice %arg10[%add3A_693, %dma_start3A_700] : memref<160x128xi32, #tpu.memory_space<vmem>> -> memref<1x128xi32, #tpu.memory_space<vmem>>
      %dma_start3A_702 = tpu.memref_squeeze %dma_start3A_701 : memref<1x128xi32, #tpu.memory_space<vmem>> -> memref<128xi32, #tpu.memory_space<vmem>>
      %dma_start3A_703 = arith.constant 0 : i32
      %dma_start3A_704 = arith.constant 0 : i32
      %dma_start3A_705 = tpu.memref_slice %arg27[%dma_start3A_703, %dma_start3A_704] : memref<10240x64xf32, #tpu.memory_space<vmem_shared>> -> memref<10240x64xf32, #tpu.memory_space<vmem_shared>>
      tpu.enqueue_indirect_dma source(%arg11 : memref<128x64xf32, #tpu.memory_space<vmem>>) target(%dma_start3A_705 : memref<10240x64xf32, #tpu.memory_space<vmem_shared>>) offsets(%dma_start3A_702 : memref<128xi32, #tpu.memory_space<vmem>>) semaphore(%arg19 : memref<!tpu.dma_semaphore, #tpu.memory_space<semaphore_mem>>) {add = true}
      %ge3A = arith.constant 2 : i32
      %ge3A_706 = arith.cmpi sge, %add3A_693, %ge3A : i32
      %convert_element_type3A_707 = arith.extui %ge3A_706 : i1 to i32
      %cond3A_708 = arith.constant 0 : i32
      %cond3A_709 = arith.cmpi ne, %convert_element_type3A_707, %cond3A_708 : i32
      scf.if %cond3A_709 {
        %dma_wait3A_795 = arith.constant 0 : i32
        %dma_wait3A_796 = arith.constant 0 : i32
        %dma_wait3A_797 = tpu.memref_slice %arg10[%dma_wait3A_795, %dma_wait3A_796] : memref<160x128xi32, #tpu.memory_space<vmem>> -> memref<1x128xi32, #tpu.memory_space<vmem>>
        %dma_wait3A_798 = tpu.memref_squeeze %dma_wait3A_797 : memref<1x128xi32, #tpu.memory_space<vmem>> -> memref<128xi32, #tpu.memory_space<vmem>>
        %dma_wait3A_799 = arith.constant 0 : i32
        %dma_wait3A_800 = arith.constant 0 : i32
        %dma_wait3A_801 = tpu.memref_slice %arg27[%dma_wait3A_799, %dma_wait3A_800] : memref<10240x64xf32, #tpu.memory_space<vmem_shared>> -> memref<10240x64xf32, #tpu.memory_space<vmem_shared>>
        tpu.wait_indirect_dma semaphore(%arg21 : memref<!tpu.dma_semaphore, #tpu.memory_space<semaphore_mem>>) src(%arg13 : memref<128x64xf32, #tpu.memory_space<vmem>>) dst(%dma_wait3A_801 : memref<10240x64xf32, #tpu.memory_space<vmem_shared>>)
      } else {
      }
      %add3A_710 = arith.constant 2 : i32
      %add3A_711 = arith.addi %add3A_693, %add3A_710 : i32
      %lt3A_712 = arith.constant 160 : i32
      %lt3A_713 = arith.cmpi slt, %add3A_711, %lt3A_712 : i32
      %convert_element_type3A_714 = arith.extui %lt3A_713 : i1 to i32
      %cond3A_715 = arith.constant 0 : i32
      %cond3A_716 = arith.cmpi ne, %convert_element_type3A_714, %cond3A_715 : i32
      scf.if %cond3A_716 {
        %add3A_795 = arith.constant 2 : i32
        %add3A_796 = arith.addi %add3A_693, %add3A_795 : i32
        %dma_start3A_797 = arith.constant 0 : i32
        %dma_start3A_798 = tpu.memref_slice %arg9[%add3A_796, %dma_start3A_797] : memref<160x128xi32, #tpu.memory_space<vmem>> -> memref<1x128xi32, #tpu.memory_space<vmem>>
        %dma_start3A_799 = tpu.memref_squeeze %dma_start3A_798 : memref<1x128xi32, #tpu.memory_space<vmem>> -> memref<128xi32, #tpu.memory_space<vmem>>
        %dma_start3A_800 = arith.constant 0 : i32
        %dma_start3A_801 = arith.constant 0 : i32
        %dma_start3A_802 = tpu.memref_slice %arg2[%dma_start3A_800, %dma_start3A_801] : memref<20480x64xf32, #tpu.memory_space<hbm>> -> memref<20480x64xf32, #tpu.memory_space<hbm>>
        tpu.enqueue_indirect_dma source(%dma_start3A_802 : memref<20480x64xf32, #tpu.memory_space<hbm>>) target(%arg13 : memref<128x64xf32, #tpu.memory_space<vmem>>) offsets(%dma_start3A_799 : memref<128xi32, #tpu.memory_space<vmem>>) semaphore(%arg17 : memref<!tpu.dma_semaphore, #tpu.memory_space<semaphore_mem>>)
      } else {
      }
      %add3A_717 = arith.constant 1 : i32
      %add3A_718 = arith.addi %add3A_691, %add3A_717 : i32
      %dma_wait3A_719 = arith.constant 0 : i32
      %dma_wait3A_720 = arith.constant 0 : i32
      %dma_wait3A_721 = tpu.memref_slice %arg2[%dma_wait3A_719, %dma_wait3A_720] : memref<20480x64xf32, #tpu.memory_space<hbm>> -> memref<128x64xf32, #tpu.memory_space<hbm>>
      %dma_wait3A_722 = arith.constant 0 : i32
      %dma_wait3A_723 = arith.constant 0 : i32
      %dma_wait3A_724 = tpu.memref_slice %arg2[%dma_wait3A_722, %dma_wait3A_723] : memref<20480x64xf32, #tpu.memory_space<hbm>> -> memref<128x64xf32, #tpu.memory_space<hbm>>
      tpu.wait_dma2 semaphore(%arg16 : memref<!tpu.dma_semaphore, #tpu.memory_space<semaphore_mem>>) src(%dma_wait3A_724 : memref<128x64xf32, #tpu.memory_space<hbm>>) dst(%arg12 : memref<128x64xf32, #tpu.memory_space<vmem>>)
      %dma_start3A_725 = arith.constant 0 : i32
      %dma_start3A_726 = tpu.memref_slice %arg10[%add3A_718, %dma_start3A_725] : memref<160x128xi32, #tpu.memory_space<vmem>> -> memref<1x128xi32, #tpu.memory_space<vmem>>
      %dma_start3A_727 = tpu.memref_squeeze %dma_start3A_726 : memref<1x128xi32, #tpu.memory_space<vmem>> -> memref<128xi32, #tpu.memory_space<vmem>>
      %dma_start3A_728 = arith.constant 0 : i32
      %dma_start3A_729 = arith.constant 0 : i32
      %dma_start3A_730 = tpu.memref_slice %arg27[%dma_start3A_728, %dma_start3A_729] : memref<10240x64xf32, #tpu.memory_space<vmem_shared>> -> memref<10240x64xf32, #tpu.memory_space<vmem_shared>>
      tpu.enqueue_indirect_dma source(%arg12 : memref<128x64xf32, #tpu.memory_space<vmem>>) target(%dma_start3A_730 : memref<10240x64xf32, #tpu.memory_space<vmem_shared>>) offsets(%dma_start3A_727 : memref<128xi32, #tpu.memory_space<vmem>>) semaphore(%arg20 : memref<!tpu.dma_semaphore, #tpu.memory_space<semaphore_mem>>) {add = true}
      %ge3A_731 = arith.constant 2 : i32
      %ge3A_732 = arith.cmpi sge, %add3A_718, %ge3A_731 : i32
      %convert_element_type3A_733 = arith.extui %ge3A_732 : i1 to i32
      %cond3A_734 = arith.constant 0 : i32
      %cond3A_735 = arith.cmpi ne, %convert_element_type3A_733, %cond3A_734 : i32
      scf.if %cond3A_735 {
        %dma_wait3A_795 = arith.constant 0 : i32
        %dma_wait3A_796 = arith.constant 0 : i32
        %dma_wait3A_797 = tpu.memref_slice %arg10[%dma_wait3A_795, %dma_wait3A_796] : memref<160x128xi32, #tpu.memory_space<vmem>> -> memref<1x128xi32, #tpu.memory_space<vmem>>
        %dma_wait3A_798 = tpu.memref_squeeze %dma_wait3A_797 : memref<1x128xi32, #tpu.memory_space<vmem>> -> memref<128xi32, #tpu.memory_space<vmem>>
        %dma_wait3A_799 = arith.constant 0 : i32
        %dma_wait3A_800 = arith.constant 0 : i32
        %dma_wait3A_801 = tpu.memref_slice %arg27[%dma_wait3A_799, %dma_wait3A_800] : memref<10240x64xf32, #tpu.memory_space<vmem_shared>> -> memref<10240x64xf32, #tpu.memory_space<vmem_shared>>
        tpu.wait_indirect_dma semaphore(%arg22 : memref<!tpu.dma_semaphore, #tpu.memory_space<semaphore_mem>>) src(%arg14 : memref<128x64xf32, #tpu.memory_space<vmem>>) dst(%dma_wait3A_801 : memref<10240x64xf32, #tpu.memory_space<vmem_shared>>)
      } else {
      }
      %add3A_736 = arith.constant 2 : i32
      %add3A_737 = arith.addi %add3A_718, %add3A_736 : i32
      %lt3A_738 = arith.constant 160 : i32
      %lt3A_739 = arith.cmpi slt, %add3A_737, %lt3A_738 : i32
      %convert_element_type3A_740 = arith.extui %lt3A_739 : i1 to i32
      %cond3A_741 = arith.constant 0 : i32
      %cond3A_742 = arith.cmpi ne, %convert_element_type3A_740, %cond3A_741 : i32
      scf.if %cond3A_742 {
        %add3A_795 = arith.constant 2 : i32
        %add3A_796 = arith.addi %add3A_718, %add3A_795 : i32
        %dma_start3A_797 = arith.constant 0 : i32
        %dma_start3A_798 = tpu.memref_slice %arg9[%add3A_796, %dma_start3A_797] : memref<160x128xi32, #tpu.memory_space<vmem>> -> memref<1x128xi32, #tpu.memory_space<vmem>>
        %dma_start3A_799 = tpu.memref_squeeze %dma_start3A_798 : memref<1x128xi32, #tpu.memory_space<vmem>> -> memref<128xi32, #tpu.memory_space<vmem>>
        %dma_start3A_800 = arith.constant 0 : i32
        %dma_start3A_801 = arith.constant 0 : i32
        %dma_start3A_802 = tpu.memref_slice %arg2[%dma_start3A_800, %dma_start3A_801] : memref<20480x64xf32, #tpu.memory_space<hbm>> -> memref<20480x64xf32, #tpu.memory_space<hbm>>
        tpu.enqueue_indirect_dma source(%dma_start3A_802 : memref<20480x64xf32, #tpu.memory_space<hbm>>) target(%arg14 : memref<128x64xf32, #tpu.memory_space<vmem>>) offsets(%dma_start3A_799 : memref<128xi32, #tpu.memory_space<vmem>>) semaphore(%arg18 : memref<!tpu.dma_semaphore, #tpu.memory_space<semaphore_mem>>)
      } else {
      }
      %add3A_743 = arith.constant 2 : i32
      %add3A_744 = arith.addi %add3A_691, %add3A_743 : i32
      %dma_wait3A_745 = arith.constant 0 : i32
      %dma_wait3A_746 = arith.constant 0 : i32
      %dma_wait3A_747 = tpu.memref_slice %arg2[%dma_wait3A_745, %dma_wait3A_746] : memref<20480x64xf32, #tpu.memory_space<hbm>> -> memref<128x64xf32, #tpu.memory_space<hbm>>
      %dma_wait3A_748 = arith.constant 0 : i32
      %dma_wait3A_749 = arith.constant 0 : i32
      %dma_wait3A_750 = tpu.memref_slice %arg2[%dma_wait3A_748, %dma_wait3A_749] : memref<20480x64xf32, #tpu.memory_space<hbm>> -> memref<128x64xf32, #tpu.memory_space<hbm>>
      tpu.wait_dma2 semaphore(%arg17 : memref<!tpu.dma_semaphore, #tpu.memory_space<semaphore_mem>>) src(%dma_wait3A_750 : memref<128x64xf32, #tpu.memory_space<hbm>>) dst(%arg13 : memref<128x64xf32, #tpu.memory_space<vmem>>)
      %dma_start3A_751 = arith.constant 0 : i32
      %dma_start3A_752 = tpu.memref_slice %arg10[%add3A_744, %dma_start3A_751] : memref<160x128xi32, #tpu.memory_space<vmem>> -> memref<1x128xi32, #tpu.memory_space<vmem>>
      %dma_start3A_753 = tpu.memref_squeeze %dma_start3A_752 : memref<1x128xi32, #tpu.memory_space<vmem>> -> memref<128xi32, #tpu.memory_space<vmem>>
      %dma_start3A_754 = arith.constant 0 : i32
      %dma_start3A_755 = arith.constant 0 : i32
      %dma_start3A_756 = tpu.memref_slice %arg27[%dma_start3A_754, %dma_start3A_755] : memref<10240x64xf32, #tpu.memory_space<vmem_shared>> -> memref<10240x64xf32, #tpu.memory_space<vmem_shared>>
      tpu.enqueue_indirect_dma source(%arg13 : memref<128x64xf32, #tpu.memory_space<vmem>>) target(%dma_start3A_756 : memref<10240x64xf32, #tpu.memory_space<vmem_shared>>) offsets(%dma_start3A_753 : memref<128xi32, #tpu.memory_space<vmem>>) semaphore(%arg21 : memref<!tpu.dma_semaphore, #tpu.memory_space<semaphore_mem>>) {add = true}
      %ge3A_757 = arith.constant 2 : i32
      %ge3A_758 = arith.cmpi sge, %add3A_744, %ge3A_757 : i32
      %convert_element_type3A_759 = arith.extui %ge3A_758 : i1 to i32
      %cond3A_760 = arith.constant 0 : i32
      %cond3A_761 = arith.cmpi ne, %convert_element_type3A_759, %cond3A_760 : i32
      scf.if %cond3A_761 {
        %dma_wait3A_795 = arith.constant 0 : i32
        %dma_wait3A_796 = arith.constant 0 : i32
        %dma_wait3A_797 = tpu.memref_slice %arg10[%dma_wait3A_795, %dma_wait3A_796] : memref<160x128xi32, #tpu.memory_space<vmem>> -> memref<1x128xi32, #tpu.memory_space<vmem>>
        %dma_wait3A_798 = tpu.memref_squeeze %dma_wait3A_797 : memref<1x128xi32, #tpu.memory_space<vmem>> -> memref<128xi32, #tpu.memory_space<vmem>>
        %dma_wait3A_799 = arith.constant 0 : i32
        %dma_wait3A_800 = arith.constant 0 : i32
        %dma_wait3A_801 = tpu.memref_slice %arg27[%dma_wait3A_799, %dma_wait3A_800] : memref<10240x64xf32, #tpu.memory_space<vmem_shared>> -> memref<10240x64xf32, #tpu.memory_space<vmem_shared>>
        tpu.wait_indirect_dma semaphore(%arg19 : memref<!tpu.dma_semaphore, #tpu.memory_space<semaphore_mem>>) src(%arg11 : memref<128x64xf32, #tpu.memory_space<vmem>>) dst(%dma_wait3A_801 : memref<10240x64xf32, #tpu.memory_space<vmem_shared>>)
      } else {
      }
      %add3A_762 = arith.constant 2 : i32
      %add3A_763 = arith.addi %add3A_744, %add3A_762 : i32
      %lt3A_764 = arith.constant 160 : i32
      %lt3A_765 = arith.cmpi slt, %add3A_763, %lt3A_764 : i32
      %convert_element_type3A_766 = arith.extui %lt3A_765 : i1 to i32
      %cond3A_767 = arith.constant 0 : i32
      %cond3A_768 = arith.cmpi ne, %convert_element_type3A_766, %cond3A_767 : i32
      scf.if %cond3A_768 {
        %add3A_795 = arith.constant 2 : i32
        %add3A_796 = arith.addi %add3A_744, %add3A_795 : i32
        %dma_start3A_797 = arith.constant 0 : i32
        %dma_start3A_798 = tpu.memref_slice %arg9[%add3A_796, %dma_start3A_797] : memref<160x128xi32, #tpu.memory_space<vmem>> -> memref<1x128xi32, #tpu.memory_space<vmem>>
        %dma_start3A_799 = tpu.memref_squeeze %dma_start3A_798 : memref<1x128xi32, #tpu.memory_space<vmem>> -> memref<128xi32, #tpu.memory_space<vmem>>
        %dma_start3A_800 = arith.constant 0 : i32
        %dma_start3A_801 = arith.constant 0 : i32
        %dma_start3A_802 = tpu.memref_slice %arg2[%dma_start3A_800, %dma_start3A_801] : memref<20480x64xf32, #tpu.memory_space<hbm>> -> memref<20480x64xf32, #tpu.memory_space<hbm>>
        tpu.enqueue_indirect_dma source(%dma_start3A_802 : memref<20480x64xf32, #tpu.memory_space<hbm>>) target(%arg11 : memref<128x64xf32, #tpu.memory_space<vmem>>) offsets(%dma_start3A_799 : memref<128xi32, #tpu.memory_space<vmem>>) semaphore(%arg15 : memref<!tpu.dma_semaphore, #tpu.memory_space<semaphore_mem>>)
      } else {
      }
      %add3A_769 = arith.constant 3 : i32
      %add3A_770 = arith.addi %add3A_691, %add3A_769 : i32
      %dma_wait3A_771 = arith.constant 0 : i32
      %dma_wait3A_772 = arith.constant 0 : i32
      %dma_wait3A_773 = tpu.memref_slice %arg2[%dma_wait3A_771, %dma_wait3A_772] : memref<20480x64xf32, #tpu.memory_space<hbm>> -> memref<128x64xf32, #tpu.memory_space<hbm>>
      %dma_wait3A_774 = arith.constant 0 : i32
      %dma_wait3A_775 = arith.constant 0 : i32
      %dma_wait3A_776 = tpu.memref_slice %arg2[%dma_wait3A_774, %dma_wait3A_775] : memref<20480x64xf32, #tpu.memory_space<hbm>> -> memref<128x64xf32, #tpu.memory_space<hbm>>
      tpu.wait_dma2 semaphore(%arg18 : memref<!tpu.dma_semaphore, #tpu.memory_space<semaphore_mem>>) src(%dma_wait3A_776 : memref<128x64xf32, #tpu.memory_space<hbm>>) dst(%arg14 : memref<128x64xf32, #tpu.memory_space<vmem>>)
      %dma_start3A_777 = arith.constant 0 : i32
      %dma_start3A_778 = tpu.memref_slice %arg10[%add3A_770, %dma_start3A_777] : memref<160x128xi32, #tpu.memory_space<vmem>> -> memref<1x128xi32, #tpu.memory_space<vmem>>
      %dma_start3A_779 = tpu.memref_squeeze %dma_start3A_778 : memref<1x128xi32, #tpu.memory_space<vmem>> -> memref<128xi32, #tpu.memory_space<vmem>>
      %dma_start3A_780 = arith.constant 0 : i32
      %dma_start3A_781 = arith.constant 0 : i32
      %dma_start3A_782 = tpu.memref_slice %arg27[%dma_start3A_780, %dma_start3A_781] : memref<10240x64xf32, #tpu.memory_space<vmem_shared>> -> memref<10240x64xf32, #tpu.memory_space<vmem_shared>>
      tpu.enqueue_indirect_dma source(%arg14 : memref<128x64xf32, #tpu.memory_space<vmem>>) target(%dma_start3A_782 : memref<10240x64xf32, #tpu.memory_space<vmem_shared>>) offsets(%dma_start3A_779 : memref<128xi32, #tpu.memory_space<vmem>>) semaphore(%arg22 : memref<!tpu.dma_semaphore, #tpu.memory_space<semaphore_mem>>) {add = true}
      %ge3A_783 = arith.constant 2 : i32
      %ge3A_784 = arith.cmpi sge, %add3A_770, %ge3A_783 : i32
      %convert_element_type3A_785 = arith.extui %ge3A_784 : i1 to i32
      %cond3A_786 = arith.constant 0 : i32
      %cond3A_787 = arith.cmpi ne, %convert_element_type3A_785, %cond3A_786 : i32
      scf.if %cond3A_787 {
        %dma_wait3A_795 = arith.constant 0 : i32
        %dma_wait3A_796 = arith.constant 0 : i32
        %dma_wait3A_797 = tpu.memref_slice %arg10[%dma_wait3A_795, %dma_wait3A_796] : memref<160x128xi32, #tpu.memory_space<vmem>> -> memref<1x128xi32, #tpu.memory_space<vmem>>
        %dma_wait3A_798 = tpu.memref_squeeze %dma_wait3A_797 : memref<1x128xi32, #tpu.memory_space<vmem>> -> memref<128xi32, #tpu.memory_space<vmem>>
        %dma_wait3A_799 = arith.constant 0 : i32
        %dma_wait3A_800 = arith.constant 0 : i32
        %dma_wait3A_801 = tpu.memref_slice %arg27[%dma_wait3A_799, %dma_wait3A_800] : memref<10240x64xf32, #tpu.memory_space<vmem_shared>> -> memref<10240x64xf32, #tpu.memory_space<vmem_shared>>
        tpu.wait_indirect_dma semaphore(%arg20 : memref<!tpu.dma_semaphore, #tpu.memory_space<semaphore_mem>>) src(%arg12 : memref<128x64xf32, #tpu.memory_space<vmem>>) dst(%dma_wait3A_801 : memref<10240x64xf32, #tpu.memory_space<vmem_shared>>)
      } else {
      }
      %add3A_788 = arith.constant 2 : i32
      %add3A_789 = arith.addi %add3A_770, %add3A_788 : i32
      %lt3A_790 = arith.constant 160 : i32
      %lt3A_791 = arith.cmpi slt, %add3A_789, %lt3A_790 : i32
      %convert_element_type3A_792 = arith.extui %lt3A_791 : i1 to i32
      %cond3A_793 = arith.constant 0 : i32
      %cond3A_794 = arith.cmpi ne, %convert_element_type3A_792, %cond3A_793 : i32
      scf.if %cond3A_794 {
        %add3A_795 = arith.constant 2 : i32
        %add3A_796 = arith.addi %add3A_770, %add3A_795 : i32
        %dma_start3A_797 = arith.constant 0 : i32
        %dma_start3A_798 = tpu.memref_slice %arg9[%add3A_796, %dma_start3A_797] : memref<160x128xi32, #tpu.memory_space<vmem>> -> memref<1x128xi32, #tpu.memory_space<vmem>>
        %dma_start3A_799 = tpu.memref_squeeze %dma_start3A_798 : memref<1x128xi32, #tpu.memory_space<vmem>> -> memref<128xi32, #tpu.memory_space<vmem>>
        %dma_start3A_800 = arith.constant 0 : i32
        %dma_start3A_801 = arith.constant 0 : i32
        %dma_start3A_802 = tpu.memref_slice %arg2[%dma_start3A_800, %dma_start3A_801] : memref<20480x64xf32, #tpu.memory_space<hbm>> -> memref<20480x64xf32, #tpu.memory_space<hbm>>
        tpu.enqueue_indirect_dma source(%dma_start3A_802 : memref<20480x64xf32, #tpu.memory_space<hbm>>) target(%arg12 : memref<128x64xf32, #tpu.memory_space<vmem>>) offsets(%dma_start3A_799 : memref<128xi32, #tpu.memory_space<vmem>>) semaphore(%arg16 : memref<!tpu.dma_semaphore, #tpu.memory_space<semaphore_mem>>)
      } else {
      }
    }
    %scan3A_19 = arith.constant 40 : i32
    %dma_wait3A = arith.constant 0 : i32
    %dma_wait3A_20 = arith.constant 0 : i32
    %dma_wait3A_21 = tpu.memref_slice %arg10[%dma_wait3A, %dma_wait3A_20] : memref<160x128xi32, #tpu.memory_space<vmem>> -> memref<1x128xi32, #tpu.memory_space<vmem>>
    %dma_wait3A_22 = tpu.memref_squeeze %dma_wait3A_21 : memref<1x128xi32, #tpu.memory_space<vmem>> -> memref<128xi32, #tpu.memory_space<vmem>>
    %dma_wait3A_23 = arith.constant 0 : i32
    %dma_wait3A_24 = arith.constant 0 : i32
    %dma_wait3A_25 = tpu.memref_slice %arg27[%dma_wait3A_23, %dma_wait3A_24] : memref<10240x64xf32, #tpu.memory_space<vmem_shared>> -> memref<10240x64xf32, #tpu.memory_space<vmem_shared>>
    tpu.wait_indirect_dma semaphore(%arg21 : memref<!tpu.dma_semaphore, #tpu.memory_space<semaphore_mem>>) src(%arg13 : memref<128x64xf32, #tpu.memory_space<vmem>>) dst(%dma_wait3A_25 : memref<10240x64xf32, #tpu.memory_space<vmem_shared>>)
    %dma_wait3A_26 = arith.constant 0 : i32
    %dma_wait3A_27 = arith.constant 0 : i32
    %dma_wait3A_28 = tpu.memref_slice %arg10[%dma_wait3A_26, %dma_wait3A_27] : memref<160x128xi32, #tpu.memory_space<vmem>> -> memref<1x128xi32, #tpu.memory_space<vmem>>
    %dma_wait3A_29 = tpu.memref_squeeze %dma_wait3A_28 : memref<1x128xi32, #tpu.memory_space<vmem>> -> memref<128xi32, #tpu.memory_space<vmem>>
    %dma_wait3A_30 = arith.constant 0 : i32
    %dma_wait3A_31 = arith.constant 0 : i32
    %dma_wait3A_32 = tpu.memref_slice %arg27[%dma_wait3A_30, %dma_wait3A_31] : memref<10240x64xf32, #tpu.memory_space<vmem_shared>> -> memref<10240x64xf32, #tpu.memory_space<vmem_shared>>
    tpu.wait_indirect_dma semaphore(%arg22 : memref<!tpu.dma_semaphore, #tpu.memory_space<semaphore_mem>>) src(%arg14 : memref<128x64xf32, #tpu.memory_space<vmem>>) dst(%dma_wait3A_32 : memref<10240x64xf32, #tpu.memory_space<vmem_shared>>)
    %barrier3A_33 = arith.constant 0 : index
    tpu.barrier barrier_id(%barrier3A_33)
    %get3A = arith.constant 0 : index
    %get3A_34 = tpu.vector_load %arg26[%get3A] {strides = array<i32>} : memref<64xf32, #tpu.memory_space<vmem>>, vector<16xf32>,
    %get3A_35 = arith.constant 16 : index
    %get3A_36 = tpu.vector_load %arg26[%get3A_35] {strides = array<i32>} : memref<64xf32, #tpu.memory_space<vmem>>, vector<16xf32>,
    %get3A_37 = arith.constant 32 : index
    %get3A_38 = tpu.vector_load %arg26[%get3A_37] {strides = array<i32>} : memref<64xf32, #tpu.memory_space<vmem>>, vector<16xf32>,
    %get3A_39 = arith.constant 48 : index
    %get3A_40 = tpu.vector_load %arg26[%get3A_39] {strides = array<i32>} : memref<64xf32, #tpu.memory_space<vmem>>, vector<16xf32>,
    %mul3A_41 = arith.constant 640 : i32
    %mul3A_42 = arith.muli %arg1, %mul3A_41 : i32
    %add3A = arith.constant 0 : i32
    %add3A_43 = arith.addi %mul3A_42, %add3A : i32
    "tpu.region"() ({
      %run_scoped3A = tpu.sem_alloc : memref<!tpu.dma_semaphore, #tpu.memory_space<semaphore_mem>>
      %dma_start3A_687 = arith.constant 0 : i32
      %dma_start3A_688 = tpu.memref_slice %arg27[%add3A_43, %dma_start3A_687] : memref<10240x64xf32, #tpu.memory_space<vmem_shared>> -> memref<128x64xf32, #tpu.memory_space<vmem_shared>>
      %dma_start3A_689 = arith.constant 0 : i32
      %dma_start3A_690 = tpu.memref_slice %arg27[%add3A_43, %dma_start3A_689] : memref<10240x64xf32, #tpu.memory_space<vmem_shared>> -> memref<128x64xf32, #tpu.memory_space<vmem_shared>>
      tpu.enqueue_dma source(%dma_start3A_690 : memref<128x64xf32, #tpu.memory_space<vmem_shared>>) target(%arg11 : memref<128x64xf32, #tpu.memory_space<vmem>>) target_semaphore(%run_scoped3A : memref<!tpu.dma_semaphore, #tpu.memory_space<semaphore_mem>>)
      %dma_wait3A_691 = arith.constant 0 : i32
      %dma_wait3A_692 = tpu.memref_slice %arg27[%add3A_43, %dma_wait3A_691] : memref<10240x64xf32, #tpu.memory_space<vmem_shared>> -> memref<128x64xf32, #tpu.memory_space<vmem_shared>>
      %dma_wait3A_693 = arith.constant 0 : i32
      %dma_wait3A_694 = tpu.memref_slice %arg27[%add3A_43, %dma_wait3A_693] : memref<10240x64xf32, #tpu.memory_space<vmem_shared>> -> memref<128x64xf32, #tpu.memory_space<vmem_shared>>
      tpu.wait_dma2 semaphore(%run_scoped3A : memref<!tpu.dma_semaphore, #tpu.memory_space<semaphore_mem>>) src(%dma_wait3A_694 : memref<128x64xf32, #tpu.memory_space<vmem_shared>>) dst(%arg11 : memref<128x64xf32, #tpu.memory_space<vmem>>)
      tpu.yield
    }) : () -> ()
    %iota3A = tpu.iota {dimensions = array<i32: 0>} : vector<16xi32>
    %mul3A_44 = arith.constant 2 : i32
    %mul3A_45 = vector.broadcast %mul3A_44 : i32 to vector<16xi32>
    %mul3A_46 = arith.muli %mul3A_45, %iota3A : vector<16xi32>
    %add3A_47 = arith.constant 0 : i32
    %add3A_48 = arith.addi %add3A_43, %add3A_47 : i32
    %mul3A_49 = arith.constant 2 : i32
    %mul3A_50 = arith.muli %mul3A_49, %add3A_48 : i32
    %add3A_51 = arith.addi %mul3A_50, %arg0 : i32
    %add3A_52 = vector.broadcast %add3A_51 : i32 to vector<16xi32>
    %add3A_53 = arith.addi %mul3A_46, %add3A_52 : vector<16xi32>
    %swap3A = arith.constant 0 : index
    %swap3A_54 = tpu.vector_load %arg24[%swap3A] {strides = array<i32>} : memref<128xi32, #tpu.memory_space<vmem>>, vector<16xi32>,
    tpu.vector_store %arg24[%swap3A], %add3A_53 {strides = array<i32>} : memref<128xi32, #tpu.memory_space<vmem>>, vector<16xi32>,
    %iota3A_55 = tpu.iota {dimensions = array<i32: 0>} : vector<16xi32>
    %mul3A_56 = arith.constant 2 : i32
    %mul3A_57 = vector.broadcast %mul3A_56 : i32 to vector<16xi32>
    %mul3A_58 = arith.muli %mul3A_57, %iota3A_55 : vector<16xi32>
    %add3A_59 = arith.constant 16 : i32
    %add3A_60 = arith.addi %add3A_43, %add3A_59 : i32
    %mul3A_61 = arith.constant 2 : i32
    %mul3A_62 = arith.muli %mul3A_61, %add3A_60 : i32
    %add3A_63 = arith.addi %mul3A_62, %arg0 : i32
    %add3A_64 = vector.broadcast %add3A_63 : i32 to vector<16xi32>
    %add3A_65 = arith.addi %mul3A_58, %add3A_64 : vector<16xi32>
    %swap3A_66 = arith.constant 16 : index
    %swap3A_67 = tpu.vector_load %arg24[%swap3A_66] {strides = array<i32>} : memref<128xi32, #tpu.memory_space<vmem>>, vector<16xi32>,
    tpu.vector_store %arg24[%swap3A_66], %add3A_65 {strides = array<i32>} : memref<128xi32, #tpu.memory_space<vmem>>, vector<16xi32>,
    %iota3A_68 = tpu.iota {dimensions = array<i32: 0>} : vector<16xi32>
    %mul3A_69 = arith.constant 2 : i32
    %mul3A_70 = vector.broadcast %mul3A_69 : i32 to vector<16xi32>
    %mul3A_71 = arith.muli %mul3A_70, %iota3A_68 : vector<16xi32>
    %add3A_72 = arith.constant 32 : i32
    %add3A_73 = arith.addi %add3A_43, %add3A_72 : i32
    %mul3A_74 = arith.constant 2 : i32
    %mul3A_75 = arith.muli %mul3A_74, %add3A_73 : i32
    %add3A_76 = arith.addi %mul3A_75, %arg0 : i32
    %add3A_77 = vector.broadcast %add3A_76 : i32 to vector<16xi32>
    %add3A_78 = arith.addi %mul3A_71, %add3A_77 : vector<16xi32>
    %swap3A_79 = arith.constant 32 : index
    %swap3A_80 = tpu.vector_load %arg24[%swap3A_79] {strides = array<i32>} : memref<128xi32, #tpu.memory_space<vmem>>, vector<16xi32>,
    tpu.vector_store %arg24[%swap3A_79], %add3A_78 {strides = array<i32>} : memref<128xi32, #tpu.memory_space<vmem>>, vector<16xi32>,
    %iota3A_81 = tpu.iota {dimensions = array<i32: 0>} : vector<16xi32>
    %mul3A_82 = arith.constant 2 : i32
    %mul3A_83 = vector.broadcast %mul3A_82 : i32 to vector<16xi32>
    %mul3A_84 = arith.muli %mul3A_83, %iota3A_81 : vector<16xi32>
    %add3A_85 = arith.constant 48 : i32
    %add3A_86 = arith.addi %add3A_43, %add3A_85 : i32
    %mul3A_87 = arith.constant 2 : i32
    %mul3A_88 = arith.muli %mul3A_87, %add3A_86 : i32
    %add3A_89 = arith.addi %mul3A_88, %arg0 : i32
    %add3A_90 = vector.broadcast %add3A_89 : i32 to vector<16xi32>
    %add3A_91 = arith.addi %mul3A_84, %add3A_90 : vector<16xi32>
    %swap3A_92 = arith.constant 48 : index
    %swap3A_93 = tpu.vector_load %arg24[%swap3A_92] {strides = array<i32>} : memref<128xi32, #tpu.memory_space<vmem>>, vector<16xi32>,
    tpu.vector_store %arg24[%swap3A_92], %add3A_91 {strides = array<i32>} : memref<128xi32, #tpu.memory_space<vmem>>, vector<16xi32>,
    %iota3A_94 = tpu.iota {dimensions = array<i32: 0>} : vector<16xi32>
    %mul3A_95 = arith.constant 2 : i32
    %mul3A_96 = vector.broadcast %mul3A_95 : i32 to vector<16xi32>
    %mul3A_97 = arith.muli %mul3A_96, %iota3A_94 : vector<16xi32>
    %add3A_98 = arith.constant 64 : i32
    %add3A_99 = arith.addi %add3A_43, %add3A_98 : i32
    %mul3A_100 = arith.constant 2 : i32
    %mul3A_101 = arith.muli %mul3A_100, %add3A_99 : i32
    %add3A_102 = arith.addi %mul3A_101, %arg0 : i32
    %add3A_103 = vector.broadcast %add3A_102 : i32 to vector<16xi32>
    %add3A_104 = arith.addi %mul3A_97, %add3A_103 : vector<16xi32>
    %swap3A_105 = arith.constant 64 : index
    %swap3A_106 = tpu.vector_load %arg24[%swap3A_105] {strides = array<i32>} : memref<128xi32, #tpu.memory_space<vmem>>, vector<16xi32>,
    tpu.vector_store %arg24[%swap3A_105], %add3A_104 {strides = array<i32>} : memref<128xi32, #tpu.memory_space<vmem>>, vector<16xi32>,
    %iota3A_107 = tpu.iota {dimensions = array<i32: 0>} : vector<16xi32>
    %mul3A_108 = arith.constant 2 : i32
    %mul3A_109 = vector.broadcast %mul3A_108 : i32 to vector<16xi32>
    %mul3A_110 = arith.muli %mul3A_109, %iota3A_107 : vector<16xi32>
    %add3A_111 = arith.constant 80 : i32
    %add3A_112 = arith.addi %add3A_43, %add3A_111 : i32
    %mul3A_113 = arith.constant 2 : i32
    %mul3A_114 = arith.muli %mul3A_113, %add3A_112 : i32
    %add3A_115 = arith.addi %mul3A_114, %arg0 : i32
    %add3A_116 = vector.broadcast %add3A_115 : i32 to vector<16xi32>
    %add3A_117 = arith.addi %mul3A_110, %add3A_116 : vector<16xi32>
    %swap3A_118 = arith.constant 80 : index
    %swap3A_119 = tpu.vector_load %arg24[%swap3A_118] {strides = array<i32>} : memref<128xi32, #tpu.memory_space<vmem>>, vector<16xi32>,
    tpu.vector_store %arg24[%swap3A_118], %add3A_117 {strides = array<i32>} : memref<128xi32, #tpu.memory_space<vmem>>, vector<16xi32>,
    %iota3A_120 = tpu.iota {dimensions = array<i32: 0>} : vector<16xi32>
    %mul3A_121 = arith.constant 2 : i32
    %mul3A_122 = vector.broadcast %mul3A_121 : i32 to vector<16xi32>
    %mul3A_123 = arith.muli %mul3A_122, %iota3A_120 : vector<16xi32>
    %add3A_124 = arith.constant 96 : i32
    %add3A_125 = arith.addi %add3A_43, %add3A_124 : i32
    %mul3A_126 = arith.constant 2 : i32
    %mul3A_127 = arith.muli %mul3A_126, %add3A_125 : i32
    %add3A_128 = arith.addi %mul3A_127, %arg0 : i32
    %add3A_129 = vector.broadcast %add3A_128 : i32 to vector<16xi32>
    %add3A_130 = arith.addi %mul3A_123, %add3A_129 : vector<16xi32>
    %swap3A_131 = arith.constant 96 : index
    %swap3A_132 = tpu.vector_load %arg24[%swap3A_131] {strides = array<i32>} : memref<128xi32, #tpu.memory_space<vmem>>, vector<16xi32>,
    tpu.vector_store %arg24[%swap3A_131], %add3A_130 {strides = array<i32>} : memref<128xi32, #tpu.memory_space<vmem>>, vector<16xi32>,
    %iota3A_133 = tpu.iota {dimensions = array<i32: 0>} : vector<16xi32>
    %mul3A_134 = arith.constant 2 : i32
    %mul3A_135 = vector.broadcast %mul3A_134 : i32 to vector<16xi32>
    %mul3A_136 = arith.muli %mul3A_135, %iota3A_133 : vector<16xi32>
    %add3A_137 = arith.constant 112 : i32
    %add3A_138 = arith.addi %add3A_43, %add3A_137 : i32
    %mul3A_139 = arith.constant 2 : i32
    %mul3A_140 = arith.muli %mul3A_139, %add3A_138 : i32
    %add3A_141 = arith.addi %mul3A_140, %arg0 : i32
    %add3A_142 = vector.broadcast %add3A_141 : i32 to vector<16xi32>
    %add3A_143 = arith.addi %mul3A_136, %add3A_142 : vector<16xi32>
    %swap3A_144 = arith.constant 112 : index
    %swap3A_145 = tpu.vector_load %arg24[%swap3A_144] {strides = array<i32>} : memref<128xi32, #tpu.memory_space<vmem>>, vector<16xi32>,
    tpu.vector_store %arg24[%swap3A_144], %add3A_143 {strides = array<i32>} : memref<128xi32, #tpu.memory_space<vmem>>, vector<16xi32>,
    "tpu.region"() ({
      %run_scoped3A = tpu.sem_alloc : memref<!tpu.dma_semaphore, #tpu.memory_space<semaphore_mem>>
      %dma_start3A_687 = arith.constant 0 : i32
      %dma_start3A_688 = arith.constant 0 : i32
      %dma_start3A_689 = tpu.memref_slice %arg2[%dma_start3A_687, %dma_start3A_688] : memref<20480x64xf32, #tpu.memory_space<hbm>> -> memref<20480x64xf32, #tpu.memory_space<hbm>>
      tpu.enqueue_indirect_dma source(%dma_start3A_689 : memref<20480x64xf32, #tpu.memory_space<hbm>>) target(%arg23 : memref<128x64xf32, #tpu.memory_space<vmem>>) offsets(%arg24 : memref<128xi32, #tpu.memory_space<vmem>>) semaphore(%run_scoped3A : memref<!tpu.dma_semaphore, #tpu.memory_space<semaphore_mem>>)
      %dma_wait3A_690 = arith.constant 0 : i32
      %dma_wait3A_691 = arith.constant 0 : i32
      %dma_wait3A_692 = tpu.memref_slice %arg2[%dma_wait3A_690, %dma_wait3A_691] : memref<20480x64xf32, #tpu.memory_space<hbm>> -> memref<20480x64xf32, #tpu.memory_space<hbm>>
      tpu.wait_indirect_dma semaphore(%run_scoped3A : memref<!tpu.dma_semaphore, #tpu.memory_space<semaphore_mem>>) src(%dma_wait3A_692 : memref<20480x64xf32, #tpu.memory_space<hbm>>) dst(%arg23 : memref<128x64xf32, #tpu.memory_space<vmem>>)
      tpu.yield
    }) : () -> ()
    "tpu.region"() ({
      %run_scoped3A = tpu.sem_alloc : memref<!tpu.dma_semaphore, #tpu.memory_space<semaphore_mem>>
      %dma_start3A_687 = tpu.memref_slice %arg6[%add3A_43] : memref<10240xf32, #tpu.memory_space<hbm>> -> memref<128xf32, #tpu.memory_space<hbm>>
      %dma_start3A_688 = tpu.memref_slice %arg6[%add3A_43] : memref<10240xf32, #tpu.memory_space<hbm>> -> memref<128xf32, #tpu.memory_space<hbm>>
      tpu.enqueue_dma source(%dma_start3A_688 : memref<128xf32, #tpu.memory_space<hbm>>) target(%arg25 : memref<128xf32, #tpu.memory_space<vmem>>) target_semaphore(%run_scoped3A : memref<!tpu.dma_semaphore, #tpu.memory_space<semaphore_mem>>)
      %dma_wait3A_689 = tpu.memref_slice %arg6[%add3A_43] : memref<10240xf32, #tpu.memory_space<hbm>> -> memref<128xf32, #tpu.memory_space<hbm>>
      %dma_wait3A_690 = tpu.memref_slice %arg6[%add3A_43] : memref<10240xf32, #tpu.memory_space<hbm>> -> memref<128xf32, #tpu.memory_space<hbm>>
      tpu.wait_dma2 semaphore(%run_scoped3A : memref<!tpu.dma_semaphore, #tpu.memory_space<semaphore_mem>>) src(%dma_wait3A_690 : memref<128xf32, #tpu.memory_space<hbm>>) dst(%arg25 : memref<128xf32, #tpu.memory_space<vmem>>)
      tpu.yield
    }) : () -> ()
    %scan3A_146 = arith.constant 0 : i32
    %scan3A_147 = arith.constant 0 : i32
    %scan3A_148 = arith.constant 128 : i32
    %scan3A_149 = arith.addi %scan3A_147, %scan3A_148 : i32
    %scan3A_150 = arith.constant 1 : i32
    scf.for %scan3A_687 = %scan3A_147 to %scan3A_149 step %scan3A_150  : i32 {
      %broadcast_in_dim3A = vector.broadcast %scan3A_687 : i32 to vector<16xi32>
      %gather3A = tpu.vector_load_idx %arg25[%broadcast_in_dim3A] : memref<128xf32, #tpu.memory_space<vmem>>[vector<16xi32>], vector<16xf32>,
      %get3A_688 = arith.index_cast %scan3A_687 : i32 to index
      %get3A_689 = arith.constant 0 : index
      %get3A_690 = tpu.vector_load %arg11[%get3A_688, %get3A_689] {strides = array<i32>} : memref<128x64xf32, #tpu.memory_space<vmem>>, vector<16xf32>,
      %get3A_691 = arith.index_cast %scan3A_687 : i32 to index
      %get3A_692 = arith.constant 0 : index
      %get3A_693 = tpu.vector_load %arg23[%get3A_691, %get3A_692] {strides = array<i32>} : memref<128x64xf32, #tpu.memory_space<vmem>>, vector<16xf32>,
      %add3A_694 = arith.addf %get3A_690, %get3A_693 : vector<16xf32>
      %mul3A_695 = arith.mulf %add3A_694, %gather3A : vector<16xf32>
      %add3A_696 = arith.addf %mul3A_695, %get3A_34 : vector<16xf32>
      %swap3A_697 = arith.index_cast %scan3A_687 : i32 to index
      %swap3A_698 = arith.constant 0 : index
      %swap3A_699 = tpu.vector_load %arg12[%swap3A_697, %swap3A_698] {strides = array<i32>} : memref<128x64xf32, #tpu.memory_space<vmem>>, vector<16xf32>,
      tpu.vector_store %arg12[%swap3A_697, %swap3A_698], %add3A_696 {strides = array<i32>} : memref<128x64xf32, #tpu.memory_space<vmem>>, vector<16xf32>,
      %get3A_700 = arith.index_cast %scan3A_687 : i32 to index
      %get3A_701 = arith.constant 16 : index
      %get3A_702 = tpu.vector_load %arg11[%get3A_700, %get3A_701] {strides = array<i32>} : memref<128x64xf32, #tpu.memory_space<vmem>>, vector<16xf32>,
      %get3A_703 = arith.index_cast %scan3A_687 : i32 to index
      %get3A_704 = arith.constant 16 : index
      %get3A_705 = tpu.vector_load %arg23[%get3A_703, %get3A_704] {strides = array<i32>} : memref<128x64xf32, #tpu.memory_space<vmem>>, vector<16xf32>,
      %add3A_706 = arith.addf %get3A_702, %get3A_705 : vector<16xf32>
      %mul3A_707 = arith.mulf %add3A_706, %gather3A : vector<16xf32>
      %add3A_708 = arith.addf %mul3A_707, %get3A_36 : vector<16xf32>
      %swap3A_709 = arith.index_cast %scan3A_687 : i32 to index
      %swap3A_710 = arith.constant 16 : index
      %swap3A_711 = tpu.vector_load %arg12[%swap3A_709, %swap3A_710] {strides = array<i32>} : memref<128x64xf32, #tpu.memory_space<vmem>>, vector<16xf32>,
      tpu.vector_store %arg12[%swap3A_709, %swap3A_710], %add3A_708 {strides = array<i32>} : memref<128x64xf32, #tpu.memory_space<vmem>>, vector<16xf32>,
      %get3A_712 = arith.index_cast %scan3A_687 : i32 to index
      %get3A_713 = arith.constant 32 : index
      %get3A_714 = tpu.vector_load %arg11[%get3A_712, %get3A_713] {strides = array<i32>} : memref<128x64xf32, #tpu.memory_space<vmem>>, vector<16xf32>,
      %get3A_715 = arith.index_cast %scan3A_687 : i32 to index
      %get3A_716 = arith.constant 32 : index
      %get3A_717 = tpu.vector_load %arg23[%get3A_715, %get3A_716] {strides = array<i32>} : memref<128x64xf32, #tpu.memory_space<vmem>>, vector<16xf32>,
      %add3A_718 = arith.addf %get3A_714, %get3A_717 : vector<16xf32>
      %mul3A_719 = arith.mulf %add3A_718, %gather3A : vector<16xf32>
      %add3A_720 = arith.addf %mul3A_719, %get3A_38 : vector<16xf32>
      %swap3A_721 = arith.index_cast %scan3A_687 : i32 to index
      %swap3A_722 = arith.constant 32 : index
      %swap3A_723 = tpu.vector_load %arg12[%swap3A_721, %swap3A_722] {strides = array<i32>} : memref<128x64xf32, #tpu.memory_space<vmem>>, vector<16xf32>,
      tpu.vector_store %arg12[%swap3A_721, %swap3A_722], %add3A_720 {strides = array<i32>} : memref<128x64xf32, #tpu.memory_space<vmem>>, vector<16xf32>,
      %get3A_724 = arith.index_cast %scan3A_687 : i32 to index
      %get3A_725 = arith.constant 48 : index
      %get3A_726 = tpu.vector_load %arg11[%get3A_724, %get3A_725] {strides = array<i32>} : memref<128x64xf32, #tpu.memory_space<vmem>>, vector<16xf32>,
      %get3A_727 = arith.index_cast %scan3A_687 : i32 to index
      %get3A_728 = arith.constant 48 : index
      %get3A_729 = tpu.vector_load %arg23[%get3A_727, %get3A_728] {strides = array<i32>} : memref<128x64xf32, #tpu.memory_space<vmem>>, vector<16xf32>,
      %add3A_730 = arith.addf %get3A_726, %get3A_729 : vector<16xf32>
      %mul3A_731 = arith.mulf %add3A_730, %gather3A : vector<16xf32>
      %add3A_732 = arith.addf %mul3A_731, %get3A_40 : vector<16xf32>
      %swap3A_733 = arith.index_cast %scan3A_687 : i32 to index
      %swap3A_734 = arith.constant 48 : index
      %swap3A_735 = tpu.vector_load %arg12[%swap3A_733, %swap3A_734] {strides = array<i32>} : memref<128x64xf32, #tpu.memory_space<vmem>>, vector<16xf32>,
      tpu.vector_store %arg12[%swap3A_733, %swap3A_734], %add3A_732 {strides = array<i32>} : memref<128x64xf32, #tpu.memory_space<vmem>>, vector<16xf32>,
    }
    %scan3A_151 = arith.constant 128 : i32
    %add3A_152 = arith.constant 128 : i32
    %add3A_153 = arith.addi %add3A_43, %add3A_152 : i32
    %le3A = arith.constant 10000 : i32
    %le3A_154 = arith.cmpi sle, %add3A_153, %le3A : i32
    %convert_element_type3A = arith.extui %le3A_154 : i1 to i32
    %cond3A = arith.constant 0 : i32
    %cond3A_155 = arith.cmpi ne, %convert_element_type3A, %cond3A : i32
    scf.if %cond3A_155 {
      %mul3A_687 = arith.constant 64 : i32
      %mul3A_688 = arith.muli %arg0, %mul3A_687 : i32
      "tpu.region"() ({
        %run_scoped3A = tpu.sem_alloc : memref<!tpu.dma_semaphore, #tpu.memory_space<semaphore_mem>>
        %dma_start3A_689 = tpu.memref_slice %arg8[%add3A_43, %mul3A_688] : memref<10000x128xf32, #tpu.memory_space<hbm>> -> memref<128x64xf32, #tpu.memory_space<hbm>>
        %dma_start3A_690 = tpu.memref_slice %arg8[%add3A_43, %mul3A_688] : memref<10000x128xf32, #tpu.memory_space<hbm>> -> memref<128x64xf32, #tpu.memory_space<hbm>>
        tpu.enqueue_dma source(%arg12 : memref<128x64xf32, #tpu.memory_space<vmem>>) target(%dma_start3A_690 : memref<128x64xf32, #tpu.memory_space<hbm>>) target_semaphore(%run_scoped3A : memref<!tpu.dma_semaphore, #tpu.memory_space<semaphore_mem>>)
        %dma_wait3A_691 = tpu.memref_slice %arg8[%add3A_43, %mul3A_688] : memref<10000x128xf32, #tpu.memory_space<hbm>> -> memref<128x64xf32, #tpu.memory_space<hbm>>
        %dma_wait3A_692 = tpu.memref_slice %arg8[%add3A_43, %mul3A_688] : memref<10000x128xf32, #tpu.memory_space<hbm>> -> memref<128x64xf32, #tpu.memory_space<hbm>>
        tpu.wait_dma2 semaphore(%run_scoped3A : memref<!tpu.dma_semaphore, #tpu.memory_space<semaphore_mem>>) src(%arg12 : memref<128x64xf32, #tpu.memory_space<vmem>>) dst(%dma_wait3A_692 : memref<128x64xf32, #tpu.memory_space<hbm>>)
        tpu.yield
      }) : () -> ()
    } else {
    }
    %lt3A = arith.constant 10000 : i32
    %lt3A_156 = arith.cmpi slt, %add3A_43, %lt3A : i32
    %add3A_157 = arith.constant 128 : i32
    %add3A_158 = arith.addi %add3A_43, %add3A_157 : i32
    %gt3A = arith.constant 10000 : i32
    %gt3A_159 = arith.cmpi sgt, %add3A_158, %gt3A : i32
    %and3A = arith.andi %lt3A_156, %gt3A_159 : i1
    %convert_element_type3A_160 = arith.extui %and3A : i1 to i32
    %cond3A_161 = arith.constant 0 : i32
    %cond3A_162 = arith.cmpi ne, %convert_element_type3A_160, %cond3A_161 : i32
    scf.if %cond3A_162 {
      %mul3A_687 = arith.constant 64 : i32
      %mul3A_688 = arith.muli %arg0, %mul3A_687 : i32
      "tpu.region"() ({
        %run_scoped3A = tpu.sem_alloc : memref<!tpu.dma_semaphore, #tpu.memory_space<semaphore_mem>>
        %dma_start3A_689 = arith.constant 0 : i32
        %dma_start3A_690 = arith.constant 0 : i32
        %dma_start3A_691 = tpu.memref_slice %arg12[%dma_start3A_689, %dma_start3A_690] : memref<128x64xf32, #tpu.memory_space<vmem>> -> memref<16x64xf32, #tpu.memory_space<vmem>>
        %dma_start3A_692 = tpu.memref_slice %arg8[%add3A_43, %mul3A_688] : memref<10000x128xf32, #tpu.memory_space<hbm>> -> memref<16x64xf32, #tpu.memory_space<hbm>>
        %dma_start3A_693 = tpu.memref_slice %arg8[%add3A_43, %mul3A_688] : memref<10000x128xf32, #tpu.memory_space<hbm>> -> memref<16x64xf32, #tpu.memory_space<hbm>>
        %dma_start3A_694 = arith.constant 0 : i32
        %dma_start3A_695 = arith.constant 0 : i32
        %dma_start3A_696 = tpu.memref_slice %arg12[%dma_start3A_694, %dma_start3A_695] : memref<128x64xf32, #tpu.memory_space<vmem>> -> memref<16x64xf32, #tpu.memory_space<vmem>>
        tpu.enqueue_dma source(%dma_start3A_696 : memref<16x64xf32, #tpu.memory_space<vmem>>) target(%dma_start3A_693 : memref<16x64xf32, #tpu.memory_space<hbm>>) target_semaphore(%run_scoped3A : memref<!tpu.dma_semaphore, #tpu.memory_space<semaphore_mem>>)
        %dma_wait3A_697 = arith.constant 0 : i32
        %dma_wait3A_698 = arith.constant 0 : i32
        %dma_wait3A_699 = tpu.memref_slice %arg12[%dma_wait3A_697, %dma_wait3A_698] : memref<128x64xf32, #tpu.memory_space<vmem>> -> memref<16x64xf32, #tpu.memory_space<vmem>>
        %dma_wait3A_700 = tpu.memref_slice %arg8[%add3A_43, %mul3A_688] : memref<10000x128xf32, #tpu.memory_space<hbm>> -> memref<16x64xf32, #tpu.memory_space<hbm>>
        %dma_wait3A_701 = tpu.memref_slice %arg8[%add3A_43, %mul3A_688] : memref<10000x128xf32, #tpu.memory_space<hbm>> -> memref<16x64xf32, #tpu.memory_space<hbm>>
        %dma_wait3A_702 = arith.constant 0 : i32
        %dma_wait3A_703 = arith.constant 0 : i32
        %dma_wait3A_704 = tpu.memref_slice %arg12[%dma_wait3A_702, %dma_wait3A_703] : memref<128x64xf32, #tpu.memory_space<vmem>> -> memref<16x64xf32, #tpu.memory_space<vmem>>
        tpu.wait_dma2 semaphore(%run_scoped3A : memref<!tpu.dma_semaphore, #tpu.memory_space<semaphore_mem>>) src(%dma_wait3A_704 : memref<16x64xf32, #tpu.memory_space<vmem>>) dst(%dma_wait3A_701 : memref<16x64xf32, #tpu.memory_space<hbm>>)
        tpu.yield
      }) : () -> ()
    } else {
    }
    %mul3A_163 = arith.constant 640 : i32
    %mul3A_164 = arith.muli %arg1, %mul3A_163 : i32
    %add3A_165 = arith.constant 128 : i32
    %add3A_166 = arith.addi %mul3A_164, %add3A_165 : i32
    "tpu.region"() ({
      %run_scoped3A = tpu.sem_alloc : memref<!tpu.dma_semaphore, #tpu.memory_space<semaphore_mem>>
      %dma_start3A_687 = arith.constant 0 : i32
      %dma_start3A_688 = tpu.memref_slice %arg27[%add3A_166, %dma_start3A_687] : memref<10240x64xf32, #tpu.memory_space<vmem_shared>> -> memref<128x64xf32, #tpu.memory_space<vmem_shared>>
      %dma_start3A_689 = arith.constant 0 : i32
      %dma_start3A_690 = tpu.memref_slice %arg27[%add3A_166, %dma_start3A_689] : memref<10240x64xf32, #tpu.memory_space<vmem_shared>> -> memref<128x64xf32, #tpu.memory_space<vmem_shared>>
      tpu.enqueue_dma source(%dma_start3A_690 : memref<128x64xf32, #tpu.memory_space<vmem_shared>>) target(%arg11 : memref<128x64xf32, #tpu.memory_space<vmem>>) target_semaphore(%run_scoped3A : memref<!tpu.dma_semaphore, #tpu.memory_space<semaphore_mem>>)
      %dma_wait3A_691 = arith.constant 0 : i32
      %dma_wait3A_692 = tpu.memref_slice %arg27[%add3A_166, %dma_wait3A_691] : memref<10240x64xf32, #tpu.memory_space<vmem_shared>> -> memref<128x64xf32, #tpu.memory_space<vmem_shared>>
      %dma_wait3A_693 = arith.constant 0 : i32
      %dma_wait3A_694 = tpu.memref_slice %arg27[%add3A_166, %dma_wait3A_693] : memref<10240x64xf32, #tpu.memory_space<vmem_shared>> -> memref<128x64xf32, #tpu.memory_space<vmem_shared>>
      tpu.wait_dma2 semaphore(%run_scoped3A : memref<!tpu.dma_semaphore, #tpu.memory_space<semaphore_mem>>) src(%dma_wait3A_694 : memref<128x64xf32, #tpu.memory_space<vmem_shared>>) dst(%arg11 : memref<128x64xf32, #tpu.memory_space<vmem>>)
      tpu.yield
    }) : () -> ()
    %iota3A_167 = tpu.iota {dimensions = array<i32: 0>} : vector<16xi32>
    %mul3A_168 = arith.constant 2 : i32
    %mul3A_169 = vector.broadcast %mul3A_168 : i32 to vector<16xi32>
    %mul3A_170 = arith.muli %mul3A_169, %iota3A_167 : vector<16xi32>
    %add3A_171 = arith.constant 0 : i32
    %add3A_172 = arith.addi %add3A_166, %add3A_171 : i32
    %mul3A_173 = arith.constant 2 : i32
    %mul3A_174 = arith.muli %mul3A_173, %add3A_172 : i32
    %add3A_175 = arith.addi %mul3A_174, %arg0 : i32
    %add3A_176 = vector.broadcast %add3A_175 : i32 to vector<16xi32>
    %add3A_177 = arith.addi %mul3A_170, %add3A_176 : vector<16xi32>
    %swap3A_178 = arith.constant 0 : index
    %swap3A_179 = tpu.vector_load %arg24[%swap3A_178] {strides = array<i32>} : memref<128xi32, #tpu.memory_space<vmem>>, vector<16xi32>,
    tpu.vector_store %arg24[%swap3A_178], %add3A_177 {strides = array<i32>} : memref<128xi32, #tpu.memory_space<vmem>>, vector<16xi32>,
    %iota3A_180 = tpu.iota {dimensions = array<i32: 0>} : vector<16xi32>
    %mul3A_181 = arith.constant 2 : i32
    %mul3A_182 = vector.broadcast %mul3A_181 : i32 to vector<16xi32>
    %mul3A_183 = arith.muli %mul3A_182, %iota3A_180 : vector<16xi32>
    %add3A_184 = arith.constant 16 : i32
    %add3A_185 = arith.addi %add3A_166, %add3A_184 : i32
    %mul3A_186 = arith.constant 2 : i32
    %mul3A_187 = arith.muli %mul3A_186, %add3A_185 : i32
    %add3A_188 = arith.addi %mul3A_187, %arg0 : i32
    %add3A_189 = vector.broadcast %add3A_188 : i32 to vector<16xi32>
    %add3A_190 = arith.addi %mul3A_183, %add3A_189 : vector<16xi32>
    %swap3A_191 = arith.constant 16 : index
    %swap3A_192 = tpu.vector_load %arg24[%swap3A_191] {strides = array<i32>} : memref<128xi32, #tpu.memory_space<vmem>>, vector<16xi32>,
    tpu.vector_store %arg24[%swap3A_191], %add3A_190 {strides = array<i32>} : memref<128xi32, #tpu.memory_space<vmem>>, vector<16xi32>,
    %iota3A_193 = tpu.iota {dimensions = array<i32: 0>} : vector<16xi32>
    %mul3A_194 = arith.constant 2 : i32
    %mul3A_195 = vector.broadcast %mul3A_194 : i32 to vector<16xi32>
    %mul3A_196 = arith.muli %mul3A_195, %iota3A_193 : vector<16xi32>
    %add3A_197 = arith.constant 32 : i32
    %add3A_198 = arith.addi %add3A_166, %add3A_197 : i32
    %mul3A_199 = arith.constant 2 : i32
    %mul3A_200 = arith.muli %mul3A_199, %add3A_198 : i32
    %add3A_201 = arith.addi %mul3A_200, %arg0 : i32
    %add3A_202 = vector.broadcast %add3A_201 : i32 to vector<16xi32>
    %add3A_203 = arith.addi %mul3A_196, %add3A_202 : vector<16xi32>
    %swap3A_204 = arith.constant 32 : index
    %swap3A_205 = tpu.vector_load %arg24[%swap3A_204] {strides = array<i32>} : memref<128xi32, #tpu.memory_space<vmem>>, vector<16xi32>,
    tpu.vector_store %arg24[%swap3A_204], %add3A_203 {strides = array<i32>} : memref<128xi32, #tpu.memory_space<vmem>>, vector<16xi32>,
    %iota3A_206 = tpu.iota {dimensions = array<i32: 0>} : vector<16xi32>
    %mul3A_207 = arith.constant 2 : i32
    %mul3A_208 = vector.broadcast %mul3A_207 : i32 to vector<16xi32>
    %mul3A_209 = arith.muli %mul3A_208, %iota3A_206 : vector<16xi32>
    %add3A_210 = arith.constant 48 : i32
    %add3A_211 = arith.addi %add3A_166, %add3A_210 : i32
    %mul3A_212 = arith.constant 2 : i32
    %mul3A_213 = arith.muli %mul3A_212, %add3A_211 : i32
    %add3A_214 = arith.addi %mul3A_213, %arg0 : i32
    %add3A_215 = vector.broadcast %add3A_214 : i32 to vector<16xi32>
    %add3A_216 = arith.addi %mul3A_209, %add3A_215 : vector<16xi32>
    %swap3A_217 = arith.constant 48 : index
    %swap3A_218 = tpu.vector_load %arg24[%swap3A_217] {strides = array<i32>} : memref<128xi32, #tpu.memory_space<vmem>>, vector<16xi32>,
    tpu.vector_store %arg24[%swap3A_217], %add3A_216 {strides = array<i32>} : memref<128xi32, #tpu.memory_space<vmem>>, vector<16xi32>,
    %iota3A_219 = tpu.iota {dimensions = array<i32: 0>} : vector<16xi32>
    %mul3A_220 = arith.constant 2 : i32
    %mul3A_221 = vector.broadcast %mul3A_220 : i32 to vector<16xi32>
    %mul3A_222 = arith.muli %mul3A_221, %iota3A_219 : vector<16xi32>
    %add3A_223 = arith.constant 64 : i32
    %add3A_224 = arith.addi %add3A_166, %add3A_223 : i32
    %mul3A_225 = arith.constant 2 : i32
    %mul3A_226 = arith.muli %mul3A_225, %add3A_224 : i32
    %add3A_227 = arith.addi %mul3A_226, %arg0 : i32
    %add3A_228 = vector.broadcast %add3A_227 : i32 to vector<16xi32>
    %add3A_229 = arith.addi %mul3A_222, %add3A_228 : vector<16xi32>
    %swap3A_230 = arith.constant 64 : index
    %swap3A_231 = tpu.vector_load %arg24[%swap3A_230] {strides = array<i32>} : memref<128xi32, #tpu.memory_space<vmem>>, vector<16xi32>,
    tpu.vector_store %arg24[%swap3A_230], %add3A_229 {strides = array<i32>} : memref<128xi32, #tpu.memory_space<vmem>>, vector<16xi32>,
    %iota3A_232 = tpu.iota {dimensions = array<i32: 0>} : vector<16xi32>
    %mul3A_233 = arith.constant 2 : i32
    %mul3A_234 = vector.broadcast %mul3A_233 : i32 to vector<16xi32>
    %mul3A_235 = arith.muli %mul3A_234, %iota3A_232 : vector<16xi32>
    %add3A_236 = arith.constant 80 : i32
    %add3A_237 = arith.addi %add3A_166, %add3A_236 : i32
    %mul3A_238 = arith.constant 2 : i32
    %mul3A_239 = arith.muli %mul3A_238, %add3A_237 : i32
    %add3A_240 = arith.addi %mul3A_239, %arg0 : i32
    %add3A_241 = vector.broadcast %add3A_240 : i32 to vector<16xi32>
    %add3A_242 = arith.addi %mul3A_235, %add3A_241 : vector<16xi32>
    %swap3A_243 = arith.constant 80 : index
    %swap3A_244 = tpu.vector_load %arg24[%swap3A_243] {strides = array<i32>} : memref<128xi32, #tpu.memory_space<vmem>>, vector<16xi32>,
    tpu.vector_store %arg24[%swap3A_243], %add3A_242 {strides = array<i32>} : memref<128xi32, #tpu.memory_space<vmem>>, vector<16xi32>,
    %iota3A_245 = tpu.iota {dimensions = array<i32: 0>} : vector<16xi32>
    %mul3A_246 = arith.constant 2 : i32
    %mul3A_247 = vector.broadcast %mul3A_246 : i32 to vector<16xi32>
    %mul3A_248 = arith.muli %mul3A_247, %iota3A_245 : vector<16xi32>
    %add3A_249 = arith.constant 96 : i32
    %add3A_250 = arith.addi %add3A_166, %add3A_249 : i32
    %mul3A_251 = arith.constant 2 : i32
    %mul3A_252 = arith.muli %mul3A_251, %add3A_250 : i32
    %add3A_253 = arith.addi %mul3A_252, %arg0 : i32
    %add3A_254 = vector.broadcast %add3A_253 : i32 to vector<16xi32>
    %add3A_255 = arith.addi %mul3A_248, %add3A_254 : vector<16xi32>
    %swap3A_256 = arith.constant 96 : index
    %swap3A_257 = tpu.vector_load %arg24[%swap3A_256] {strides = array<i32>} : memref<128xi32, #tpu.memory_space<vmem>>, vector<16xi32>,
    tpu.vector_store %arg24[%swap3A_256], %add3A_255 {strides = array<i32>} : memref<128xi32, #tpu.memory_space<vmem>>, vector<16xi32>,
    %iota3A_258 = tpu.iota {dimensions = array<i32: 0>} : vector<16xi32>
    %mul3A_259 = arith.constant 2 : i32
    %mul3A_260 = vector.broadcast %mul3A_259 : i32 to vector<16xi32>
    %mul3A_261 = arith.muli %mul3A_260, %iota3A_258 : vector<16xi32>
    %add3A_262 = arith.constant 112 : i32
    %add3A_263 = arith.addi %add3A_166, %add3A_262 : i32
    %mul3A_264 = arith.constant 2 : i32
    %mul3A_265 = arith.muli %mul3A_264, %add3A_263 : i32
    %add3A_266 = arith.addi %mul3A_265, %arg0 : i32
    %add3A_267 = vector.broadcast %add3A_266 : i32 to vector<16xi32>
    %add3A_268 = arith.addi %mul3A_261, %add3A_267 : vector<16xi32>
    %swap3A_269 = arith.constant 112 : index
    %swap3A_270 = tpu.vector_load %arg24[%swap3A_269] {strides = array<i32>} : memref<128xi32, #tpu.memory_space<vmem>>, vector<16xi32>,
    tpu.vector_store %arg24[%swap3A_269], %add3A_268 {strides = array<i32>} : memref<128xi32, #tpu.memory_space<vmem>>, vector<16xi32>,
    "tpu.region"() ({
      %run_scoped3A = tpu.sem_alloc : memref<!tpu.dma_semaphore, #tpu.memory_space<semaphore_mem>>
      %dma_start3A_687 = arith.constant 0 : i32
      %dma_start3A_688 = arith.constant 0 : i32
      %dma_start3A_689 = tpu.memref_slice %arg2[%dma_start3A_687, %dma_start3A_688] : memref<20480x64xf32, #tpu.memory_space<hbm>> -> memref<20480x64xf32, #tpu.memory_space<hbm>>
      tpu.enqueue_indirect_dma source(%dma_start3A_689 : memref<20480x64xf32, #tpu.memory_space<hbm>>) target(%arg23 : memref<128x64xf32, #tpu.memory_space<vmem>>) offsets(%arg24 : memref<128xi32, #tpu.memory_space<vmem>>) semaphore(%run_scoped3A : memref<!tpu.dma_semaphore, #tpu.memory_space<semaphore_mem>>)
      %dma_wait3A_690 = arith.constant 0 : i32
      %dma_wait3A_691 = arith.constant 0 : i32
      %dma_wait3A_692 = tpu.memref_slice %arg2[%dma_wait3A_690, %dma_wait3A_691] : memref<20480x64xf32, #tpu.memory_space<hbm>> -> memref<20480x64xf32, #tpu.memory_space<hbm>>
      tpu.wait_indirect_dma semaphore(%run_scoped3A : memref<!tpu.dma_semaphore, #tpu.memory_space<semaphore_mem>>) src(%dma_wait3A_692 : memref<20480x64xf32, #tpu.memory_space<hbm>>) dst(%arg23 : memref<128x64xf32, #tpu.memory_space<vmem>>)
      tpu.yield
    }) : () -> ()
    "tpu.region"() ({
      %run_scoped3A = tpu.sem_alloc : memref<!tpu.dma_semaphore, #tpu.memory_space<semaphore_mem>>
      %dma_start3A_687 = tpu.memref_slice %arg6[%add3A_166] : memref<10240xf32, #tpu.memory_space<hbm>> -> memref<128xf32, #tpu.memory_space<hbm>>
      %dma_start3A_688 = tpu.memref_slice %arg6[%add3A_166] : memref<10240xf32, #tpu.memory_space<hbm>> -> memref<128xf32, #tpu.memory_space<hbm>>
      tpu.enqueue_dma source(%dma_start3A_688 : memref<128xf32, #tpu.memory_space<hbm>>) target(%arg25 : memref<128xf32, #tpu.memory_space<vmem>>) target_semaphore(%run_scoped3A : memref<!tpu.dma_semaphore, #tpu.memory_space<semaphore_mem>>)
      %dma_wait3A_689 = tpu.memref_slice %arg6[%add3A_166] : memref<10240xf32, #tpu.memory_space<hbm>> -> memref<128xf32, #tpu.memory_space<hbm>>
      %dma_wait3A_690 = tpu.memref_slice %arg6[%add3A_166] : memref<10240xf32, #tpu.memory_space<hbm>> -> memref<128xf32, #tpu.memory_space<hbm>>
      tpu.wait_dma2 semaphore(%run_scoped3A : memref<!tpu.dma_semaphore, #tpu.memory_space<semaphore_mem>>) src(%dma_wait3A_690 : memref<128xf32, #tpu.memory_space<hbm>>) dst(%arg25 : memref<128xf32, #tpu.memory_space<vmem>>)
      tpu.yield
    }) : () -> ()
    %scan3A_271 = arith.constant 0 : i32
    %scan3A_272 = arith.constant 0 : i32
    %scan3A_273 = arith.constant 128 : i32
    %scan3A_274 = arith.addi %scan3A_272, %scan3A_273 : i32
    %scan3A_275 = arith.constant 1 : i32
    scf.for %scan3A_687 = %scan3A_272 to %scan3A_274 step %scan3A_275  : i32 {
      %broadcast_in_dim3A = vector.broadcast %scan3A_687 : i32 to vector<16xi32>
      %gather3A = tpu.vector_load_idx %arg25[%broadcast_in_dim3A] : memref<128xf32, #tpu.memory_space<vmem>>[vector<16xi32>], vector<16xf32>,
      %get3A_688 = arith.index_cast %scan3A_687 : i32 to index
      %get3A_689 = arith.constant 0 : index
      %get3A_690 = tpu.vector_load %arg11[%get3A_688, %get3A_689] {strides = array<i32>} : memref<128x64xf32, #tpu.memory_space<vmem>>, vector<16xf32>,
      %get3A_691 = arith.index_cast %scan3A_687 : i32 to index
      %get3A_692 = arith.constant 0 : index
      %get3A_693 = tpu.vector_load %arg23[%get3A_691, %get3A_692] {strides = array<i32>} : memref<128x64xf32, #tpu.memory_space<vmem>>, vector<16xf32>,
      %add3A_694 = arith.addf %get3A_690, %get3A_693 : vector<16xf32>
      %mul3A_695 = arith.mulf %add3A_694, %gather3A : vector<16xf32>
      %add3A_696 = arith.addf %mul3A_695, %get3A_34 : vector<16xf32>
      %swap3A_697 = arith.index_cast %scan3A_687 : i32 to index
      %swap3A_698 = arith.constant 0 : index
      %swap3A_699 = tpu.vector_load %arg12[%swap3A_697, %swap3A_698] {strides = array<i32>} : memref<128x64xf32, #tpu.memory_space<vmem>>, vector<16xf32>,
      tpu.vector_store %arg12[%swap3A_697, %swap3A_698], %add3A_696 {strides = array<i32>} : memref<128x64xf32, #tpu.memory_space<vmem>>, vector<16xf32>,
      %get3A_700 = arith.index_cast %scan3A_687 : i32 to index
      %get3A_701 = arith.constant 16 : index
      %get3A_702 = tpu.vector_load %arg11[%get3A_700, %get3A_701] {strides = array<i32>} : memref<128x64xf32, #tpu.memory_space<vmem>>, vector<16xf32>,
      %get3A_703 = arith.index_cast %scan3A_687 : i32 to index
      %get3A_704 = arith.constant 16 : index
      %get3A_705 = tpu.vector_load %arg23[%get3A_703, %get3A_704] {strides = array<i32>} : memref<128x64xf32, #tpu.memory_space<vmem>>, vector<16xf32>,
      %add3A_706 = arith.addf %get3A_702, %get3A_705 : vector<16xf32>
      %mul3A_707 = arith.mulf %add3A_706, %gather3A : vector<16xf32>
      %add3A_708 = arith.addf %mul3A_707, %get3A_36 : vector<16xf32>
      %swap3A_709 = arith.index_cast %scan3A_687 : i32 to index
      %swap3A_710 = arith.constant 16 : index
      %swap3A_711 = tpu.vector_load %arg12[%swap3A_709, %swap3A_710] {strides = array<i32>} : memref<128x64xf32, #tpu.memory_space<vmem>>, vector<16xf32>,
      tpu.vector_store %arg12[%swap3A_709, %swap3A_710], %add3A_708 {strides = array<i32>} : memref<128x64xf32, #tpu.memory_space<vmem>>, vector<16xf32>,
      %get3A_712 = arith.index_cast %scan3A_687 : i32 to index
      %get3A_713 = arith.constant 32 : index
      %get3A_714 = tpu.vector_load %arg11[%get3A_712, %get3A_713] {strides = array<i32>} : memref<128x64xf32, #tpu.memory_space<vmem>>, vector<16xf32>,
      %get3A_715 = arith.index_cast %scan3A_687 : i32 to index
      %get3A_716 = arith.constant 32 : index
      %get3A_717 = tpu.vector_load %arg23[%get3A_715, %get3A_716] {strides = array<i32>} : memref<128x64xf32, #tpu.memory_space<vmem>>, vector<16xf32>,
      %add3A_718 = arith.addf %get3A_714, %get3A_717 : vector<16xf32>
      %mul3A_719 = arith.mulf %add3A_718, %gather3A : vector<16xf32>
      %add3A_720 = arith.addf %mul3A_719, %get3A_38 : vector<16xf32>
      %swap3A_721 = arith.index_cast %scan3A_687 : i32 to index
      %swap3A_722 = arith.constant 32 : index
      %swap3A_723 = tpu.vector_load %arg12[%swap3A_721, %swap3A_722] {strides = array<i32>} : memref<128x64xf32, #tpu.memory_space<vmem>>, vector<16xf32>,
      tpu.vector_store %arg12[%swap3A_721, %swap3A_722], %add3A_720 {strides = array<i32>} : memref<128x64xf32, #tpu.memory_space<vmem>>, vector<16xf32>,
      %get3A_724 = arith.index_cast %scan3A_687 : i32 to index
      %get3A_725 = arith.constant 48 : index
      %get3A_726 = tpu.vector_load %arg11[%get3A_724, %get3A_725] {strides = array<i32>} : memref<128x64xf32, #tpu.memory_space<vmem>>, vector<16xf32>,
      %get3A_727 = arith.index_cast %scan3A_687 : i32 to index
      %get3A_728 = arith.constant 48 : index
      %get3A_729 = tpu.vector_load %arg23[%get3A_727, %get3A_728] {strides = array<i32>} : memref<128x64xf32, #tpu.memory_space<vmem>>, vector<16xf32>,
      %add3A_730 = arith.addf %get3A_726, %get3A_729 : vector<16xf32>
      %mul3A_731 = arith.mulf %add3A_730, %gather3A : vector<16xf32>
      %add3A_732 = arith.addf %mul3A_731, %get3A_40 : vector<16xf32>
      %swap3A_733 = arith.index_cast %scan3A_687 : i32 to index
      %swap3A_734 = arith.constant 48 : index
      %swap3A_735 = tpu.vector_load %arg12[%swap3A_733, %swap3A_734] {strides = array<i32>} : memref<128x64xf32, #tpu.memory_space<vmem>>, vector<16xf32>,
      tpu.vector_store %arg12[%swap3A_733, %swap3A_734], %add3A_732 {strides = array<i32>} : memref<128x64xf32, #tpu.memory_space<vmem>>, vector<16xf32>,
    }
    %scan3A_276 = arith.constant 128 : i32
    %add3A_277 = arith.constant 128 : i32
    %add3A_278 = arith.addi %add3A_166, %add3A_277 : i32
    %le3A_279 = arith.constant 10000 : i32
    %le3A_280 = arith.cmpi sle, %add3A_278, %le3A_279 : i32
    %convert_element_type3A_281 = arith.extui %le3A_280 : i1 to i32
    %cond3A_282 = arith.constant 0 : i32
    %cond3A_283 = arith.cmpi ne, %convert_element_type3A_281, %cond3A_282 : i32
    scf.if %cond3A_283 {
      %mul3A_687 = arith.constant 64 : i32
      %mul3A_688 = arith.muli %arg0, %mul3A_687 : i32
      "tpu.region"() ({
        %run_scoped3A = tpu.sem_alloc : memref<!tpu.dma_semaphore, #tpu.memory_space<semaphore_mem>>
        %dma_start3A_689 = tpu.memref_slice %arg8[%add3A_166, %mul3A_688] : memref<10000x128xf32, #tpu.memory_space<hbm>> -> memref<128x64xf32, #tpu.memory_space<hbm>>
        %dma_start3A_690 = tpu.memref_slice %arg8[%add3A_166, %mul3A_688] : memref<10000x128xf32, #tpu.memory_space<hbm>> -> memref<128x64xf32, #tpu.memory_space<hbm>>
        tpu.enqueue_dma source(%arg12 : memref<128x64xf32, #tpu.memory_space<vmem>>) target(%dma_start3A_690 : memref<128x64xf32, #tpu.memory_space<hbm>>) target_semaphore(%run_scoped3A : memref<!tpu.dma_semaphore, #tpu.memory_space<semaphore_mem>>)
        %dma_wait3A_691 = tpu.memref_slice %arg8[%add3A_166, %mul3A_688] : memref<10000x128xf32, #tpu.memory_space<hbm>> -> memref<128x64xf32, #tpu.memory_space<hbm>>
        %dma_wait3A_692 = tpu.memref_slice %arg8[%add3A_166, %mul3A_688] : memref<10000x128xf32, #tpu.memory_space<hbm>> -> memref<128x64xf32, #tpu.memory_space<hbm>>
        tpu.wait_dma2 semaphore(%run_scoped3A : memref<!tpu.dma_semaphore, #tpu.memory_space<semaphore_mem>>) src(%arg12 : memref<128x64xf32, #tpu.memory_space<vmem>>) dst(%dma_wait3A_692 : memref<128x64xf32, #tpu.memory_space<hbm>>)
        tpu.yield
      }) : () -> ()
    } else {
    }
    %lt3A_284 = arith.constant 10000 : i32
    %lt3A_285 = arith.cmpi slt, %add3A_166, %lt3A_284 : i32
    %add3A_286 = arith.constant 128 : i32
    %add3A_287 = arith.addi %add3A_166, %add3A_286 : i32
    %gt3A_288 = arith.constant 10000 : i32
    %gt3A_289 = arith.cmpi sgt, %add3A_287, %gt3A_288 : i32
    %and3A_290 = arith.andi %lt3A_285, %gt3A_289 : i1
    %convert_element_type3A_291 = arith.extui %and3A_290 : i1 to i32
    %cond3A_292 = arith.constant 0 : i32
    %cond3A_293 = arith.cmpi ne, %convert_element_type3A_291, %cond3A_292 : i32
    scf.if %cond3A_293 {
      %mul3A_687 = arith.constant 64 : i32
      %mul3A_688 = arith.muli %arg0, %mul3A_687 : i32
      "tpu.region"() ({
        %run_scoped3A = tpu.sem_alloc : memref<!tpu.dma_semaphore, #tpu.memory_space<semaphore_mem>>
        %dma_start3A_689 = arith.constant 0 : i32
        %dma_start3A_690 = arith.constant 0 : i32
        %dma_start3A_691 = tpu.memref_slice %arg12[%dma_start3A_689, %dma_start3A_690] : memref<128x64xf32, #tpu.memory_space<vmem>> -> memref<16x64xf32, #tpu.memory_space<vmem>>
        %dma_start3A_692 = tpu.memref_slice %arg8[%add3A_166, %mul3A_688] : memref<10000x128xf32, #tpu.memory_space<hbm>> -> memref<16x64xf32, #tpu.memory_space<hbm>>
        %dma_start3A_693 = tpu.memref_slice %arg8[%add3A_166, %mul3A_688] : memref<10000x128xf32, #tpu.memory_space<hbm>> -> memref<16x64xf32, #tpu.memory_space<hbm>>
        %dma_start3A_694 = arith.constant 0 : i32
        %dma_start3A_695 = arith.constant 0 : i32
        %dma_start3A_696 = tpu.memref_slice %arg12[%dma_start3A_694, %dma_start3A_695] : memref<128x64xf32, #tpu.memory_space<vmem>> -> memref<16x64xf32, #tpu.memory_space<vmem>>
        tpu.enqueue_dma source(%dma_start3A_696 : memref<16x64xf32, #tpu.memory_space<vmem>>) target(%dma_start3A_693 : memref<16x64xf32, #tpu.memory_space<hbm>>) target_semaphore(%run_scoped3A : memref<!tpu.dma_semaphore, #tpu.memory_space<semaphore_mem>>)
        %dma_wait3A_697 = arith.constant 0 : i32
        %dma_wait3A_698 = arith.constant 0 : i32
        %dma_wait3A_699 = tpu.memref_slice %arg12[%dma_wait3A_697, %dma_wait3A_698] : memref<128x64xf32, #tpu.memory_space<vmem>> -> memref<16x64xf32, #tpu.memory_space<vmem>>
        %dma_wait3A_700 = tpu.memref_slice %arg8[%add3A_166, %mul3A_688] : memref<10000x128xf32, #tpu.memory_space<hbm>> -> memref<16x64xf32, #tpu.memory_space<hbm>>
        %dma_wait3A_701 = tpu.memref_slice %arg8[%add3A_166, %mul3A_688] : memref<10000x128xf32, #tpu.memory_space<hbm>> -> memref<16x64xf32, #tpu.memory_space<hbm>>
        %dma_wait3A_702 = arith.constant 0 : i32
        %dma_wait3A_703 = arith.constant 0 : i32
        %dma_wait3A_704 = tpu.memref_slice %arg12[%dma_wait3A_702, %dma_wait3A_703] : memref<128x64xf32, #tpu.memory_space<vmem>> -> memref<16x64xf32, #tpu.memory_space<vmem>>
        tpu.wait_dma2 semaphore(%run_scoped3A : memref<!tpu.dma_semaphore, #tpu.memory_space<semaphore_mem>>) src(%dma_wait3A_704 : memref<16x64xf32, #tpu.memory_space<vmem>>) dst(%dma_wait3A_701 : memref<16x64xf32, #tpu.memory_space<hbm>>)
        tpu.yield
      }) : () -> ()
    } else {
    }
    %mul3A_294 = arith.constant 640 : i32
    %mul3A_295 = arith.muli %arg1, %mul3A_294 : i32
    %add3A_296 = arith.constant 256 : i32
    %add3A_297 = arith.addi %mul3A_295, %add3A_296 : i32
    "tpu.region"() ({
      %run_scoped3A = tpu.sem_alloc : memref<!tpu.dma_semaphore, #tpu.memory_space<semaphore_mem>>
      %dma_start3A_687 = arith.constant 0 : i32
      %dma_start3A_688 = tpu.memref_slice %arg27[%add3A_297, %dma_start3A_687] : memref<10240x64xf32, #tpu.memory_space<vmem_shared>> -> memref<128x64xf32, #tpu.memory_space<vmem_shared>>
      %dma_start3A_689 = arith.constant 0 : i32
      %dma_start3A_690 = tpu.memref_slice %arg27[%add3A_297, %dma_start3A_689] : memref<10240x64xf32, #tpu.memory_space<vmem_shared>> -> memref<128x64xf32, #tpu.memory_space<vmem_shared>>
      tpu.enqueue_dma source(%dma_start3A_690 : memref<128x64xf32, #tpu.memory_space<vmem_shared>>) target(%arg11 : memref<128x64xf32, #tpu.memory_space<vmem>>) target_semaphore(%run_scoped3A : memref<!tpu.dma_semaphore, #tpu.memory_space<semaphore_mem>>)
      %dma_wait3A_691 = arith.constant 0 : i32
      %dma_wait3A_692 = tpu.memref_slice %arg27[%add3A_297, %dma_wait3A_691] : memref<10240x64xf32, #tpu.memory_space<vmem_shared>> -> memref<128x64xf32, #tpu.memory_space<vmem_shared>>
      %dma_wait3A_693 = arith.constant 0 : i32
      %dma_wait3A_694 = tpu.memref_slice %arg27[%add3A_297, %dma_wait3A_693] : memref<10240x64xf32, #tpu.memory_space<vmem_shared>> -> memref<128x64xf32, #tpu.memory_space<vmem_shared>>
      tpu.wait_dma2 semaphore(%run_scoped3A : memref<!tpu.dma_semaphore, #tpu.memory_space<semaphore_mem>>) src(%dma_wait3A_694 : memref<128x64xf32, #tpu.memory_space<vmem_shared>>) dst(%arg11 : memref<128x64xf32, #tpu.memory_space<vmem>>)
      tpu.yield
    }) : () -> ()
    %iota3A_298 = tpu.iota {dimensions = array<i32: 0>} : vector<16xi32>
    %mul3A_299 = arith.constant 2 : i32
    %mul3A_300 = vector.broadcast %mul3A_299 : i32 to vector<16xi32>
    %mul3A_301 = arith.muli %mul3A_300, %iota3A_298 : vector<16xi32>
    %add3A_302 = arith.constant 0 : i32
    %add3A_303 = arith.addi %add3A_297, %add3A_302 : i32
    %mul3A_304 = arith.constant 2 : i32
    %mul3A_305 = arith.muli %mul3A_304, %add3A_303 : i32
    %add3A_306 = arith.addi %mul3A_305, %arg0 : i32
    %add3A_307 = vector.broadcast %add3A_306 : i32 to vector<16xi32>
    %add3A_308 = arith.addi %mul3A_301, %add3A_307 : vector<16xi32>
    %swap3A_309 = arith.constant 0 : index
    %swap3A_310 = tpu.vector_load %arg24[%swap3A_309] {strides = array<i32>} : memref<128xi32, #tpu.memory_space<vmem>>, vector<16xi32>,
    tpu.vector_store %arg24[%swap3A_309], %add3A_308 {strides = array<i32>} : memref<128xi32, #tpu.memory_space<vmem>>, vector<16xi32>,
    %iota3A_311 = tpu.iota {dimensions = array<i32: 0>} : vector<16xi32>
    %mul3A_312 = arith.constant 2 : i32
    %mul3A_313 = vector.broadcast %mul3A_312 : i32 to vector<16xi32>
    %mul3A_314 = arith.muli %mul3A_313, %iota3A_311 : vector<16xi32>
    %add3A_315 = arith.constant 16 : i32
    %add3A_316 = arith.addi %add3A_297, %add3A_315 : i32
    %mul3A_317 = arith.constant 2 : i32
    %mul3A_318 = arith.muli %mul3A_317, %add3A_316 : i32
    %add3A_319 = arith.addi %mul3A_318, %arg0 : i32
    %add3A_320 = vector.broadcast %add3A_319 : i32 to vector<16xi32>
    %add3A_321 = arith.addi %mul3A_314, %add3A_320 : vector<16xi32>
    %swap3A_322 = arith.constant 16 : index
    %swap3A_323 = tpu.vector_load %arg24[%swap3A_322] {strides = array<i32>} : memref<128xi32, #tpu.memory_space<vmem>>, vector<16xi32>,
    tpu.vector_store %arg24[%swap3A_322], %add3A_321 {strides = array<i32>} : memref<128xi32, #tpu.memory_space<vmem>>, vector<16xi32>,
    %iota3A_324 = tpu.iota {dimensions = array<i32: 0>} : vector<16xi32>
    %mul3A_325 = arith.constant 2 : i32
    %mul3A_326 = vector.broadcast %mul3A_325 : i32 to vector<16xi32>
    %mul3A_327 = arith.muli %mul3A_326, %iota3A_324 : vector<16xi32>
    %add3A_328 = arith.constant 32 : i32
    %add3A_329 = arith.addi %add3A_297, %add3A_328 : i32
    %mul3A_330 = arith.constant 2 : i32
    %mul3A_331 = arith.muli %mul3A_330, %add3A_329 : i32
    %add3A_332 = arith.addi %mul3A_331, %arg0 : i32
    %add3A_333 = vector.broadcast %add3A_332 : i32 to vector<16xi32>
    %add3A_334 = arith.addi %mul3A_327, %add3A_333 : vector<16xi32>
    %swap3A_335 = arith.constant 32 : index
    %swap3A_336 = tpu.vector_load %arg24[%swap3A_335] {strides = array<i32>} : memref<128xi32, #tpu.memory_space<vmem>>, vector<16xi32>,
    tpu.vector_store %arg24[%swap3A_335], %add3A_334 {strides = array<i32>} : memref<128xi32, #tpu.memory_space<vmem>>, vector<16xi32>,
    %iota3A_337 = tpu.iota {dimensions = array<i32: 0>} : vector<16xi32>
    %mul3A_338 = arith.constant 2 : i32
    %mul3A_339 = vector.broadcast %mul3A_338 : i32 to vector<16xi32>
    %mul3A_340 = arith.muli %mul3A_339, %iota3A_337 : vector<16xi32>
    %add3A_341 = arith.constant 48 : i32
    %add3A_342 = arith.addi %add3A_297, %add3A_341 : i32
    %mul3A_343 = arith.constant 2 : i32
    %mul3A_344 = arith.muli %mul3A_343, %add3A_342 : i32
    %add3A_345 = arith.addi %mul3A_344, %arg0 : i32
    %add3A_346 = vector.broadcast %add3A_345 : i32 to vector<16xi32>
    %add3A_347 = arith.addi %mul3A_340, %add3A_346 : vector<16xi32>
    %swap3A_348 = arith.constant 48 : index
    %swap3A_349 = tpu.vector_load %arg24[%swap3A_348] {strides = array<i32>} : memref<128xi32, #tpu.memory_space<vmem>>, vector<16xi32>,
    tpu.vector_store %arg24[%swap3A_348], %add3A_347 {strides = array<i32>} : memref<128xi32, #tpu.memory_space<vmem>>, vector<16xi32>,
    %iota3A_350 = tpu.iota {dimensions = array<i32: 0>} : vector<16xi32>
    %mul3A_351 = arith.constant 2 : i32
    %mul3A_352 = vector.broadcast %mul3A_351 : i32 to vector<16xi32>
    %mul3A_353 = arith.muli %mul3A_352, %iota3A_350 : vector<16xi32>
    %add3A_354 = arith.constant 64 : i32
    %add3A_355 = arith.addi %add3A_297, %add3A_354 : i32
    %mul3A_356 = arith.constant 2 : i32
    %mul3A_357 = arith.muli %mul3A_356, %add3A_355 : i32
    %add3A_358 = arith.addi %mul3A_357, %arg0 : i32
    %add3A_359 = vector.broadcast %add3A_358 : i32 to vector<16xi32>
    %add3A_360 = arith.addi %mul3A_353, %add3A_359 : vector<16xi32>
    %swap3A_361 = arith.constant 64 : index
    %swap3A_362 = tpu.vector_load %arg24[%swap3A_361] {strides = array<i32>} : memref<128xi32, #tpu.memory_space<vmem>>, vector<16xi32>,
    tpu.vector_store %arg24[%swap3A_361], %add3A_360 {strides = array<i32>} : memref<128xi32, #tpu.memory_space<vmem>>, vector<16xi32>,
    %iota3A_363 = tpu.iota {dimensions = array<i32: 0>} : vector<16xi32>
    %mul3A_364 = arith.constant 2 : i32
    %mul3A_365 = vector.broadcast %mul3A_364 : i32 to vector<16xi32>
    %mul3A_366 = arith.muli %mul3A_365, %iota3A_363 : vector<16xi32>
    %add3A_367 = arith.constant 80 : i32
    %add3A_368 = arith.addi %add3A_297, %add3A_367 : i32
    %mul3A_369 = arith.constant 2 : i32
    %mul3A_370 = arith.muli %mul3A_369, %add3A_368 : i32
    %add3A_371 = arith.addi %mul3A_370, %arg0 : i32
    %add3A_372 = vector.broadcast %add3A_371 : i32 to vector<16xi32>
    %add3A_373 = arith.addi %mul3A_366, %add3A_372 : vector<16xi32>
    %swap3A_374 = arith.constant 80 : index
    %swap3A_375 = tpu.vector_load %arg24[%swap3A_374] {strides = array<i32>} : memref<128xi32, #tpu.memory_space<vmem>>, vector<16xi32>,
    tpu.vector_store %arg24[%swap3A_374], %add3A_373 {strides = array<i32>} : memref<128xi32, #tpu.memory_space<vmem>>, vector<16xi32>,
    %iota3A_376 = tpu.iota {dimensions = array<i32: 0>} : vector<16xi32>
    %mul3A_377 = arith.constant 2 : i32
    %mul3A_378 = vector.broadcast %mul3A_377 : i32 to vector<16xi32>
    %mul3A_379 = arith.muli %mul3A_378, %iota3A_376 : vector<16xi32>
    %add3A_380 = arith.constant 96 : i32
    %add3A_381 = arith.addi %add3A_297, %add3A_380 : i32
    %mul3A_382 = arith.constant 2 : i32
    %mul3A_383 = arith.muli %mul3A_382, %add3A_381 : i32
    %add3A_384 = arith.addi %mul3A_383, %arg0 : i32
    %add3A_385 = vector.broadcast %add3A_384 : i32 to vector<16xi32>
    %add3A_386 = arith.addi %mul3A_379, %add3A_385 : vector<16xi32>
    %swap3A_387 = arith.constant 96 : index
    %swap3A_388 = tpu.vector_load %arg24[%swap3A_387] {strides = array<i32>} : memref<128xi32, #tpu.memory_space<vmem>>, vector<16xi32>,
    tpu.vector_store %arg24[%swap3A_387], %add3A_386 {strides = array<i32>} : memref<128xi32, #tpu.memory_space<vmem>>, vector<16xi32>,
    %iota3A_389 = tpu.iota {dimensions = array<i32: 0>} : vector<16xi32>
    %mul3A_390 = arith.constant 2 : i32
    %mul3A_391 = vector.broadcast %mul3A_390 : i32 to vector<16xi32>
    %mul3A_392 = arith.muli %mul3A_391, %iota3A_389 : vector<16xi32>
    %add3A_393 = arith.constant 112 : i32
    %add3A_394 = arith.addi %add3A_297, %add3A_393 : i32
    %mul3A_395 = arith.constant 2 : i32
    %mul3A_396 = arith.muli %mul3A_395, %add3A_394 : i32
    %add3A_397 = arith.addi %mul3A_396, %arg0 : i32
    %add3A_398 = vector.broadcast %add3A_397 : i32 to vector<16xi32>
    %add3A_399 = arith.addi %mul3A_392, %add3A_398 : vector<16xi32>
    %swap3A_400 = arith.constant 112 : index
    %swap3A_401 = tpu.vector_load %arg24[%swap3A_400] {strides = array<i32>} : memref<128xi32, #tpu.memory_space<vmem>>, vector<16xi32>,
    tpu.vector_store %arg24[%swap3A_400], %add3A_399 {strides = array<i32>} : memref<128xi32, #tpu.memory_space<vmem>>, vector<16xi32>,
    "tpu.region"() ({
      %run_scoped3A = tpu.sem_alloc : memref<!tpu.dma_semaphore, #tpu.memory_space<semaphore_mem>>
      %dma_start3A_687 = arith.constant 0 : i32
      %dma_start3A_688 = arith.constant 0 : i32
      %dma_start3A_689 = tpu.memref_slice %arg2[%dma_start3A_687, %dma_start3A_688] : memref<20480x64xf32, #tpu.memory_space<hbm>> -> memref<20480x64xf32, #tpu.memory_space<hbm>>
      tpu.enqueue_indirect_dma source(%dma_start3A_689 : memref<20480x64xf32, #tpu.memory_space<hbm>>) target(%arg23 : memref<128x64xf32, #tpu.memory_space<vmem>>) offsets(%arg24 : memref<128xi32, #tpu.memory_space<vmem>>) semaphore(%run_scoped3A : memref<!tpu.dma_semaphore, #tpu.memory_space<semaphore_mem>>)
      %dma_wait3A_690 = arith.constant 0 : i32
      %dma_wait3A_691 = arith.constant 0 : i32
      %dma_wait3A_692 = tpu.memref_slice %arg2[%dma_wait3A_690, %dma_wait3A_691] : memref<20480x64xf32, #tpu.memory_space<hbm>> -> memref<20480x64xf32, #tpu.memory_space<hbm>>
      tpu.wait_indirect_dma semaphore(%run_scoped3A : memref<!tpu.dma_semaphore, #tpu.memory_space<semaphore_mem>>) src(%dma_wait3A_692 : memref<20480x64xf32, #tpu.memory_space<hbm>>) dst(%arg23 : memref<128x64xf32, #tpu.memory_space<vmem>>)
      tpu.yield
    }) : () -> ()
    "tpu.region"() ({
      %run_scoped3A = tpu.sem_alloc : memref<!tpu.dma_semaphore, #tpu.memory_space<semaphore_mem>>
      %dma_start3A_687 = tpu.memref_slice %arg6[%add3A_297] : memref<10240xf32, #tpu.memory_space<hbm>> -> memref<128xf32, #tpu.memory_space<hbm>>
      %dma_start3A_688 = tpu.memref_slice %arg6[%add3A_297] : memref<10240xf32, #tpu.memory_space<hbm>> -> memref<128xf32, #tpu.memory_space<hbm>>
      tpu.enqueue_dma source(%dma_start3A_688 : memref<128xf32, #tpu.memory_space<hbm>>) target(%arg25 : memref<128xf32, #tpu.memory_space<vmem>>) target_semaphore(%run_scoped3A : memref<!tpu.dma_semaphore, #tpu.memory_space<semaphore_mem>>)
      %dma_wait3A_689 = tpu.memref_slice %arg6[%add3A_297] : memref<10240xf32, #tpu.memory_space<hbm>> -> memref<128xf32, #tpu.memory_space<hbm>>
      %dma_wait3A_690 = tpu.memref_slice %arg6[%add3A_297] : memref<10240xf32, #tpu.memory_space<hbm>> -> memref<128xf32, #tpu.memory_space<hbm>>
      tpu.wait_dma2 semaphore(%run_scoped3A : memref<!tpu.dma_semaphore, #tpu.memory_space<semaphore_mem>>) src(%dma_wait3A_690 : memref<128xf32, #tpu.memory_space<hbm>>) dst(%arg25 : memref<128xf32, #tpu.memory_space<vmem>>)
      tpu.yield
    }) : () -> ()
    %scan3A_402 = arith.constant 0 : i32
    %scan3A_403 = arith.constant 0 : i32
    %scan3A_404 = arith.constant 128 : i32
    %scan3A_405 = arith.addi %scan3A_403, %scan3A_404 : i32
    %scan3A_406 = arith.constant 1 : i32
    scf.for %scan3A_687 = %scan3A_403 to %scan3A_405 step %scan3A_406  : i32 {
      %broadcast_in_dim3A = vector.broadcast %scan3A_687 : i32 to vector<16xi32>
      %gather3A = tpu.vector_load_idx %arg25[%broadcast_in_dim3A] : memref<128xf32, #tpu.memory_space<vmem>>[vector<16xi32>], vector<16xf32>,
      %get3A_688 = arith.index_cast %scan3A_687 : i32 to index
      %get3A_689 = arith.constant 0 : index
      %get3A_690 = tpu.vector_load %arg11[%get3A_688, %get3A_689] {strides = array<i32>} : memref<128x64xf32, #tpu.memory_space<vmem>>, vector<16xf32>,
      %get3A_691 = arith.index_cast %scan3A_687 : i32 to index
      %get3A_692 = arith.constant 0 : index
      %get3A_693 = tpu.vector_load %arg23[%get3A_691, %get3A_692] {strides = array<i32>} : memref<128x64xf32, #tpu.memory_space<vmem>>, vector<16xf32>,
      %add3A_694 = arith.addf %get3A_690, %get3A_693 : vector<16xf32>
      %mul3A_695 = arith.mulf %add3A_694, %gather3A : vector<16xf32>
      %add3A_696 = arith.addf %mul3A_695, %get3A_34 : vector<16xf32>
      %swap3A_697 = arith.index_cast %scan3A_687 : i32 to index
      %swap3A_698 = arith.constant 0 : index
      %swap3A_699 = tpu.vector_load %arg12[%swap3A_697, %swap3A_698] {strides = array<i32>} : memref<128x64xf32, #tpu.memory_space<vmem>>, vector<16xf32>,
      tpu.vector_store %arg12[%swap3A_697, %swap3A_698], %add3A_696 {strides = array<i32>} : memref<128x64xf32, #tpu.memory_space<vmem>>, vector<16xf32>,
      %get3A_700 = arith.index_cast %scan3A_687 : i32 to index
      %get3A_701 = arith.constant 16 : index
      %get3A_702 = tpu.vector_load %arg11[%get3A_700, %get3A_701] {strides = array<i32>} : memref<128x64xf32, #tpu.memory_space<vmem>>, vector<16xf32>,
      %get3A_703 = arith.index_cast %scan3A_687 : i32 to index
      %get3A_704 = arith.constant 16 : index
      %get3A_705 = tpu.vector_load %arg23[%get3A_703, %get3A_704] {strides = array<i32>} : memref<128x64xf32, #tpu.memory_space<vmem>>, vector<16xf32>,
      %add3A_706 = arith.addf %get3A_702, %get3A_705 : vector<16xf32>
      %mul3A_707 = arith.mulf %add3A_706, %gather3A : vector<16xf32>
      %add3A_708 = arith.addf %mul3A_707, %get3A_36 : vector<16xf32>
      %swap3A_709 = arith.index_cast %scan3A_687 : i32 to index
      %swap3A_710 = arith.constant 16 : index
      %swap3A_711 = tpu.vector_load %arg12[%swap3A_709, %swap3A_710] {strides = array<i32>} : memref<128x64xf32, #tpu.memory_space<vmem>>, vector<16xf32>,
      tpu.vector_store %arg12[%swap3A_709, %swap3A_710], %add3A_708 {strides = array<i32>} : memref<128x64xf32, #tpu.memory_space<vmem>>, vector<16xf32>,
      %get3A_712 = arith.index_cast %scan3A_687 : i32 to index
      %get3A_713 = arith.constant 32 : index
      %get3A_714 = tpu.vector_load %arg11[%get3A_712, %get3A_713] {strides = array<i32>} : memref<128x64xf32, #tpu.memory_space<vmem>>, vector<16xf32>,
      %get3A_715 = arith.index_cast %scan3A_687 : i32 to index
      %get3A_716 = arith.constant 32 : index
      %get3A_717 = tpu.vector_load %arg23[%get3A_715, %get3A_716] {strides = array<i32>} : memref<128x64xf32, #tpu.memory_space<vmem>>, vector<16xf32>,
      %add3A_718 = arith.addf %get3A_714, %get3A_717 : vector<16xf32>
      %mul3A_719 = arith.mulf %add3A_718, %gather3A : vector<16xf32>
      %add3A_720 = arith.addf %mul3A_719, %get3A_38 : vector<16xf32>
      %swap3A_721 = arith.index_cast %scan3A_687 : i32 to index
      %swap3A_722 = arith.constant 32 : index
      %swap3A_723 = tpu.vector_load %arg12[%swap3A_721, %swap3A_722] {strides = array<i32>} : memref<128x64xf32, #tpu.memory_space<vmem>>, vector<16xf32>,
      tpu.vector_store %arg12[%swap3A_721, %swap3A_722], %add3A_720 {strides = array<i32>} : memref<128x64xf32, #tpu.memory_space<vmem>>, vector<16xf32>,
      %get3A_724 = arith.index_cast %scan3A_687 : i32 to index
      %get3A_725 = arith.constant 48 : index
      %get3A_726 = tpu.vector_load %arg11[%get3A_724, %get3A_725] {strides = array<i32>} : memref<128x64xf32, #tpu.memory_space<vmem>>, vector<16xf32>,
      %get3A_727 = arith.index_cast %scan3A_687 : i32 to index
      %get3A_728 = arith.constant 48 : index
      %get3A_729 = tpu.vector_load %arg23[%get3A_727, %get3A_728] {strides = array<i32>} : memref<128x64xf32, #tpu.memory_space<vmem>>, vector<16xf32>,
      %add3A_730 = arith.addf %get3A_726, %get3A_729 : vector<16xf32>
      %mul3A_731 = arith.mulf %add3A_730, %gather3A : vector<16xf32>
      %add3A_732 = arith.addf %mul3A_731, %get3A_40 : vector<16xf32>
      %swap3A_733 = arith.index_cast %scan3A_687 : i32 to index
      %swap3A_734 = arith.constant 48 : index
      %swap3A_735 = tpu.vector_load %arg12[%swap3A_733, %swap3A_734] {strides = array<i32>} : memref<128x64xf32, #tpu.memory_space<vmem>>, vector<16xf32>,
      tpu.vector_store %arg12[%swap3A_733, %swap3A_734], %add3A_732 {strides = array<i32>} : memref<128x64xf32, #tpu.memory_space<vmem>>, vector<16xf32>,
    }
    %scan3A_407 = arith.constant 128 : i32
    %add3A_408 = arith.constant 128 : i32
    %add3A_409 = arith.addi %add3A_297, %add3A_408 : i32
    %le3A_410 = arith.constant 10000 : i32
    %le3A_411 = arith.cmpi sle, %add3A_409, %le3A_410 : i32
    %convert_element_type3A_412 = arith.extui %le3A_411 : i1 to i32
    %cond3A_413 = arith.constant 0 : i32
    %cond3A_414 = arith.cmpi ne, %convert_element_type3A_412, %cond3A_413 : i32
    scf.if %cond3A_414 {
      %mul3A_687 = arith.constant 64 : i32
      %mul3A_688 = arith.muli %arg0, %mul3A_687 : i32
      "tpu.region"() ({
        %run_scoped3A = tpu.sem_alloc : memref<!tpu.dma_semaphore, #tpu.memory_space<semaphore_mem>>
        %dma_start3A_689 = tpu.memref_slice %arg8[%add3A_297, %mul3A_688] : memref<10000x128xf32, #tpu.memory_space<hbm>> -> memref<128x64xf32, #tpu.memory_space<hbm>>
        %dma_start3A_690 = tpu.memref_slice %arg8[%add3A_297, %mul3A_688] : memref<10000x128xf32, #tpu.memory_space<hbm>> -> memref<128x64xf32, #tpu.memory_space<hbm>>
        tpu.enqueue_dma source(%arg12 : memref<128x64xf32, #tpu.memory_space<vmem>>) target(%dma_start3A_690 : memref<128x64xf32, #tpu.memory_space<hbm>>) target_semaphore(%run_scoped3A : memref<!tpu.dma_semaphore, #tpu.memory_space<semaphore_mem>>)
        %dma_wait3A_691 = tpu.memref_slice %arg8[%add3A_297, %mul3A_688] : memref<10000x128xf32, #tpu.memory_space<hbm>> -> memref<128x64xf32, #tpu.memory_space<hbm>>
        %dma_wait3A_692 = tpu.memref_slice %arg8[%add3A_297, %mul3A_688] : memref<10000x128xf32, #tpu.memory_space<hbm>> -> memref<128x64xf32, #tpu.memory_space<hbm>>
        tpu.wait_dma2 semaphore(%run_scoped3A : memref<!tpu.dma_semaphore, #tpu.memory_space<semaphore_mem>>) src(%arg12 : memref<128x64xf32, #tpu.memory_space<vmem>>) dst(%dma_wait3A_692 : memref<128x64xf32, #tpu.memory_space<hbm>>)
        tpu.yield
      }) : () -> ()
    } else {
    }
    %lt3A_415 = arith.constant 10000 : i32
    %lt3A_416 = arith.cmpi slt, %add3A_297, %lt3A_415 : i32
    %add3A_417 = arith.constant 128 : i32
    %add3A_418 = arith.addi %add3A_297, %add3A_417 : i32
    %gt3A_419 = arith.constant 10000 : i32
    %gt3A_420 = arith.cmpi sgt, %add3A_418, %gt3A_419 : i32
    %and3A_421 = arith.andi %lt3A_416, %gt3A_420 : i1
    %convert_element_type3A_422 = arith.extui %and3A_421 : i1 to i32
    %cond3A_423 = arith.constant 0 : i32
    %cond3A_424 = arith.cmpi ne, %convert_element_type3A_422, %cond3A_423 : i32
    scf.if %cond3A_424 {
      %mul3A_687 = arith.constant 64 : i32
      %mul3A_688 = arith.muli %arg0, %mul3A_687 : i32
      "tpu.region"() ({
        %run_scoped3A = tpu.sem_alloc : memref<!tpu.dma_semaphore, #tpu.memory_space<semaphore_mem>>
        %dma_start3A_689 = arith.constant 0 : i32
        %dma_start3A_690 = arith.constant 0 : i32
        %dma_start3A_691 = tpu.memref_slice %arg12[%dma_start3A_689, %dma_start3A_690] : memref<128x64xf32, #tpu.memory_space<vmem>> -> memref<16x64xf32, #tpu.memory_space<vmem>>
        %dma_start3A_692 = tpu.memref_slice %arg8[%add3A_297, %mul3A_688] : memref<10000x128xf32, #tpu.memory_space<hbm>> -> memref<16x64xf32, #tpu.memory_space<hbm>>
        %dma_start3A_693 = tpu.memref_slice %arg8[%add3A_297, %mul3A_688] : memref<10000x128xf32, #tpu.memory_space<hbm>> -> memref<16x64xf32, #tpu.memory_space<hbm>>
        %dma_start3A_694 = arith.constant 0 : i32
        %dma_start3A_695 = arith.constant 0 : i32
        %dma_start3A_696 = tpu.memref_slice %arg12[%dma_start3A_694, %dma_start3A_695] : memref<128x64xf32, #tpu.memory_space<vmem>> -> memref<16x64xf32, #tpu.memory_space<vmem>>
        tpu.enqueue_dma source(%dma_start3A_696 : memref<16x64xf32, #tpu.memory_space<vmem>>) target(%dma_start3A_693 : memref<16x64xf32, #tpu.memory_space<hbm>>) target_semaphore(%run_scoped3A : memref<!tpu.dma_semaphore, #tpu.memory_space<semaphore_mem>>)
        %dma_wait3A_697 = arith.constant 0 : i32
        %dma_wait3A_698 = arith.constant 0 : i32
        %dma_wait3A_699 = tpu.memref_slice %arg12[%dma_wait3A_697, %dma_wait3A_698] : memref<128x64xf32, #tpu.memory_space<vmem>> -> memref<16x64xf32, #tpu.memory_space<vmem>>
        %dma_wait3A_700 = tpu.memref_slice %arg8[%add3A_297, %mul3A_688] : memref<10000x128xf32, #tpu.memory_space<hbm>> -> memref<16x64xf32, #tpu.memory_space<hbm>>
        %dma_wait3A_701 = tpu.memref_slice %arg8[%add3A_297, %mul3A_688] : memref<10000x128xf32, #tpu.memory_space<hbm>> -> memref<16x64xf32, #tpu.memory_space<hbm>>
        %dma_wait3A_702 = arith.constant 0 : i32
        %dma_wait3A_703 = arith.constant 0 : i32
        %dma_wait3A_704 = tpu.memref_slice %arg12[%dma_wait3A_702, %dma_wait3A_703] : memref<128x64xf32, #tpu.memory_space<vmem>> -> memref<16x64xf32, #tpu.memory_space<vmem>>
        tpu.wait_dma2 semaphore(%run_scoped3A : memref<!tpu.dma_semaphore, #tpu.memory_space<semaphore_mem>>) src(%dma_wait3A_704 : memref<16x64xf32, #tpu.memory_space<vmem>>) dst(%dma_wait3A_701 : memref<16x64xf32, #tpu.memory_space<hbm>>)
        tpu.yield
      }) : () -> ()
    } else {
    }
    %mul3A_425 = arith.constant 640 : i32
    %mul3A_426 = arith.muli %arg1, %mul3A_425 : i32
    %add3A_427 = arith.constant 384 : i32
    %add3A_428 = arith.addi %mul3A_426, %add3A_427 : i32
    "tpu.region"() ({
      %run_scoped3A = tpu.sem_alloc : memref<!tpu.dma_semaphore, #tpu.memory_space<semaphore_mem>>
      %dma_start3A_687 = arith.constant 0 : i32
      %dma_start3A_688 = tpu.memref_slice %arg27[%add3A_428, %dma_start3A_687] : memref<10240x64xf32, #tpu.memory_space<vmem_shared>> -> memref<128x64xf32, #tpu.memory_space<vmem_shared>>
      %dma_start3A_689 = arith.constant 0 : i32
      %dma_start3A_690 = tpu.memref_slice %arg27[%add3A_428, %dma_start3A_689] : memref<10240x64xf32, #tpu.memory_space<vmem_shared>> -> memref<128x64xf32, #tpu.memory_space<vmem_shared>>
      tpu.enqueue_dma source(%dma_start3A_690 : memref<128x64xf32, #tpu.memory_space<vmem_shared>>) target(%arg11 : memref<128x64xf32, #tpu.memory_space<vmem>>) target_semaphore(%run_scoped3A : memref<!tpu.dma_semaphore, #tpu.memory_space<semaphore_mem>>)
      %dma_wait3A_691 = arith.constant 0 : i32
      %dma_wait3A_692 = tpu.memref_slice %arg27[%add3A_428, %dma_wait3A_691] : memref<10240x64xf32, #tpu.memory_space<vmem_shared>> -> memref<128x64xf32, #tpu.memory_space<vmem_shared>>
      %dma_wait3A_693 = arith.constant 0 : i32
      %dma_wait3A_694 = tpu.memref_slice %arg27[%add3A_428, %dma_wait3A_693] : memref<10240x64xf32, #tpu.memory_space<vmem_shared>> -> memref<128x64xf32, #tpu.memory_space<vmem_shared>>
      tpu.wait_dma2 semaphore(%run_scoped3A : memref<!tpu.dma_semaphore, #tpu.memory_space<semaphore_mem>>) src(%dma_wait3A_694 : memref<128x64xf32, #tpu.memory_space<vmem_shared>>) dst(%arg11 : memref<128x64xf32, #tpu.memory_space<vmem>>)
      tpu.yield
    }) : () -> ()
    %iota3A_429 = tpu.iota {dimensions = array<i32: 0>} : vector<16xi32>
    %mul3A_430 = arith.constant 2 : i32
    %mul3A_431 = vector.broadcast %mul3A_430 : i32 to vector<16xi32>
    %mul3A_432 = arith.muli %mul3A_431, %iota3A_429 : vector<16xi32>
    %add3A_433 = arith.constant 0 : i32
    %add3A_434 = arith.addi %add3A_428, %add3A_433 : i32
    %mul3A_435 = arith.constant 2 : i32
    %mul3A_436 = arith.muli %mul3A_435, %add3A_434 : i32
    %add3A_437 = arith.addi %mul3A_436, %arg0 : i32
    %add3A_438 = vector.broadcast %add3A_437 : i32 to vector<16xi32>
    %add3A_439 = arith.addi %mul3A_432, %add3A_438 : vector<16xi32>
    %swap3A_440 = arith.constant 0 : index
    %swap3A_441 = tpu.vector_load %arg24[%swap3A_440] {strides = array<i32>} : memref<128xi32, #tpu.memory_space<vmem>>, vector<16xi32>,
    tpu.vector_store %arg24[%swap3A_440], %add3A_439 {strides = array<i32>} : memref<128xi32, #tpu.memory_space<vmem>>, vector<16xi32>,
    %iota3A_442 = tpu.iota {dimensions = array<i32: 0>} : vector<16xi32>
    %mul3A_443 = arith.constant 2 : i32
    %mul3A_444 = vector.broadcast %mul3A_443 : i32 to vector<16xi32>
    %mul3A_445 = arith.muli %mul3A_444, %iota3A_442 : vector<16xi32>
    %add3A_446 = arith.constant 16 : i32
    %add3A_447 = arith.addi %add3A_428, %add3A_446 : i32
    %mul3A_448 = arith.constant 2 : i32
    %mul3A_449 = arith.muli %mul3A_448, %add3A_447 : i32
    %add3A_450 = arith.addi %mul3A_449, %arg0 : i32
    %add3A_451 = vector.broadcast %add3A_450 : i32 to vector<16xi32>
    %add3A_452 = arith.addi %mul3A_445, %add3A_451 : vector<16xi32>
    %swap3A_453 = arith.constant 16 : index
    %swap3A_454 = tpu.vector_load %arg24[%swap3A_453] {strides = array<i32>} : memref<128xi32, #tpu.memory_space<vmem>>, vector<16xi32>,
    tpu.vector_store %arg24[%swap3A_453], %add3A_452 {strides = array<i32>} : memref<128xi32, #tpu.memory_space<vmem>>, vector<16xi32>,
    %iota3A_455 = tpu.iota {dimensions = array<i32: 0>} : vector<16xi32>
    %mul3A_456 = arith.constant 2 : i32
    %mul3A_457 = vector.broadcast %mul3A_456 : i32 to vector<16xi32>
    %mul3A_458 = arith.muli %mul3A_457, %iota3A_455 : vector<16xi32>
    %add3A_459 = arith.constant 32 : i32
    %add3A_460 = arith.addi %add3A_428, %add3A_459 : i32
    %mul3A_461 = arith.constant 2 : i32
    %mul3A_462 = arith.muli %mul3A_461, %add3A_460 : i32
    %add3A_463 = arith.addi %mul3A_462, %arg0 : i32
    %add3A_464 = vector.broadcast %add3A_463 : i32 to vector<16xi32>
    %add3A_465 = arith.addi %mul3A_458, %add3A_464 : vector<16xi32>
    %swap3A_466 = arith.constant 32 : index
    %swap3A_467 = tpu.vector_load %arg24[%swap3A_466] {strides = array<i32>} : memref<128xi32, #tpu.memory_space<vmem>>, vector<16xi32>,
    tpu.vector_store %arg24[%swap3A_466], %add3A_465 {strides = array<i32>} : memref<128xi32, #tpu.memory_space<vmem>>, vector<16xi32>,
    %iota3A_468 = tpu.iota {dimensions = array<i32: 0>} : vector<16xi32>
    %mul3A_469 = arith.constant 2 : i32
    %mul3A_470 = vector.broadcast %mul3A_469 : i32 to vector<16xi32>
    %mul3A_471 = arith.muli %mul3A_470, %iota3A_468 : vector<16xi32>
    %add3A_472 = arith.constant 48 : i32
    %add3A_473 = arith.addi %add3A_428, %add3A_472 : i32
    %mul3A_474 = arith.constant 2 : i32
    %mul3A_475 = arith.muli %mul3A_474, %add3A_473 : i32
    %add3A_476 = arith.addi %mul3A_475, %arg0 : i32
    %add3A_477 = vector.broadcast %add3A_476 : i32 to vector<16xi32>
    %add3A_478 = arith.addi %mul3A_471, %add3A_477 : vector<16xi32>
    %swap3A_479 = arith.constant 48 : index
    %swap3A_480 = tpu.vector_load %arg24[%swap3A_479] {strides = array<i32>} : memref<128xi32, #tpu.memory_space<vmem>>, vector<16xi32>,
    tpu.vector_store %arg24[%swap3A_479], %add3A_478 {strides = array<i32>} : memref<128xi32, #tpu.memory_space<vmem>>, vector<16xi32>,
    %iota3A_481 = tpu.iota {dimensions = array<i32: 0>} : vector<16xi32>
    %mul3A_482 = arith.constant 2 : i32
    %mul3A_483 = vector.broadcast %mul3A_482 : i32 to vector<16xi32>
    %mul3A_484 = arith.muli %mul3A_483, %iota3A_481 : vector<16xi32>
    %add3A_485 = arith.constant 64 : i32
    %add3A_486 = arith.addi %add3A_428, %add3A_485 : i32
    %mul3A_487 = arith.constant 2 : i32
    %mul3A_488 = arith.muli %mul3A_487, %add3A_486 : i32
    %add3A_489 = arith.addi %mul3A_488, %arg0 : i32
    %add3A_490 = vector.broadcast %add3A_489 : i32 to vector<16xi32>
    %add3A_491 = arith.addi %mul3A_484, %add3A_490 : vector<16xi32>
    %swap3A_492 = arith.constant 64 : index
    %swap3A_493 = tpu.vector_load %arg24[%swap3A_492] {strides = array<i32>} : memref<128xi32, #tpu.memory_space<vmem>>, vector<16xi32>,
    tpu.vector_store %arg24[%swap3A_492], %add3A_491 {strides = array<i32>} : memref<128xi32, #tpu.memory_space<vmem>>, vector<16xi32>,
    %iota3A_494 = tpu.iota {dimensions = array<i32: 0>} : vector<16xi32>
    %mul3A_495 = arith.constant 2 : i32
    %mul3A_496 = vector.broadcast %mul3A_495 : i32 to vector<16xi32>
    %mul3A_497 = arith.muli %mul3A_496, %iota3A_494 : vector<16xi32>
    %add3A_498 = arith.constant 80 : i32
    %add3A_499 = arith.addi %add3A_428, %add3A_498 : i32
    %mul3A_500 = arith.constant 2 : i32
    %mul3A_501 = arith.muli %mul3A_500, %add3A_499 : i32
    %add3A_502 = arith.addi %mul3A_501, %arg0 : i32
    %add3A_503 = vector.broadcast %add3A_502 : i32 to vector<16xi32>
    %add3A_504 = arith.addi %mul3A_497, %add3A_503 : vector<16xi32>
    %swap3A_505 = arith.constant 80 : index
    %swap3A_506 = tpu.vector_load %arg24[%swap3A_505] {strides = array<i32>} : memref<128xi32, #tpu.memory_space<vmem>>, vector<16xi32>,
    tpu.vector_store %arg24[%swap3A_505], %add3A_504 {strides = array<i32>} : memref<128xi32, #tpu.memory_space<vmem>>, vector<16xi32>,
    %iota3A_507 = tpu.iota {dimensions = array<i32: 0>} : vector<16xi32>
    %mul3A_508 = arith.constant 2 : i32
    %mul3A_509 = vector.broadcast %mul3A_508 : i32 to vector<16xi32>
    %mul3A_510 = arith.muli %mul3A_509, %iota3A_507 : vector<16xi32>
    %add3A_511 = arith.constant 96 : i32
    %add3A_512 = arith.addi %add3A_428, %add3A_511 : i32
    %mul3A_513 = arith.constant 2 : i32
    %mul3A_514 = arith.muli %mul3A_513, %add3A_512 : i32
    %add3A_515 = arith.addi %mul3A_514, %arg0 : i32
    %add3A_516 = vector.broadcast %add3A_515 : i32 to vector<16xi32>
    %add3A_517 = arith.addi %mul3A_510, %add3A_516 : vector<16xi32>
    %swap3A_518 = arith.constant 96 : index
    %swap3A_519 = tpu.vector_load %arg24[%swap3A_518] {strides = array<i32>} : memref<128xi32, #tpu.memory_space<vmem>>, vector<16xi32>,
    tpu.vector_store %arg24[%swap3A_518], %add3A_517 {strides = array<i32>} : memref<128xi32, #tpu.memory_space<vmem>>, vector<16xi32>,
    %iota3A_520 = tpu.iota {dimensions = array<i32: 0>} : vector<16xi32>
    %mul3A_521 = arith.constant 2 : i32
    %mul3A_522 = vector.broadcast %mul3A_521 : i32 to vector<16xi32>
    %mul3A_523 = arith.muli %mul3A_522, %iota3A_520 : vector<16xi32>
    %add3A_524 = arith.constant 112 : i32
    %add3A_525 = arith.addi %add3A_428, %add3A_524 : i32
    %mul3A_526 = arith.constant 2 : i32
    %mul3A_527 = arith.muli %mul3A_526, %add3A_525 : i32
    %add3A_528 = arith.addi %mul3A_527, %arg0 : i32
    %add3A_529 = vector.broadcast %add3A_528 : i32 to vector<16xi32>
    %add3A_530 = arith.addi %mul3A_523, %add3A_529 : vector<16xi32>
    %swap3A_531 = arith.constant 112 : index
    %swap3A_532 = tpu.vector_load %arg24[%swap3A_531] {strides = array<i32>} : memref<128xi32, #tpu.memory_space<vmem>>, vector<16xi32>,
    tpu.vector_store %arg24[%swap3A_531], %add3A_530 {strides = array<i32>} : memref<128xi32, #tpu.memory_space<vmem>>, vector<16xi32>,
    "tpu.region"() ({
      %run_scoped3A = tpu.sem_alloc : memref<!tpu.dma_semaphore, #tpu.memory_space<semaphore_mem>>
      %dma_start3A_687 = arith.constant 0 : i32
      %dma_start3A_688 = arith.constant 0 : i32
      %dma_start3A_689 = tpu.memref_slice %arg2[%dma_start3A_687, %dma_start3A_688] : memref<20480x64xf32, #tpu.memory_space<hbm>> -> memref<20480x64xf32, #tpu.memory_space<hbm>>
      tpu.enqueue_indirect_dma source(%dma_start3A_689 : memref<20480x64xf32, #tpu.memory_space<hbm>>) target(%arg23 : memref<128x64xf32, #tpu.memory_space<vmem>>) offsets(%arg24 : memref<128xi32, #tpu.memory_space<vmem>>) semaphore(%run_scoped3A : memref<!tpu.dma_semaphore, #tpu.memory_space<semaphore_mem>>)
      %dma_wait3A_690 = arith.constant 0 : i32
      %dma_wait3A_691 = arith.constant 0 : i32
      %dma_wait3A_692 = tpu.memref_slice %arg2[%dma_wait3A_690, %dma_wait3A_691] : memref<20480x64xf32, #tpu.memory_space<hbm>> -> memref<20480x64xf32, #tpu.memory_space<hbm>>
      tpu.wait_indirect_dma semaphore(%run_scoped3A : memref<!tpu.dma_semaphore, #tpu.memory_space<semaphore_mem>>) src(%dma_wait3A_692 : memref<20480x64xf32, #tpu.memory_space<hbm>>) dst(%arg23 : memref<128x64xf32, #tpu.memory_space<vmem>>)
      tpu.yield
    }) : () -> ()
    "tpu.region"() ({
      %run_scoped3A = tpu.sem_alloc : memref<!tpu.dma_semaphore, #tpu.memory_space<semaphore_mem>>
      %dma_start3A_687 = tpu.memref_slice %arg6[%add3A_428] : memref<10240xf32, #tpu.memory_space<hbm>> -> memref<128xf32, #tpu.memory_space<hbm>>
      %dma_start3A_688 = tpu.memref_slice %arg6[%add3A_428] : memref<10240xf32, #tpu.memory_space<hbm>> -> memref<128xf32, #tpu.memory_space<hbm>>
      tpu.enqueue_dma source(%dma_start3A_688 : memref<128xf32, #tpu.memory_space<hbm>>) target(%arg25 : memref<128xf32, #tpu.memory_space<vmem>>) target_semaphore(%run_scoped3A : memref<!tpu.dma_semaphore, #tpu.memory_space<semaphore_mem>>)
      %dma_wait3A_689 = tpu.memref_slice %arg6[%add3A_428] : memref<10240xf32, #tpu.memory_space<hbm>> -> memref<128xf32, #tpu.memory_space<hbm>>
      %dma_wait3A_690 = tpu.memref_slice %arg6[%add3A_428] : memref<10240xf32, #tpu.memory_space<hbm>> -> memref<128xf32, #tpu.memory_space<hbm>>
      tpu.wait_dma2 semaphore(%run_scoped3A : memref<!tpu.dma_semaphore, #tpu.memory_space<semaphore_mem>>) src(%dma_wait3A_690 : memref<128xf32, #tpu.memory_space<hbm>>) dst(%arg25 : memref<128xf32, #tpu.memory_space<vmem>>)
      tpu.yield
    }) : () -> ()
    %scan3A_533 = arith.constant 0 : i32
    %scan3A_534 = arith.constant 0 : i32
    %scan3A_535 = arith.constant 128 : i32
    %scan3A_536 = arith.addi %scan3A_534, %scan3A_535 : i32
    %scan3A_537 = arith.constant 1 : i32
    scf.for %scan3A_687 = %scan3A_534 to %scan3A_536 step %scan3A_537  : i32 {
      %broadcast_in_dim3A = vector.broadcast %scan3A_687 : i32 to vector<16xi32>
      %gather3A = tpu.vector_load_idx %arg25[%broadcast_in_dim3A] : memref<128xf32, #tpu.memory_space<vmem>>[vector<16xi32>], vector<16xf32>,
      %get3A_688 = arith.index_cast %scan3A_687 : i32 to index
      %get3A_689 = arith.constant 0 : index
      %get3A_690 = tpu.vector_load %arg11[%get3A_688, %get3A_689] {strides = array<i32>} : memref<128x64xf32, #tpu.memory_space<vmem>>, vector<16xf32>,
      %get3A_691 = arith.index_cast %scan3A_687 : i32 to index
      %get3A_692 = arith.constant 0 : index
      %get3A_693 = tpu.vector_load %arg23[%get3A_691, %get3A_692] {strides = array<i32>} : memref<128x64xf32, #tpu.memory_space<vmem>>, vector<16xf32>,
      %add3A_694 = arith.addf %get3A_690, %get3A_693 : vector<16xf32>
      %mul3A_695 = arith.mulf %add3A_694, %gather3A : vector<16xf32>
      %add3A_696 = arith.addf %mul3A_695, %get3A_34 : vector<16xf32>
      %swap3A_697 = arith.index_cast %scan3A_687 : i32 to index
      %swap3A_698 = arith.constant 0 : index
      %swap3A_699 = tpu.vector_load %arg12[%swap3A_697, %swap3A_698] {strides = array<i32>} : memref<128x64xf32, #tpu.memory_space<vmem>>, vector<16xf32>,
      tpu.vector_store %arg12[%swap3A_697, %swap3A_698], %add3A_696 {strides = array<i32>} : memref<128x64xf32, #tpu.memory_space<vmem>>, vector<16xf32>,
      %get3A_700 = arith.index_cast %scan3A_687 : i32 to index
      %get3A_701 = arith.constant 16 : index
      %get3A_702 = tpu.vector_load %arg11[%get3A_700, %get3A_701] {strides = array<i32>} : memref<128x64xf32, #tpu.memory_space<vmem>>, vector<16xf32>,
      %get3A_703 = arith.index_cast %scan3A_687 : i32 to index
      %get3A_704 = arith.constant 16 : index
      %get3A_705 = tpu.vector_load %arg23[%get3A_703, %get3A_704] {strides = array<i32>} : memref<128x64xf32, #tpu.memory_space<vmem>>, vector<16xf32>,
      %add3A_706 = arith.addf %get3A_702, %get3A_705 : vector<16xf32>
      %mul3A_707 = arith.mulf %add3A_706, %gather3A : vector<16xf32>
      %add3A_708 = arith.addf %mul3A_707, %get3A_36 : vector<16xf32>
      %swap3A_709 = arith.index_cast %scan3A_687 : i32 to index
      %swap3A_710 = arith.constant 16 : index
      %swap3A_711 = tpu.vector_load %arg12[%swap3A_709, %swap3A_710] {strides = array<i32>} : memref<128x64xf32, #tpu.memory_space<vmem>>, vector<16xf32>,
      tpu.vector_store %arg12[%swap3A_709, %swap3A_710], %add3A_708 {strides = array<i32>} : memref<128x64xf32, #tpu.memory_space<vmem>>, vector<16xf32>,
      %get3A_712 = arith.index_cast %scan3A_687 : i32 to index
      %get3A_713 = arith.constant 32 : index
      %get3A_714 = tpu.vector_load %arg11[%get3A_712, %get3A_713] {strides = array<i32>} : memref<128x64xf32, #tpu.memory_space<vmem>>, vector<16xf32>,
      %get3A_715 = arith.index_cast %scan3A_687 : i32 to index
      %get3A_716 = arith.constant 32 : index
      %get3A_717 = tpu.vector_load %arg23[%get3A_715, %get3A_716] {strides = array<i32>} : memref<128x64xf32, #tpu.memory_space<vmem>>, vector<16xf32>,
      %add3A_718 = arith.addf %get3A_714, %get3A_717 : vector<16xf32>
      %mul3A_719 = arith.mulf %add3A_718, %gather3A : vector<16xf32>
      %add3A_720 = arith.addf %mul3A_719, %get3A_38 : vector<16xf32>
      %swap3A_721 = arith.index_cast %scan3A_687 : i32 to index
      %swap3A_722 = arith.constant 32 : index
      %swap3A_723 = tpu.vector_load %arg12[%swap3A_721, %swap3A_722] {strides = array<i32>} : memref<128x64xf32, #tpu.memory_space<vmem>>, vector<16xf32>,
      tpu.vector_store %arg12[%swap3A_721, %swap3A_722], %add3A_720 {strides = array<i32>} : memref<128x64xf32, #tpu.memory_space<vmem>>, vector<16xf32>,
      %get3A_724 = arith.index_cast %scan3A_687 : i32 to index
      %get3A_725 = arith.constant 48 : index
      %get3A_726 = tpu.vector_load %arg11[%get3A_724, %get3A_725] {strides = array<i32>} : memref<128x64xf32, #tpu.memory_space<vmem>>, vector<16xf32>,
      %get3A_727 = arith.index_cast %scan3A_687 : i32 to index
      %get3A_728 = arith.constant 48 : index
      %get3A_729 = tpu.vector_load %arg23[%get3A_727, %get3A_728] {strides = array<i32>} : memref<128x64xf32, #tpu.memory_space<vmem>>, vector<16xf32>,
      %add3A_730 = arith.addf %get3A_726, %get3A_729 : vector<16xf32>
      %mul3A_731 = arith.mulf %add3A_730, %gather3A : vector<16xf32>
      %add3A_732 = arith.addf %mul3A_731, %get3A_40 : vector<16xf32>
      %swap3A_733 = arith.index_cast %scan3A_687 : i32 to index
      %swap3A_734 = arith.constant 48 : index
      %swap3A_735 = tpu.vector_load %arg12[%swap3A_733, %swap3A_734] {strides = array<i32>} : memref<128x64xf32, #tpu.memory_space<vmem>>, vector<16xf32>,
      tpu.vector_store %arg12[%swap3A_733, %swap3A_734], %add3A_732 {strides = array<i32>} : memref<128x64xf32, #tpu.memory_space<vmem>>, vector<16xf32>,
    }
    %scan3A_538 = arith.constant 128 : i32
    %add3A_539 = arith.constant 128 : i32
    %add3A_540 = arith.addi %add3A_428, %add3A_539 : i32
    %le3A_541 = arith.constant 10000 : i32
    %le3A_542 = arith.cmpi sle, %add3A_540, %le3A_541 : i32
    %convert_element_type3A_543 = arith.extui %le3A_542 : i1 to i32
    %cond3A_544 = arith.constant 0 : i32
    %cond3A_545 = arith.cmpi ne, %convert_element_type3A_543, %cond3A_544 : i32
    scf.if %cond3A_545 {
      %mul3A_687 = arith.constant 64 : i32
      %mul3A_688 = arith.muli %arg0, %mul3A_687 : i32
      "tpu.region"() ({
        %run_scoped3A = tpu.sem_alloc : memref<!tpu.dma_semaphore, #tpu.memory_space<semaphore_mem>>
        %dma_start3A_689 = tpu.memref_slice %arg8[%add3A_428, %mul3A_688] : memref<10000x128xf32, #tpu.memory_space<hbm>> -> memref<128x64xf32, #tpu.memory_space<hbm>>
        %dma_start3A_690 = tpu.memref_slice %arg8[%add3A_428, %mul3A_688] : memref<10000x128xf32, #tpu.memory_space<hbm>> -> memref<128x64xf32, #tpu.memory_space<hbm>>
        tpu.enqueue_dma source(%arg12 : memref<128x64xf32, #tpu.memory_space<vmem>>) target(%dma_start3A_690 : memref<128x64xf32, #tpu.memory_space<hbm>>) target_semaphore(%run_scoped3A : memref<!tpu.dma_semaphore, #tpu.memory_space<semaphore_mem>>)
        %dma_wait3A_691 = tpu.memref_slice %arg8[%add3A_428, %mul3A_688] : memref<10000x128xf32, #tpu.memory_space<hbm>> -> memref<128x64xf32, #tpu.memory_space<hbm>>
        %dma_wait3A_692 = tpu.memref_slice %arg8[%add3A_428, %mul3A_688] : memref<10000x128xf32, #tpu.memory_space<hbm>> -> memref<128x64xf32, #tpu.memory_space<hbm>>
        tpu.wait_dma2 semaphore(%run_scoped3A : memref<!tpu.dma_semaphore, #tpu.memory_space<semaphore_mem>>) src(%arg12 : memref<128x64xf32, #tpu.memory_space<vmem>>) dst(%dma_wait3A_692 : memref<128x64xf32, #tpu.memory_space<hbm>>)
        tpu.yield
      }) : () -> ()
    } else {
    }
    %lt3A_546 = arith.constant 10000 : i32
    %lt3A_547 = arith.cmpi slt, %add3A_428, %lt3A_546 : i32
    %add3A_548 = arith.constant 128 : i32
    %add3A_549 = arith.addi %add3A_428, %add3A_548 : i32
    %gt3A_550 = arith.constant 10000 : i32
    %gt3A_551 = arith.cmpi sgt, %add3A_549, %gt3A_550 : i32
    %and3A_552 = arith.andi %lt3A_547, %gt3A_551 : i1
    %convert_element_type3A_553 = arith.extui %and3A_552 : i1 to i32
    %cond3A_554 = arith.constant 0 : i32
    %cond3A_555 = arith.cmpi ne, %convert_element_type3A_553, %cond3A_554 : i32
    scf.if %cond3A_555 {
      %mul3A_687 = arith.constant 64 : i32
      %mul3A_688 = arith.muli %arg0, %mul3A_687 : i32
      "tpu.region"() ({
        %run_scoped3A = tpu.sem_alloc : memref<!tpu.dma_semaphore, #tpu.memory_space<semaphore_mem>>
        %dma_start3A_689 = arith.constant 0 : i32
        %dma_start3A_690 = arith.constant 0 : i32
        %dma_start3A_691 = tpu.memref_slice %arg12[%dma_start3A_689, %dma_start3A_690] : memref<128x64xf32, #tpu.memory_space<vmem>> -> memref<16x64xf32, #tpu.memory_space<vmem>>
        %dma_start3A_692 = tpu.memref_slice %arg8[%add3A_428, %mul3A_688] : memref<10000x128xf32, #tpu.memory_space<hbm>> -> memref<16x64xf32, #tpu.memory_space<hbm>>
        %dma_start3A_693 = tpu.memref_slice %arg8[%add3A_428, %mul3A_688] : memref<10000x128xf32, #tpu.memory_space<hbm>> -> memref<16x64xf32, #tpu.memory_space<hbm>>
        %dma_start3A_694 = arith.constant 0 : i32
        %dma_start3A_695 = arith.constant 0 : i32
        %dma_start3A_696 = tpu.memref_slice %arg12[%dma_start3A_694, %dma_start3A_695] : memref<128x64xf32, #tpu.memory_space<vmem>> -> memref<16x64xf32, #tpu.memory_space<vmem>>
        tpu.enqueue_dma source(%dma_start3A_696 : memref<16x64xf32, #tpu.memory_space<vmem>>) target(%dma_start3A_693 : memref<16x64xf32, #tpu.memory_space<hbm>>) target_semaphore(%run_scoped3A : memref<!tpu.dma_semaphore, #tpu.memory_space<semaphore_mem>>)
        %dma_wait3A_697 = arith.constant 0 : i32
        %dma_wait3A_698 = arith.constant 0 : i32
        %dma_wait3A_699 = tpu.memref_slice %arg12[%dma_wait3A_697, %dma_wait3A_698] : memref<128x64xf32, #tpu.memory_space<vmem>> -> memref<16x64xf32, #tpu.memory_space<vmem>>
        %dma_wait3A_700 = tpu.memref_slice %arg8[%add3A_428, %mul3A_688] : memref<10000x128xf32, #tpu.memory_space<hbm>> -> memref<16x64xf32, #tpu.memory_space<hbm>>
        %dma_wait3A_701 = tpu.memref_slice %arg8[%add3A_428, %mul3A_688] : memref<10000x128xf32, #tpu.memory_space<hbm>> -> memref<16x64xf32, #tpu.memory_space<hbm>>
        %dma_wait3A_702 = arith.constant 0 : i32
        %dma_wait3A_703 = arith.constant 0 : i32
        %dma_wait3A_704 = tpu.memref_slice %arg12[%dma_wait3A_702, %dma_wait3A_703] : memref<128x64xf32, #tpu.memory_space<vmem>> -> memref<16x64xf32, #tpu.memory_space<vmem>>
        tpu.wait_dma2 semaphore(%run_scoped3A : memref<!tpu.dma_semaphore, #tpu.memory_space<semaphore_mem>>) src(%dma_wait3A_704 : memref<16x64xf32, #tpu.memory_space<vmem>>) dst(%dma_wait3A_701 : memref<16x64xf32, #tpu.memory_space<hbm>>)
        tpu.yield
      }) : () -> ()
    } else {
    }
    %mul3A_556 = arith.constant 640 : i32
    %mul3A_557 = arith.muli %arg1, %mul3A_556 : i32
    %add3A_558 = arith.constant 512 : i32
    %add3A_559 = arith.addi %mul3A_557, %add3A_558 : i32
    "tpu.region"() ({
      %run_scoped3A = tpu.sem_alloc : memref<!tpu.dma_semaphore, #tpu.memory_space<semaphore_mem>>
      %dma_start3A_687 = arith.constant 0 : i32
      %dma_start3A_688 = tpu.memref_slice %arg27[%add3A_559, %dma_start3A_687] : memref<10240x64xf32, #tpu.memory_space<vmem_shared>> -> memref<128x64xf32, #tpu.memory_space<vmem_shared>>
      %dma_start3A_689 = arith.constant 0 : i32
      %dma_start3A_690 = tpu.memref_slice %arg27[%add3A_559, %dma_start3A_689] : memref<10240x64xf32, #tpu.memory_space<vmem_shared>> -> memref<128x64xf32, #tpu.memory_space<vmem_shared>>
      tpu.enqueue_dma source(%dma_start3A_690 : memref<128x64xf32, #tpu.memory_space<vmem_shared>>) target(%arg11 : memref<128x64xf32, #tpu.memory_space<vmem>>) target_semaphore(%run_scoped3A : memref<!tpu.dma_semaphore, #tpu.memory_space<semaphore_mem>>)
      %dma_wait3A_691 = arith.constant 0 : i32
      %dma_wait3A_692 = tpu.memref_slice %arg27[%add3A_559, %dma_wait3A_691] : memref<10240x64xf32, #tpu.memory_space<vmem_shared>> -> memref<128x64xf32, #tpu.memory_space<vmem_shared>>
      %dma_wait3A_693 = arith.constant 0 : i32
      %dma_wait3A_694 = tpu.memref_slice %arg27[%add3A_559, %dma_wait3A_693] : memref<10240x64xf32, #tpu.memory_space<vmem_shared>> -> memref<128x64xf32, #tpu.memory_space<vmem_shared>>
      tpu.wait_dma2 semaphore(%run_scoped3A : memref<!tpu.dma_semaphore, #tpu.memory_space<semaphore_mem>>) src(%dma_wait3A_694 : memref<128x64xf32, #tpu.memory_space<vmem_shared>>) dst(%arg11 : memref<128x64xf32, #tpu.memory_space<vmem>>)
      tpu.yield
    }) : () -> ()
    %iota3A_560 = tpu.iota {dimensions = array<i32: 0>} : vector<16xi32>
    %mul3A_561 = arith.constant 2 : i32
    %mul3A_562 = vector.broadcast %mul3A_561 : i32 to vector<16xi32>
    %mul3A_563 = arith.muli %mul3A_562, %iota3A_560 : vector<16xi32>
    %add3A_564 = arith.constant 0 : i32
    %add3A_565 = arith.addi %add3A_559, %add3A_564 : i32
    %mul3A_566 = arith.constant 2 : i32
    %mul3A_567 = arith.muli %mul3A_566, %add3A_565 : i32
    %add3A_568 = arith.addi %mul3A_567, %arg0 : i32
    %add3A_569 = vector.broadcast %add3A_568 : i32 to vector<16xi32>
    %add3A_570 = arith.addi %mul3A_563, %add3A_569 : vector<16xi32>
    %swap3A_571 = arith.constant 0 : index
    %swap3A_572 = tpu.vector_load %arg24[%swap3A_571] {strides = array<i32>} : memref<128xi32, #tpu.memory_space<vmem>>, vector<16xi32>,
    tpu.vector_store %arg24[%swap3A_571], %add3A_570 {strides = array<i32>} : memref<128xi32, #tpu.memory_space<vmem>>, vector<16xi32>,
    %iota3A_573 = tpu.iota {dimensions = array<i32: 0>} : vector<16xi32>
    %mul3A_574 = arith.constant 2 : i32
    %mul3A_575 = vector.broadcast %mul3A_574 : i32 to vector<16xi32>
    %mul3A_576 = arith.muli %mul3A_575, %iota3A_573 : vector<16xi32>
    %add3A_577 = arith.constant 16 : i32
    %add3A_578 = arith.addi %add3A_559, %add3A_577 : i32
    %mul3A_579 = arith.constant 2 : i32
    %mul3A_580 = arith.muli %mul3A_579, %add3A_578 : i32
    %add3A_581 = arith.addi %mul3A_580, %arg0 : i32
    %add3A_582 = vector.broadcast %add3A_581 : i32 to vector<16xi32>
    %add3A_583 = arith.addi %mul3A_576, %add3A_582 : vector<16xi32>
    %swap3A_584 = arith.constant 16 : index
    %swap3A_585 = tpu.vector_load %arg24[%swap3A_584] {strides = array<i32>} : memref<128xi32, #tpu.memory_space<vmem>>, vector<16xi32>,
    tpu.vector_store %arg24[%swap3A_584], %add3A_583 {strides = array<i32>} : memref<128xi32, #tpu.memory_space<vmem>>, vector<16xi32>,
    %iota3A_586 = tpu.iota {dimensions = array<i32: 0>} : vector<16xi32>
    %mul3A_587 = arith.constant 2 : i32
    %mul3A_588 = vector.broadcast %mul3A_587 : i32 to vector<16xi32>
    %mul3A_589 = arith.muli %mul3A_588, %iota3A_586 : vector<16xi32>
    %add3A_590 = arith.constant 32 : i32
    %add3A_591 = arith.addi %add3A_559, %add3A_590 : i32
    %mul3A_592 = arith.constant 2 : i32
    %mul3A_593 = arith.muli %mul3A_592, %add3A_591 : i32
    %add3A_594 = arith.addi %mul3A_593, %arg0 : i32
    %add3A_595 = vector.broadcast %add3A_594 : i32 to vector<16xi32>
    %add3A_596 = arith.addi %mul3A_589, %add3A_595 : vector<16xi32>
    %swap3A_597 = arith.constant 32 : index
    %swap3A_598 = tpu.vector_load %arg24[%swap3A_597] {strides = array<i32>} : memref<128xi32, #tpu.memory_space<vmem>>, vector<16xi32>,
    tpu.vector_store %arg24[%swap3A_597], %add3A_596 {strides = array<i32>} : memref<128xi32, #tpu.memory_space<vmem>>, vector<16xi32>,
    %iota3A_599 = tpu.iota {dimensions = array<i32: 0>} : vector<16xi32>
    %mul3A_600 = arith.constant 2 : i32
    %mul3A_601 = vector.broadcast %mul3A_600 : i32 to vector<16xi32>
    %mul3A_602 = arith.muli %mul3A_601, %iota3A_599 : vector<16xi32>
    %add3A_603 = arith.constant 48 : i32
    %add3A_604 = arith.addi %add3A_559, %add3A_603 : i32
    %mul3A_605 = arith.constant 2 : i32
    %mul3A_606 = arith.muli %mul3A_605, %add3A_604 : i32
    %add3A_607 = arith.addi %mul3A_606, %arg0 : i32
    %add3A_608 = vector.broadcast %add3A_607 : i32 to vector<16xi32>
    %add3A_609 = arith.addi %mul3A_602, %add3A_608 : vector<16xi32>
    %swap3A_610 = arith.constant 48 : index
    %swap3A_611 = tpu.vector_load %arg24[%swap3A_610] {strides = array<i32>} : memref<128xi32, #tpu.memory_space<vmem>>, vector<16xi32>,
    tpu.vector_store %arg24[%swap3A_610], %add3A_609 {strides = array<i32>} : memref<128xi32, #tpu.memory_space<vmem>>, vector<16xi32>,
    %iota3A_612 = tpu.iota {dimensions = array<i32: 0>} : vector<16xi32>
    %mul3A_613 = arith.constant 2 : i32
    %mul3A_614 = vector.broadcast %mul3A_613 : i32 to vector<16xi32>
    %mul3A_615 = arith.muli %mul3A_614, %iota3A_612 : vector<16xi32>
    %add3A_616 = arith.constant 64 : i32
    %add3A_617 = arith.addi %add3A_559, %add3A_616 : i32
    %mul3A_618 = arith.constant 2 : i32
    %mul3A_619 = arith.muli %mul3A_618, %add3A_617 : i32
    %add3A_620 = arith.addi %mul3A_619, %arg0 : i32
    %add3A_621 = vector.broadcast %add3A_620 : i32 to vector<16xi32>
    %add3A_622 = arith.addi %mul3A_615, %add3A_621 : vector<16xi32>
    %swap3A_623 = arith.constant 64 : index
    %swap3A_624 = tpu.vector_load %arg24[%swap3A_623] {strides = array<i32>} : memref<128xi32, #tpu.memory_space<vmem>>, vector<16xi32>,
    tpu.vector_store %arg24[%swap3A_623], %add3A_622 {strides = array<i32>} : memref<128xi32, #tpu.memory_space<vmem>>, vector<16xi32>,
    %iota3A_625 = tpu.iota {dimensions = array<i32: 0>} : vector<16xi32>
    %mul3A_626 = arith.constant 2 : i32
    %mul3A_627 = vector.broadcast %mul3A_626 : i32 to vector<16xi32>
    %mul3A_628 = arith.muli %mul3A_627, %iota3A_625 : vector<16xi32>
    %add3A_629 = arith.constant 80 : i32
    %add3A_630 = arith.addi %add3A_559, %add3A_629 : i32
    %mul3A_631 = arith.constant 2 : i32
    %mul3A_632 = arith.muli %mul3A_631, %add3A_630 : i32
    %add3A_633 = arith.addi %mul3A_632, %arg0 : i32
    %add3A_634 = vector.broadcast %add3A_633 : i32 to vector<16xi32>
    %add3A_635 = arith.addi %mul3A_628, %add3A_634 : vector<16xi32>
    %swap3A_636 = arith.constant 80 : index
    %swap3A_637 = tpu.vector_load %arg24[%swap3A_636] {strides = array<i32>} : memref<128xi32, #tpu.memory_space<vmem>>, vector<16xi32>,
    tpu.vector_store %arg24[%swap3A_636], %add3A_635 {strides = array<i32>} : memref<128xi32, #tpu.memory_space<vmem>>, vector<16xi32>,
    %iota3A_638 = tpu.iota {dimensions = array<i32: 0>} : vector<16xi32>
    %mul3A_639 = arith.constant 2 : i32
    %mul3A_640 = vector.broadcast %mul3A_639 : i32 to vector<16xi32>
    %mul3A_641 = arith.muli %mul3A_640, %iota3A_638 : vector<16xi32>
    %add3A_642 = arith.constant 96 : i32
    %add3A_643 = arith.addi %add3A_559, %add3A_642 : i32
    %mul3A_644 = arith.constant 2 : i32
    %mul3A_645 = arith.muli %mul3A_644, %add3A_643 : i32
    %add3A_646 = arith.addi %mul3A_645, %arg0 : i32
    %add3A_647 = vector.broadcast %add3A_646 : i32 to vector<16xi32>
    %add3A_648 = arith.addi %mul3A_641, %add3A_647 : vector<16xi32>
    %swap3A_649 = arith.constant 96 : index
    %swap3A_650 = tpu.vector_load %arg24[%swap3A_649] {strides = array<i32>} : memref<128xi32, #tpu.memory_space<vmem>>, vector<16xi32>,
    tpu.vector_store %arg24[%swap3A_649], %add3A_648 {strides = array<i32>} : memref<128xi32, #tpu.memory_space<vmem>>, vector<16xi32>,
    %iota3A_651 = tpu.iota {dimensions = array<i32: 0>} : vector<16xi32>
    %mul3A_652 = arith.constant 2 : i32
    %mul3A_653 = vector.broadcast %mul3A_652 : i32 to vector<16xi32>
    %mul3A_654 = arith.muli %mul3A_653, %iota3A_651 : vector<16xi32>
    %add3A_655 = arith.constant 112 : i32
    %add3A_656 = arith.addi %add3A_559, %add3A_655 : i32
    %mul3A_657 = arith.constant 2 : i32
    %mul3A_658 = arith.muli %mul3A_657, %add3A_656 : i32
    %add3A_659 = arith.addi %mul3A_658, %arg0 : i32
    %add3A_660 = vector.broadcast %add3A_659 : i32 to vector<16xi32>
    %add3A_661 = arith.addi %mul3A_654, %add3A_660 : vector<16xi32>
    %swap3A_662 = arith.constant 112 : index
    %swap3A_663 = tpu.vector_load %arg24[%swap3A_662] {strides = array<i32>} : memref<128xi32, #tpu.memory_space<vmem>>, vector<16xi32>,
    tpu.vector_store %arg24[%swap3A_662], %add3A_661 {strides = array<i32>} : memref<128xi32, #tpu.memory_space<vmem>>, vector<16xi32>,
    "tpu.region"() ({
      %run_scoped3A = tpu.sem_alloc : memref<!tpu.dma_semaphore, #tpu.memory_space<semaphore_mem>>
      %dma_start3A_687 = arith.constant 0 : i32
      %dma_start3A_688 = arith.constant 0 : i32
      %dma_start3A_689 = tpu.memref_slice %arg2[%dma_start3A_687, %dma_start3A_688] : memref<20480x64xf32, #tpu.memory_space<hbm>> -> memref<20480x64xf32, #tpu.memory_space<hbm>>
      tpu.enqueue_indirect_dma source(%dma_start3A_689 : memref<20480x64xf32, #tpu.memory_space<hbm>>) target(%arg23 : memref<128x64xf32, #tpu.memory_space<vmem>>) offsets(%arg24 : memref<128xi32, #tpu.memory_space<vmem>>) semaphore(%run_scoped3A : memref<!tpu.dma_semaphore, #tpu.memory_space<semaphore_mem>>)
      %dma_wait3A_690 = arith.constant 0 : i32
      %dma_wait3A_691 = arith.constant 0 : i32
      %dma_wait3A_692 = tpu.memref_slice %arg2[%dma_wait3A_690, %dma_wait3A_691] : memref<20480x64xf32, #tpu.memory_space<hbm>> -> memref<20480x64xf32, #tpu.memory_space<hbm>>
      tpu.wait_indirect_dma semaphore(%run_scoped3A : memref<!tpu.dma_semaphore, #tpu.memory_space<semaphore_mem>>) src(%dma_wait3A_692 : memref<20480x64xf32, #tpu.memory_space<hbm>>) dst(%arg23 : memref<128x64xf32, #tpu.memory_space<vmem>>)
      tpu.yield
    }) : () -> ()
    "tpu.region"() ({
      %run_scoped3A = tpu.sem_alloc : memref<!tpu.dma_semaphore, #tpu.memory_space<semaphore_mem>>
      %dma_start3A_687 = tpu.memref_slice %arg6[%add3A_559] : memref<10240xf32, #tpu.memory_space<hbm>> -> memref<128xf32, #tpu.memory_space<hbm>>
      %dma_start3A_688 = tpu.memref_slice %arg6[%add3A_559] : memref<10240xf32, #tpu.memory_space<hbm>> -> memref<128xf32, #tpu.memory_space<hbm>>
      tpu.enqueue_dma source(%dma_start3A_688 : memref<128xf32, #tpu.memory_space<hbm>>) target(%arg25 : memref<128xf32, #tpu.memory_space<vmem>>) target_semaphore(%run_scoped3A : memref<!tpu.dma_semaphore, #tpu.memory_space<semaphore_mem>>)
      %dma_wait3A_689 = tpu.memref_slice %arg6[%add3A_559] : memref<10240xf32, #tpu.memory_space<hbm>> -> memref<128xf32, #tpu.memory_space<hbm>>
      %dma_wait3A_690 = tpu.memref_slice %arg6[%add3A_559] : memref<10240xf32, #tpu.memory_space<hbm>> -> memref<128xf32, #tpu.memory_space<hbm>>
      tpu.wait_dma2 semaphore(%run_scoped3A : memref<!tpu.dma_semaphore, #tpu.memory_space<semaphore_mem>>) src(%dma_wait3A_690 : memref<128xf32, #tpu.memory_space<hbm>>) dst(%arg25 : memref<128xf32, #tpu.memory_space<vmem>>)
      tpu.yield
    }) : () -> ()
    %scan3A_664 = arith.constant 0 : i32
    %scan3A_665 = arith.constant 0 : i32
    %scan3A_666 = arith.constant 128 : i32
    %scan3A_667 = arith.addi %scan3A_665, %scan3A_666 : i32
    %scan3A_668 = arith.constant 1 : i32
    scf.for %scan3A_687 = %scan3A_665 to %scan3A_667 step %scan3A_668  : i32 {
      %broadcast_in_dim3A = vector.broadcast %scan3A_687 : i32 to vector<16xi32>
      %gather3A = tpu.vector_load_idx %arg25[%broadcast_in_dim3A] : memref<128xf32, #tpu.memory_space<vmem>>[vector<16xi32>], vector<16xf32>,
      %get3A_688 = arith.index_cast %scan3A_687 : i32 to index
      %get3A_689 = arith.constant 0 : index
      %get3A_690 = tpu.vector_load %arg11[%get3A_688, %get3A_689] {strides = array<i32>} : memref<128x64xf32, #tpu.memory_space<vmem>>, vector<16xf32>,
      %get3A_691 = arith.index_cast %scan3A_687 : i32 to index
      %get3A_692 = arith.constant 0 : index
      %get3A_693 = tpu.vector_load %arg23[%get3A_691, %get3A_692] {strides = array<i32>} : memref<128x64xf32, #tpu.memory_space<vmem>>, vector<16xf32>,
      %add3A_694 = arith.addf %get3A_690, %get3A_693 : vector<16xf32>
      %mul3A_695 = arith.mulf %add3A_694, %gather3A : vector<16xf32>
      %add3A_696 = arith.addf %mul3A_695, %get3A_34 : vector<16xf32>
      %swap3A_697 = arith.index_cast %scan3A_687 : i32 to index
      %swap3A_698 = arith.constant 0 : index
      %swap3A_699 = tpu.vector_load %arg12[%swap3A_697, %swap3A_698] {strides = array<i32>} : memref<128x64xf32, #tpu.memory_space<vmem>>, vector<16xf32>,
      tpu.vector_store %arg12[%swap3A_697, %swap3A_698], %add3A_696 {strides = array<i32>} : memref<128x64xf32, #tpu.memory_space<vmem>>, vector<16xf32>,
      %get3A_700 = arith.index_cast %scan3A_687 : i32 to index
      %get3A_701 = arith.constant 16 : index
      %get3A_702 = tpu.vector_load %arg11[%get3A_700, %get3A_701] {strides = array<i32>} : memref<128x64xf32, #tpu.memory_space<vmem>>, vector<16xf32>,
      %get3A_703 = arith.index_cast %scan3A_687 : i32 to index
      %get3A_704 = arith.constant 16 : index
      %get3A_705 = tpu.vector_load %arg23[%get3A_703, %get3A_704] {strides = array<i32>} : memref<128x64xf32, #tpu.memory_space<vmem>>, vector<16xf32>,
      %add3A_706 = arith.addf %get3A_702, %get3A_705 : vector<16xf32>
      %mul3A_707 = arith.mulf %add3A_706, %gather3A : vector<16xf32>
      %add3A_708 = arith.addf %mul3A_707, %get3A_36 : vector<16xf32>
      %swap3A_709 = arith.index_cast %scan3A_687 : i32 to index
      %swap3A_710 = arith.constant 16 : index
      %swap3A_711 = tpu.vector_load %arg12[%swap3A_709, %swap3A_710] {strides = array<i32>} : memref<128x64xf32, #tpu.memory_space<vmem>>, vector<16xf32>,
      tpu.vector_store %arg12[%swap3A_709, %swap3A_710], %add3A_708 {strides = array<i32>} : memref<128x64xf32, #tpu.memory_space<vmem>>, vector<16xf32>,
      %get3A_712 = arith.index_cast %scan3A_687 : i32 to index
      %get3A_713 = arith.constant 32 : index
      %get3A_714 = tpu.vector_load %arg11[%get3A_712, %get3A_713] {strides = array<i32>} : memref<128x64xf32, #tpu.memory_space<vmem>>, vector<16xf32>,
      %get3A_715 = arith.index_cast %scan3A_687 : i32 to index
      %get3A_716 = arith.constant 32 : index
      %get3A_717 = tpu.vector_load %arg23[%get3A_715, %get3A_716] {strides = array<i32>} : memref<128x64xf32, #tpu.memory_space<vmem>>, vector<16xf32>,
      %add3A_718 = arith.addf %get3A_714, %get3A_717 : vector<16xf32>
      %mul3A_719 = arith.mulf %add3A_718, %gather3A : vector<16xf32>
      %add3A_720 = arith.addf %mul3A_719, %get3A_38 : vector<16xf32>
      %swap3A_721 = arith.index_cast %scan3A_687 : i32 to index
      %swap3A_722 = arith.constant 32 : index
      %swap3A_723 = tpu.vector_load %arg12[%swap3A_721, %swap3A_722] {strides = array<i32>} : memref<128x64xf32, #tpu.memory_space<vmem>>, vector<16xf32>,
      tpu.vector_store %arg12[%swap3A_721, %swap3A_722], %add3A_720 {strides = array<i32>} : memref<128x64xf32, #tpu.memory_space<vmem>>, vector<16xf32>,
      %get3A_724 = arith.index_cast %scan3A_687 : i32 to index
      %get3A_725 = arith.constant 48 : index
      %get3A_726 = tpu.vector_load %arg11[%get3A_724, %get3A_725] {strides = array<i32>} : memref<128x64xf32, #tpu.memory_space<vmem>>, vector<16xf32>,
      %get3A_727 = arith.index_cast %scan3A_687 : i32 to index
      %get3A_728 = arith.constant 48 : index
      %get3A_729 = tpu.vector_load %arg23[%get3A_727, %get3A_728] {strides = array<i32>} : memref<128x64xf32, #tpu.memory_space<vmem>>, vector<16xf32>,
      %add3A_730 = arith.addf %get3A_726, %get3A_729 : vector<16xf32>
      %mul3A_731 = arith.mulf %add3A_730, %gather3A : vector<16xf32>
      %add3A_732 = arith.addf %mul3A_731, %get3A_40 : vector<16xf32>
      %swap3A_733 = arith.index_cast %scan3A_687 : i32 to index
      %swap3A_734 = arith.constant 48 : index
      %swap3A_735 = tpu.vector_load %arg12[%swap3A_733, %swap3A_734] {strides = array<i32>} : memref<128x64xf32, #tpu.memory_space<vmem>>, vector<16xf32>,
      tpu.vector_store %arg12[%swap3A_733, %swap3A_734], %add3A_732 {strides = array<i32>} : memref<128x64xf32, #tpu.memory_space<vmem>>, vector<16xf32>,
    }
    %scan3A_669 = arith.constant 128 : i32
    %add3A_670 = arith.constant 128 : i32
    %add3A_671 = arith.addi %add3A_559, %add3A_670 : i32
    %le3A_672 = arith.constant 10000 : i32
    %le3A_673 = arith.cmpi sle, %add3A_671, %le3A_672 : i32
    %convert_element_type3A_674 = arith.extui %le3A_673 : i1 to i32
    %cond3A_675 = arith.constant 0 : i32
    %cond3A_676 = arith.cmpi ne, %convert_element_type3A_674, %cond3A_675 : i32
    scf.if %cond3A_676 {
      %mul3A_687 = arith.constant 64 : i32
      %mul3A_688 = arith.muli %arg0, %mul3A_687 : i32
      "tpu.region"() ({
        %run_scoped3A = tpu.sem_alloc : memref<!tpu.dma_semaphore, #tpu.memory_space<semaphore_mem>>
        %dma_start3A_689 = tpu.memref_slice %arg8[%add3A_559, %mul3A_688] : memref<10000x128xf32, #tpu.memory_space<hbm>> -> memref<128x64xf32, #tpu.memory_space<hbm>>
        %dma_start3A_690 = tpu.memref_slice %arg8[%add3A_559, %mul3A_688] : memref<10000x128xf32, #tpu.memory_space<hbm>> -> memref<128x64xf32, #tpu.memory_space<hbm>>
        tpu.enqueue_dma source(%arg12 : memref<128x64xf32, #tpu.memory_space<vmem>>) target(%dma_start3A_690 : memref<128x64xf32, #tpu.memory_space<hbm>>) target_semaphore(%run_scoped3A : memref<!tpu.dma_semaphore, #tpu.memory_space<semaphore_mem>>)
        %dma_wait3A_691 = tpu.memref_slice %arg8[%add3A_559, %mul3A_688] : memref<10000x128xf32, #tpu.memory_space<hbm>> -> memref<128x64xf32, #tpu.memory_space<hbm>>
        %dma_wait3A_692 = tpu.memref_slice %arg8[%add3A_559, %mul3A_688] : memref<10000x128xf32, #tpu.memory_space<hbm>> -> memref<128x64xf32, #tpu.memory_space<hbm>>
        tpu.wait_dma2 semaphore(%run_scoped3A : memref<!tpu.dma_semaphore, #tpu.memory_space<semaphore_mem>>) src(%arg12 : memref<128x64xf32, #tpu.memory_space<vmem>>) dst(%dma_wait3A_692 : memref<128x64xf32, #tpu.memory_space<hbm>>)
        tpu.yield
      }) : () -> ()
    } else {
    }
    %lt3A_677 = arith.constant 10000 : i32
    %lt3A_678 = arith.cmpi slt, %add3A_559, %lt3A_677 : i32
    %add3A_679 = arith.constant 128 : i32
    %add3A_680 = arith.addi %add3A_559, %add3A_679 : i32
    %gt3A_681 = arith.constant 10000 : i32
    %gt3A_682 = arith.cmpi sgt, %add3A_680, %gt3A_681 : i32
    %and3A_683 = arith.andi %lt3A_678, %gt3A_682 : i1
    %convert_element_type3A_684 = arith.extui %and3A_683 : i1 to i32
    %cond3A_685 = arith.constant 0 : i32
    %cond3A_686 = arith.cmpi ne, %convert_element_type3A_684, %cond3A_685 : i32
    scf.if %cond3A_686 {
      %mul3A_687 = arith.constant 64 : i32
      %mul3A_688 = arith.muli %arg0, %mul3A_687 : i32
      "tpu.region"() ({
        %run_scoped3A = tpu.sem_alloc : memref<!tpu.dma_semaphore, #tpu.memory_space<semaphore_mem>>
        %dma_start3A_689 = arith.constant 0 : i32
        %dma_start3A_690 = arith.constant 0 : i32
        %dma_start3A_691 = tpu.memref_slice %arg12[%dma_start3A_689, %dma_start3A_690] : memref<128x64xf32, #tpu.memory_space<vmem>> -> memref<16x64xf32, #tpu.memory_space<vmem>>
        %dma_start3A_692 = tpu.memref_slice %arg8[%add3A_559, %mul3A_688] : memref<10000x128xf32, #tpu.memory_space<hbm>> -> memref<16x64xf32, #tpu.memory_space<hbm>>
        %dma_start3A_693 = tpu.memref_slice %arg8[%add3A_559, %mul3A_688] : memref<10000x128xf32, #tpu.memory_space<hbm>> -> memref<16x64xf32, #tpu.memory_space<hbm>>
        %dma_start3A_694 = arith.constant 0 : i32
        %dma_start3A_695 = arith.constant 0 : i32
        %dma_start3A_696 = tpu.memref_slice %arg12[%dma_start3A_694, %dma_start3A_695] : memref<128x64xf32, #tpu.memory_space<vmem>> -> memref<16x64xf32, #tpu.memory_space<vmem>>
        tpu.enqueue_dma source(%dma_start3A_696 : memref<16x64xf32, #tpu.memory_space<vmem>>) target(%dma_start3A_693 : memref<16x64xf32, #tpu.memory_space<hbm>>) target_semaphore(%run_scoped3A : memref<!tpu.dma_semaphore, #tpu.memory_space<semaphore_mem>>)
        %dma_wait3A_697 = arith.constant 0 : i32
        %dma_wait3A_698 = arith.constant 0 : i32
        %dma_wait3A_699 = tpu.memref_slice %arg12[%dma_wait3A_697, %dma_wait3A_698] : memref<128x64xf32, #tpu.memory_space<vmem>> -> memref<16x64xf32, #tpu.memory_space<vmem>>
        %dma_wait3A_700 = tpu.memref_slice %arg8[%add3A_559, %mul3A_688] : memref<10000x128xf32, #tpu.memory_space<hbm>> -> memref<16x64xf32, #tpu.memory_space<hbm>>
        %dma_wait3A_701 = tpu.memref_slice %arg8[%add3A_559, %mul3A_688] : memref<10000x128xf32, #tpu.memory_space<hbm>> -> memref<16x64xf32, #tpu.memory_space<hbm>>
        %dma_wait3A_702 = arith.constant 0 : i32
        %dma_wait3A_703 = arith.constant 0 : i32
        %dma_wait3A_704 = tpu.memref_slice %arg12[%dma_wait3A_702, %dma_wait3A_703] : memref<128x64xf32, #tpu.memory_space<vmem>> -> memref<16x64xf32, #tpu.memory_space<vmem>>
        tpu.wait_dma2 semaphore(%run_scoped3A : memref<!tpu.dma_semaphore, #tpu.memory_space<semaphore_mem>>) src(%dma_wait3A_704 : memref<16x64xf32, #tpu.memory_space<vmem>>) dst(%dma_wait3A_701 : memref<16x64xf32, #tpu.memory_space<hbm>>)
        tpu.yield
      }) : () -> ()
    } else {
    }
    return
  }
}

module attributes {stable_mosaic.version = 14 : i64} {
  func.func @_mm1_body(%arg0: i32, %arg1: memref<2x512xf32, #tpu.memory_space<vmem>>, %arg2: memref<512x128xf32, #tpu.memory_space<vmem>>, %arg3: memref<128x256xf32, #tpu.memory_space<vmem>>, %arg4: memref<2x512x128xf32, #tpu.memory_space<vmem>>, %arg5: memref<512x1xf32, #tpu.memory_space<vmem>>) attributes {dimension_semantics = [#tpu.dimension_semantics<arbitrary>], iteration_bounds = array<i64: 20>, scalar_prefetch = 0 : i64, scratch_operands = 0 : i64, tpu.core_type = #tpu.core_type<tc>, window_params = [{transform_indices = @transform_0, window_bounds = array<i64: 2, 512>}, {transform_indices = @transform_1, window_bounds = array<i64: 512, 128>}, {pipeline_mode = #tpu.pipeline_mode<synchronous>, transform_indices = @transform_2, window_bounds = array<i64: 128, 256>}, {transform_indices = @transform_3, window_bounds = array<i64: 2, 512, 128>}, {transform_indices = @transform_4, window_bounds = array<i64: 512, 1>}]} {
    %get3A = arith.constant 0 : index
    %get3A_0 = arith.constant 0 : index
    %get3A_1 = vector.load %arg1[%get3A, %get3A_0] : memref<2x512xf32, #tpu.memory_space<vmem>>, vector<1x512xf32>
    %get3A_2 = vector.shape_cast %get3A_1 : vector<1x512xf32> to vector<512xf32>
    %get3A_3 = arith.constant 1 : index
    %get3A_4 = arith.constant 0 : index
    %get3A_5 = vector.load %arg1[%get3A_3, %get3A_4] : memref<2x512xf32, #tpu.memory_space<vmem>>, vector<1x512xf32>
    %get3A_6 = vector.shape_cast %get3A_5 : vector<1x512xf32> to vector<512xf32>
    %add3A = arith.addf %get3A_2, %get3A_6 : vector<512xf32>
    %add3A_7 = arith.constant 1.000000e+00 : f32
    %add3A_8 = vector.broadcast %add3A_7 : f32 to vector<512xf32>
    %add3A_9 = arith.addf %add3A, %add3A_8 : vector<512xf32>
    %rsqrt3A = math.rsqrt %add3A_9 : vector<512xf32>
    %broadcast_in_dim3A = vector.shape_cast %rsqrt3A : vector<512xf32> to vector<512x1xf32>
    %swap3A = arith.constant 0 : index
    %swap3A_10 = arith.constant 0 : index
    %swap3A_11 = vector.load %arg5[%swap3A, %swap3A_10] : memref<512x1xf32, #tpu.memory_space<vmem>>, vector<512x1xf32>
    tpu.vector_store %arg5[%swap3A, %swap3A_10], %broadcast_in_dim3A {strides = array<i32>} : memref<512x1xf32, #tpu.memory_space<vmem>>, vector<512x1xf32>,
    %get3A_12 = arith.constant 0 : index
    %get3A_13 = arith.constant 0 : index
    %get3A_14 = vector.load %arg2[%get3A_12, %get3A_13] : memref<512x128xf32, #tpu.memory_space<vmem>>, vector<512x128xf32>
    %get3A_15 = arith.constant 0 : index
    %get3A_16 = arith.constant 0 : index
    %get3A_17 = vector.load %arg3[%get3A_15, %get3A_16] : memref<128x256xf32, #tpu.memory_space<vmem>>, vector<128x256xf32>
    %dot_general3A = arith.constant dense<0.000000e+00> : vector<512x256xf32>
    %dot_general3A_18 = tpu.matmul %get3A_14, %get3A_17, %dot_general3A {dimension_numbers = #tpu.dot_dimension_numbers<[1], [0], [0], [1], [0, 0, 1, 1], [], []>, transpose_lhs_hint = false} : vector<512x128xf32>, vector<128x256xf32>, vector<512x256xf32> -> vector<512x256xf32>
    %mul3A = vector.broadcast %broadcast_in_dim3A : vector<512x1xf32> to vector<512x256xf32>
    %mul3A_19 = arith.mulf %mul3A, %dot_general3A_18 : vector<512x256xf32>
    %slice3A = vector.extract_strided_slice %mul3A_19 {offsets = [0, 0], sizes = [512, 128], strides = [1, 1]} : vector<512x256xf32> to vector<512x128xf32>
    %swap3A_20 = arith.constant 0 : index
    %swap3A_21 = arith.constant 0 : index
    %swap3A_22 = arith.constant 0 : index
    %swap3A_23 = vector.load %arg4[%swap3A_20, %swap3A_21, %swap3A_22] : memref<2x512x128xf32, #tpu.memory_space<vmem>>, vector<1x512x128xf32>
    %swap3A_24 = vector.shape_cast %swap3A_23 : vector<1x512x128xf32> to vector<512x128xf32>
    %swap3A_25 = vector.shape_cast %slice3A : vector<512x128xf32> to vector<1x512x128xf32>
    tpu.vector_store %arg4[%swap3A_20, %swap3A_21, %swap3A_22], %swap3A_25 {strides = array<i32>} : memref<2x512x128xf32, #tpu.memory_space<vmem>>, vector<1x512x128xf32>,
    %slice3A_26 = vector.extract_strided_slice %mul3A_19 {offsets = [0, 128], sizes = [512, 128], strides = [1, 1]} : vector<512x256xf32> to vector<512x128xf32>
    %swap3A_27 = arith.constant 1 : index
    %swap3A_28 = arith.constant 0 : index
    %swap3A_29 = arith.constant 0 : index
    %swap3A_30 = vector.load %arg4[%swap3A_27, %swap3A_28, %swap3A_29] : memref<2x512x128xf32, #tpu.memory_space<vmem>>, vector<1x512x128xf32>
    %swap3A_31 = vector.shape_cast %swap3A_30 : vector<1x512x128xf32> to vector<512x128xf32>
    %swap3A_32 = vector.shape_cast %slice3A_26 : vector<512x128xf32> to vector<1x512x128xf32>
    tpu.vector_store %arg4[%swap3A_27, %swap3A_28, %swap3A_29], %swap3A_32 {strides = array<i32>} : memref<2x512x128xf32, #tpu.memory_space<vmem>>, vector<1x512x128xf32>,
    return
  }
  func.func @transform_0(%arg0: i32) -> (i32, i32) {
    %c0_i32 = arith.constant 0 : i32
    %c0_i32_0 = arith.constant 0 : i32
    return %c0_i32, %arg0 : i32, i32
  }
  func.func @transform_1(%arg0: i32) -> (i32, i32) {
    %c0_i32 = arith.constant 0 : i32
    %c0_i32_0 = arith.constant 0 : i32
    return %arg0, %c0_i32 : i32, i32
  }
  func.func @transform_2(%arg0: i32) -> (i32, i32) {
    %c0_i32 = arith.constant 0 : i32
    %c0_i32_0 = arith.constant 0 : i32
    %c0_i32_1 = arith.constant 0 : i32
    return %c0_i32, %c0_i32_0 : i32, i32
  }
  func.func @transform_3(%arg0: i32) -> (i32, i32, i32) {
    %c0_i32 = arith.constant 0 : i32
    %c0_i32_0 = arith.constant 0 : i32
    %c0_i32_1 = arith.constant 0 : i32
    return %c0_i32, %arg0, %c0_i32_0 : i32, i32, i32
  }
  func.func @transform_4(%arg0: i32) -> (i32, i32) {
    %c0_i32 = arith.constant 0 : i32
    %c0_i32_0 = arith.constant 0 : i32
    return %arg0, %c0_i32 : i32, i32
  }
}

module attributes {stable_mosaic.version = 14 : i64} {
  func.func @_mm2_body(%arg0: i32, %arg1: memref<2x512x128xf32, #tpu.memory_space<vmem>>, %arg2: memref<2x512x128xf32, #tpu.memory_space<vmem>>, %arg3: memref<512x1xf32, #tpu.memory_space<vmem>>, %arg4: memref<1x256xf32, #tpu.memory_space<vmem>>, %arg5: memref<256x128xf32, #tpu.memory_space<vmem>>, %arg6: memref<512x128xf32, #tpu.memory_space<vmem>>) attributes {dimension_semantics = [#tpu.dimension_semantics<arbitrary>], iteration_bounds = array<i64: 20>, scalar_prefetch = 0 : i64, scratch_operands = 0 : i64, tpu.core_type = #tpu.core_type<tc>, window_params = [{transform_indices = @transform_0, window_bounds = array<i64: 2, 512, 128>}, {transform_indices = @transform_1, window_bounds = array<i64: 2, 512, 128>}, {transform_indices = @transform_2, window_bounds = array<i64: 512, 1>}, {pipeline_mode = #tpu.pipeline_mode<synchronous>, transform_indices = @transform_3, window_bounds = array<i64: 1, 256>}, {pipeline_mode = #tpu.pipeline_mode<synchronous>, transform_indices = @transform_4, window_bounds = array<i64: 256, 128>}, {transform_indices = @transform_5, window_bounds = array<i64: 512, 128>}]} {
    %get3A = arith.constant 0 : index
    %get3A_0 = arith.constant 0 : index
    %get3A_1 = vector.load %arg3[%get3A, %get3A_0] : memref<512x1xf32, #tpu.memory_space<vmem>>, vector<512x1xf32>
    %get3A_2 = arith.constant 0 : index
    %get3A_3 = arith.constant 0 : index
    %get3A_4 = arith.constant 0 : index
    %get3A_5 = vector.load %arg1[%get3A_2, %get3A_3, %get3A_4] : memref<2x512x128xf32, #tpu.memory_space<vmem>>, vector<1x512x128xf32>
    %get3A_6 = vector.shape_cast %get3A_5 : vector<1x512x128xf32> to vector<512x128xf32>
    %get3A_7 = arith.constant 0 : index
    %get3A_8 = arith.constant 0 : index
    %get3A_9 = arith.constant 0 : index
    %get3A_10 = vector.load %arg2[%get3A_7, %get3A_8, %get3A_9] : memref<2x512x128xf32, #tpu.memory_space<vmem>>, vector<1x512x128xf32>
    %get3A_11 = vector.shape_cast %get3A_10 : vector<1x512x128xf32> to vector<512x128xf32>
    %add3A = arith.addf %get3A_6, %get3A_11 : vector<512x128xf32>
    %get3A_12 = arith.constant 1 : index
    %get3A_13 = arith.constant 0 : index
    %get3A_14 = arith.constant 0 : index
    %get3A_15 = vector.load %arg1[%get3A_12, %get3A_13, %get3A_14] : memref<2x512x128xf32, #tpu.memory_space<vmem>>, vector<1x512x128xf32>
    %get3A_16 = vector.shape_cast %get3A_15 : vector<1x512x128xf32> to vector<512x128xf32>
    %get3A_17 = arith.constant 1 : index
    %get3A_18 = arith.constant 0 : index
    %get3A_19 = arith.constant 0 : index
    %get3A_20 = vector.load %arg2[%get3A_17, %get3A_18, %get3A_19] : memref<2x512x128xf32, #tpu.memory_space<vmem>>, vector<1x512x128xf32>
    %get3A_21 = vector.shape_cast %get3A_20 : vector<1x512x128xf32> to vector<512x128xf32>
    %add3A_22 = arith.addf %get3A_16, %get3A_21 : vector<512x128xf32>
    %concatenate3A = tpu.concatenate %add3A, %add3A_22 in 1 : vector<512x128xf32>, vector<512x128xf32> -> vector<512x256xf32>
    %mul3A = vector.broadcast %get3A_1 : vector<512x1xf32> to vector<512x256xf32>
    %mul3A_23 = arith.mulf %mul3A, %concatenate3A : vector<512x256xf32>
    %get3A_24 = arith.constant 0 : index
    %get3A_25 = arith.constant 0 : index
    %get3A_26 = vector.load %arg4[%get3A_24, %get3A_25] : memref<1x256xf32, #tpu.memory_space<vmem>>, vector<1x256xf32>
    %add3A_27 = vector.broadcast %get3A_26 : vector<1x256xf32> to vector<512x256xf32>
    %add3A_28 = arith.addf %mul3A_23, %add3A_27 : vector<512x256xf32>
    %max3A = arith.constant 0.000000e+00 : f32
    %max3A_29 = vector.broadcast %max3A : f32 to vector<512x256xf32>
    %max3A_30 = arith.maximumf %add3A_28, %max3A_29 : vector<512x256xf32>
    %get3A_31 = arith.constant 0 : index
    %get3A_32 = arith.constant 0 : index
    %get3A_33 = vector.load %arg5[%get3A_31, %get3A_32] : memref<256x128xf32, #tpu.memory_space<vmem>>, vector<256x128xf32>
    %dot_general3A = arith.constant dense<0.000000e+00> : vector<512x128xf32>
    %dot_general3A_34 = tpu.matmul %max3A_30, %get3A_33, %dot_general3A {dimension_numbers = #tpu.dot_dimension_numbers<[1], [0], [0], [1], [0, 0, 1, 1], [], []>, transpose_lhs_hint = false} : vector<512x256xf32>, vector<256x128xf32>, vector<512x128xf32> -> vector<512x128xf32>
    %mul3A_35 = vector.broadcast %get3A_1 : vector<512x1xf32> to vector<512x128xf32>
    %mul3A_36 = arith.mulf %mul3A_35, %dot_general3A_34 : vector<512x128xf32>
    %swap3A = arith.constant 0 : index
    %swap3A_37 = arith.constant 0 : index
    %swap3A_38 = vector.load %arg6[%swap3A, %swap3A_37] : memref<512x128xf32, #tpu.memory_space<vmem>>, vector<512x128xf32>
    tpu.vector_store %arg6[%swap3A, %swap3A_37], %mul3A_36 {strides = array<i32>} : memref<512x128xf32, #tpu.memory_space<vmem>>, vector<512x128xf32>,
    return
  }
  func.func @transform_0(%arg0: i32) -> (i32, i32, i32) {
    %c0_i32 = arith.constant 0 : i32
    %c0_i32_0 = arith.constant 0 : i32
    %c0_i32_1 = arith.constant 0 : i32
    return %c0_i32, %arg0, %c0_i32_0 : i32, i32, i32
  }
  func.func @transform_1(%arg0: i32) -> (i32, i32, i32) {
    %c0_i32 = arith.constant 0 : i32
    %c0_i32_0 = arith.constant 0 : i32
    %c0_i32_1 = arith.constant 0 : i32
    return %c0_i32, %arg0, %c0_i32_0 : i32, i32, i32
  }
  func.func @transform_2(%arg0: i32) -> (i32, i32) {
    %c0_i32 = arith.constant 0 : i32
    %c0_i32_0 = arith.constant 0 : i32
    return %arg0, %c0_i32 : i32, i32
  }
  func.func @transform_3(%arg0: i32) -> (i32, i32) {
    %c0_i32 = arith.constant 0 : i32
    %c0_i32_0 = arith.constant 0 : i32
    %c0_i32_1 = arith.constant 0 : i32
    return %c0_i32, %c0_i32_0 : i32, i32
  }
  func.func @transform_4(%arg0: i32) -> (i32, i32) {
    %c0_i32 = arith.constant 0 : i32
    %c0_i32_0 = arith.constant 0 : i32
    %c0_i32_1 = arith.constant 0 : i32
    return %c0_i32, %c0_i32_0 : i32, i32
  }
  func.func @transform_5(%arg0: i32) -> (i32, i32) {
    %c0_i32 = arith.constant 0 : i32
    %c0_i32_0 = arith.constant 0 : i32
    return %arg0, %c0_i32 : i32, i32
  }
}

</mosaic_0001>

<sc_bundles>
// kernel: kernel.10.cloned.1.call-start
scs
__scs_entry_jumppad:
0x0: {  	(pc) =	sbr.rel $0x88, $3  }
0x1: {  	(tag) =	ssettag $0x0;
	lr =	simm.s32 $0x1  }
0x2: {  	[smem:$0x3F9B] =	sst lr;
	_ =	strace $0xD0000000  }
0x3: {  	_ = 	snop  }
0x4: {  	_ = 	snop  }
0x5: {  	_ = 	snop  }
0x6: {  	_ = 	snop  }
0x7: {  	_ = 	snop  }
__scs_overlays_trampoline_lowered:
0x8: {  	[smem:$0x3FAA] =	sst s0  }
0x9: {  	[smem:$0x3FAB] =	sst s1  }
0xa: {  	[smem:$0x3FAC] =	sst s2  }
0xb: {  	[smem:$0x3FAD] =	sst s3  }
0xc: {  	[smem:$0x3FAE] =	sst s4  }
0xd: {  	[smem:$0x3FAF] =	sst s5  }
0xe: {  	[smem:$0x3FB0] =	sst s6  }
0xf: {  	[smem:$0x3FB1] =	sst s7  }
0x10: {  	[smem:$0x3FB2] =	sst s8  }
0x11: {  	[smem:$0x3FB3] =	sst s9;
	s0 =	simm.s32 @!p0 $0x0  }
0x12: {  	s1 =	sld [smem:$0x3F99];
	s0 =	simm.s32 @p0 $0x1  }
0x13: {  	[smem:$0x3FB4] =	sst s0;
	s0 =	simm.s32 @!p1 $0x0  }
0x14: {  	s2 =	sld [smem:$0x3F98];
	s0 =	simm.s32 @p1 $0x1  }
0x15: {  	[smem:$0x3FB5] =	sst s0;
	s0 =	simm.s32 @!p2 $0x0  }
0x16: {  	s3 =	sld [smem:$0x3FDB];
	s0 =	simm.s32 @p2 $0x1  }
0x17: {  	s4 =	simm.s32 $0x1BF5;
	[smem:$0x3FB7] =	sst s0  }
0x18: {  	s0 =	sld [smem:$0x3F9A];
	_ =	swait.ge [sflag:s4], $0x0  }
0x19: {  	s7 =	sld [smem:$0x3F9B]  }
0x1a: {  	s8 =	sadd.s32 $0xFFFFE003, lr  }
0x1b: {  	s9 =	sadd.s32 $0xFFFFFEF7, lr;
	s5 =	simm.s32 $0xFFFFFFFF;
	p2 =	slt.u32 s8, $0xFFFFF086  }
0x1c: {  	p1 =	slt.u32 s9, $0xF7A;
	s5 =	simm.s32 @!p2 $0x0  }
0x1d: {  	s5 =	simm.s32 @p1 $0x1;
	p0 =	seq.s32 s7, s2  }
0x1e: {  	s7 =	smul.u32 @!p0 $0xF7A, s2;
	p2 =	seq.s32 @!p0 s5, $0x0  }
0x1f: {  	s9 =	smul.u32 $0xF7A, s1;
	s8 =	simm.s32 @!p0 $0x1BF5;
	p2 =	por !p2, p0  }
0x20: {  	[sflag:s8] =	ssyncset.s32 @!p0 $0xFFFFF086;
	s6 =	sadd.s32 @!p0 s3, s7;
	s7 =	simm.s32 @!p0 $0x108  }
0x21: {  	s3 =	sadd.s32 s3, s9;
	s6 =	sadd.s32 @!p0 $0x88, s6;
	s7 =	simm.s32 @p2 $0x1082  }
0x22: {  	[simem:s7], [sflag:s8] =	dma.local @!p0 [hbm:s6], $0xF7A  }
0x23: {  	s9 =	sor.u32 $0xD0000000, s2;
	s6 =	simm.s32 $0x108;
	_ =	swait.ge @!p0 [sflag:s8], $0x0  }
0x24: {  	s3 =	sadd.s32 $0x88, s3;
	s6 =	simm.s32 @!p1 $0x1082;
	[sflag:s4] =	ssyncset.s32 $0xFFFFF086  }
0x25: {  	[simem:s6], [sflag:s4] =	dma.local [hbm:s3], $0xF7A  }
0x26: {  	[smem:$0x3F9B] =	sst s1;
	(tag) =	ssettag s2;
	_ =	strace s9  }
0x27: {  	s1 =	sld [smem:$0x3FAB]  }
0x28: {  	s2 =	sld [smem:$0x3FAC]  }
0x29: {  	s4 =	sld [smem:$0x3FAE]  }
0x2a: {  	p0 =	seq.s32 s5, $0x0;
	s5 =	sld [smem:$0x3FAF]  }
0x2b: {  	s6 =	sld [smem:$0x3FB0]  }
0x2c: {  	s7 =	sld [smem:$0x3FB1]  }
0x2d: {  	s3 =	simm.s32 $0x108;
	s8 =	sld [smem:$0x3FB2]  }
0x2e: {  	s3 =	simm.s32 @!p0 $0x1082;
	s9 =	sld [smem:$0x3FB3]  }
0x2f: {  	lr =	sadd.s32 s0, s3;
	s0 =	sld [smem:$0x3FAA]  }
0x30: {  	s3 =	sld [smem:$0x3FAD]  }
0x31: {  	[smem:$0x3FB6] =	sst s10  }
0x32: {  	s10 =	sld [smem:$0x3FB4];
	_ =	sdelay $0x3  }
0x33: {  	p0 =	seq.s32 s10, $0x1;
	s10 =	sld [smem:$0x3FB6];
	_ =	sdelay $0x3  }
0x34: {  	[smem:$0x3FB6] =	sst s10  }
0x35: {  	s10 =	sld [smem:$0x3FB5];
	_ =	sdelay $0x3  }
0x36: {  	p1 =	seq.s32 s10, $0x1;
	s10 =	sld [smem:$0x3FB6];
	_ =	sdelay $0x3  }
0x37: {  	[smem:$0x3FB6] =	sst s10  }
0x38: {  	s10 =	sld [smem:$0x3FB7]  }
0x39: {  	_ = 	snop;
	(pc) =	sbr.ind lr, $3  }
0x3a: {  	_ = 	snop  }
0x3b: {  	_ = 	snop  }
0x3c: {  	p2 =	seq.s32 s10, $0x1;
	s10 =	sld [smem:$0x3FB6]  }
0x3d: {  	_ =	shalt  }
0x3e: {  	_ =	shalt  }
0x3f: {  	_ =	shalt  }
0x40: {  	_ =	shalt  }
0x41: {  	_ =	shalt  }
0x42: {  	_ =	shalt  }
0x43: {  	_ =	shalt  }
0x44: {  	_ =	shalt  }
0x45: {  	_ =	shalt  }
0x46: {  	_ =	shalt  }
0x47: {  	_ =	shalt  }
0x48: {  	_ =	shalt  }
0x49: {  	_ =	shalt  }
0x4a: {  	_ =	shalt  }
0x4b: {  	_ =	shalt  }
0x4c: {  	_ =	shalt  }
0x4d: {  	_ =	shalt  }
0x4e: {  	_ =	shalt  }
0x4f: {  	_ =	shalt  }
0x50: {  	_ =	shalt  }
0x51: {  	_ =	shalt  }
0x52: {  	_ =	shalt  }
0x53: {  	_ =	shalt  }
0x54: {  	_ =	shalt  }
0x55: {  	_ =	shalt  }
0x56: {  	_ =	shalt  }
0x57: {  	_ =	shalt  }
0x58: {  	_ =	shalt  }
0x59: {  	_ =	shalt  }
0x5a: {  	_ =	shalt  }
0x5b: {  	_ =	shalt  }
0x5c: {  	_ =	shalt  }
0x5d: {  	_ =	shalt  }
0x5e: {  	_ =	shalt  }
0x5f: {  	_ =	shalt  }
0x60: {  	_ =	shalt  }
0x61: {  	_ =	shalt  }
0x62: {  	_ =	shalt  }
0x63: {  	_ =	shalt  }
0x64: {  	_ =	shalt  }
0x65: {  	_ =	shalt  }
0x66: {  	_ =	shalt  }
0x67: {  	_ =	shalt  }
0x68: {  	_ =	shalt  }
0x69: {  	_ =	shalt  }
0x6a: {  	_ =	shalt  }
0x6b: {  	_ =	shalt  }
0x6c: {  	_ =	shalt  }
0x6d: {  	_ =	shalt  }
0x6e: {  	_ =	shalt  }
0x6f: {  	_ =	shalt  }
0x70: {  	_ =	shalt  }
0x71: {  	_ =	shalt  }
0x72: {  	_ =	shalt  }
0x73: {  	_ =	shalt  }
0x74: {  	_ =	shalt  }
0x75: {  	_ =	shalt  }
0x76: {  	_ =	shalt  }
0x77: {  	_ =	shalt  }
0x78: {  	_ =	shalt  }
0x79: {  	_ =	shalt  }
0x7a: {  	_ =	shalt  }
0x7b: {  	_ =	shalt  }
0x7c: {  	_ =	shalt  }
0x7d: {  	_ =	shalt  }
0x7e: {  	_ =	shalt  }
0x7f: {  	_ =	shalt  }
0x80: {  	_ =	shalt  }
0x81: {  	_ =	shalt  }
0x82: {  	_ =	shalt  }
0x83: {  	_ =	shalt  }
0x84: {  	_ =	shalt  }
0x85: {  	_ =	shalt  }
0x86: {  	_ =	shalt  }
0x87: {  	_ =	shalt  }
.Lfunc_end0:
.L_simem_size_0:
called_computation.1_lowered:
.L_overlay_start_0:
0x88: {  	s2 =	sld [smem:$0x3FD9]  }
0x89: {  	s3 =	sld [smem:$0x3FFE];
	_ =	sdelay $0x1  }
0x8a: {  	s1 =	srdreg.scid  }
0x8b: {  	s0 =	sand.u32 $0x1, s1  }
0x8c: {  	s16 =	sshll.u32 s0, $0xA;
	s2 =	sadd.s32 s3, s2  }
0x8d: {  	s2 =	sadd.s32 s2, s16  }
0x8e: {  	[smem:$0x3FC2] =	sst s2  }
0x8f: {  	_ = 	snop  }
0x90: {  	(tm) =	ssettm $0x1  }
0x91: {  	s17 =	sld [smem:$0x3FFB];
	_ =	sdelay $0x3  }
0x92: {  	_ =	strace s17  }
0x93: {  	s2 =	sld [smem:$0x3FFC];
	_ =	sdelay $0x3  }
0x94: {  	_ =	strace s2  }
0x95: {  	s2 =	sld [smem:$0x3FFD];
	_ =	sdelay $0x3  }
0x96: {  	_ =	strace s2  }
0x97: {  	_ =	strace $0x8FFFFFFF  }
0x98: {  	s18 =	sld [smem:$0x3FDB];
	_ =	sdelay $0x1  }
0x99: {  	s19 =	simm.s32 $_scs_section_size  }
0x9a: {  	s4 =	simm.s32 $_size__tile_overlayer_lowered;
	s5 =	simm.s32 $_tile_overlayer_lowered  }
0x9b: {  	s22 =	simm.s32 $0x1BFF;
	s21 =	sshll.u32 s5, $0x1;
	s2 =	sadd.s32 s19, s18  }
0x9c: {  	s6 =	simm.s32 $0x0;
	s20 =	sshll.u32 s4, $0x1;
	s4 =	sadd.s32 s21, s2  }
0x9d: {  	[timem:s6], [sflag:s22] =	dma.local [hbm:s4], s20  }
0x9e: {  	_ =	swait.ge [sflag:s22], s20  }
0x9f: {  	s3 =	ssub.s32 $0x0, s20;
	[sflag:s22] =	ssyncset.done $0x0  }
0xa0: {  	[sflag:s22] =	ssyncadd.s32 s3;
	_ =	sdelay $0x1  }
0xa1: {  	s23 =	simm.s32 $0x1B8B  }
0xa2: {  	_ =	swait.ge [sflag:s23], $0x1  }
0xa3: {  	[sflag:s23] =	ssyncset.done $0x0  }
0xa4: {  	s25 =	simm.s32 $0x1B8E;
	s24 =	sld [smem:$0x3FFE];
	[sflag:s23] =	ssyncadd.s32 $0xFFFFFFFF  }
0xa5: {  	s26 =	simm.s32 $execute0_lowered;
	[smem:$0x3FD2] =	sst s25  }
0xa6: {  	s4 =	sshll.u32 s26, $0x1;
	_ =	strace $0x80000049;
	[dreg:$0x1] =	wrdreg $0xFFFFFFFF  }
0xa7: {  	s28 =	simm.s32 $_size_execute0_lowered;
	s2 =	sadd.s32 s2, s4;
	[dreg:$0x0] =	wrdreg $0x0  }
0xa8: {  	s4 =	sshll.u32 s28, $0x1;
	[dreg:$0x2] =	wrdreg s2  }
0xa9: {  	[dreg:$0x3] =	wrdreg s4  }
0xaa: {  	[dreg:$0x4] =	wrdreg $0xC0  }
0xab: {  	_ =	task [dreg:s6], $0x5FFFF  }
0xac: {  	[dreg:$0x1] =	wrdreg $0xFFFFFFFF  }
0xad: {  	[dreg:$0x0] =	wrdreg $0x60  }
0xae: {  	[dreg:$0x2] =	wrdreg s24  }
0xaf: {  	[dreg:$0x3] =	wrdreg $0x120000  }
0xb0: {  	[dreg:$0x4] =	wrdreg $0x9  }
0xb1: {  	_ =	task.clear_ibuf [dreg:s6], $0x5FFFF;
	_ =	strace $0x90000049  }
0xb2: {  	s29 =	simm.s32 $0x9;
	_ =	strace $0x8000004B  }
0xb3: {  	_ =	swait.ge [sflag:s29], $0x1  }
0xb4: {  	[sflag:s29] =	ssyncadd.s32 $0xFFFFFFFF  }
0xb5: {  	_ =	strace $0x9000004B  }
0xb6: {  	_ =	sfence  }
0xb7: {  	s30 =	sld [smem:$0x0];
	_ =	sdelay $0x2  }
0xb8: {  	s31 =	sshll.u32 s1, $0xD;
	s1 =	sshrl.u32 s1, $0x2  }
0xb9: {  	s3 =	sand.u32 $0x4000, s31;
	s1 =	sadd.s32 s1, s30  }
0xba: {  	s0 =	sor.u32 s3, s0;
	s1 =	sshll.u32 s1, $0x11  }
0xbb: {  	s0 =	sor.u32 s1, s0  }
0xbc: {  	s0 =	sadd.s32 $0x8F2B, s0  }
0xbd: {  	[sflag:s0] =	ssyncadd.remote.s32 $0x1  }
0xbe: {  	_ =	sfence.sel $0xFFFF  }
0xbf: {  	[dreg:$0x0] =	wrdreg $0xFFFFFFFF;
	(pc) =	sbr.abs _section_cstart, $3  }
0xc0: {  	[dreg:$0x1] =	wrdreg $0xFFFFFFFF  }
0xc1: {  	_ =	task.clear_ibuf [dreg:s6], $0x2FFFF;
	_ =	strace $0x9FFFFFFF  }
0xc2: {  	(tm) =	ssettm $0x7FFFFFFF  }
0xc3: {  	_ =	shalt  }
tec
execute0_lowered:
.L_overlay_start_1:
0x0: {  	(tag) =	ssettag $0x1  }
0x1: {  	s0 =	rddreg [dreg:$0x0];
	s1 =	srdreg.scid  }
0x2: {  	s10 =	stileid.u32;
	s2 =	rddreg [dreg:$0x1];
	s3 =	simm.s32 $0x0  }
0x3: {  	s12 =	simm.s32 $0x5000;
	s13 =	simm.s32 $0x9;
	s16 =	simm.s32 $0x80  }
0x4: {  	s17 =	simm.s32 $0xA000;
	s28 =	simm.s32 $0x5100;
	s5 =	smul.u32 $0x5000, s10  }
0x5: {  	s29 =	simm.s32 $0x5;
	s30 =	simm.s32 $0x200;
	s8 =	smul.u32 $0x14000, s10  }
0x6: {  	s31 =	simm.s32 $0x4;
	s1 =	sand.u32 $0x1, s1;
	s19 =	smul.u32 $0x28000, s10  }
0x7: {  	[smem:$0x7FF] =	sst s3;
	s26 =	sshll.u32 s10, $0x6;
	s4 =	smul.u32 $0xA0000, s1  }
0x8: {  	s10 =	simm.s32 $0x0;
	s6 =	smul.u32 $0x140000, s1;
	_ =	strace $0x8000004A  }
0x9: {  	s1 =	ssub.s32 $0x2, s1;
	s14 =	sor.u32 $0x1C09, s26;
	s26 =	simm.s32 $0x3  }
0xa: {  	s20 =	sshrl.u32 s1, $0x1;
	s22 =	sshrl.u32 s19, $0x2;
	s19 =	simm.s32 $0x1  }
0xb: {  	s7 =	sadd.s32 s5, s4;
	s4 =	sadd.s32 $0x33600, s0;
	s5 =	sshrl.u32 s5, $0x3  }
0xc: {  	s18 =	sadd.s32 s8, s6;
	s1 =	ssub.s32 s1, s20;
	s8 =	simm.s32 $0x8  }
0xd: {  	s7 =	sshrl.u32 s7, $0x3;
	s9 =	sadd.s32 s5, s0;
	s6 =	sshrl.u32 s18, $0x3  }
0xe: {  	s5 =	sadd.s32 $0x83600, s0;
	s25 =	smax.u32 s1, $0x1;
	s18 =	simm.s32 $0xC000  }
0xf: {  	s1 =	simm.s32 $0x5180;
	s7 =	sadd.s32 s7, s0;
	s0 =	sadd.s32 s6, s0  }
0x10: {  	s21 =	sadd.s32 $0x1200, s9;
	s6 =	sadd.s32 s22, s2;
	[dreg:$0x8] =	wrdreg s25  }
0x11: {  	s22 =	simm.s32 $0x2;
	s25 =	simm.s32 $0x10000;
	s9 =	simm.s32 $0x10  }
.Ltmp0:
0x12: {  	[dreg:$0x3] =	wrdreg s21;
	s23 =	sadd.s32 $0xB600, s7;
	(pc) =	sbr.rel .LBB2_1-.Ltmp0, $4  }
0x13: {  	s24 =	sadd.s32 $0x84A00, s0;
	s7 =	sadd.s32 $0x15600, s7;
	[dreg:$0x4] =	wrdreg s23  }
0x14: {  	s0 =	sadd.s32 $0x84A08, s0;
	s15 =	sshrl.u32 s6, $0x3;
	[dreg:$0x5] =	wrdreg s24  }
0x15: {  	s21 =	simm.s32 $0xE000;
	s6 =	simm.s32 $0x280;
	[dreg:$0x6] =	wrdreg s7  }
0x16: {  	[dreg:$0x7] =	wrdreg s0;
	s0 =	simm.s32 $0x6;
	s7 =	simm.s32 $0x7  }
.LBB2_7:
0x17: {  	_ =	swait.ge [sflag:s31], $0x2000  }
0x18: {  	[sflag:s31] =	ssyncset.done $0x0  }
0x19: {  	[sflag:s31] =	ssyncadd.s32 $0xFFFFE000  }
0x1a: {  	[spmem:s2] =	stream.indirect.scatter.add.f32 [tilespmem:s25], [sflag:$0x8], $0x40, s23, s16, $0xb8;
	[tilespmem:$0x1C000] =	vst v63  }
0x1b: {  	_ =	swait.ge [sflag:s0], $0x2000  }
0x1c: {  	[sflag:s0] =	ssyncset.done $0x0  }
0x1d: {  	[sflag:s0] =	ssyncadd.s32 $0xFFFFE000  }
0x1e: {  	_ =	swait.ge [sflag:s7], $0x2000  }
0x1f: {  	[sflag:s7] =	ssyncset.done $0x0  }
0x20: {  	[sflag:s7] =	ssyncadd.s32 $0xFFFFE000  }
0x21: {  	_ =	swait.ge [sflag:s8], $0x2000  }
0x22: {  	[sflag:s8] =	ssyncset.done $0x0  }
0x23: {  	[sflag:s8] =	ssyncadd.s32 $0xFFFFE000  }
0x24: {  	[bflag:$0x0] =	sbarrier.arrive $0xFFFF  }
0x25: {  	s11 =	rddreg [dreg:$0x7]  }
0x26: {  	[hbm:s11@s9], [sflag:s14] =	dma.strided [spmem:s15@s8], $0x1400, s19, $0x8   }
0x27: {  	_ =	swait.ge [sflag:s13], $0x1400  }
0x28: {  	s10 =	sadd.s32 $0x1, s10;
	s24 =	rddreg [dreg:$0x8]  }
0x29: {  	p0 =	sne.s32 s10, s24  }
.Ltmp1:
0x2a: {  	_ = 	snop;
	(pc) =	sbr.rel @!p0 .LBB2_8-.Ltmp1, $3  }
0x2b: {  	_ =	sdelay $0x1  }
0x2c: {  	[sflag:s13] =	ssyncset.done $0x0  }
0x2d: {  	[sflag:s13] =	ssyncadd.s32 $0xFFFFEC00  }
.LBB2_1:
0x2e: {  	s11 =	rddreg [dreg:$0x3]  }
0x2f: {  	[tilespmem:s12], [sflag:$0x9] =	stream.linear.gather [hbm4b:s11+s3], $0x5000, $0x38;
	[tilespmem:$0x1C000] =	vst v63  }
0x30: {  	_ =	swait.ge [sflag:s13], $0x5000  }
0x31: {  	[sflag:s13] =	ssyncset.done $0x0  }
0x32: {  	[sflag:s13] =	ssyncadd.s32 $0xFFFFB000  }
0x33: {  	[spmem:s15], [sflag:s14] =	dma.local [hbm:s5], $0x1400  }
0x34: {  	_ =	swait.ge [sflag:s13], $0x1400  }
0x35: {  	[sflag:s13] =	ssyncset.done $0x0  }
0x36: {  	s24 =	rddreg [dreg:$0x4];
	[sflag:s13] =	ssyncadd.s32 $0xFFFFEC00  }
0x37: {  	[tilespmem:s3], [sflag:$0x9] =	stream.linear.gather [hbm4b:s24+s3], $0x5000, $0x38;
	[tilespmem:$0x1C000] =	vst v63  }
0x38: {  	_ =	swait.ge [sflag:s13], $0x5000  }
0x39: {  	[sflag:s13] =	ssyncset.done $0x0  }
0x3a: {  	[sflag:s13] =	ssyncadd.s32 $0xFFFFB000  }
0x3b: {  	[bflag:$0x0] =	sbarrier.arrive $0xFFFF  }
0x3c: {  	[tilespmem:s17], [sflag:$0x1] =	stream.indirect.gather [hbm4b:s4+s16], $0x40, s3, s16, $0xb8;
	[tilespmem:$0x1C000] =	vst v63  }
0x3d: {  	_ = 	snop  }
0x3e: {  	[tilespmem:s18], [sflag:$0x2] =	stream.indirect.gather [hbm4b:s4+s16], $0x40, s16, s16, $0xb8;
	[tilespmem:$0x1C000] =	vst v63  }
0x3f: {  	_ =	swait.ge [sflag:s19], $0x2000  }
0x40: {  	[sflag:s19] =	ssyncset.done $0x0  }
0x41: {  	[sflag:s19] =	ssyncadd.s32 $0xFFFFE000  }
0x42: {  	[spmem:s2] =	stream.indirect.scatter.add.f32 [tilespmem:s17], [sflag:$0x5], $0x40, s12, s16, $0xb8;
	[tilespmem:$0x1C000] =	vst v63  }
0x43: {  	s20 =	simm.s32 $0x100  }
0x44: {  	[tilespmem:s21], [sflag:$0x3] =	stream.indirect.gather [hbm4b:s4+s16], $0x40, s20, s16, $0xb8;
	[tilespmem:$0x1C000] =	vst v63  }
0x45: {  	_ =	swait.ge [sflag:s22], $0x2000  }
0x46: {  	[sflag:s22] =	ssyncset.done $0x0  }
0x47: {  	s23 =	simm.s32 $0x5080;
	[sflag:s22] =	ssyncadd.s32 $0xFFFFE000  }
0x48: {  	[spmem:s2] =	stream.indirect.scatter.add.f32 [tilespmem:s18], [sflag:$0x6], $0x40, s23, s16, $0xb8;
	[tilespmem:$0x1C000] =	vst v63  }
0x49: {  	s24 =	simm.s32 $0x180  }
0x4a: {  	[tilespmem:s25], [sflag:$0x4] =	stream.indirect.gather [hbm4b:s4+s16], $0x40, s24, s16, $0xb8;
	[tilespmem:$0x1C000] =	vst v63  }
0x4b: {  	_ =	swait.ge [sflag:s26], $0x2000  }
0x4c: {  	[sflag:s26] =	ssyncset.done $0x0  }
0x4d: {  	[sflag:s26] =	ssyncadd.s32 $0xFFFFE000  }
0x4e: {  	[spmem:s2] =	stream.indirect.scatter.add.f32 [tilespmem:s21], [sflag:$0x7], $0x40, s28, s16, $0xb8;
	[tilespmem:$0x1C000] =	vst v63  }
0x4f: {  	_ =	swait.ge [sflag:s29], $0x2000  }
0x50: {  	[sflag:s29] =	ssyncset.done $0x0  }
0x51: {  	[sflag:s29] =	ssyncadd.s32 $0xFFFFE000  }
0x52: {  	[tilespmem:s17], [sflag:$0x1] =	stream.indirect.gather [hbm4b:s4+s16], $0x40, s30, s16, $0xb8;
	[tilespmem:$0x1C000] =	vst v63  }
0x53: {  	_ =	swait.ge [sflag:s31], $0x2000  }
0x54: {  	[sflag:s31] =	ssyncset.done $0x0  }
0x55: {  	[sflag:s31] =	ssyncadd.s32 $0xFFFFE000  }
0x56: {  	[spmem:s2] =	stream.indirect.scatter.add.f32 [tilespmem:s25], [sflag:$0x8], $0x40, s1, s16, $0xb8;
	[tilespmem:$0x1C000] =	vst v63  }
0x57: {  	_ =	swait.ge [sflag:s0], $0x2000  }
0x58: {  	[sflag:s0] =	ssyncset.done $0x0  }
0x59: {  	s11 =	simm.s32 $0x0;
	[sflag:s0] =	ssyncadd.s32 $0xFFFFE000  }
0x5a: {  	[tilespmem:s18], [sflag:$0x2] =	stream.indirect.gather [hbm4b:s4+s16], $0x40, s6, s16, $0xb8;
	[tilespmem:$0x1C000] =	vst v63  }
.LBB2_2:
0x5b: {  	_ =	swait.ge [sflag:s19], $0x2000  }
0x5c: {  	s20 =	sshra.s32 s11, $0x2;
	[sflag:s19] =	ssyncset.done $0x0  }
0x5d: {  	s23 =	sadd.s32 $0x5200, s20;
	[sflag:s19] =	ssyncadd.s32 $0xFFFFE000  }
0x5e: {  	[spmem:s2] =	stream.indirect.scatter.add.f32 [tilespmem:s17], [sflag:$0x5], $0x40, s23, s16, $0xb8;
	[tilespmem:$0x1C000] =	vst v63  }
0x5f: {  	_ =	swait.ge [sflag:s7], $0x2000  }
0x60: {  	[sflag:s7] =	ssyncset.done $0x0  }
0x61: {  	s24 =	sadd.s32 $0x300, s20;
	[sflag:s7] =	ssyncadd.s32 $0xFFFFE000  }
0x62: {  	[tilespmem:s21], [sflag:$0x3] =	stream.indirect.gather [hbm4b:s4+s16], $0x40, s24, s16, $0xb8;
	[tilespmem:$0x1C000] =	vst v63  }
0x63: {  	_ =	swait.ge [sflag:s22], $0x2000  }
0x64: {  	[sflag:s22] =	ssyncset.done $0x0  }
0x65: {  	s24 =	sadd.s32 $0x5280, s20;
	[sflag:s22] =	ssyncadd.s32 $0xFFFFE000  }
0x66: {  	[spmem:s2] =	stream.indirect.scatter.add.f32 [tilespmem:s18], [sflag:$0x6], $0x40, s24, s16, $0xb8;
	[tilespmem:$0x1C000] =	vst v63  }
0x67: {  	_ =	swait.ge [sflag:s8], $0x2000  }
0x68: {  	[sflag:s8] =	ssyncset.done $0x0  }
0x69: {  	s24 =	sadd.s32 $0x380, s20;
	[sflag:s8] =	ssyncadd.s32 $0xFFFFE000  }
0x6a: {  	[tilespmem:s25], [sflag:$0x4] =	stream.indirect.gather [hbm4b:s4+s16], $0x40, s24, s16, $0xb8;
	[tilespmem:$0x1C000] =	vst v63  }
0x6b: {  	_ =	swait.ge [sflag:s26], $0x2000  }
0x6c: {  	p0 =	seq.s32 s11, $0x13000;
	[sflag:s26] =	ssyncset.done $0x0  }
.Ltmp2:
0x6d: {  	s24 =	sadd.s32 $0x5300, s20;
	[sflag:s26] =	ssyncadd.s32 $0xFFFFE000;
	(pc) =	sbr.rel @p0 .LBB2_4-.Ltmp2, $4  }
0x6e: {  	[spmem:s2] =	stream.indirect.scatter.add.f32 [tilespmem:s21], [sflag:$0x7], $0x40, s24, s16, $0xb8;
	[tilespmem:$0x1C000] =	vst v63  }
0x6f: {  	_ =	swait.ge [sflag:s29], $0x2000  }
0x70: {  	[sflag:s29] =	ssyncset.done $0x0  }
0x71: {  	s23 =	sadd.s32 $0x5380, s20;
	[sflag:s29] =	ssyncadd.s32 $0xFFFFE000  }
0x72: {  	s24 =	sadd.s32 $0x400, s20  }
0x73: {  	[tilespmem:s17], [sflag:$0x1] =	stream.indirect.gather [hbm4b:s4+s16], $0x40, s24, s16, $0xb8;
	[tilespmem:$0x1C000] =	vst v63  }
0x74: {  	_ =	swait.ge [sflag:s31], $0x2000  }
0x75: {  	[sflag:s31] =	ssyncset.done $0x0  }
0x76: {  	[sflag:s31] =	ssyncadd.s32 $0xFFFFE000  }
0x77: {  	[spmem:s2] =	stream.indirect.scatter.add.f32 [tilespmem:s25], [sflag:$0x8], $0x40, s23, s16, $0xb8;
	[tilespmem:$0x1C000] =	vst v63  }
.Ltmp3:
0x78: {  	_ = 	snop;
	(pc) =	sbr.rel .LBB2_2-.Ltmp3, $4  }
0x79: {  	_ =	swait.ge [sflag:s0], $0x2000  }
0x7a: {  	[sflag:s0] =	ssyncset.done $0x0  }
0x7b: {  	s11 =	sadd.s32 $0x800, s11;
	s24 =	sadd.s32 $0x480, s20;
	[sflag:s0] =	ssyncadd.s32 $0xFFFFE000  }
0x7c: {  	[tilespmem:s18], [sflag:$0x2] =	stream.indirect.gather [hbm4b:s4+s16], $0x40, s24, s16, $0xb8;
	[tilespmem:$0x1C000] =	vst v63  }
.LBB2_4:
0x7d: {  	_ =	swait.ge [sflag:s31], $0x2000  }
0x7e: {  	[sflag:s31] =	ssyncset.done $0x0  }
0x7f: {  	[sflag:s31] =	ssyncadd.s32 $0xFFFFE000  }
0x80: {  	[spmem:s2] =	stream.indirect.scatter.add.f32 [tilespmem:s25], [sflag:$0x8], $0x40, s23, s16, $0xb8;
	[tilespmem:$0x1C000] =	vst v63  }
0x81: {  	_ =	swait.ge [sflag:s0], $0x2000  }
0x82: {  	[sflag:s0] =	ssyncset.done $0x0  }
0x83: {  	[sflag:s0] =	ssyncadd.s32 $0xFFFFE000  }
0x84: {  	_ =	swait.ge [sflag:s7], $0x2000  }
0x85: {  	[sflag:s7] =	ssyncset.done $0x0  }
0x86: {  	[sflag:s7] =	ssyncadd.s32 $0xFFFFE000  }
0x87: {  	_ =	swait.ge [sflag:s8], $0x2000  }
0x88: {  	[sflag:s8] =	ssyncset.done $0x0  }
0x89: {  	[sflag:s8] =	ssyncadd.s32 $0xFFFFE000  }
0x8a: {  	[bflag:$0x0] =	sbarrier.arrive $0xFFFF  }
0x8b: {  	s11 =	rddreg [dreg:$0x5]  }
0x8c: {  	[hbm:s11@s9], [sflag:s14] =	dma.strided [spmem:s15@s8], $0x1400, s19, $0x8   }
0x8d: {  	_ =	swait.ge [sflag:s13], $0x1400  }
0x8e: {  	[sflag:s13] =	ssyncset.done $0x0  }
0x8f: {  	[sflag:s13] =	ssyncadd.s32 $0xFFFFEC00  }
0x90: {  	[bflag:$0x0] =	sbarrier.arrive $0xFFFF  }
0x91: {  	[spmem:s15], [sflag:s14] =	dma.local [hbm:s5], $0x1400  }
0x92: {  	_ =	swait.ge [sflag:s13], $0x1400  }
0x93: {  	[sflag:s13] =	ssyncset.done $0x0  }
0x94: {  	s11 =	simm.s32 $0x0;
	s20 =	rddreg [dreg:$0x6];
	[sflag:s13] =	ssyncadd.s32 $0xFFFFEC00  }
0x95: {  	[tilespmem:s11], [sflag:$0x9] =	stream.linear.gather [hbm4b:s20+s11], $0x5000, $0x38;
	[tilespmem:$0x1C000] =	vst v63  }
0x96: {  	_ =	swait.ge [sflag:s13], $0x5000  }
0x97: {  	[sflag:s13] =	ssyncset.done $0x0  }
0x98: {  	[sflag:s13] =	ssyncadd.s32 $0xFFFFB000  }
0x99: {  	[bflag:$0x0] =	sbarrier.arrive $0xFFFF  }
0x9a: {  	[tilespmem:s17], [sflag:$0x1] =	stream.indirect.gather [hbm4b:s4+s16], $0x40, s11, s16, $0xb8;
	[tilespmem:$0x1C000] =	vst v63  }
0x9b: {  	_ = 	snop  }
0x9c: {  	[tilespmem:s18], [sflag:$0x2] =	stream.indirect.gather [hbm4b:s4+s16], $0x40, s16, s16, $0xb8;
	[tilespmem:$0x1C000] =	vst v63  }
0x9d: {  	_ =	swait.ge [sflag:s19], $0x2000  }
0x9e: {  	[sflag:s19] =	ssyncset.done $0x0  }
0x9f: {  	[sflag:s19] =	ssyncadd.s32 $0xFFFFE000  }
0xa0: {  	[spmem:s2] =	stream.indirect.scatter.add.f32 [tilespmem:s17], [sflag:$0x5], $0x40, s12, s16, $0xb8;
	[tilespmem:$0x1C000] =	vst v63  }
0xa1: {  	s24 =	simm.s32 $0x100  }
0xa2: {  	[tilespmem:s21], [sflag:$0x3] =	stream.indirect.gather [hbm4b:s4+s16], $0x40, s24, s16, $0xb8;
	[tilespmem:$0x1C000] =	vst v63  }
0xa3: {  	_ =	swait.ge [sflag:s22], $0x2000  }
0xa4: {  	[sflag:s22] =	ssyncset.done $0x0  }
0xa5: {  	s23 =	simm.s32 $0x5080;
	[sflag:s22] =	ssyncadd.s32 $0xFFFFE000  }
0xa6: {  	[spmem:s2] =	stream.indirect.scatter.add.f32 [tilespmem:s18], [sflag:$0x6], $0x40, s23, s16, $0xb8;
	[tilespmem:$0x1C000] =	vst v63  }
0xa7: {  	s24 =	simm.s32 $0x180  }
0xa8: {  	[tilespmem:s25], [sflag:$0x4] =	stream.indirect.gather [hbm4b:s4+s16], $0x40, s24, s16, $0xb8;
	[tilespmem:$0x1C000] =	vst v63  }
0xa9: {  	_ =	swait.ge [sflag:s26], $0x2000  }
0xaa: {  	[sflag:s26] =	ssyncset.done $0x0  }
0xab: {  	[sflag:s26] =	ssyncadd.s32 $0xFFFFE000  }
0xac: {  	[spmem:s2] =	stream.indirect.scatter.add.f32 [tilespmem:s21], [sflag:$0x7], $0x40, s28, s16, $0xb8;
	[tilespmem:$0x1C000] =	vst v63  }
0xad: {  	_ =	swait.ge [sflag:s29], $0x2000  }
0xae: {  	[sflag:s29] =	ssyncset.done $0x0  }
0xaf: {  	[sflag:s29] =	ssyncadd.s32 $0xFFFFE000  }
0xb0: {  	[tilespmem:s17], [sflag:$0x1] =	stream.indirect.gather [hbm4b:s4+s16], $0x40, s30, s16, $0xb8;
	[tilespmem:$0x1C000] =	vst v63  }
0xb1: {  	_ =	swait.ge [sflag:s31], $0x2000  }
0xb2: {  	[sflag:s31] =	ssyncset.done $0x0  }
0xb3: {  	[sflag:s31] =	ssyncadd.s32 $0xFFFFE000  }
0xb4: {  	[spmem:s2] =	stream.indirect.scatter.add.f32 [tilespmem:s25], [sflag:$0x8], $0x40, s1, s16, $0xb8;
	[tilespmem:$0x1C000] =	vst v63  }
0xb5: {  	_ =	swait.ge [sflag:s0], $0x2000  }
0xb6: {  	[sflag:s0] =	ssyncset.done $0x0  }
0xb7: {  	[sflag:s0] =	ssyncadd.s32 $0xFFFFE000  }
0xb8: {  	[tilespmem:s18], [sflag:$0x2] =	stream.indirect.gather [hbm4b:s4+s16], $0x40, s6, s16, $0xb8;
	[tilespmem:$0x1C000] =	vst v63  }
.LBB2_5:
0xb9: {  	_ =	swait.ge [sflag:s19], $0x2000  }
0xba: {  	s20 =	sshra.s32 s11, $0x2;
	[sflag:s19] =	ssyncset.done $0x0  }
0xbb: {  	s23 =	sadd.s32 $0x5200, s20;
	[sflag:s19] =	ssyncadd.s32 $0xFFFFE000  }
0xbc: {  	[spmem:s2] =	stream.indirect.scatter.add.f32 [tilespmem:s17], [sflag:$0x5], $0x40, s23, s16, $0xb8;
	[tilespmem:$0x1C000] =	vst v63  }
0xbd: {  	_ =	swait.ge [sflag:s7], $0x2000  }
0xbe: {  	[sflag:s7] =	ssyncset.done $0x0  }
0xbf: {  	s24 =	sadd.s32 $0x300, s20;
	[sflag:s7] =	ssyncadd.s32 $0xFFFFE000  }
0xc0: {  	[tilespmem:s21], [sflag:$0x3] =	stream.indirect.gather [hbm4b:s4+s16], $0x40, s24, s16, $0xb8;
	[tilespmem:$0x1C000] =	vst v63  }
0xc1: {  	_ =	swait.ge [sflag:s22], $0x2000  }
0xc2: {  	[sflag:s22] =	ssyncset.done $0x0  }
0xc3: {  	s24 =	sadd.s32 $0x5280, s20;
	[sflag:s22] =	ssyncadd.s32 $0xFFFFE000  }
0xc4: {  	[spmem:s2] =	stream.indirect.scatter.add.f32 [tilespmem:s18], [sflag:$0x6], $0x40, s24, s16, $0xb8;
	[tilespmem:$0x1C000] =	vst v63  }
0xc5: {  	_ =	swait.ge [sflag:s8], $0x2000  }
0xc6: {  	[sflag:s8] =	ssyncset.done $0x0  }
0xc7: {  	s24 =	sadd.s32 $0x380, s20;
	[sflag:s8] =	ssyncadd.s32 $0xFFFFE000  }
0xc8: {  	[tilespmem:s25], [sflag:$0x4] =	stream.indirect.gather [hbm4b:s4+s16], $0x40, s24, s16, $0xb8;
	[tilespmem:$0x1C000] =	vst v63  }
0xc9: {  	_ =	swait.ge [sflag:s26], $0x2000  }
0xca: {  	p0 =	seq.s32 s11, $0x13000;
	[sflag:s26] =	ssyncset.done $0x0  }
.Ltmp4:
0xcb: {  	s24 =	sadd.s32 $0x5300, s20;
	[sflag:s26] =	ssyncadd.s32 $0xFFFFE000;
	(pc) =	sbr.rel @p0 .LBB2_7-.Ltmp4, $4  }
0xcc: {  	[spmem:s2] =	stream.indirect.scatter.add.f32 [tilespmem:s21], [sflag:$0x7], $0x40, s24, s16, $0xb8;
	[tilespmem:$0x1C000] =	vst v63  }
0xcd: {  	_ =	swait.ge [sflag:s29], $0x2000  }
0xce: {  	[sflag:s29] =	ssyncset.done $0x0  }
0xcf: {  	s23 =	sadd.s32 $0x5380, s20;
	[sflag:s29] =	ssyncadd.s32 $0xFFFFE000  }
0xd0: {  	s24 =	sadd.s32 $0x400, s20  }
0xd1: {  	[tilespmem:s17], [sflag:$0x1] =	stream.indirect.gather [hbm4b:s4+s16], $0x40, s24, s16, $0xb8;
	[tilespmem:$0x1C000] =	vst v63  }
0xd2: {  	_ =	swait.ge [sflag:s31], $0x2000  }
0xd3: {  	[sflag:s31] =	ssyncset.done $0x0  }
0xd4: {  	[sflag:s31] =	ssyncadd.s32 $0xFFFFE000  }
0xd5: {  	[spmem:s2] =	stream.indirect.scatter.add.f32 [tilespmem:s25], [sflag:$0x8], $0x40, s23, s16, $0xb8;
	[tilespmem:$0x1C000] =	vst v63  }
.Ltmp5:
0xd6: {  	_ = 	snop;
	(pc) =	sbr.rel .LBB2_5-.Ltmp5, $4  }
0xd7: {  	_ =	swait.ge [sflag:s0], $0x2000  }
0xd8: {  	[sflag:s0] =	ssyncset.done $0x0  }
0xd9: {  	s11 =	sadd.s32 $0x800, s11;
	s24 =	sadd.s32 $0x480, s20;
	[sflag:s0] =	ssyncadd.s32 $0xFFFFE000  }
0xda: {  	[tilespmem:s18], [sflag:$0x2] =	stream.indirect.gather [hbm4b:s4+s16], $0x40, s24, s16, $0xb8;
	[tilespmem:$0x1C000] =	vst v63  }
.LBB2_8:
0xdb: {  	_ =	sfence.sel $0x180000  }
0xdc: {  	[bflag:$0x0] =	sbarrier.arrive $0xFFFF  }
0xdd: {  	_ =	strace $0x9000004A  }
0xde: {  	s0 =	stileid.u32;
	[bflag:$0x2] =	sbarrier.arrive $0xFFFF  }
0xdf: {  	p0 =	sne.s32 s0, $0x0;
	s0 =	rddreg [dreg:$0x2]  }
0xe0: {  	s0 =	sadd.s32 @!p0 $0x100000, s0  }
0xe1: {  	[sflag:s0] =	ssyncadd.tile.s32 @!p0 $0x1;
	_ =	shalt  }
.Lfunc_end2:
_tile_overlayer_lowered:
.L_overlay_start_2:
0xe2: {  	(tag) =	ssettag $0x2  }
0xe3: {  	s0 =	rddreg [dreg:$0x0];
	s2 =	stileid.u32  }
0xe4: {  	s1 =	rddreg [dreg:$0x1];
	p0 =	sne.s32 s2, $0x0  }
0xe5: {  	s3 =	rddreg [dreg:$0x2];
	[bflag:$0x3] =	sbarrier.arrive $0xFFFF;
	s2 =	simm.s32 @!p0 $0x1C09  }
0xe6: {  	[timem:s3], [sflag:s2] =	dma.local @!p0 [hbm:s0], s1  }
0xe7: {  	s0 =	simm.s32 @!p0 $0x9  }
0xe8: {  	_ =	swait.ge @!p0 [sflag:s0], s1  }
0xe9: {  	s1 =	ssub.s32 @!p0 $0x0, s1;
	[sflag:s0] =	ssyncset.done @!p0 $0x0  }
0xea: {  	[sflag:s0] =	ssyncadd.s32 @!p0 s1  }
0xeb: {  	[bflag:$0x3] =	sbarrier.arrive $0xFFFF  }
0xec: {  	_ =	shalt  }

// kernel: kernel.13.cloned.1.call-start
scs
__scs_entry_jumppad:
0x0: {  	(pc) =	sbr.rel $0x88, $3  }
0x1: {  	(tag) =	ssettag $0x0;
	lr =	simm.s32 $0x1  }
0x2: {  	[smem:$0x3F9B] =	sst lr;
	_ =	strace $0xD0000000  }
0x3: {  	_ = 	snop  }
0x4: {  	_ = 	snop  }
0x5: {  	_ = 	snop  }
0x6: {  	_ = 	snop  }
0x7: {  	_ = 	snop  }
__scs_overlays_trampoline_lowered:
0x8: {  	[smem:$0x3FAA] =	sst s0  }
0x9: {  	[smem:$0x3FAB] =	sst s1  }
0xa: {  	[smem:$0x3FAC] =	sst s2  }
0xb: {  	[smem:$0x3FAD] =	sst s3  }
0xc: {  	[smem:$0x3FAE] =	sst s4  }
0xd: {  	[smem:$0x3FAF] =	sst s5  }
0xe: {  	[smem:$0x3FB0] =	sst s6  }
0xf: {  	[smem:$0x3FB1] =	sst s7  }
0x10: {  	[smem:$0x3FB2] =	sst s8  }
0x11: {  	[smem:$0x3FB3] =	sst s9;
	s0 =	simm.s32 @!p0 $0x0  }
0x12: {  	s1 =	sld [smem:$0x3F99];
	s0 =	simm.s32 @p0 $0x1  }
0x13: {  	[smem:$0x3FB4] =	sst s0;
	s0 =	simm.s32 @!p1 $0x0  }
0x14: {  	s2 =	sld [smem:$0x3F98];
	s0 =	simm.s32 @p1 $0x1  }
0x15: {  	[smem:$0x3FB5] =	sst s0;
	s0 =	simm.s32 @!p2 $0x0  }
0x16: {  	s3 =	sld [smem:$0x3FDB];
	s0 =	simm.s32 @p2 $0x1  }
0x17: {  	s4 =	simm.s32 $0x1BF5;
	[smem:$0x3FB7] =	sst s0  }
0x18: {  	s0 =	sld [smem:$0x3F9A];
	_ =	swait.ge [sflag:s4], $0x0  }
0x19: {  	s7 =	sld [smem:$0x3F9B]  }
0x1a: {  	s8 =	sadd.s32 $0xFFFFE003, lr  }
0x1b: {  	s9 =	sadd.s32 $0xFFFFFEF7, lr;
	s5 =	simm.s32 $0xFFFFFFFF;
	p2 =	slt.u32 s8, $0xFFFFF086  }
0x1c: {  	p1 =	slt.u32 s9, $0xF7A;
	s5 =	simm.s32 @!p2 $0x0  }
0x1d: {  	s5 =	simm.s32 @p1 $0x1;
	p0 =	seq.s32 s7, s2  }
0x1e: {  	s7 =	smul.u32 @!p0 $0xF7A, s2;
	p2 =	seq.s32 @!p0 s5, $0x0  }
0x1f: {  	s9 =	smul.u32 $0xF7A, s1;
	s8 =	simm.s32 @!p0 $0x1BF5;
	p2 =	por !p2, p0  }
0x20: {  	[sflag:s8] =	ssyncset.s32 @!p0 $0xFFFFF086;
	s6 =	sadd.s32 @!p0 s3, s7;
	s7 =	simm.s32 @!p0 $0x108  }
0x21: {  	s3 =	sadd.s32 s3, s9;
	s6 =	sadd.s32 @!p0 $0x88, s6;
	s7 =	simm.s32 @p2 $0x1082  }
0x22: {  	[simem:s7], [sflag:s8] =	dma.local @!p0 [hbm:s6], $0xF7A  }
0x23: {  	s9 =	sor.u32 $0xD0000000, s2;
	s6 =	simm.s32 $0x108;
	_ =	swait.ge @!p0 [sflag:s8], $0x0  }
0x24: {  	s3 =	sadd.s32 $0x88, s3;
	s6 =	simm.s32 @!p1 $0x1082;
	[sflag:s4] =	ssyncset.s32 $0xFFFFF086  }
0x25: {  	[simem:s6], [sflag:s4] =	dma.local [hbm:s3], $0xF7A  }
0x26: {  	[smem:$0x3F9B] =	sst s1;
	(tag) =	ssettag s2;
	_ =	strace s9  }
0x27: {  	s1 =	sld [smem:$0x3FAB]  }
0x28: {  	s2 =	sld [smem:$0x3FAC]  }
0x29: {  	s4 =	sld [smem:$0x3FAE]  }
0x2a: {  	p0 =	seq.s32 s5, $0x0;
	s5 =	sld [smem:$0x3FAF]  }
0x2b: {  	s6 =	sld [smem:$0x3FB0]  }
0x2c: {  	s7 =	sld [smem:$0x3FB1]  }
0x2d: {  	s3 =	simm.s32 $0x108;
	s8 =	sld [smem:$0x3FB2]  }
0x2e: {  	s3 =	simm.s32 @!p0 $0x1082;
	s9 =	sld [smem:$0x3FB3]  }
0x2f: {  	lr =	sadd.s32 s0, s3;
	s0 =	sld [smem:$0x3FAA]  }
0x30: {  	s3 =	sld [smem:$0x3FAD]  }
0x31: {  	[smem:$0x3FB6] =	sst s10  }
0x32: {  	s10 =	sld [smem:$0x3FB4];
	_ =	sdelay $0x3  }
0x33: {  	p0 =	seq.s32 s10, $0x1;
	s10 =	sld [smem:$0x3FB6];
	_ =	sdelay $0x3  }
0x34: {  	[smem:$0x3FB6] =	sst s10  }
0x35: {  	s10 =	sld [smem:$0x3FB5];
	_ =	sdelay $0x3  }
0x36: {  	p1 =	seq.s32 s10, $0x1;
	s10 =	sld [smem:$0x3FB6];
	_ =	sdelay $0x3  }
0x37: {  	[smem:$0x3FB6] =	sst s10  }
0x38: {  	s10 =	sld [smem:$0x3FB7]  }
0x39: {  	_ = 	snop;
	(pc) =	sbr.ind lr, $3  }
0x3a: {  	_ = 	snop  }
0x3b: {  	_ = 	snop  }
0x3c: {  	p2 =	seq.s32 s10, $0x1;
	s10 =	sld [smem:$0x3FB6]  }
0x3d: {  	_ =	shalt  }
0x3e: {  	_ =	shalt  }
0x3f: {  	_ =	shalt  }
0x40: {  	_ =	shalt  }
0x41: {  	_ =	shalt  }
0x42: {  	_ =	shalt  }
0x43: {  	_ =	shalt  }
0x44: {  	_ =	shalt  }
0x45: {  	_ =	shalt  }
0x46: {  	_ =	shalt  }
0x47: {  	_ =	shalt  }
0x48: {  	_ =	shalt  }
0x49: {  	_ =	shalt  }
0x4a: {  	_ =	shalt  }
0x4b: {  	_ =	shalt  }
0x4c: {  	_ =	shalt  }
0x4d: {  	_ =	shalt  }
0x4e: {  	_ =	shalt  }
0x4f: {  	_ =	shalt  }
0x50: {  	_ =	shalt  }
0x51: {  	_ =	shalt  }
0x52: {  	_ =	shalt  }
0x53: {  	_ =	shalt  }
0x54: {  	_ =	shalt  }
0x55: {  	_ =	shalt  }
0x56: {  	_ =	shalt  }
0x57: {  	_ =	shalt  }
0x58: {  	_ =	shalt  }
0x59: {  	_ =	shalt  }
0x5a: {  	_ =	shalt  }
0x5b: {  	_ =	shalt  }
0x5c: {  	_ =	shalt  }
0x5d: {  	_ =	shalt  }
0x5e: {  	_ =	shalt  }
0x5f: {  	_ =	shalt  }
0x60: {  	_ =	shalt  }
0x61: {  	_ =	shalt  }
0x62: {  	_ =	shalt  }
0x63: {  	_ =	shalt  }
0x64: {  	_ =	shalt  }
0x65: {  	_ =	shalt  }
0x66: {  	_ =	shalt  }
0x67: {  	_ =	shalt  }
0x68: {  	_ =	shalt  }
0x69: {  	_ =	shalt  }
0x6a: {  	_ =	shalt  }
0x6b: {  	_ =	shalt  }
0x6c: {  	_ =	shalt  }
0x6d: {  	_ =	shalt  }
0x6e: {  	_ =	shalt  }
0x6f: {  	_ =	shalt  }
0x70: {  	_ =	shalt  }
0x71: {  	_ =	shalt  }
0x72: {  	_ =	shalt  }
0x73: {  	_ =	shalt  }
0x74: {  	_ =	shalt  }
0x75: {  	_ =	shalt  }
0x76: {  	_ =	shalt  }
0x77: {  	_ =	shalt  }
0x78: {  	_ =	shalt  }
0x79: {  	_ =	shalt  }
0x7a: {  	_ =	shalt  }
0x7b: {  	_ =	shalt  }
0x7c: {  	_ =	shalt  }
0x7d: {  	_ =	shalt  }
0x7e: {  	_ =	shalt  }
0x7f: {  	_ =	shalt  }
0x80: {  	_ =	shalt  }
0x81: {  	_ =	shalt  }
0x82: {  	_ =	shalt  }
0x83: {  	_ =	shalt  }
0x84: {  	_ =	shalt  }
0x85: {  	_ =	shalt  }
0x86: {  	_ =	shalt  }
0x87: {  	_ =	shalt  }
.Lfunc_end0:
.L_simem_size_0:
called_computation.2_lowered:
.L_overlay_start_0:
0x88: {  	s2 =	sld [smem:$0x3FD9]  }
0x89: {  	s3 =	sld [smem:$0x3FFE];
	_ =	sdelay $0x1  }
0x8a: {  	s1 =	srdreg.scid  }
0x8b: {  	s0 =	sand.u32 $0x1, s1  }
0x8c: {  	s17 =	sshll.u32 s0, $0xA;
	s2 =	sadd.s32 s3, s2  }
0x8d: {  	s2 =	sadd.s32 s2, s17  }
0x8e: {  	[smem:$0x3FC2] =	sst s2  }
0x8f: {  	_ = 	snop  }
0x90: {  	s2 =	sld [smem:$0x3FC4]  }
0x91: {  	s18 =	sld [smem:$0x3FD0];
	(tm) =	ssettm $0x1  }
0x92: {  	s4 =	sld [smem:$0x3FFB];
	_ =	sdelay $0x3  }
0x93: {  	_ =	strace s4  }
0x94: {  	s4 =	sld [smem:$0x3FFC];
	_ =	sdelay $0x3  }
0x95: {  	_ =	strace s4  }
0x96: {  	s4 =	sld [smem:$0x3FFD];
	_ =	sdelay $0x3  }
0x97: {  	_ =	strace s4  }
0x98: {  	_ =	strace $0x8FFFFFFF  }
0x99: {  	s19 =	sld [smem:$0x3FDB];
	_ =	sdelay $0x1  }
0x9a: {  	s5 =	simm.s32 $_scs_section_size  }
0x9b: {  	s6 =	simm.s32 $_size__tile_overlayer_lowered;
	s7 =	simm.s32 $_tile_overlayer_lowered  }
0x9c: {  	s22 =	simm.s32 $0x1BFF;
	s21 =	sshll.u32 s7, $0x1;
	s4 =	sadd.s32 s5, s19  }
0x9d: {  	s8 =	simm.s32 $0x0;
	s20 =	sshll.u32 s6, $0x1;
	s6 =	sadd.s32 s21, s4  }
0x9e: {  	[timem:s8], [sflag:s22] =	dma.local [hbm:s6], s20  }
0x9f: {  	_ =	swait.ge [sflag:s22], s20  }
0xa0: {  	s5 =	ssub.s32 $0x0, s20;
	[sflag:s22] =	ssyncset.done $0x0  }
0xa1: {  	[sflag:s22] =	ssyncadd.s32 s5;
	_ =	sdelay $0x1  }
0xa2: {  	s23 =	simm.s32 $0x1B8B  }
0xa3: {  	_ =	swait.ge [sflag:s23], $0x1  }
0xa4: {  	[sflag:s23] =	ssyncset.done $0x0  }
0xa5: {  	s25 =	simm.s32 $0x1B8E;
	s24 =	sld [smem:$0x3FFE];
	[sflag:s23] =	ssyncadd.s32 $0xFFFFFFFF  }
0xa6: {  	s26 =	simm.s32 $execute0_lowered;
	[smem:$0x3FD2] =	sst s25  }
0xa7: {  	s6 =	sshll.u32 s26, $0x1;
	_ =	strace $0x8000004C;
	[dreg:$0x1] =	wrdreg $0xFFFFFFFF  }
0xa8: {  	s28 =	simm.s32 $_size_execute0_lowered;
	s4 =	sadd.s32 s4, s6;
	[dreg:$0x0] =	wrdreg $0x0  }
0xa9: {  	s6 =	sshll.u32 s28, $0x1;
	[dreg:$0x2] =	wrdreg s4  }
0xaa: {  	[dreg:$0x3] =	wrdreg s6  }
0xab: {  	[dreg:$0x4] =	wrdreg $0xC0  }
0xac: {  	_ =	task [dreg:s8], $0x5FFFF  }
0xad: {  	[dreg:$0x1] =	wrdreg $0xFFFFFFFF  }
0xae: {  	[dreg:$0x0] =	wrdreg $0x60  }
0xaf: {  	[dreg:$0x2] =	wrdreg s24  }
0xb0: {  	[dreg:$0x3] =	wrdreg s2  }
0xb1: {  	[dreg:$0x4] =	wrdreg s18  }
0xb2: {  	[dreg:$0x5] =	wrdreg $0x141400  }
0xb3: {  	[dreg:$0x6] =	wrdreg $0x9  }
0xb4: {  	_ =	task.clear_ibuf [dreg:s8], $0x7FFFF;
	_ =	strace $0x9000004C  }
0xb5: {  	s29 =	simm.s32 $0x9;
	_ =	strace $0x8000004E  }
0xb6: {  	_ =	swait.ge [sflag:s29], $0x1  }
0xb7: {  	[sflag:s29] =	ssyncadd.s32 $0xFFFFFFFF  }
0xb8: {  	_ =	strace $0x9000004E  }
0xb9: {  	_ =	sfence  }
0xba: {  	s30 =	sld [smem:$0x0];
	_ =	sdelay $0x2  }
0xbb: {  	s31 =	sshll.u32 s1, $0xD;
	s1 =	sshrl.u32 s1, $0x2  }
0xbc: {  	s3 =	sand.u32 $0x4000, s31;
	s1 =	sadd.s32 s1, s30  }
0xbd: {  	s0 =	sor.u32 s3, s0;
	s1 =	sshll.u32 s1, $0x11  }
0xbe: {  	s0 =	sor.u32 s1, s0  }
0xbf: {  	s0 =	sadd.s32 $0x8F2B, s0  }
0xc0: {  	[sflag:s0] =	ssyncadd.remote.s32 $0x1  }
0xc1: {  	_ =	sfence.sel $0xFFFF  }
0xc2: {  	[dreg:$0x0] =	wrdreg $0xFFFFFFFF;
	(pc) =	sbr.abs _section_cstart, $3  }
0xc3: {  	[dreg:$0x1] =	wrdreg $0xFFFFFFFF  }
0xc4: {  	_ =	task.clear_ibuf [dreg:s8], $0x2FFFF;
	_ =	strace $0x9FFFFFFF  }
0xc5: {  	(tm) =	ssettm $0x7FFFFFFF  }
tec
execute0_lowered:
.L_overlay_start_1:
0x0: {  	(tag) =	ssettag $0x1  }
0x1: {  	s0 =	srdreg.scid;
	s21 =	stileid.u32  }
0x2: {  	s5 =	rddreg [dreg:$0x0];
	s13 =	smul.u32 $0x280, s21  }
0x3: {  	s10 =	rddreg [dreg:$0x1];
	s30 =	simm.s32 $0x80;
	s2 =	smul.u32 $0x500, s21  }
0x4: {  	s8 =	sand.u32 $0x1, s0;
	s3 =	sadd.s32 $0xE8A00, s5;
	s4 =	smul.u32 $0x14000, s21  }
0x5: {  	p0 =	seq.s32 s21, $0xF;
	s9 =	smul.u32 $0x50000, s8;
	s0 =	ssub.s32 $0x2, s8  }
0x6: {  	s6 =	sshll.u32 s8, $0x6;
	s1 =	sshrl.u32 s0, $0x1;
	s15 =	sshrl.u32 s13, $0x3  }
0x7: {  	s7 =	sadd.s32 $0x80, s13;
	s11 =	sor.u32 s6, s4;
	s25 =	ssub.s32 s0, s1  }
0x8: {  	s1 =	sor.u32 s8, s2;
	s16 =	sadd.s32 s3, s15;
	s17 =	sshll.u32 s7, $0x1  }
0x9: {  	s18 =	sshrl.u32 s7, $0x3;
	s20 =	sshll.u32 s7, $0x7;
	[dreg:$0x5] =	wrdreg s16  }
0xa: {  	s26 =	sor.u32 s8, s17;
	s16 =	sadd.s32 $0x100, s13;
	s19 =	sadd.s32 s3, s18  }
0xb: {  	s14 =	sor.u32 s6, s20;
	s17 =	sadd.s32 $0x180, s13;
	s29 =	sadd.s32 $0x220, s1  }
0xc: {  	s31 =	sadd.s32 $0x240, s1;
	s28 =	sadd.s32 $0x320, s1;
	s25 =	smax.u32 s25, $0x1  }
0xd: {  	v0 =	vlaneseq.u32;
	[dreg:$0x6] =	wrdreg s19;
	s12 =	sshll.u32 s16, $0x1;
	s23 =	sshrl.u32 s16, $0x3  }
0xe: {  	v39 =	vmul.u32 $0x2, v0;
	s0 =	sshll.u32 s16, $0x7;
	s15 =	sshrl.u32 s17, $0x3;
	s19 =	sadd.s32 $0x200, s13  }
0xf: {  	s18 =	sshll.u32 s17, $0x1;
	s20 =	sshll.u32 s17, $0x7;
	s14 =	sshrl.u32 s14, $0x3  }
0x10: {  	s13 =	sadd.s32 $0xFFFFDB6F, s13;
	v7 =	vor.u32 s26, v39;
	s26 =	sadd.s32 $0x4C0, s1;
	v18 =	vor.u32 s31, v39;
	s31 =	simm.s32 $0xA000  }
0x11: {  	v17 =	vor.u32 s29, v39;
	s29 =	simm.s32 $0x1;
	s22 =	sor.u32 s8, s12;
	s24 =	sadd.s32 s3, s23  }
0x12: {  	s12 =	sor.u32 s6, s0;
	s2 =	sadd.s32 s3, s15;
	[dreg:$0x18] =	wrdreg s22  }
0x13: {  	s4 =	sshrl.u32 s19, $0x3;
	s23 =	sshll.u32 s19, $0x1;
	[dreg:$0x7] =	wrdreg s24  }
0x14: {  	p1 =	sgt.u32 @!p0 s13, $0x7E;
	[dreg:$0x8] =	wrdreg s2;
	s15 =	sadd.s32 s3, s4  }
0x15: {  	s22 =	sshll.u32 s19, $0x7;
	s24 =	sor.u32 s8, s18;
	s2 =	sor.u32 s8, s23  }
0x16: {  	s8 =	sshll.u32 s8, $0x3;
	s4 =	sshrl.u32 s11, $0x3;
	[dreg:$0x9] =	wrdreg s15  }
0x17: {  	s12 =	sshrl.u32 s12, $0x3;
	p1 =	por p1, p0;
	[dreg:$0x19] =	wrdreg s24  }
0x18: {  	s15 =	sor.u32 s6, s20;
	s20 =	sor.u32 s6, s22;
	[dreg:$0x17] =	wrdreg s2  }
0x19: {  	s3 =	sadd.s32 s10, s8;
	s6 =	rddreg [dreg:$0x2];
	s2 =	smul.u32 $0x5000, s21  }
0x1a: {  	[dreg:$0xa] =	wrdreg s3;
	s10 =	sadd.s32 s6, s4;
	s18 =	sadd.s32 s6, s14  }
0x1b: {  	s22 =	sadd.s32 s6, s12;
	s23 =	sshrl.u32 s15, $0x3;
	s8 =	sadd.s32 s8, s6  }
0x1c: {  	s0 =	sshrl.u32 s20, $0x3;
	s12 =	simm.s32 $0x0;
	s14 =	rddreg [dreg:$0x3]  }
0x1d: {  	s3 =	smul.u32 $0x28000, s21;
	s15 =	sadd.s32 $0x84A00, s5;
	[dreg:$0xb] =	wrdreg s10  }
0x1e: {  	s4 =	sadd.s32 $0x83600, s5;
	s20 =	sshll.u32 s17, $0x6;
	[dreg:$0xc] =	wrdreg s18  }
0x1f: {  	s17 =	sadd.s32 $0x120, s1;
	[dreg:$0xd] =	wrdreg s22;
	s24 =	sadd.s32 s6, s23  }
0x20: {  	s11 =	sadd.s32 s6, s0;
	[smem:$0x7FF] =	sst s12;
	s9 =	sadd.s32 s2, s9  }
0x21: {  	s10 =	sshrl.u32 s2, $0x3;
	s21 =	sadd.s32 s20, s14;
	s22 =	sadd.s32 $0x27000, s8  }
0x22: {  	s23 =	sshll.u32 s19, $0x6;
	s8 =	sor.u32 $0x60, s1;
	s19 =	sadd.s32 $0x140, s1  }
0x23: {  	s20 =	sadd.s32 $0x160, s1;
	s2 =	sadd.s32 $0x260, s1;
	s0 =	sadd.s32 $0x2A0, s1  }
0x24: {  	v8 =	vor.u32 s17, v39;
	s17 =	sadd.s32 $0x4A0, s1;
	[dreg:$0xe] =	wrdreg s24;
	s9 =	sshrl.u32 s9, $0x3  }
0x25: {  	s10 =	sadd.s32 s10, s5;
	_ =	strace $0x8000004D;
	[dreg:$0xf] =	wrdreg s4  }
0x26: {  	s13 =	sshrl.u32 s3, $0x2;
	s24 =	sadd.s32 s23, s14;
	[dreg:$0x14] =	wrdreg s21  }
0x27: {  	s23 =	sadd.s32 $0x1C0, s1;
	s3 =	sadd.s32 $0x2C0, s1;
	[dreg:$0x15] =	wrdreg s22  }
0x28: {  	v2 =	vor.u32 s8, v39;
	s8 =	sadd.s32 $0x3E0, s1;
	v21 =	vor.u32 s0, v39;
	s0 =	simm.s32 $0xE000;
	[dreg:$0x16] =	wrdreg s24  }
0x29: {  	v19 =	vor.u32 s2, v39;
	s2 =	simm.s32 $0x10000;
	v37 =	vor.u32 s17, v39;
	s17 =	simm.s32 $0x40;
	[dreg:$0x1f] =	wrdreg s28  }
0x2a: {  	s9 =	sadd.s32 s9, s5;
	s5 =	sadd.s32 $0x1200, s10;
	[dreg:$0x1b] =	wrdreg s26  }
0x2b: {  	s18 =	sadd.s32 s13, s14;
	s28 =	sadd.s32 $0x340, s1;
	[dreg:$0x10] =	wrdreg s5  }
0x2c: {  	s10 =	sshll.u32 s16, $0x6;
	s24 =	sadd.s32 $0x1E0, s1;
	[smem:$0x7FD] =	sst s28  }
0x2d: {  	s21 =	sadd.s32 $0x180, s1;
	s22 =	sadd.s32 $0x1A0, s1;
	v15 =	vor.u32 s24, v39;
	s24 =	rddreg [dreg:$0x18]  }
0x2e: {  	s4 =	sadd.s32 $0x280, s1;
	s26 =	simm.s32 $0x5000;
	v22 =	vor.u32 s3, v39;
	s3 =	rddreg [dreg:$0x19]  }
0x2f: {  	v31 =	vor.u32 s8, v39;
	s8 =	simm.s32 $0x8;
	s6 =	sadd.s32 $0xD4A00, s9;
	v20 =	vor.u32 s4, v39;
	s4 =	rddreg [dreg:$0x1f]  }
0x30: {  	s9 =	sshll.u32 s7, $0x6;
	s16 =	sadd.s32 s10, s14;
	v12 =	vor.u32 s21, v39;
	s21 =	rddreg [dreg:$0x17]  }
0x31: {  	v14 =	vor.u32 s23, v39;
	s5 =	sor.u32 $0x20, s1;
	s7 =	sor.u32 $0x40, s1;
	s23 =	rddreg [dreg:$0x1b]  }
0x32: {  	s10 =	sor.u32 $0xA0, s1;
	s28 =	sadd.s32 $0x380, s1;
	[dreg:$0x11] =	wrdreg s6  }
0x33: {  	s13 =	sadd.s32 s9, s14;
	[dreg:$0x13] =	wrdreg s16;
	s9 =	sor.u32 $0x80, s1  }
0x34: {  	s16 =	sor.u32 $0xE0, s1;
	s6 =	sadd.s32 $0x2E0, s1;
	[dreg:$0x1d] =	wrdreg s28  }
0x35: {  	v0 =	vor.u32 s5, v39;
	s5 =	sadd.s32 $0x360, s1;
	s28 =	sadd.s32 $0x3A0, s1;
	[dreg:$0x12] =	wrdreg s13  }
0x36: {  	v1 =	vor.u32 s7, v39;
	s7 =	sadd.s32 $0x3C0, s1;
	v4 =	vor.u32 s10, v39;
	s10 =	sadd.s32 $0x440, s1;
	[dreg:$0x1e] =	wrdreg s28  }
0x37: {  	v24 =	vor.u32 s3, v39;
	v25 =	vor.u32 s4, v39;
	s3 =	simm.s32 $0x3;
	s4 =	simm.s32 $0x5;
	v23 =	vor.u32 s6, v39;
	s6 =	sld [smem:$0x7FD]  }
0x38: {  	v10 =	vor.u32 s19, v39;
	s13 =	sor.u32 $0xC0, s1;
	v3 =	vor.u32 s9, v39;
	s9 =	sadd.s32 $0x420, s1;
	s19 =	rddreg [dreg:$0x1d]  }
0x39: {  	v11 =	vor.u32 s20, v39;
	v6 =	vor.u32 s16, v39;
	s16 =	sadd.s32 $0x460, s1;
	v5 =	vor.u32 s13, v39;
	s13 =	sadd.s32 $0x480, s1;
	s20 =	rddreg [dreg:$0x1e]  }
0x3a: {  	v9 =	vor.u32 s1, v39;
	v13 =	vor.u32 s22, v39;
	v16 =	vor.u32 s24, v39;
	s28 =	simm.s32 $0x9;
	s1 =	sadd.s32 $0x4E0, s1;
	[dreg:$0x1a] =	wrdreg s13  }
0x3b: {  	v32 =	vor.u32 s21, v39;
	v27 =	vor.u32 s5, v39;
	v30 =	vor.u32 s7, v39;
	s5 =	simm.s32 $0x4;
	s7 =	simm.s32 $0x7;
	[dreg:$0x1c] =	wrdreg s1  }
0x3c: {  	v38 =	vor.u32 s23, v39;
	v34 =	vor.u32 s10, v39;
	s10 =	simm.s32 $0x12000;
	v33 =	vor.u32 s9, v39;
	s9 =	simm.s32 $0x14000;
	s22 =	rddreg [dreg:$0x1a]  }
0x3d: {  	v28 =	vor.u32 s19, v39;
	v35 =	vor.u32 s16, v39;
	s16 =	simm.s32 $0x14080;
	s19 =	simm.s32 $0x0;
	v29 =	vor.u32 s20, v39;
	s24 =	rddreg [dreg:$0x1c]  }
0x3e: {  	s13 =	simm.s32 $0xC000;
	s1 =	simm.s32 $0x2;
	v26 =	vor.u32 s6, v39;
	s6 =	simm.s32 $0x6;
	v36 =	vor.u32 s22, v39;
	v39 =	vor.u32 s24, v39  }
.LBB2_1:
0x3f: {  	s20 =	rddreg [dreg:$0x10]  }
0x40: {  	[tilespmem:s26], [sflag:$0x9] =	stream.linear.gather [hbm4b:s20+s12], $0x5000, $0x38;
	[tilespmem:$0x1E140] =	vst v63  }
0x41: {  	s22 =	stileid.u32;
	_ =	swait.ge [sflag:s28], $0x5000  }
0x42: {  	s21 =	sshrl.u32 s18, $0x3;
	s20 =	sshll.u32 s22, $0x6;
	[sflag:s28] =	ssyncset.done $0x0  }
0x43: {  	s20 =	sor.u32 $0x1C09, s20;
	s22 =	rddreg [dreg:$0xf];
	[sflag:s28] =	ssyncadd.s32 $0xFFFFB000  }
0x44: {  	[spmem:s21], [sflag:s20] =	dma.local [hbm:s22], $0x1400  }
0x45: {  	_ =	swait.ge [sflag:s28], $0x1400  }
0x46: {  	[sflag:s28] =	ssyncset.done $0x0  }
0x47: {  	s24 =	simm.s32 $0x14100;
	s23 =	rddreg [dreg:$0xa];
	[sflag:s28] =	ssyncadd.s32 $0xFFFFEC00  }
0x48: {  	[tilespmem:s24], [sflag:$0x9] =	stream.linear.gather [hbm4b:s23+s12], $0x40, $0x38;
	[tilespmem:$0x1E140] =	vst v63  }
0x49: {  	_ =	swait.ge [sflag:s28], $0x40  }
0x4a: {  	[sflag:s28] =	ssyncset.done $0x0  }
0x4b: {  	s21 =	rddreg [dreg:$0x11];
	[sflag:s28] =	ssyncadd.s32 $0xFFFFFFC0  }
0x4c: {  	[tilespmem:s12], [sflag:$0x9] =	stream.linear.gather [hbm4b:s21+s12], $0x5000, $0x38;
	[tilespmem:$0x1E140] =	vst v63  }
0x4d: {  	_ =	swait.ge [sflag:s28], $0x5000  }
0x4e: {  	[sflag:s28] =	ssyncset.done $0x0  }
0x4f: {  	[sflag:s28] =	ssyncadd.s32 $0xFFFFB000  }
0x50: {  	[bflag:$0x0] =	sbarrier.arrive $0xFFFF  }
0x51: {  	[tilespmem:s31], [sflag:$0x1] =	stream.indirect.gather [hbm4b:s15+s30], $0x40, s12, s30, $0xb8;
	[tilespmem:$0x1E140] =	vst v63  }
0x52: {  	_ = 	snop  }
0x53: {  	[tilespmem:s13], [sflag:$0x2] =	stream.indirect.gather [hbm4b:s15+s30], $0x40, s30, s30, $0xb8;
	[tilespmem:$0x1E140] =	vst v63  }
0x54: {  	_ =	swait.ge [sflag:s29], $0x2000  }
0x55: {  	[sflag:s29] =	ssyncset.done $0x0  }
0x56: {  	[sflag:s29] =	ssyncadd.s32 $0xFFFFE000  }
0x57: {  	[spmem:s14] =	stream.indirect.scatter.add.f32 [tilespmem:s31], [sflag:$0x5], $0x40, s26, s30, $0xb8;
	[tilespmem:$0x1E140] =	vst v63  }
0x58: {  	s22 =	simm.s32 $0x100  }
0x59: {  	[tilespmem:s0], [sflag:$0x3] =	stream.indirect.gather [hbm4b:s15+s30], $0x40, s22, s30, $0xb8;
	[tilespmem:$0x1E140] =	vst v63  }
0x5a: {  	_ =	swait.ge [sflag:s1], $0x2000  }
0x5b: {  	[sflag:s1] =	ssyncset.done $0x0  }
0x5c: {  	s23 =	simm.s32 $0x5080;
	[sflag:s1] =	ssyncadd.s32 $0xFFFFE000  }
0x5d: {  	[spmem:s14] =	stream.indirect.scatter.add.f32 [tilespmem:s13], [sflag:$0x6], $0x40, s23, s30, $0xb8;
	[tilespmem:$0x1E140] =	vst v63  }
0x5e: {  	s24 =	simm.s32 $0x180  }
0x5f: {  	[tilespmem:s2], [sflag:$0x4] =	stream.indirect.gather [hbm4b:s15+s30], $0x40, s24, s30, $0xb8;
	[tilespmem:$0x1E140] =	vst v63  }
0x60: {  	_ =	swait.ge [sflag:s3], $0x2000  }
0x61: {  	[sflag:s3] =	ssyncset.done $0x0  }
0x62: {  	s21 =	simm.s32 $0x5100;
	[sflag:s3] =	ssyncadd.s32 $0xFFFFE000  }
0x63: {  	[spmem:s14] =	stream.indirect.scatter.add.f32 [tilespmem:s0], [sflag:$0x7], $0x40, s21, s30, $0xb8;
	[tilespmem:$0x1E140] =	vst v63  }
0x64: {  	_ =	swait.ge [sflag:s4], $0x2000  }
0x65: {  	[sflag:s4] =	ssyncset.done $0x0  }
0x66: {  	s22 =	simm.s32 $0x200;
	[sflag:s4] =	ssyncadd.s32 $0xFFFFE000  }
0x67: {  	[tilespmem:s31], [sflag:$0x1] =	stream.indirect.gather [hbm4b:s15+s30], $0x40, s22, s30, $0xb8;
	[tilespmem:$0x1E140] =	vst v63  }
0x68: {  	_ =	swait.ge [sflag:s5], $0x2000  }
0x69: {  	[sflag:s5] =	ssyncset.done $0x0  }
0x6a: {  	s23 =	simm.s32 $0x5180;
	[sflag:s5] =	ssyncadd.s32 $0xFFFFE000  }
0x6b: {  	[spmem:s14] =	stream.indirect.scatter.add.f32 [tilespmem:s2], [sflag:$0x8], $0x40, s23, s30, $0xb8;
	[tilespmem:$0x1E140] =	vst v63  }
0x6c: {  	_ =	swait.ge [sflag:s6], $0x2000  }
0x6d: {  	[sflag:s6] =	ssyncset.done $0x0  }
0x6e: {  	s20 =	simm.s32 $0x0;
	s24 =	simm.s32 $0x280;
	[sflag:s6] =	ssyncadd.s32 $0xFFFFE000  }
0x6f: {  	[tilespmem:s13], [sflag:$0x2] =	stream.indirect.gather [hbm4b:s15+s30], $0x40, s24, s30, $0xb8;
	[tilespmem:$0x1E140] =	vst v63  }
.LBB2_2:
0x70: {  	_ =	swait.ge [sflag:s29], $0x2000  }
0x71: {  	s21 =	sshra.s32 s20, $0x2;
	[sflag:s29] =	ssyncset.done $0x0  }
0x72: {  	s22 =	sadd.s32 $0x5200, s21;
	[sflag:s29] =	ssyncadd.s32 $0xFFFFE000  }
0x73: {  	[spmem:s14] =	stream.indirect.scatter.add.f32 [tilespmem:s31], [sflag:$0x5], $0x40, s22, s30, $0xb8;
	[tilespmem:$0x1E140] =	vst v63  }
0x74: {  	_ =	swait.ge [sflag:s7], $0x2000  }
0x75: {  	[sflag:s7] =	ssyncset.done $0x0  }
0x76: {  	s23 =	sadd.s32 $0x300, s21;
	[sflag:s7] =	ssyncadd.s32 $0xFFFFE000  }
0x77: {  	[tilespmem:s0], [sflag:$0x3] =	stream.indirect.gather [hbm4b:s15+s30], $0x40, s23, s30, $0xb8;
	[tilespmem:$0x1E140] =	vst v63  }
0x78: {  	_ =	swait.ge [sflag:s1], $0x2000  }
0x79: {  	[sflag:s1] =	ssyncset.done $0x0  }
0x7a: {  	s24 =	sadd.s32 $0x5280, s21;
	[sflag:s1] =	ssyncadd.s32 $0xFFFFE000  }
0x7b: {  	[spmem:s14] =	stream.indirect.scatter.add.f32 [tilespmem:s13], [sflag:$0x6], $0x40, s24, s30, $0xb8;
	[tilespmem:$0x1E140] =	vst v63  }
0x7c: {  	_ =	swait.ge [sflag:s8], $0x2000  }
0x7d: {  	[sflag:s8] =	ssyncset.done $0x0  }
0x7e: {  	s23 =	sadd.s32 $0x380, s21;
	[sflag:s8] =	ssyncadd.s32 $0xFFFFE000  }
0x7f: {  	[tilespmem:s2], [sflag:$0x4] =	stream.indirect.gather [hbm4b:s15+s30], $0x40, s23, s30, $0xb8;
	[tilespmem:$0x1E140] =	vst v63  }
0x80: {  	_ =	swait.ge [sflag:s3], $0x2000  }
0x81: {  	p2 =	seq.s32 s20, $0x13000;
	[sflag:s3] =	ssyncset.done $0x0  }
.Ltmp0:
0x82: {  	s24 =	sadd.s32 $0x5300, s21;
	[sflag:s3] =	ssyncadd.s32 $0xFFFFE000;
	(pc) =	sbr.rel @p2 .LBB2_4-.Ltmp0, $4  }
0x83: {  	[spmem:s14] =	stream.indirect.scatter.add.f32 [tilespmem:s0], [sflag:$0x7], $0x40, s24, s30, $0xb8;
	[tilespmem:$0x1E140] =	vst v63  }
0x84: {  	_ =	swait.ge [sflag:s4], $0x2000  }
0x85: {  	[sflag:s4] =	ssyncset.done $0x0  }
0x86: {  	s22 =	sadd.s32 $0x5380, s21;
	[sflag:s4] =	ssyncadd.s32 $0xFFFFE000  }
0x87: {  	s23 =	sadd.s32 $0x400, s21  }
0x88: {  	[tilespmem:s31], [sflag:$0x1] =	stream.indirect.gather [hbm4b:s15+s30], $0x40, s23, s30, $0xb8;
	[tilespmem:$0x1E140] =	vst v63  }
0x89: {  	_ =	swait.ge [sflag:s5], $0x2000  }
0x8a: {  	[sflag:s5] =	ssyncset.done $0x0  }
0x8b: {  	[sflag:s5] =	ssyncadd.s32 $0xFFFFE000  }
0x8c: {  	[spmem:s14] =	stream.indirect.scatter.add.f32 [tilespmem:s2], [sflag:$0x8], $0x40, s22, s30, $0xb8;
	[tilespmem:$0x1E140] =	vst v63  }
.Ltmp1:
0x8d: {  	_ = 	snop;
	(pc) =	sbr.rel .LBB2_2-.Ltmp1, $4  }
0x8e: {  	_ =	swait.ge [sflag:s6], $0x2000  }
0x8f: {  	[sflag:s6] =	ssyncset.done $0x0  }
0x90: {  	s24 =	sadd.s32 $0x480, s21;
	s20 =	sadd.s32 $0x800, s20;
	[sflag:s6] =	ssyncadd.s32 $0xFFFFE000  }
0x91: {  	[tilespmem:s13], [sflag:$0x2] =	stream.indirect.gather [hbm4b:s15+s30], $0x40, s24, s30, $0xb8;
	[tilespmem:$0x1E140] =	vst v63  }
.LBB2_4:
0x92: {  	_ =	swait.ge [sflag:s5], $0x2000  }
0x93: {  	[sflag:s5] =	ssyncset.done $0x0  }
0x94: {  	[sflag:s5] =	ssyncadd.s32 $0xFFFFE000  }
0x95: {  	[spmem:s14] =	stream.indirect.scatter.add.f32 [tilespmem:s2], [sflag:$0x8], $0x40, s22, s30, $0xb8;
	[tilespmem:$0x1E140] =	vst v63  }
0x96: {  	_ =	swait.ge [sflag:s6], $0x2000  }
0x97: {  	[sflag:s6] =	ssyncset.done $0x0  }
0x98: {  	[sflag:s6] =	ssyncadd.s32 $0xFFFFE000  }
0x99: {  	_ =	swait.ge [sflag:s7], $0x2000  }
0x9a: {  	[sflag:s7] =	ssyncset.done $0x0  }
0x9b: {  	[sflag:s7] =	ssyncadd.s32 $0xFFFFE000  }
0x9c: {  	_ =	swait.ge [sflag:s8], $0x2000  }
0x9d: {  	[sflag:s8] =	ssyncset.done $0x0  }
0x9e: {  	[sflag:s8] =	ssyncadd.s32 $0xFFFFE000  }
0x9f: {  	[bflag:$0x0] =	sbarrier.arrive $0xFFFF  }
0xa0: {  	v40 =	vld [tilespmem:$0x14100]  }
0xa1: {  	v41 =	vld [tilespmem:$0x14110]  }
0xa2: {  	v43 =	vld [tilespmem:$0x14120]  }
0xa3: {  	v42 =	vld [tilespmem:$0x14130];
	[tilespmem:s31], [sflag:$0x9] =	stream.linear.gather [spmem:s18], $0x2000, $0x38  }
0xa4: {  	_ =	swait.ge [sflag:s28], $0x2000  }
0xa5: {  	[sflag:s28] =	ssyncset.done $0x0  }
0xa6: {  	[sflag:s28] =	ssyncadd.s32 $0xFFFFE000  }
0xa7: {  	[tilespmem:$0x14000] =	vst v9  }
0xa8: {  	[tilespmem:$0x14010] =	vst v0  }
0xa9: {  	[tilespmem:$0x14020] =	vst v1  }
0xaa: {  	[tilespmem:$0x14030] =	vst v2  }
0xab: {  	[tilespmem:$0x14040] =	vst v3  }
0xac: {  	[tilespmem:$0x14050] =	vst v4  }
0xad: {  	[tilespmem:$0x14060] =	vst v5  }
0xae: {  	[tilespmem:$0x14070] =	vst v6  }
0xaf: {  	[tilespmem:s10], [sflag:$0x9] =	stream.indirect.gather [hbm4b:s15+s30], $0x40, s9, s30, $0xb8;
	[tilespmem:$0x1E140] =	vst v63  }
0xb0: {  	_ =	swait.ge [sflag:s28], $0x2000  }
0xb1: {  	[sflag:s28] =	ssyncset.done $0x0  }
0xb2: {  	s20 =	simm.s32 $0x0;
	s21 =	rddreg [dreg:$0x5];
	[sflag:s28] =	ssyncadd.s32 $0xFFFFE000  }
0xb3: {  	[tilespmem:s16], [sflag:$0x9] =	stream.linear.gather [hbm4b:s21+s20], $0x80, $0x38;
	[tilespmem:$0x1E140] =	vst v63  }
0xb4: {  	_ =	swait.ge [sflag:s28], $0x80  }
0xb5: {  	v44 =	vmov s20;
	[sflag:s28] =	ssyncset.done $0x0  }
0xb6: {  	s20 =	simm.s32 $0x12020;
	[sflag:s28] =	ssyncadd.s32 $0xFFFFFF80  }
0xb7: {  	s21 =	simm.s32 $0xA020;
	v45 =	vld [tilespmem:s20+$0xFFFFFFE0]  }
0xb8: {  	v46 =	vld [tilespmem:s21+$0xFFFFFFE0];
	_ =	sdelay $0x1  }
0xb9: {  	v44 =	vld.idx.msk [tilespmem:v44+s16+$0x0], $0xffff;
	_ =	sdelay $0x2  }
0xba: {  	v45 =	vadd.f32 v45, v46;
	_ =	sdelay $0x1  }
0xbb: {  	v45 =	vmul.f32 v45, v44;
	_ =	sdelay $0x1  }
0xbc: {  	v45 =	vadd.f32 v45, v40  }
0xbd: {  	s22 =	simm.s32 $0xC020  }
0xbe: {  	[tilespmem:s22+$0xFFFFFFE0] =	vst v45  }
0xbf: {  	v45 =	vld [tilespmem:s21+$0xFFFFFFF0]  }
0xc0: {  	v61 =	vld [tilespmem:s20+$0xFFFFFFF0];
	_ =	sdelay $0x4  }
0xc1: {  	v45 =	vadd.f32 v61, v45;
	_ =	sdelay $0x1  }
0xc2: {  	v45 =	vmul.f32 v45, v44;
	_ =	sdelay $0x1  }
0xc3: {  	v45 =	vadd.f32 v45, v41;
	_ =	sdelay $0x1  }
0xc4: {  	[tilespmem:s22+$0xFFFFFFF0] =	vst v45  }
0xc5: {  	v45 =	vld [tilespmem:s21+$0x0]  }
0xc6: {  	v62 =	vld [tilespmem:s20+$0x0];
	_ =	sdelay $0x4  }
0xc7: {  	v45 =	vadd.f32 v62, v45;
	_ =	sdelay $0x1  }
0xc8: {  	v45 =	vmul.f32 v45, v44;
	_ =	sdelay $0x1  }
0xc9: {  	v45 =	vadd.f32 v45, v43;
	_ =	sdelay $0x1  }
0xca: {  	[tilespmem:s22+$0x0] =	vst v45  }
0xcb: {  	v45 =	vld [tilespmem:s21+$0x10]  }
0xcc: {  	v63 =	vld [tilespmem:s20+$0x10];
	_ =	sdelay $0x4  }
0xcd: {  	v45 =	vadd.f32 v63, v45;
	_ =	sdelay $0x1  }
0xce: {  	s23 =	simm.s32 $0x1;
	s24 =	simm.s32 $0xC020;
	v44 =	vmul.f32 v45, v44  }
.LBB2_5:
0xcf: {  	s20 =	sadd.s32 $0x40, s20;
	s22 =	sadd.s32 $0x40, s22;
	s21 =	sadd.s32 $0x40, s21  }
0xd0: {  	v45 =	vmov s23;
	p2 =	sne.s32 s23, $0x7F;
	s23 =	sadd.s32 $0x1, s23;
	v44 =	vadd.f32 v44, v42;
	_ =	sdelay $0x1  }
0xd1: {  	[tilespmem:s24+$0x10] =	vst v44;
	s24 =	smov.u32 s22  }
0xd2: {  	v44 =	vld [tilespmem:s20+$0xFFFFFFE0]  }
0xd3: {  	v46 =	vld [tilespmem:s21+$0xFFFFFFE0]  }
0xd4: {  	v45 =	vld.idx.msk [tilespmem:v45+s16+$0x0], $0xffff;
	_ =	sdelay $0x3  }
0xd5: {  	v44 =	vadd.f32 v44, v46;
	_ =	sdelay $0x1  }
0xd6: {  	v44 =	vmul.f32 v44, v45;
	_ =	sdelay $0x1  }
0xd7: {  	v44 =	vadd.f32 v44, v40;
	_ =	sdelay $0x1  }
0xd8: {  	[tilespmem:s22+$0xFFFFFFE0] =	vst v44  }
0xd9: {  	v44 =	vld [tilespmem:s21+$0xFFFFFFF0]  }
0xda: {  	v46 =	vld [tilespmem:s20+$0xFFFFFFF0];
	_ =	sdelay $0x4  }
0xdb: {  	v44 =	vadd.f32 v46, v44;
	_ =	sdelay $0x1  }
0xdc: {  	v44 =	vmul.f32 v44, v45;
	_ =	sdelay $0x1  }
0xdd: {  	v44 =	vadd.f32 v44, v41;
	_ =	sdelay $0x1  }
0xde: {  	[tilespmem:s22+$0xFFFFFFF0] =	vst v44  }
0xdf: {  	v44 =	vld [tilespmem:s21+$0x0]  }
0xe0: {  	v46 =	vld [tilespmem:s20+$0x0];
	_ =	sdelay $0x4  }
0xe1: {  	v44 =	vadd.f32 v46, v44;
	_ =	sdelay $0x1  }
0xe2: {  	v44 =	vmul.f32 v44, v45;
	_ =	sdelay $0x1  }
0xe3: {  	v44 =	vadd.f32 v44, v43;
	_ =	sdelay $0x1  }
0xe4: {  	[tilespmem:s22+$0x0] =	vst v44  }
0xe5: {  	v44 =	vld [tilespmem:s21+$0x10]  }
0xe6: {  	v46 =	vld [tilespmem:s20+$0x10];
	_ =	sdelay $0x2  }
.Ltmp2:
0xe7: {  	(pc) =	sbr.rel @p2 .LBB2_5-.Ltmp2, $3  }
0xe8: {  	_ = 	snop  }
0xe9: {  	v44 =	vadd.f32 v46, v44;
	_ =	sdelay $0x1  }
0xea: {  	v44 =	vmul.f32 v44, v45  }
0xeb: {  	_ = 	snop  }
0xec: {  	v44 =	vadd.f32 v44, v42;
	_ =	sdelay $0x1  }
0xed: {  	s20 =	rddreg [dreg:$0xb];
	[tilespmem:s24+$0x10] =	vst v44  }
0xee: {  	[hbm4b:s20+s17] =	stream.strided.scatter [tilespmem:s13], [sflag:$0x9], $0x2000, s30, s17, $0x38;
	[tilespmem:$0x1E140] =	vst v63  }
0xef: {  	_ =	swait.ge [sflag:s28], $0x2000  }
0xf0: {  	[sflag:s28] =	ssyncset.done $0x0  }
0xf1: {  	s23 =	rddreg [dreg:$0x12];
	[sflag:s28] =	ssyncadd.s32 $0xFFFFE000  }
0xf2: {  	[tilespmem:s31], [sflag:$0x9] =	stream.linear.gather [spmem:s23], $0x2000, $0x38;
	[tilespmem:$0x1E140] =	vst v63  }
0xf3: {  	_ =	swait.ge [sflag:s28], $0x2000  }
0xf4: {  	[sflag:s28] =	ssyncset.done $0x0  }
0xf5: {  	[sflag:s28] =	ssyncadd.s32 $0xFFFFE000  }
0xf6: {  	[tilespmem:$0x14000] =	vst v7  }
0xf7: {  	[tilespmem:$0x14010] =	vst v8  }
0xf8: {  	[tilespmem:$0x14020] =	vst v10  }
0xf9: {  	[tilespmem:$0x14030] =	vst v11  }
0xfa: {  	[tilespmem:$0x14040] =	vst v12  }
0xfb: {  	[tilespmem:$0x14050] =	vst v13  }
0xfc: {  	[tilespmem:$0x14060] =	vst v14  }
0xfd: {  	[tilespmem:$0x14070] =	vst v15  }
0xfe: {  	[tilespmem:s10], [sflag:$0x9] =	stream.indirect.gather [hbm4b:s15+s30], $0x40, s9, s30, $0xb8;
	[tilespmem:$0x1E140] =	vst v63  }
0xff: {  	_ =	swait.ge [sflag:s28], $0x2000  }
0x100: {  	[sflag:s28] =	ssyncset.done $0x0  }
0x101: {  	s24 =	simm.s32 $0x0;
	s21 =	rddreg [dreg:$0x6];
	[sflag:s28] =	ssyncadd.s32 $0xFFFFE000  }
0x102: {  	[tilespmem:s16], [sflag:$0x9] =	stream.linear.gather [hbm4b:s21+s24], $0x80, $0x38;
	[tilespmem:$0x1E140] =	vst v63  }
0x103: {  	_ =	swait.ge [sflag:s28], $0x80  }
0x104: {  	v60 =	vmov s24;
	[sflag:s28] =	ssyncset.done $0x0  }
0x105: {  	s20 =	simm.s32 $0x12020;
	[sflag:s28] =	ssyncadd.s32 $0xFFFFFF80  }
0x106: {  	s21 =	simm.s32 $0xA020;
	v45 =	vld [tilespmem:s20+$0xFFFFFFE0]  }
0x107: {  	v46 =	vld [tilespmem:s21+$0xFFFFFFE0];
	_ =	sdelay $0x1  }
0x108: {  	v44 =	vld.idx.msk [tilespmem:v60+s16+$0x0], $0xffff;
	_ =	sdelay $0x2  }
0x109: {  	v45 =	vadd.f32 v45, v46;
	_ =	sdelay $0x1  }
0x10a: {  	v45 =	vmul.f32 v45, v44;
	_ =	sdelay $0x1  }
0x10b: {  	v45 =	vadd.f32 v45, v40  }
0x10c: {  	s22 =	simm.s32 $0xC020  }
0x10d: {  	[tilespmem:s22+$0xFFFFFFE0] =	vst v45  }
0x10e: {  	v45 =	vld [tilespmem:s21+$0xFFFFFFF0]  }
0x10f: {  	v61 =	vld [tilespmem:s20+$0xFFFFFFF0];
	_ =	sdelay $0x4  }
0x110: {  	v45 =	vadd.f32 v61, v45;
	_ =	sdelay $0x1  }
0x111: {  	v45 =	vmul.f32 v45, v44;
	_ =	sdelay $0x1  }
0x112: {  	v45 =	vadd.f32 v45, v41;
	_ =	sdelay $0x1  }
0x113: {  	[tilespmem:s22+$0xFFFFFFF0] =	vst v45  }
0x114: {  	v45 =	vld [tilespmem:s21+$0x0]  }
0x115: {  	v62 =	vld [tilespmem:s20+$0x0];
	_ =	sdelay $0x4  }
0x116: {  	v45 =	vadd.f32 v62, v45;
	_ =	sdelay $0x1  }
0x117: {  	v45 =	vmul.f32 v45, v44;
	_ =	sdelay $0x1  }
0x118: {  	v45 =	vadd.f32 v45, v43;
	_ =	sdelay $0x1  }
0x119: {  	[tilespmem:s22+$0x0] =	vst v45  }
0x11a: {  	v45 =	vld [tilespmem:s21+$0x10]  }
0x11b: {  	v63 =	vld [tilespmem:s20+$0x10];
	_ =	sdelay $0x4  }
0x11c: {  	v45 =	vadd.f32 v63, v45;
	_ =	sdelay $0x1  }
0x11d: {  	s23 =	simm.s32 $0x1;
	s24 =	simm.s32 $0xC020;
	v44 =	vmul.f32 v45, v44  }
.LBB2_7:
0x11e: {  	s20 =	sadd.s32 $0x40, s20;
	s22 =	sadd.s32 $0x40, s22;
	s21 =	sadd.s32 $0x40, s21  }
0x11f: {  	v45 =	vmov s23;
	p2 =	sne.s32 s23, $0x7F;
	s23 =	sadd.s32 $0x1, s23;
	v44 =	vadd.f32 v44, v42;
	_ =	sdelay $0x1  }
0x120: {  	[tilespmem:s24+$0x10] =	vst v44;
	s24 =	smov.u32 s22  }
0x121: {  	v44 =	vld [tilespmem:s20+$0xFFFFFFE0]  }
0x122: {  	v46 =	vld [tilespmem:s21+$0xFFFFFFE0]  }
0x123: {  	v45 =	vld.idx.msk [tilespmem:v45+s16+$0x0], $0xffff;
	_ =	sdelay $0x3  }
0x124: {  	v44 =	vadd.f32 v44, v46;
	_ =	sdelay $0x1  }
0x125: {  	v44 =	vmul.f32 v44, v45;
	_ =	sdelay $0x1  }
0x126: {  	v44 =	vadd.f32 v44, v40;
	_ =	sdelay $0x1  }
0x127: {  	[tilespmem:s22+$0xFFFFFFE0] =	vst v44  }
0x128: {  	v44 =	vld [tilespmem:s21+$0xFFFFFFF0]  }
0x129: {  	v46 =	vld [tilespmem:s20+$0xFFFFFFF0];
	_ =	sdelay $0x4  }
0x12a: {  	v44 =	vadd.f32 v46, v44;
	_ =	sdelay $0x1  }
0x12b: {  	v44 =	vmul.f32 v44, v45;
	_ =	sdelay $0x1  }
0x12c: {  	v44 =	vadd.f32 v44, v41;
	_ =	sdelay $0x1  }
0x12d: {  	[tilespmem:s22+$0xFFFFFFF0] =	vst v44  }
0x12e: {  	v44 =	vld [tilespmem:s21+$0x0]  }
0x12f: {  	v46 =	vld [tilespmem:s20+$0x0];
	_ =	sdelay $0x4  }
0x130: {  	v44 =	vadd.f32 v46, v44;
	_ =	sdelay $0x1  }
0x131: {  	v44 =	vmul.f32 v44, v45;
	_ =	sdelay $0x1  }
0x132: {  	v44 =	vadd.f32 v44, v43;
	_ =	sdelay $0x1  }
0x133: {  	[tilespmem:s22+$0x0] =	vst v44  }
0x134: {  	v44 =	vld [tilespmem:s21+$0x10]  }
0x135: {  	v46 =	vld [tilespmem:s20+$0x10];
	_ =	sdelay $0x2  }
.Ltmp3:
0x136: {  	(pc) =	sbr.rel @p2 .LBB2_7-.Ltmp3, $3  }
0x137: {  	_ = 	snop  }
0x138: {  	v44 =	vadd.f32 v46, v44;
	_ =	sdelay $0x1  }
0x139: {  	v44 =	vmul.f32 v44, v45  }
0x13a: {  	_ = 	snop  }
0x13b: {  	v44 =	vadd.f32 v44, v42;
	_ =	sdelay $0x1  }
0x13c: {  	s20 =	rddreg [dreg:$0xc];
	[tilespmem:s24+$0x10] =	vst v44  }
0x13d: {  	[hbm4b:s20+s17] =	stream.strided.scatter [tilespmem:s13], [sflag:$0x9], $0x2000, s30, s17, $0x38;
	[tilespmem:$0x1E140] =	vst v63  }
0x13e: {  	_ =	swait.ge [sflag:s28], $0x2000  }
0x13f: {  	[sflag:s28] =	ssyncset.done $0x0  }
0x140: {  	s23 =	rddreg [dreg:$0x13];
	[sflag:s28] =	ssyncadd.s32 $0xFFFFE000  }
0x141: {  	[tilespmem:s31], [sflag:$0x9] =	stream.linear.gather [spmem:s23], $0x2000, $0x38;
	[tilespmem:$0x1E140] =	vst v63  }
0x142: {  	_ =	swait.ge [sflag:s28], $0x2000  }
0x143: {  	[sflag:s28] =	ssyncset.done $0x0  }
0x144: {  	[sflag:s28] =	ssyncadd.s32 $0xFFFFE000  }
0x145: {  	[tilespmem:$0x14000] =	vst v16  }
0x146: {  	[tilespmem:$0x14010] =	vst v17  }
0x147: {  	[tilespmem:$0x14020] =	vst v18  }
0x148: {  	[tilespmem:$0x14030] =	vst v19  }
0x149: {  	[tilespmem:$0x14040] =	vst v20  }
0x14a: {  	[tilespmem:$0x14050] =	vst v21  }
0x14b: {  	[tilespmem:$0x14060] =	vst v22  }
0x14c: {  	[tilespmem:$0x14070] =	vst v23  }
0x14d: {  	[tilespmem:s10], [sflag:$0x9] =	stream.indirect.gather [hbm4b:s15+s30], $0x40, s9, s30, $0xb8;
	[tilespmem:$0x1E140] =	vst v63  }
0x14e: {  	_ =	swait.ge [sflag:s28], $0x2000  }
0x14f: {  	[sflag:s28] =	ssyncset.done $0x0  }
0x150: {  	s24 =	simm.s32 $0x0;
	s21 =	rddreg [dreg:$0x7];
	[sflag:s28] =	ssyncadd.s32 $0xFFFFE000  }
0x151: {  	[tilespmem:s16], [sflag:$0x9] =	stream.linear.gather [hbm4b:s21+s24], $0x80, $0x38;
	[tilespmem:$0x1E140] =	vst v63  }
0x152: {  	_ =	swait.ge [sflag:s28], $0x80  }
0x153: {  	v60 =	vmov s24;
	[sflag:s28] =	ssyncset.done $0x0  }
0x154: {  	s20 =	simm.s32 $0x12020;
	[sflag:s28] =	ssyncadd.s32 $0xFFFFFF80  }
0x155: {  	s21 =	simm.s32 $0xA020;
	v45 =	vld [tilespmem:s20+$0xFFFFFFE0]  }
0x156: {  	v46 =	vld [tilespmem:s21+$0xFFFFFFE0];
	_ =	sdelay $0x1  }
0x157: {  	v44 =	vld.idx.msk [tilespmem:v60+s16+$0x0], $0xffff;
	_ =	sdelay $0x2  }
0x158: {  	v45 =	vadd.f32 v45, v46;
	_ =	sdelay $0x1  }
0x159: {  	v45 =	vmul.f32 v45, v44;
	_ =	sdelay $0x1  }
0x15a: {  	v45 =	vadd.f32 v45, v40  }
0x15b: {  	s22 =	simm.s32 $0xC020  }
0x15c: {  	[tilespmem:s22+$0xFFFFFFE0] =	vst v45  }
0x15d: {  	v45 =	vld [tilespmem:s21+$0xFFFFFFF0]  }
0x15e: {  	v61 =	vld [tilespmem:s20+$0xFFFFFFF0];
	_ =	sdelay $0x4  }
0x15f: {  	v45 =	vadd.f32 v61, v45;
	_ =	sdelay $0x1  }
0x160: {  	v45 =	vmul.f32 v45, v44;
	_ =	sdelay $0x1  }
0x161: {  	v45 =	vadd.f32 v45, v41;
	_ =	sdelay $0x1  }
0x162: {  	[tilespmem:s22+$0xFFFFFFF0] =	vst v45  }
0x163: {  	v45 =	vld [tilespmem:s21+$0x0]  }
0x164: {  	v62 =	vld [tilespmem:s20+$0x0];
	_ =	sdelay $0x4  }
0x165: {  	v45 =	vadd.f32 v62, v45;
	_ =	sdelay $0x1  }
0x166: {  	v45 =	vmul.f32 v45, v44;
	_ =	sdelay $0x1  }
0x167: {  	v45 =	vadd.f32 v45, v43;
	_ =	sdelay $0x1  }
0x168: {  	[tilespmem:s22+$0x0] =	vst v45  }
0x169: {  	v45 =	vld [tilespmem:s21+$0x10]  }
0x16a: {  	v63 =	vld [tilespmem:s20+$0x10];
	_ =	sdelay $0x4  }
0x16b: {  	v45 =	vadd.f32 v63, v45;
	_ =	sdelay $0x1  }
0x16c: {  	s23 =	simm.s32 $0x1;
	s24 =	simm.s32 $0xC020;
	v44 =	vmul.f32 v45, v44  }
.LBB2_9:
0x16d: {  	s20 =	sadd.s32 $0x40, s20;
	s22 =	sadd.s32 $0x40, s22;
	s21 =	sadd.s32 $0x40, s21  }
0x16e: {  	v45 =	vmov s23;
	p2 =	sne.s32 s23, $0x7F;
	s23 =	sadd.s32 $0x1, s23;
	v44 =	vadd.f32 v44, v42;
	_ =	sdelay $0x1  }
0x16f: {  	[tilespmem:s24+$0x10] =	vst v44;
	s24 =	smov.u32 s22  }
0x170: {  	v44 =	vld [tilespmem:s20+$0xFFFFFFE0]  }
0x171: {  	v46 =	vld [tilespmem:s21+$0xFFFFFFE0]  }
0x172: {  	v45 =	vld.idx.msk [tilespmem:v45+s16+$0x0], $0xffff;
	_ =	sdelay $0x3  }
0x173: {  	v44 =	vadd.f32 v44, v46;
	_ =	sdelay $0x1  }
0x174: {  	v44 =	vmul.f32 v44, v45;
	_ =	sdelay $0x1  }
0x175: {  	v44 =	vadd.f32 v44, v40;
	_ =	sdelay $0x1  }
0x176: {  	[tilespmem:s22+$0xFFFFFFE0] =	vst v44  }
0x177: {  	v44 =	vld [tilespmem:s21+$0xFFFFFFF0]  }
0x178: {  	v46 =	vld [tilespmem:s20+$0xFFFFFFF0];
	_ =	sdelay $0x4  }
0x179: {  	v44 =	vadd.f32 v46, v44;
	_ =	sdelay $0x1  }
0x17a: {  	v44 =	vmul.f32 v44, v45;
	_ =	sdelay $0x1  }
0x17b: {  	v44 =	vadd.f32 v44, v41;
	_ =	sdelay $0x1  }
0x17c: {  	[tilespmem:s22+$0xFFFFFFF0] =	vst v44  }
0x17d: {  	v44 =	vld [tilespmem:s21+$0x0]  }
0x17e: {  	v46 =	vld [tilespmem:s20+$0x0];
	_ =	sdelay $0x4  }
0x17f: {  	v44 =	vadd.f32 v46, v44;
	_ =	sdelay $0x1  }
0x180: {  	v44 =	vmul.f32 v44, v45;
	_ =	sdelay $0x1  }
0x181: {  	v44 =	vadd.f32 v44, v43;
	_ =	sdelay $0x1  }
0x182: {  	[tilespmem:s22+$0x0] =	vst v44  }
0x183: {  	v44 =	vld [tilespmem:s21+$0x10]  }
0x184: {  	v46 =	vld [tilespmem:s20+$0x10];
	_ =	sdelay $0x2  }
.Ltmp4:
0x185: {  	(pc) =	sbr.rel @p2 .LBB2_9-.Ltmp4, $3  }
0x186: {  	_ = 	snop  }
0x187: {  	v44 =	vadd.f32 v46, v44;
	_ =	sdelay $0x1  }
0x188: {  	v44 =	vmul.f32 v44, v45  }
0x189: {  	_ = 	snop  }
0x18a: {  	v44 =	vadd.f32 v44, v42;
	_ =	sdelay $0x1  }
0x18b: {  	s20 =	rddreg [dreg:$0xd];
	[tilespmem:s24+$0x10] =	vst v44  }
0x18c: {  	[hbm4b:s20+s17] =	stream.strided.scatter [tilespmem:s13], [sflag:$0x9], $0x2000, s30, s17, $0x38;
	[tilespmem:$0x1E140] =	vst v63  }
0x18d: {  	_ =	swait.ge [sflag:s28], $0x2000  }
0x18e: {  	[sflag:s28] =	ssyncset.done $0x0  }
0x18f: {  	s23 =	rddreg [dreg:$0x14];
	[sflag:s28] =	ssyncadd.s32 $0xFFFFE000  }
0x190: {  	[tilespmem:s31], [sflag:$0x9] =	stream.linear.gather [spmem:s23], $0x2000, $0x38;
	[tilespmem:$0x1E140] =	vst v63  }
0x191: {  	_ =	swait.ge [sflag:s28], $0x2000  }
0x192: {  	[sflag:s28] =	ssyncset.done $0x0  }
0x193: {  	[sflag:s28] =	ssyncadd.s32 $0xFFFFE000  }
0x194: {  	[tilespmem:$0x14000] =	vst v24  }
0x195: {  	[tilespmem:$0x14010] =	vst v25  }
0x196: {  	[tilespmem:$0x14020] =	vst v26  }
0x197: {  	[tilespmem:$0x14030] =	vst v27  }
0x198: {  	[tilespmem:$0x14040] =	vst v28  }
0x199: {  	[tilespmem:$0x14050] =	vst v29  }
0x19a: {  	[tilespmem:$0x14060] =	vst v30  }
0x19b: {  	[tilespmem:$0x14070] =	vst v31  }
0x19c: {  	[tilespmem:s10], [sflag:$0x9] =	stream.indirect.gather [hbm4b:s15+s30], $0x40, s9, s30, $0xb8;
	[tilespmem:$0x1E140] =	vst v63  }
0x19d: {  	_ =	swait.ge [sflag:s28], $0x2000  }
0x19e: {  	[sflag:s28] =	ssyncset.done $0x0  }
0x19f: {  	s24 =	simm.s32 $0x0;
	s21 =	rddreg [dreg:$0x8];
	[sflag:s28] =	ssyncadd.s32 $0xFFFFE000  }
0x1a0: {  	[tilespmem:s16], [sflag:$0x9] =	stream.linear.gather [hbm4b:s21+s24], $0x80, $0x38;
	[tilespmem:$0x1E140] =	vst v63  }
0x1a1: {  	_ =	swait.ge [sflag:s28], $0x80  }
0x1a2: {  	v60 =	vmov s24;
	[sflag:s28] =	ssyncset.done $0x0  }
0x1a3: {  	s20 =	simm.s32 $0x12020;
	[sflag:s28] =	ssyncadd.s32 $0xFFFFFF80  }
0x1a4: {  	s21 =	simm.s32 $0xA020;
	v45 =	vld [tilespmem:s20+$0xFFFFFFE0]  }
0x1a5: {  	v46 =	vld [tilespmem:s21+$0xFFFFFFE0];
	_ =	sdelay $0x1  }
0x1a6: {  	v44 =	vld.idx.msk [tilespmem:v60+s16+$0x0], $0xffff;
	_ =	sdelay $0x2  }
0x1a7: {  	v45 =	vadd.f32 v45, v46;
	_ =	sdelay $0x1  }
0x1a8: {  	v45 =	vmul.f32 v45, v44;
	_ =	sdelay $0x1  }
0x1a9: {  	v45 =	vadd.f32 v45, v40  }
0x1aa: {  	s22 =	simm.s32 $0xC020  }
0x1ab: {  	[tilespmem:s22+$0xFFFFFFE0] =	vst v45  }
0x1ac: {  	v45 =	vld [tilespmem:s21+$0xFFFFFFF0]  }
0x1ad: {  	v61 =	vld [tilespmem:s20+$0xFFFFFFF0];
	_ =	sdelay $0x4  }
0x1ae: {  	v45 =	vadd.f32 v61, v45;
	_ =	sdelay $0x1  }
0x1af: {  	v45 =	vmul.f32 v45, v44;
	_ =	sdelay $0x1  }
0x1b0: {  	v45 =	vadd.f32 v45, v41;
	_ =	sdelay $0x1  }
0x1b1: {  	[tilespmem:s22+$0xFFFFFFF0] =	vst v45  }
0x1b2: {  	v45 =	vld [tilespmem:s21+$0x0]  }
0x1b3: {  	v62 =	vld [tilespmem:s20+$0x0];
	_ =	sdelay $0x4  }
0x1b4: {  	v45 =	vadd.f32 v62, v45;
	_ =	sdelay $0x1  }
0x1b5: {  	v45 =	vmul.f32 v45, v44;
	_ =	sdelay $0x1  }
0x1b6: {  	v45 =	vadd.f32 v45, v43;
	_ =	sdelay $0x1  }
0x1b7: {  	[tilespmem:s22+$0x0] =	vst v45  }
0x1b8: {  	v45 =	vld [tilespmem:s21+$0x10]  }
0x1b9: {  	v63 =	vld [tilespmem:s20+$0x10];
	_ =	sdelay $0x4  }
0x1ba: {  	v45 =	vadd.f32 v63, v45;
	_ =	sdelay $0x1  }
0x1bb: {  	s23 =	simm.s32 $0x1;
	s24 =	simm.s32 $0xC020;
	v44 =	vmul.f32 v45, v44  }
.LBB2_11:
0x1bc: {  	s20 =	sadd.s32 $0x40, s20;
	s22 =	sadd.s32 $0x40, s22;
	s21 =	sadd.s32 $0x40, s21  }
0x1bd: {  	v45 =	vmov s23;
	p2 =	sne.s32 s23, $0x7F;
	s23 =	sadd.s32 $0x1, s23;
	v44 =	vadd.f32 v44, v42;
	_ =	sdelay $0x1  }
0x1be: {  	[tilespmem:s24+$0x10] =	vst v44;
	s24 =	smov.u32 s22  }
0x1bf: {  	v44 =	vld [tilespmem:s20+$0xFFFFFFE0]  }
0x1c0: {  	v46 =	vld [tilespmem:s21+$0xFFFFFFE0]  }
0x1c1: {  	v45 =	vld.idx.msk [tilespmem:v45+s16+$0x0], $0xffff;
	_ =	sdelay $0x3  }
0x1c2: {  	v44 =	vadd.f32 v44, v46;
	_ =	sdelay $0x1  }
0x1c3: {  	v44 =	vmul.f32 v44, v45;
	_ =	sdelay $0x1  }
0x1c4: {  	v44 =	vadd.f32 v44, v40;
	_ =	sdelay $0x1  }
0x1c5: {  	[tilespmem:s22+$0xFFFFFFE0] =	vst v44  }
0x1c6: {  	v44 =	vld [tilespmem:s21+$0xFFFFFFF0]  }
0x1c7: {  	v46 =	vld [tilespmem:s20+$0xFFFFFFF0];
	_ =	sdelay $0x4  }
0x1c8: {  	v44 =	vadd.f32 v46, v44;
	_ =	sdelay $0x1  }
0x1c9: {  	v44 =	vmul.f32 v44, v45;
	_ =	sdelay $0x1  }
0x1ca: {  	v44 =	vadd.f32 v44, v41;
	_ =	sdelay $0x1  }
0x1cb: {  	[tilespmem:s22+$0xFFFFFFF0] =	vst v44  }
0x1cc: {  	v44 =	vld [tilespmem:s21+$0x0]  }
0x1cd: {  	v46 =	vld [tilespmem:s20+$0x0];
	_ =	sdelay $0x4  }
0x1ce: {  	v44 =	vadd.f32 v46, v44;
	_ =	sdelay $0x1  }
0x1cf: {  	v44 =	vmul.f32 v44, v45;
	_ =	sdelay $0x1  }
0x1d0: {  	v44 =	vadd.f32 v44, v43;
	_ =	sdelay $0x1  }
0x1d1: {  	[tilespmem:s22+$0x0] =	vst v44  }
0x1d2: {  	v44 =	vld [tilespmem:s21+$0x10]  }
0x1d3: {  	v46 =	vld [tilespmem:s20+$0x10];
	_ =	sdelay $0x2  }
.Ltmp5:
0x1d4: {  	(pc) =	sbr.rel @p2 .LBB2_11-.Ltmp5, $3  }
0x1d5: {  	_ = 	snop  }
0x1d6: {  	v44 =	vadd.f32 v46, v44;
	_ =	sdelay $0x1  }
0x1d7: {  	v44 =	vmul.f32 v44, v45  }
0x1d8: {  	_ = 	snop  }
0x1d9: {  	v44 =	vadd.f32 v44, v42  }
0x1da: {  	s20 =	simm.s32 @p0 $0x40  }
0x1db: {  	s21 =	simm.s32 @p0 $0x80;
	s22 =	simm.s32 @p0 $0xC000;
	s23 =	rddreg [dreg:$0x15];
	[tilespmem:s24+$0x10] =	vst v44  }
0x1dc: {  	[hbm4b:s23+s20] =	stream.strided.scatter @p0 [tilespmem:s22], [sflag:$0x9], $0x400, s21, s20, $0x38;
	[tilespmem:$0x1E140] =	vst v63  }
0x1dd: {  	s20 =	simm.s32 @p0 $0x9  }
0x1de: {  	_ =	swait.ge @p0 [sflag:s20], $0x400  }
0x1df: {  	s21 =	simm.s32 @!p0 $0x80;
	s22 =	simm.s32 @!p0 $0xC000;
	[sflag:s20] =	ssyncset.done @p0 $0x0  }
0x1e0: {  	s23 =	rddreg [dreg:$0xe];
	[sflag:s20] =	ssyncadd.s32 @p0 $0xFFFFFC00;
	s20 =	simm.s32 @!p0 $0x40  }
0x1e1: {  	[hbm4b:s23+s20] =	stream.strided.scatter @!p0 [tilespmem:s22], [sflag:$0x9], $0x2000, s21, s20, $0x38;
	[tilespmem:$0x1E140] =	vst v63  }
0x1e2: {  	s20 =	simm.s32 @!p0 $0x9  }
0x1e3: {  	_ =	swait.ge @!p0 [sflag:s20], $0x2000  }
0x1e4: {  	[sflag:s20] =	ssyncset.done @!p0 $0x0  }
0x1e5: {  	s22 =	rddreg [dreg:$0x16];
	[sflag:s20] =	ssyncadd.s32 @!p0 $0xFFFFE000  }
0x1e6: {  	[tilespmem:s31], [sflag:$0x9] =	stream.linear.gather [spmem:s22], $0x2000, $0x38;
	[tilespmem:$0x1E140] =	vst v63  }
0x1e7: {  	_ =	swait.ge [sflag:s28], $0x2000  }
0x1e8: {  	[sflag:s28] =	ssyncset.done $0x0  }
0x1e9: {  	[sflag:s28] =	ssyncadd.s32 $0xFFFFE000  }
0x1ea: {  	[tilespmem:$0x14000] =	vst v32  }
0x1eb: {  	[tilespmem:$0x14010] =	vst v33  }
0x1ec: {  	[tilespmem:$0x14020] =	vst v34  }
0x1ed: {  	[tilespmem:$0x14030] =	vst v35  }
0x1ee: {  	[tilespmem:$0x14040] =	vst v36  }
0x1ef: {  	[tilespmem:$0x14050] =	vst v37  }
0x1f0: {  	[tilespmem:$0x14060] =	vst v38  }
0x1f1: {  	[tilespmem:$0x14070] =	vst v39  }
0x1f2: {  	[tilespmem:s10], [sflag:$0x9] =	stream.indirect.gather [hbm4b:s15+s30], $0x40, s9, s30, $0xb8;
	[tilespmem:$0x1E140] =	vst v63  }
0x1f3: {  	_ =	swait.ge [sflag:s28], $0x2000  }
0x1f4: {  	[sflag:s28] =	ssyncset.done $0x0  }
0x1f5: {  	s23 =	simm.s32 $0x0;
	s24 =	rddreg [dreg:$0x9];
	[sflag:s28] =	ssyncadd.s32 $0xFFFFE000  }
0x1f6: {  	[tilespmem:s16], [sflag:$0x9] =	stream.linear.gather [hbm4b:s24+s23], $0x80, $0x38;
	[tilespmem:$0x1E140] =	vst v63  }
0x1f7: {  	_ =	swait.ge [sflag:s28], $0x80  }
0x1f8: {  	v60 =	vmov s23;
	[sflag:s28] =	ssyncset.done $0x0  }
0x1f9: {  	s20 =	simm.s32 $0x12020;
	[sflag:s28] =	ssyncadd.s32 $0xFFFFFF80  }
0x1fa: {  	s21 =	simm.s32 $0xA020;
	v45 =	vld [tilespmem:s20+$0xFFFFFFE0]  }
0x1fb: {  	v46 =	vld [tilespmem:s21+$0xFFFFFFE0];
	_ =	sdelay $0x1  }
0x1fc: {  	v44 =	vld.idx.msk [tilespmem:v60+s16+$0x0], $0xffff;
	_ =	sdelay $0x2  }
0x1fd: {  	v45 =	vadd.f32 v45, v46;
	_ =	sdelay $0x1  }
0x1fe: {  	v45 =	vmul.f32 v45, v44;
	_ =	sdelay $0x1  }
0x1ff: {  	v45 =	vadd.f32 v45, v40  }
0x200: {  	s22 =	simm.s32 $0xC020  }
0x201: {  	[tilespmem:s22+$0xFFFFFFE0] =	vst v45  }
0x202: {  	v45 =	vld [tilespmem:s21+$0xFFFFFFF0]  }
0x203: {  	v61 =	vld [tilespmem:s20+$0xFFFFFFF0];
	_ =	sdelay $0x4  }
0x204: {  	v45 =	vadd.f32 v61, v45;
	_ =	sdelay $0x1  }
0x205: {  	v45 =	vmul.f32 v45, v44;
	_ =	sdelay $0x1  }
0x206: {  	v45 =	vadd.f32 v45, v41;
	_ =	sdelay $0x1  }
0x207: {  	[tilespmem:s22+$0xFFFFFFF0] =	vst v45  }
0x208: {  	v45 =	vld [tilespmem:s21+$0x0]  }
0x209: {  	v62 =	vld [tilespmem:s20+$0x0];
	_ =	sdelay $0x4  }
0x20a: {  	v45 =	vadd.f32 v62, v45;
	_ =	sdelay $0x1  }
0x20b: {  	v45 =	vmul.f32 v45, v44;
	_ =	sdelay $0x1  }
0x20c: {  	v45 =	vadd.f32 v45, v43;
	_ =	sdelay $0x1  }
0x20d: {  	[tilespmem:s22+$0x0] =	vst v45  }
0x20e: {  	v45 =	vld [tilespmem:s21+$0x10]  }
0x20f: {  	v63 =	vld [tilespmem:s20+$0x10];
	_ =	sdelay $0x4  }
0x210: {  	v45 =	vadd.f32 v63, v45;
	_ =	sdelay $0x1  }
0x211: {  	s23 =	simm.s32 $0x1;
	s24 =	simm.s32 $0xC020;
	v44 =	vmul.f32 v45, v44  }
.LBB2_13:
0x212: {  	s20 =	sadd.s32 $0x40, s20;
	s22 =	sadd.s32 $0x40, s22;
	s21 =	sadd.s32 $0x40, s21  }
0x213: {  	v45 =	vmov s23;
	p2 =	sne.s32 s23, $0x7F;
	s23 =	sadd.s32 $0x1, s23;
	v44 =	vadd.f32 v44, v42;
	_ =	sdelay $0x1  }
0x214: {  	[tilespmem:s24+$0x10] =	vst v44;
	s24 =	smov.u32 s22  }
0x215: {  	v44 =	vld [tilespmem:s20+$0xFFFFFFE0]  }
0x216: {  	v46 =	vld [tilespmem:s21+$0xFFFFFFE0]  }
0x217: {  	v45 =	vld.idx.msk [tilespmem:v45+s16+$0x0], $0xffff;
	_ =	sdelay $0x3  }
0x218: {  	v44 =	vadd.f32 v44, v46;
	_ =	sdelay $0x1  }
0x219: {  	v44 =	vmul.f32 v44, v45;
	_ =	sdelay $0x1  }
0x21a: {  	v44 =	vadd.f32 v44, v40;
	_ =	sdelay $0x1  }
0x21b: {  	[tilespmem:s22+$0xFFFFFFE0] =	vst v44  }
0x21c: {  	v44 =	vld [tilespmem:s21+$0xFFFFFFF0]  }
0x21d: {  	v46 =	vld [tilespmem:s20+$0xFFFFFFF0];
	_ =	sdelay $0x4  }
0x21e: {  	v44 =	vadd.f32 v46, v44;
	_ =	sdelay $0x1  }
0x21f: {  	v44 =	vmul.f32 v44, v45;
	_ =	sdelay $0x1  }
0x220: {  	v44 =	vadd.f32 v44, v41;
	_ =	sdelay $0x1  }
0x221: {  	[tilespmem:s22+$0xFFFFFFF0] =	vst v44  }
0x222: {  	v44 =	vld [tilespmem:s21+$0x0]  }
0x223: {  	v46 =	vld [tilespmem:s20+$0x0];
	_ =	sdelay $0x4  }
0x224: {  	v44 =	vadd.f32 v46, v44;
	_ =	sdelay $0x1  }
0x225: {  	v44 =	vmul.f32 v44, v45;
	_ =	sdelay $0x1  }
0x226: {  	v44 =	vadd.f32 v44, v43;
	_ =	sdelay $0x1  }
0x227: {  	[tilespmem:s22+$0x0] =	vst v44  }
0x228: {  	v44 =	vld [tilespmem:s21+$0x10]  }
0x229: {  	v46 =	vld [tilespmem:s20+$0x10];
	_ =	sdelay $0x2  }
.Ltmp6:
0x22a: {  	(pc) =	sbr.rel @p2 .LBB2_13-.Ltmp6, $3  }
0x22b: {  	_ = 	snop  }
0x22c: {  	v44 =	vadd.f32 v46, v44;
	_ =	sdelay $0x1  }
0x22d: {  	v44 =	vmul.f32 v44, v45  }
0x22e: {  	_ = 	snop  }
0x22f: {  	v40 =	vadd.f32 v44, v42;
	_ =	sdelay $0x1  }
0x230: {  	s20 =	simm.s32 @!p0 $0x40;
	s21 =	simm.s32 @!p0 $0x80;
	s22 =	simm.s32 @!p0 $0xC000;
	[tilespmem:s24+$0x10] =	vst v40  }
0x231: {  	[hbm4b:s11+s20] =	stream.strided.scatter @!p0 [tilespmem:s22], [sflag:$0x9], $0x2000, s21, s20, $0x38;
	[tilespmem:$0x1E140] =	vst v63  }
0x232: {  	s20 =	simm.s32 @!p0 $0x9  }
0x233: {  	s19 =	sadd.s32 $0x1, s19;
	_ =	swait.ge @!p0 [sflag:s20], $0x2000  }
0x234: {  	p2 =	sne.s32 s19, s25;
	s21 =	simm.s32 @!p1 $0x80;
	[sflag:s20] =	ssyncset.done @!p0 $0x0  }
0x235: {  	s22 =	simm.s32 @!p1 $0xC000;
	[sflag:s20] =	ssyncadd.s32 @!p0 $0xFFFFE000;
	s20 =	simm.s32 @!p1 $0x40  }
0x236: {  	[hbm4b:s11+s20] =	stream.strided.scatter @!p1 [tilespmem:s22], [sflag:$0x9], $0x400, s21, s20, $0x38;
	[tilespmem:$0x1E140] =	vst v63  }
.Ltmp7:
0x237: {  	_ = 	snop;
	(pc) =	sbr.rel @p2 .LBB2_1-.Ltmp7, $4  }
0x238: {  	s20 =	simm.s32 @!p1 $0x9  }
0x239: {  	_ =	swait.ge @!p1 [sflag:s20], $0x400  }
0x23a: {  	[sflag:s20] =	ssyncset.done @!p1 $0x0  }
0x23b: {  	[sflag:s20] =	ssyncadd.s32 @!p1 $0xFFFFFC00  }
0x23c: {  	_ =	sfence.sel $0x180000  }
0x23d: {  	[bflag:$0x0] =	sbarrier.arrive $0xFFFF  }
0x23e: {  	_ =	strace $0x9000004D  }
0x23f: {  	s0 =	stileid.u32;
	[bflag:$0x2] =	sbarrier.arrive $0xFFFF  }
0x240: {  	p0 =	sne.s32 s0, $0x0;
	s0 =	rddreg [dreg:$0x4]  }
0x241: {  	s0 =	sadd.s32 @!p0 $0x100000, s0  }
0x242: {  	[sflag:s0] =	ssyncadd.tile.s32 @!p0 $0x1;
	_ =	shalt  }
.Lfunc_end2:
_tile_overlayer_lowered:
.L_overlay_start_2:
0x243: {  	(tag) =	ssettag $0x2  }
0x244: {  	s0 =	rddreg [dreg:$0x0];
	s2 =	stileid.u32  }
0x245: {  	s1 =	rddreg [dreg:$0x1];
	p0 =	sne.s32 s2, $0x0  }
0x246: {  	s3 =	rddreg [dreg:$0x2];
	[bflag:$0x3] =	sbarrier.arrive $0xFFFF;
	s2 =	simm.s32 @!p0 $0x1C09  }
0x247: {  	[timem:s3], [sflag:s2] =	dma.local @!p0 [hbm:s0], s1  }
0x248: {  	s0 =	simm.s32 @!p0 $0x9  }
0x249: {  	_ =	swait.ge @!p0 [sflag:s0], s1  }
0x24a: {  	s1 =	ssub.s32 @!p0 $0x0, s1;
	[sflag:s0] =	ssyncset.done @!p0 $0x0  }
0x24b: {  	[sflag:s0] =	ssyncadd.s32 @!p0 s1  }
0x24c: {  	[bflag:$0x3] =	sbarrier.arrive $0xFFFF  }
0x24d: {  	_ =	shalt  }

// kernel: kernel.7.cloned.1.call-start
scs
__scs_entry_jumppad:
0x0: {  	(pc) =	sbr.rel $0x88, $3  }
0x1: {  	(tag) =	ssettag $0x0;
	lr =	simm.s32 $0x1  }
0x2: {  	[smem:$0x3F9B] =	sst lr;
	_ =	strace $0xD0000000  }
0x3: {  	_ = 	snop  }
0x4: {  	_ = 	snop  }
0x5: {  	_ = 	snop  }
0x6: {  	_ = 	snop  }
0x7: {  	_ = 	snop  }
__scs_overlays_trampoline_lowered:
0x8: {  	[smem:$0x3FAA] =	sst s0  }
0x9: {  	[smem:$0x3FAB] =	sst s1  }
0xa: {  	[smem:$0x3FAC] =	sst s2  }
0xb: {  	[smem:$0x3FAD] =	sst s3  }
0xc: {  	[smem:$0x3FAE] =	sst s4  }
0xd: {  	[smem:$0x3FAF] =	sst s5  }
0xe: {  	[smem:$0x3FB0] =	sst s6  }
0xf: {  	[smem:$0x3FB1] =	sst s7  }
0x10: {  	[smem:$0x3FB2] =	sst s8  }
0x11: {  	[smem:$0x3FB3] =	sst s9;
	s0 =	simm.s32 @!p0 $0x0  }
0x12: {  	s1 =	sld [smem:$0x3F99];
	s0 =	simm.s32 @p0 $0x1  }
0x13: {  	[smem:$0x3FB4] =	sst s0;
	s0 =	simm.s32 @!p1 $0x0  }
0x14: {  	s2 =	sld [smem:$0x3F98];
	s0 =	simm.s32 @p1 $0x1  }
0x15: {  	[smem:$0x3FB5] =	sst s0;
	s0 =	simm.s32 @!p2 $0x0  }
0x16: {  	s3 =	sld [smem:$0x3FDB];
	s0 =	simm.s32 @p2 $0x1  }
0x17: {  	s4 =	simm.s32 $0x1BF5;
	[smem:$0x3FB7] =	sst s0  }
0x18: {  	s0 =	sld [smem:$0x3F9A];
	_ =	swait.ge [sflag:s4], $0x0  }
0x19: {  	s7 =	sld [smem:$0x3F9B]  }
0x1a: {  	s8 =	sadd.s32 $0xFFFFE003, lr  }
0x1b: {  	s9 =	sadd.s32 $0xFFFFFEF7, lr;
	s5 =	simm.s32 $0xFFFFFFFF;
	p2 =	slt.u32 s8, $0xFFFFF086  }
0x1c: {  	p1 =	slt.u32 s9, $0xF7A;
	s5 =	simm.s32 @!p2 $0x0  }
0x1d: {  	s5 =	simm.s32 @p1 $0x1;
	p0 =	seq.s32 s7, s2  }
0x1e: {  	s7 =	smul.u32 @!p0 $0xF7A, s2;
	p2 =	seq.s32 @!p0 s5, $0x0  }
0x1f: {  	s9 =	smul.u32 $0xF7A, s1;
	s8 =	simm.s32 @!p0 $0x1BF5;
	p2 =	por !p2, p0  }
0x20: {  	[sflag:s8] =	ssyncset.s32 @!p0 $0xFFFFF086;
	s6 =	sadd.s32 @!p0 s3, s7;
	s7 =	simm.s32 @!p0 $0x108  }
0x21: {  	s3 =	sadd.s32 s3, s9;
	s6 =	sadd.s32 @!p0 $0x88, s6;
	s7 =	simm.s32 @p2 $0x1082  }
0x22: {  	[simem:s7], [sflag:s8] =	dma.local @!p0 [hbm:s6], $0xF7A  }
0x23: {  	s9 =	sor.u32 $0xD0000000, s2;
	s6 =	simm.s32 $0x108;
	_ =	swait.ge @!p0 [sflag:s8], $0x0  }
0x24: {  	s3 =	sadd.s32 $0x88, s3;
	s6 =	simm.s32 @!p1 $0x1082;
	[sflag:s4] =	ssyncset.s32 $0xFFFFF086  }
0x25: {  	[simem:s6], [sflag:s4] =	dma.local [hbm:s3], $0xF7A  }
0x26: {  	[smem:$0x3F9B] =	sst s1;
	(tag) =	ssettag s2;
	_ =	strace s9  }
0x27: {  	s1 =	sld [smem:$0x3FAB]  }
0x28: {  	s2 =	sld [smem:$0x3FAC]  }
0x29: {  	s4 =	sld [smem:$0x3FAE]  }
0x2a: {  	p0 =	seq.s32 s5, $0x0;
	s5 =	sld [smem:$0x3FAF]  }
0x2b: {  	s6 =	sld [smem:$0x3FB0]  }
0x2c: {  	s7 =	sld [smem:$0x3FB1]  }
0x2d: {  	s3 =	simm.s32 $0x108;
	s8 =	sld [smem:$0x3FB2]  }
0x2e: {  	s3 =	simm.s32 @!p0 $0x1082;
	s9 =	sld [smem:$0x3FB3]  }
0x2f: {  	lr =	sadd.s32 s0, s3;
	s0 =	sld [smem:$0x3FAA]  }
0x30: {  	s3 =	sld [smem:$0x3FAD]  }
0x31: {  	[smem:$0x3FB6] =	sst s10  }
0x32: {  	s10 =	sld [smem:$0x3FB4];
	_ =	sdelay $0x3  }
0x33: {  	p0 =	seq.s32 s10, $0x1;
	s10 =	sld [smem:$0x3FB6];
	_ =	sdelay $0x3  }
0x34: {  	[smem:$0x3FB6] =	sst s10  }
0x35: {  	s10 =	sld [smem:$0x3FB5];
	_ =	sdelay $0x3  }
0x36: {  	p1 =	seq.s32 s10, $0x1;
	s10 =	sld [smem:$0x3FB6];
	_ =	sdelay $0x3  }
0x37: {  	[smem:$0x3FB6] =	sst s10  }
0x38: {  	s10 =	sld [smem:$0x3FB7]  }
0x39: {  	_ = 	snop;
	(pc) =	sbr.ind lr, $3  }
0x3a: {  	_ = 	snop  }
0x3b: {  	_ = 	snop  }
0x3c: {  	p2 =	seq.s32 s10, $0x1;
	s10 =	sld [smem:$0x3FB6]  }
0x3d: {  	_ =	shalt  }
0x3e: {  	_ =	shalt  }
0x3f: {  	_ =	shalt  }
0x40: {  	_ =	shalt  }
0x41: {  	_ =	shalt  }
0x42: {  	_ =	shalt  }
0x43: {  	_ =	shalt  }
0x44: {  	_ =	shalt  }
0x45: {  	_ =	shalt  }
0x46: {  	_ =	shalt  }
0x47: {  	_ =	shalt  }
0x48: {  	_ =	shalt  }
0x49: {  	_ =	shalt  }
0x4a: {  	_ =	shalt  }
0x4b: {  	_ =	shalt  }
0x4c: {  	_ =	shalt  }
0x4d: {  	_ =	shalt  }
0x4e: {  	_ =	shalt  }
0x4f: {  	_ =	shalt  }
0x50: {  	_ =	shalt  }
0x51: {  	_ =	shalt  }
0x52: {  	_ =	shalt  }
0x53: {  	_ =	shalt  }
0x54: {  	_ =	shalt  }
0x55: {  	_ =	shalt  }
0x56: {  	_ =	shalt  }
0x57: {  	_ =	shalt  }
0x58: {  	_ =	shalt  }
0x59: {  	_ =	shalt  }
0x5a: {  	_ =	shalt  }
0x5b: {  	_ =	shalt  }
0x5c: {  	_ =	shalt  }
0x5d: {  	_ =	shalt  }
0x5e: {  	_ =	shalt  }
0x5f: {  	_ =	shalt  }
0x60: {  	_ =	shalt  }
0x61: {  	_ =	shalt  }
0x62: {  	_ =	shalt  }
0x63: {  	_ =	shalt  }
0x64: {  	_ =	shalt  }
0x65: {  	_ =	shalt  }
0x66: {  	_ =	shalt  }
0x67: {  	_ =	shalt  }
0x68: {  	_ =	shalt  }
0x69: {  	_ =	shalt  }
0x6a: {  	_ =	shalt  }
0x6b: {  	_ =	shalt  }
0x6c: {  	_ =	shalt  }
0x6d: {  	_ =	shalt  }
0x6e: {  	_ =	shalt  }
0x6f: {  	_ =	shalt  }
0x70: {  	_ =	shalt  }
0x71: {  	_ =	shalt  }
0x72: {  	_ =	shalt  }
0x73: {  	_ =	shalt  }
0x74: {  	_ =	shalt  }
0x75: {  	_ =	shalt  }
0x76: {  	_ =	shalt  }
0x77: {  	_ =	shalt  }
0x78: {  	_ =	shalt  }
0x79: {  	_ =	shalt  }
0x7a: {  	_ =	shalt  }
0x7b: {  	_ =	shalt  }
0x7c: {  	_ =	shalt  }
0x7d: {  	_ =	shalt  }
0x7e: {  	_ =	shalt  }
0x7f: {  	_ =	shalt  }
0x80: {  	_ =	shalt  }
0x81: {  	_ =	shalt  }
0x82: {  	_ =	shalt  }
0x83: {  	_ =	shalt  }
0x84: {  	_ =	shalt  }
0x85: {  	_ =	shalt  }
0x86: {  	_ =	shalt  }
0x87: {  	_ =	shalt  }
.Lfunc_end0:
.L_simem_size_0:
called_computation_lowered:
.L_overlay_start_0:
0x88: {  	s2 =	sld [smem:$0x3FD9]  }
0x89: {  	s3 =	sld [smem:$0x3FFE];
	_ =	sdelay $0x1  }
0x8a: {  	s1 =	srdreg.scid  }
0x8b: {  	s0 =	sand.u32 $0x1, s1  }
0x8c: {  	s17 =	sshll.u32 s0, $0xA;
	s2 =	sadd.s32 s3, s2  }
0x8d: {  	s2 =	sadd.s32 s2, s17  }
0x8e: {  	[smem:$0x3FC2] =	sst s2  }
0x8f: {  	_ = 	snop  }
0x90: {  	s2 =	sld [smem:$0x3FD0];
	(tm) =	ssettm $0x1  }
0x91: {  	s18 =	sld [smem:$0x3FFB];
	_ =	sdelay $0x3  }
0x92: {  	_ =	strace s18  }
0x93: {  	s3 =	sld [smem:$0x3FFC];
	_ =	sdelay $0x3  }
0x94: {  	_ =	strace s3  }
0x95: {  	s3 =	sld [smem:$0x3FFD];
	_ =	sdelay $0x3  }
0x96: {  	_ =	strace s3  }
0x97: {  	_ =	strace $0x8FFFFFFF  }
0x98: {  	s19 =	sld [smem:$0x3FDB];
	_ =	sdelay $0x1  }
0x99: {  	s4 =	simm.s32 $_scs_section_size  }
0x9a: {  	s5 =	simm.s32 $_size__tile_overlayer_lowered;
	s6 =	simm.s32 $_tile_overlayer_lowered  }
0x9b: {  	s22 =	simm.s32 $0x1BFF;
	s21 =	sshll.u32 s6, $0x1;
	s3 =	sadd.s32 s4, s19  }
0x9c: {  	s7 =	simm.s32 $0x0;
	s20 =	sshll.u32 s5, $0x1;
	s5 =	sadd.s32 s21, s3  }
0x9d: {  	[timem:s7], [sflag:s22] =	dma.local [hbm:s5], s20  }
0x9e: {  	_ =	swait.ge [sflag:s22], s20  }
0x9f: {  	s4 =	ssub.s32 $0x0, s20;
	[sflag:s22] =	ssyncset.done $0x0  }
0xa0: {  	[sflag:s22] =	ssyncadd.s32 s4;
	_ =	sdelay $0x1  }
0xa1: {  	s23 =	simm.s32 $0x1B8B  }
0xa2: {  	_ =	swait.ge [sflag:s23], $0x1  }
0xa3: {  	[sflag:s23] =	ssyncset.done $0x0  }
0xa4: {  	s25 =	simm.s32 $0x1B8E;
	s24 =	sld [smem:$0x3FFE];
	[sflag:s23] =	ssyncadd.s32 $0xFFFFFFFF  }
0xa5: {  	s26 =	simm.s32 $execute0_lowered;
	[smem:$0x3FD2] =	sst s25  }
0xa6: {  	s5 =	sshll.u32 s26, $0x1;
	_ =	strace $0x80000046;
	[dreg:$0x1] =	wrdreg $0xFFFFFFFF  }
0xa7: {  	s28 =	simm.s32 $_size_execute0_lowered;
	s3 =	sadd.s32 s3, s5;
	[dreg:$0x0] =	wrdreg $0x0  }
0xa8: {  	s5 =	sshll.u32 s28, $0x1;
	[dreg:$0x2] =	wrdreg s3  }
0xa9: {  	[dreg:$0x3] =	wrdreg s5  }
0xaa: {  	[dreg:$0x4] =	wrdreg $0xC0  }
0xab: {  	_ =	task [dreg:s7], $0x5FFFF  }
0xac: {  	[dreg:$0x1] =	wrdreg $0xFFFFFFFF  }
0xad: {  	[dreg:$0x0] =	wrdreg $0x60  }
0xae: {  	[dreg:$0x2] =	wrdreg s24  }
0xaf: {  	[dreg:$0x3] =	wrdreg s2  }
0xb0: {  	[dreg:$0x4] =	wrdreg $0x28800  }
0xb1: {  	[dreg:$0x5] =	wrdreg $0x9  }
0xb2: {  	_ =	task.clear_ibuf [dreg:s7], $0x6FFFF;
	_ =	strace $0x90000046  }
0xb3: {  	s29 =	simm.s32 $0x9;
	_ =	strace $0x80000048  }
0xb4: {  	_ =	swait.ge [sflag:s29], $0x1  }
0xb5: {  	[sflag:s29] =	ssyncadd.s32 $0xFFFFFFFF  }
0xb6: {  	_ =	strace $0x90000048  }
0xb7: {  	_ =	sfence  }
0xb8: {  	s30 =	sld [smem:$0x0];
	_ =	sdelay $0x2  }
0xb9: {  	s31 =	sshll.u32 s1, $0xD;
	s1 =	sshrl.u32 s1, $0x2  }
0xba: {  	s3 =	sand.u32 $0x4000, s31;
	s1 =	sadd.s32 s1, s30  }
0xbb: {  	s0 =	sor.u32 s3, s0;
	s1 =	sshll.u32 s1, $0x11  }
0xbc: {  	s0 =	sor.u32 s1, s0  }
0xbd: {  	s0 =	sadd.s32 $0x8F2B, s0  }
0xbe: {  	[sflag:s0] =	ssyncadd.remote.s32 $0x1  }
0xbf: {  	_ =	sfence.sel $0xFFFF  }
0xc0: {  	[dreg:$0x0] =	wrdreg $0xFFFFFFFF;
	(pc) =	sbr.abs _section_cstart, $3  }
0xc1: {  	[dreg:$0x1] =	wrdreg $0xFFFFFFFF  }
0xc2: {  	_ =	task.clear_ibuf [dreg:s7], $0x2FFFF;
	_ =	strace $0x9FFFFFFF  }
0xc3: {  	(tm) =	ssettm $0x7FFFFFFF  }
tec
execute0_lowered:
.L_overlay_start_1:
0x0: {  	(tag) =	ssettag $0x1  }
0x1: {  	s5 =	rddreg [dreg:$0x0]  }
0x2: {  	s8 =	rddreg [dreg:$0x1]  }
0x3: {  	s0 =	srdreg.scid;
	s2 =	rddreg [dreg:$0x2]  }
0x4: {  	s3 =	simm.s32 $0x0;
	s13 =	simm.s32 $0x80;
	s14 =	simm.s32 $0x0  }
0x5: {  	s4 =	sand.u32 $0x1, s0;
	s0 =	stileid.u32;
	[smem:$0x7FF] =	sst s3  }
0x6: {  	s1 =	sshll.u32 s4, $0x4;
	s7 =	smul.u32 $0x280, s0;
	s9 =	ssub.s32 $0x2, s4  }
0x7: {  	s10 =	smul.u32 $0x2800, s4;
	s4 =	sadd.s32 $0xB400, s5;
	s31 =	sshll.u32 s0, $0x6  }
0x8: {  	s6 =	sor.u32 s0, s1;
	s1 =	rddreg [dreg:$0x3];
	_ =	strace $0x80000047  }
0x9: {  	s28 =	sshrl.u32 s9, $0x1;
	s6 =	smul.u32 $0x500, s6;
	s29 =	sadd.s32 s7, s10  }
0xa: {  	s9 =	ssub.s32 s9, s28;
	s30 =	sadd.s32 s7, s2;
	s12 =	sshrl.u32 s29, $0x3  }
0xb: {  	s9 =	smax.u32 s9, $0x1;
	s10 =	sshrl.u32 s30, $0x3;
	s11 =	sadd.s32 s6, s5  }
0xc: {  	s5 =	sadd.s32 $0xB200, s5;
	s6 =	sor.u32 $0x1C01, s31;
	s8 =	sadd.s32 s8, s12  }
0xd: {  	s12 =	simm.s32 $0x2800;
	s7 =	sadd.s32 $0x1200, s11;
	s11 =	simm.s32 $0x1  }
.LBB2_1:
0xe: {  	[spmem:s10], [sflag:s6] =	dma.local [hbm:s5], $0x50  }
0xf: {  	_ =	swait.ge [sflag:s11], $0x50  }
0x10: {  	[sflag:s11] =	ssyncset.done $0x0  }
0x11: {  	[sflag:s11] =	ssyncadd.s32 $0xFFFFFFB0  }
0x12: {  	[tilespmem:s12], [sflag:$0x1] =	stream.linear.gather [hbm4b:s4+s3], $0x80, $0x38;
	[tilespmem:$0x2B00] =	vst v63  }
0x13: {  	_ =	swait.ge [sflag:s11], $0x80  }
0x14: {  	[sflag:s11] =	ssyncset.done $0x0  }
0x15: {  	[sflag:s11] =	ssyncadd.s32 $0xFFFFFF80  }
0x16: {  	[tilespmem:s3], [sflag:$0x1] =	stream.linear.gather [hbm4b:s7+s3], $0x2800, $0x38;
	[tilespmem:$0x2B00] =	vst v63  }
0x17: {  	_ =	swait.ge [sflag:s11], $0x2800  }
0x18: {  	[sflag:s11] =	ssyncset.done $0x0  }
0x19: {  	[sflag:s11] =	ssyncadd.s32 $0xFFFFD800  }
0x1a: {  	s15 =	simm.s32 $0x0;
	[bflag:$0x0] =	sbarrier.arrive $0xFFFF  }
0x1b: {  	[spmem:s2] =	stream.indirect.scatter.add.f32 [tilespmem:s12], [sflag:$0x1], $0x1, s15, s13, $0xb8;
	[tilespmem:$0x2B00] =	vst v63  }
0x1c: {  	_ =	swait.ge [sflag:s11], $0x80  }
0x1d: {  	s15 =	simm.s32 $0x200;
	[sflag:s11] =	ssyncset.done $0x0  }
.LBB2_2:
0x1e: {  	s16 =	sshra.s32 s15, $0x2;
	[sflag:s11] =	ssyncadd.s32 $0xFFFFFF80;
	p0 =	sne.s32 s15, $0x9E00  }
0x1f: {  	[spmem:s2] =	stream.indirect.scatter.add.f32 [tilespmem:s12], [sflag:$0x1], $0x1, s16, s13, $0xb8;
	[tilespmem:$0x2B00] =	vst v63  }
.Ltmp0:
0x20: {  	_ = 	snop;
	(pc) =	sbr.rel @p0 .LBB2_2-.Ltmp0, $4  }
0x21: {  	_ = 	snop  }
0x22: {  	s15 =	sadd.s32 $0x200, s15  }
0x23: {  	_ =	swait.ge [sflag:s11], $0x80  }
0x24: {  	[sflag:s11] =	ssyncset.done $0x0  }
0x25: {  	s14 =	sadd.s32 $0x1, s14  }
0x26: {  	[sflag:s11] =	ssyncadd.s32 $0xFFFFFF80;
	p0 =	sne.s32 s14, s9  }
.Ltmp1:
0x27: {  	[bflag:$0x0] =	sbarrier.arrive $0xFFFF;
	(pc) =	sbr.rel @p0 .LBB2_1-.Ltmp1, $4  }
0x28: {  	[hbm:s8], [sflag:s6] =	dma.local [spmem:s10], $0x50  }
0x29: {  	_ =	swait.ge [sflag:s11], $0x50  }
0x2a: {  	[sflag:s11] =	ssyncset.done $0x0  }
0x2b: {  	[sflag:s11] =	ssyncadd.s32 $0xFFFFFFB0  }
0x2c: {  	_ =	sfence.sel $0x180000  }
0x2d: {  	[bflag:$0x0] =	sbarrier.arrive $0xFFFF  }
0x2e: {  	p0 =	sne.s32 s0, $0x0;
	_ =	strace $0x90000047  }
0x2f: {  	s0 =	sadd.s32 @!p0 $0x100000, s1;
	[bflag:$0x2] =	sbarrier.arrive $0xFFFF  }
0x30: {  	[sflag:s0] =	ssyncadd.tile.s32 @!p0 $0x1;
	_ =	shalt  }
.Lfunc_end2:
_tile_overlayer_lowered:
.L_overlay_start_2:
0x31: {  	(tag) =	ssettag $0x2  }
0x32: {  	s0 =	rddreg [dreg:$0x0];
	s2 =	stileid.u32  }
0x33: {  	s1 =	rddreg [dreg:$0x1];
	p0 =	sne.s32 s2, $0x0  }
0x34: {  	s3 =	rddreg [dreg:$0x2];
	[bflag:$0x3] =	sbarrier.arrive $0xFFFF;
	s2 =	simm.s32 @!p0 $0x1C01  }
0x35: {  	[timem:s3], [sflag:s2] =	dma.local @!p0 [hbm:s0], s1  }
0x36: {  	s0 =	simm.s32 @!p0 $0x1  }
0x37: {  	_ =	swait.ge @!p0 [sflag:s0], s1  }
0x38: {  	s1 =	ssub.s32 @!p0 $0x0, s1;
	[sflag:s0] =	ssyncset.done @!p0 $0x0  }
0x39: {  	[sflag:s0] =	ssyncadd.s32 @!p0 s1  }
0x3a: {  	[bflag:$0x3] =	sbarrier.arrive $0xFFFF  }
0x3b: {  	_ =	shalt  }

</sc_bundles>
